<compile_context>
chip_gen: v7x
topology: tpu7x:2x2x1
jax: 0.10.2.dev20260603
libtpu: 0.0.44.dev20260713+nightly
codegen_flags: <defaults>
</compile_context>

<pallas_src>
import functools

import jax
import jax.numpy as jnp
from jax import lax
from jax.experimental import pallas as pl
from jax.experimental.pallas import tpu as pltpu
from jax.experimental.pallas import tpu_sc as plsc

B = 16384
DIM = 64
NCTX = 5
NC = 2
NS = 16
NW = NC * NS
BPW = B // NW
CH = 128
NCHUNK = BPW // CH
LANES = 16
NG = CH // LANES
BN = 8192
Q = 253952
NDP = DIM // 2


def _tc_pack(table):
    t_t = table.T
    sel_even = jnp.zeros((DIM, NDP), jnp.bfloat16).at[
        2 * jnp.arange(NDP), jnp.arange(NDP)].set(1.0)
    sel_odd = jnp.zeros((DIM, NDP), jnp.bfloat16).at[
        2 * jnp.arange(NDP) + 1, jnp.arange(NDP)].set(1.0)

    def body(a0, a1, a2, a3, se_ref, so_ref, o_ref):
        se, so = se_ref[...], so_ref[...]
        dn = (((0,), (0,)), ((), ()))
        for qq, a in enumerate((a0, a1, a2, a3)):
            ab = a[...].astype(jnp.bfloat16)
            lo = lax.bitcast_convert_type(
                lax.dot_general(ab, se, dn,
                                preferred_element_type=jnp.float32),
                jnp.int32)
            hi = lax.bitcast_convert_type(
                lax.dot_general(ab, so, dn,
                                preferred_element_type=jnp.float32),
                jnp.int32)
            o_ref[:, qq * NDP:(qq + 1) * NDP] = (
                lax.shift_right_logical(lo, 16) | (hi & jnp.int32(-65536)))

    nblk = Q // BN
    vmax = 1000000 // BN

    def in_spec(qq):
        return pl.BlockSpec(
            (DIM, BN),
            lambda i, q=qq: (0, jnp.minimum(q * nblk + i, vmax)))

    return pl.pallas_call(
        body,
        grid=(nblk,),
        in_specs=[in_spec(0), in_spec(1), in_spec(2), in_spec(3),
                  pl.BlockSpec((DIM, NDP), lambda i: (0, 0)),
                  pl.BlockSpec((DIM, NDP), lambda i: (0, 0))],
        out_specs=pl.BlockSpec((BN, 128), lambda i: (i, 0)),
        out_shape=jax.ShapeDtypeStruct((Q, 128), jnp.int32),
    )(t_t, t_t, t_t, t_t, sel_even, sel_odd)


def _quarter(r):
    qq = ((r >= Q).astype(jnp.int32) + (r >= 2 * Q).astype(jnp.int32)
          + (r >= 3 * Q).astype(jnp.int32))
    return qq, r - qq * Q


def _unpack2(w):
    lo = plsc.bitcast(lax.shift_left(w, 16), jnp.float32)
    hi = plsc.bitcast(w & jnp.int32(-65536), jnp.float32)
    return lo, hi


def _make_kernel():
    mesh = plsc.VectorSubcoreMesh(core_axis_name="c", subcore_axis_name="s")

    @functools.partial(
        pl.kernel,
        out_type=jax.ShapeDtypeStruct((B * NCTX,), jnp.float32),
        mesh=mesh,
        compiler_params=pltpu.CompilerParams(needs_layout_passes=False),
        scratch_types=[
            pltpu.VMEM((1, CH), jnp.int32),
            pltpu.VMEM((NCTX, CH), jnp.int32),
            pltpu.VMEM((1, CH), jnp.int32),
            pltpu.VMEM((NCTX, CH), jnp.int32),
            pltpu.VMEM((CH, 128), jnp.int32),
            pltpu.VMEM((CH * NCTX, 128), jnp.int32),
            pltpu.VMEM((CH * NCTX,), jnp.float32),
            pltpu.SemaphoreType.DMA,
            pltpu.SemaphoreType.DMA,
        ],
    )
    def body(tgt_hbm, ctx_hbm, ttab_hbm, ctab_hbm, out_hbm,
             traw, craw, tidx, cidx, tgt_sl, ctx_sl, out_v, sem, sem2):
        wid = lax.axis_index("s") * NC + lax.axis_index("c")
        lane = lax.iota(jnp.int32, LANES)

        @pl.loop(0, NCHUNK)
        def _chunk(ch):
            base = (wid * NCHUNK + ch) * CH
            icps = [pltpu.async_copy(tgt_hbm.at[pl.ds(base, CH)],
                                     traw.at[0], sem2)]
            icps += [pltpu.async_copy(ctx_hbm.at[pl.ds(c * B + base, CH)],
                                      craw.at[c], sem2) for c in range(NCTX)]
            for cp in icps:
                cp.wait()
            for v in range(CH // LANES):
                _, sl = _quarter(traw[0, pl.ds(v * LANES, LANES)])
                tidx[0, pl.ds(v * LANES, LANES)] = sl
            for c in range(NCTX):
                for v in range(CH // LANES):
                    _, sl = _quarter(craw[c, pl.ds(v * LANES, LANES)])
                    cidx[c, pl.ds(v * LANES, LANES)] = sl
            cps = [pltpu.async_copy(ttab_hbm.at[tidx.at[0]], tgt_sl, sem)]
            cps += [pltpu.async_copy(ctab_hbm.at[cidx.at[c]],
                                     ctx_sl.at[pl.ds(c * CH, CH)], sem)
                    for c in range(NCTX)]
            for cp in cps:
                cp.wait()

            @pl.loop(0, NG)
            def _grp(g):
                trow = g * LANES + lane
                tqq, _ = _quarter(plsc.load_gather(traw.at[0], [trow]))
                tcol = tqq * NDP
                pvecs, ccol, accs = [], [], []
                for c in range(NCTX):
                    p = c * CH + trow
                    cqq, _ = _quarter(plsc.load_gather(craw.at[c], [trow]))
                    pvecs.append(p)
                    ccol.append(cqq * NDP)
                    accs.append(jnp.zeros((LANES,), jnp.float32))
                for dp in range(NDP):
                    tlo, thi = _unpack2(
                        plsc.load_gather(tgt_sl, [trow, tcol + dp]))
                    for c in range(NCTX):
                        clo, chi = _unpack2(
                            plsc.load_gather(ctx_sl, [pvecs[c],
                                                      ccol[c] + dp]))
                        accs[c] = accs[c] + clo * tlo + chi * thi
                for c in range(NCTX):
                    plsc.store_scatter(out_v, [pvecs[c]], accs[c])

            for c in range(NCTX):
                pltpu.sync_copy(out_v.at[pl.ds(c * CH, CH)],
                                out_hbm.at[pl.ds(c * B + base, CH)])

    return body


_sc_kernel = _make_kernel()


def kernel(target, context, target_table, context_table):
    tgt1 = target.reshape(B).astype(jnp.int32)
    ctx1 = context.T.reshape(B * NCTX).astype(jnp.int32)
    ttab = _tc_pack(target_table)
    ctab = _tc_pack(context_table)
    flat = _sc_kernel(tgt1, ctx1, ttab, ctab)
    return flat.reshape(NCTX, B).T

# --- scband reference (transcript-rebuilt; emitter-appended) ---
"""Pipeline reference for scband-persian-word2-vec-20289425506832 (READ-ONLY COPY).

The authoritative reference and input builder live on the scoring server;
editing this copy changes nothing except your own understanding.
"""

import jax, jax.numpy as jnp
import numpy as np

VOCAB = 1000000
DIM = 64
B = 16384
NUM_NS = 4

def setup_inputs(seed: int = 0) -> dict:
    key = jax.random.key(seed)
    k1, k2, k3, k4 = jax.random.split(key, 4)
    target = jax.random.randint(k1, (B, 1), 0, VOCAB)
    context = jax.random.randint(k2, (B, NUM_NS + 1), 0, VOCAB)
    target_table = jax.random.normal(k3, (VOCAB, DIM), dtype=jnp.float32) * 0.05
    context_table = jax.random.normal(k4, (VOCAB, DIM), dtype=jnp.float32) * 0.05
    return {"target": target, "context": context,
            "target_table": target_table, "context_table": context_table}

def reference(target, context, target_table, context_table):
    # target_embedding lookup: [B, 1] -> [B, 1, D]
    target_emb = jnp.take(target_table, target, axis=0)
    # context_embedding lookup: [B, 5] -> [B, 5, D]
    context_emb = jnp.take(context_table, context, axis=0)
    # Dot(axes=(3,2)): dot over embedding dim -> [B, 5, 1]
    dots = jnp.einsum('bcd,btd->bct', context_emb, target_emb)
    # Flatten -> [B, 5]
    flat = dots.reshape(dots.shape[0], -1)
    return flat

if __name__ == "__main__":
    import jax
    _d = setup_inputs()
    print(jax.jit(kernel)(*tuple(_d.values())))

</pallas_src>

<mosaic_0001>
#map = affine_map<(d0, d1) -> (0)>
#map1 = affine_map<(d0, d1) -> (0, 0)>
module attributes {stable_mosaic.version = 14 : i64} {
  func.func @body(%arg0: i32, %arg1: i32, %arg2: memref<16384xi32, #tpu.memory_space<hbm>>, %arg3: memref<81920xi32, #tpu.memory_space<hbm>>, %arg4: memref<253952x128xi32, #tpu.memory_space<hbm>>, %arg5: memref<253952x128xi32, #tpu.memory_space<hbm>>, %arg6: memref<81920xf32, #tpu.memory_space<hbm>>, %arg7: memref<1x128xi32, #tpu.memory_space<vmem>>, %arg8: memref<5x128xi32, #tpu.memory_space<vmem>>, %arg9: memref<1x128xi32, #tpu.memory_space<vmem>>, %arg10: memref<5x128xi32, #tpu.memory_space<vmem>>, %arg11: memref<128x128xi32, #tpu.memory_space<vmem>>, %arg12: memref<640x128xi32, #tpu.memory_space<vmem>>, %arg13: memref<640xf32, #tpu.memory_space<vmem>>, %arg14: memref<!tpu.dma_semaphore, #tpu.memory_space<semaphore_mem>>, %arg15: memref<!tpu.dma_semaphore, #tpu.memory_space<semaphore_mem>>) attributes {dimension_semantics = [#tpu.dimension_semantics<core_parallel>, #tpu.dimension_semantics<subcore_parallel>], iteration_bounds = array<i64: 2, 16>, scalar_prefetch = 0 : i64, scratch_operands = 9 : i64, tpu.core_type = #tpu.core_type<sc_vector_subcore>, window_params = [{transform_indices = #map}, {transform_indices = #map}, {transform_indices = #map1}, {transform_indices = #map1}, {transform_indices = #map}]} {
    %mul3A = arith.constant 2 : i32
    %mul3A_0 = arith.muli %arg1, %mul3A : i32
    %add3A = arith.addi %mul3A_0, %arg0 : i32
    %iota3A = tpu.iota {dimensions = array<i32: 0>} : vector<16xi32>
    %scan3A = arith.constant 0 : i32
    %scan3A_1 = arith.constant 4 : i32
    %scan3A_2 = arith.addi %scan3A, %scan3A_1 : i32
    %scan3A_3 = arith.constant 1 : i32
    scf.for %scan3A_5 = %scan3A to %scan3A_2 step %scan3A_3  : i32 {
      %mul3A_6 = arith.constant 1 : i32
      %mul3A_7 = arith.muli %scan3A_5, %mul3A_6 : i32
      %add3A_8 = arith.constant 0 : i32
      %add3A_9 = arith.addi %add3A_8, %mul3A_7 : i32
      %mul3A_10 = arith.constant 4 : i32
      %mul3A_11 = arith.muli %add3A, %mul3A_10 : i32
      %add3A_12 = arith.addi %mul3A_11, %add3A_9 : i32
      %mul3A_13 = arith.constant 128 : i32
      %mul3A_14 = arith.muli %add3A_12, %mul3A_13 : i32
      %dma_start3A = arith.constant 0 : i32
      %dma_start3A_15 = arith.constant 0 : i32
      %dma_start3A_16 = tpu.memref_slice %arg7[%dma_start3A, %dma_start3A_15] : memref<1x128xi32, #tpu.memory_space<vmem>> -> memref<1x128xi32, #tpu.memory_space<vmem>>
      %dma_start3A_17 = tpu.memref_squeeze %dma_start3A_16 : memref<1x128xi32, #tpu.memory_space<vmem>> -> memref<128xi32, #tpu.memory_space<vmem>>
      %dma_start3A_18 = tpu.memref_slice %arg2[%mul3A_14] : memref<16384xi32, #tpu.memory_space<hbm>> -> memref<128xi32, #tpu.memory_space<hbm>>
      %dma_start3A_19 = arith.constant 0 : i32
      %dma_start3A_20 = tpu.memref_slice %arg7[%dma_start3A, %dma_start3A_19] : memref<1x128xi32, #tpu.memory_space<vmem>> -> memref<1x128xi32, #tpu.memory_space<vmem>>
      %dma_start3A_21 = tpu.memref_squeeze %dma_start3A_20 : memref<1x128xi32, #tpu.memory_space<vmem>> -> memref<128xi32, #tpu.memory_space<vmem>>
      %dma_start3A_22 = tpu.memref_slice %arg2[%mul3A_14] : memref<16384xi32, #tpu.memory_space<hbm>> -> memref<128xi32, #tpu.memory_space<hbm>>
      tpu.enqueue_dma source(%dma_start3A_22 : memref<128xi32, #tpu.memory_space<hbm>>) target(%dma_start3A_21 : memref<128xi32, #tpu.memory_space<vmem>>) target_semaphore(%arg15 : memref<!tpu.dma_semaphore, #tpu.memory_space<semaphore_mem>>)
      %add3A_23 = arith.constant 0 : i32
      %add3A_24 = arith.addi %add3A_23, %mul3A_14 : i32
      %dma_start3A_25 = arith.constant 0 : i32
      %dma_start3A_26 = arith.constant 0 : i32
      %dma_start3A_27 = tpu.memref_slice %arg8[%dma_start3A_25, %dma_start3A_26] : memref<5x128xi32, #tpu.memory_space<vmem>> -> memref<1x128xi32, #tpu.memory_space<vmem>>
      %dma_start3A_28 = tpu.memref_squeeze %dma_start3A_27 : memref<1x128xi32, #tpu.memory_space<vmem>> -> memref<128xi32, #tpu.memory_space<vmem>>
      %dma_start3A_29 = tpu.memref_slice %arg3[%add3A_24] : memref<81920xi32, #tpu.memory_space<hbm>> -> memref<128xi32, #tpu.memory_space<hbm>>
      %dma_start3A_30 = arith.constant 0 : i32
      %dma_start3A_31 = tpu.memref_slice %arg8[%dma_start3A_25, %dma_start3A_30] : memref<5x128xi32, #tpu.memory_space<vmem>> -> memref<1x128xi32, #tpu.memory_space<vmem>>
      %dma_start3A_32 = tpu.memref_squeeze %dma_start3A_31 : memref<1x128xi32, #tpu.memory_space<vmem>> -> memref<128xi32, #tpu.memory_space<vmem>>
      %dma_start3A_33 = tpu.memref_slice %arg3[%add3A_24] : memref<81920xi32, #tpu.memory_space<hbm>> -> memref<128xi32, #tpu.memory_space<hbm>>
      tpu.enqueue_dma source(%dma_start3A_33 : memref<128xi32, #tpu.memory_space<hbm>>) target(%dma_start3A_32 : memref<128xi32, #tpu.memory_space<vmem>>) target_semaphore(%arg15 : memref<!tpu.dma_semaphore, #tpu.memory_space<semaphore_mem>>)
      %add3A_34 = arith.constant 16384 : i32
      %add3A_35 = arith.addi %add3A_34, %mul3A_14 : i32
      %dma_start3A_36 = arith.constant 1 : i32
      %dma_start3A_37 = arith.constant 0 : i32
      %dma_start3A_38 = tpu.memref_slice %arg8[%dma_start3A_36, %dma_start3A_37] : memref<5x128xi32, #tpu.memory_space<vmem>> -> memref<1x128xi32, #tpu.memory_space<vmem>>
      %dma_start3A_39 = tpu.memref_squeeze %dma_start3A_38 : memref<1x128xi32, #tpu.memory_space<vmem>> -> memref<128xi32, #tpu.memory_space<vmem>>
      %dma_start3A_40 = tpu.memref_slice %arg3[%add3A_35] : memref<81920xi32, #tpu.memory_space<hbm>> -> memref<128xi32, #tpu.memory_space<hbm>>
      %dma_start3A_41 = arith.constant 0 : i32
      %dma_start3A_42 = tpu.memref_slice %arg8[%dma_start3A_36, %dma_start3A_41] : memref<5x128xi32, #tpu.memory_space<vmem>> -> memref<1x128xi32, #tpu.memory_space<vmem>>
      %dma_start3A_43 = tpu.memref_squeeze %dma_start3A_42 : memref<1x128xi32, #tpu.memory_space<vmem>> -> memref<128xi32, #tpu.memory_space<vmem>>
      %dma_start3A_44 = tpu.memref_slice %arg3[%add3A_35] : memref<81920xi32, #tpu.memory_space<hbm>> -> memref<128xi32, #tpu.memory_space<hbm>>
      tpu.enqueue_dma source(%dma_start3A_44 : memref<128xi32, #tpu.memory_space<hbm>>) target(%dma_start3A_43 : memref<128xi32, #tpu.memory_space<vmem>>) target_semaphore(%arg15 : memref<!tpu.dma_semaphore, #tpu.memory_space<semaphore_mem>>)
      %add3A_45 = arith.constant 32768 : i32
      %add3A_46 = arith.addi %add3A_45, %mul3A_14 : i32
      %dma_start3A_47 = arith.constant 2 : i32
      %dma_start3A_48 = arith.constant 0 : i32
      %dma_start3A_49 = tpu.memref_slice %arg8[%dma_start3A_47, %dma_start3A_48] : memref<5x128xi32, #tpu.memory_space<vmem>> -> memref<1x128xi32, #tpu.memory_space<vmem>>
      %dma_start3A_50 = tpu.memref_squeeze %dma_start3A_49 : memref<1x128xi32, #tpu.memory_space<vmem>> -> memref<128xi32, #tpu.memory_space<vmem>>
      %dma_start3A_51 = tpu.memref_slice %arg3[%add3A_46] : memref<81920xi32, #tpu.memory_space<hbm>> -> memref<128xi32, #tpu.memory_space<hbm>>
      %dma_start3A_52 = arith.constant 0 : i32
      %dma_start3A_53 = tpu.memref_slice %arg8[%dma_start3A_47, %dma_start3A_52] : memref<5x128xi32, #tpu.memory_space<vmem>> -> memref<1x128xi32, #tpu.memory_space<vmem>>
      %dma_start3A_54 = tpu.memref_squeeze %dma_start3A_53 : memref<1x128xi32, #tpu.memory_space<vmem>> -> memref<128xi32, #tpu.memory_space<vmem>>
      %dma_start3A_55 = tpu.memref_slice %arg3[%add3A_46] : memref<81920xi32, #tpu.memory_space<hbm>> -> memref<128xi32, #tpu.memory_space<hbm>>
      tpu.enqueue_dma source(%dma_start3A_55 : memref<128xi32, #tpu.memory_space<hbm>>) target(%dma_start3A_54 : memref<128xi32, #tpu.memory_space<vmem>>) target_semaphore(%arg15 : memref<!tpu.dma_semaphore, #tpu.memory_space<semaphore_mem>>)
      %add3A_56 = arith.constant 49152 : i32
      %add3A_57 = arith.addi %add3A_56, %mul3A_14 : i32
      %dma_start3A_58 = arith.constant 3 : i32
      %dma_start3A_59 = arith.constant 0 : i32
      %dma_start3A_60 = tpu.memref_slice %arg8[%dma_start3A_58, %dma_start3A_59] : memref<5x128xi32, #tpu.memory_space<vmem>> -> memref<1x128xi32, #tpu.memory_space<vmem>>
      %dma_start3A_61 = tpu.memref_squeeze %dma_start3A_60 : memref<1x128xi32, #tpu.memory_space<vmem>> -> memref<128xi32, #tpu.memory_space<vmem>>
      %dma_start3A_62 = tpu.memref_slice %arg3[%add3A_57] : memref<81920xi32, #tpu.memory_space<hbm>> -> memref<128xi32, #tpu.memory_space<hbm>>
      %dma_start3A_63 = arith.constant 0 : i32
      %dma_start3A_64 = tpu.memref_slice %arg8[%dma_start3A_58, %dma_start3A_63] : memref<5x128xi32, #tpu.memory_space<vmem>> -> memref<1x128xi32, #tpu.memory_space<vmem>>
      %dma_start3A_65 = tpu.memref_squeeze %dma_start3A_64 : memref<1x128xi32, #tpu.memory_space<vmem>> -> memref<128xi32, #tpu.memory_space<vmem>>
      %dma_start3A_66 = tpu.memref_slice %arg3[%add3A_57] : memref<81920xi32, #tpu.memory_space<hbm>> -> memref<128xi32, #tpu.memory_space<hbm>>
      tpu.enqueue_dma source(%dma_start3A_66 : memref<128xi32, #tpu.memory_space<hbm>>) target(%dma_start3A_65 : memref<128xi32, #tpu.memory_space<vmem>>) target_semaphore(%arg15 : memref<!tpu.dma_semaphore, #tpu.memory_space<semaphore_mem>>)
      %add3A_67 = arith.constant 65536 : i32
      %add3A_68 = arith.addi %add3A_67, %mul3A_14 : i32
      %dma_start3A_69 = arith.constant 4 : i32
      %dma_start3A_70 = arith.constant 0 : i32
      %dma_start3A_71 = tpu.memref_slice %arg8[%dma_start3A_69, %dma_start3A_70] : memref<5x128xi32, #tpu.memory_space<vmem>> -> memref<1x128xi32, #tpu.memory_space<vmem>>
      %dma_start3A_72 = tpu.memref_squeeze %dma_start3A_71 : memref<1x128xi32, #tpu.memory_space<vmem>> -> memref<128xi32, #tpu.memory_space<vmem>>
      %dma_start3A_73 = tpu.memref_slice %arg3[%add3A_68] : memref<81920xi32, #tpu.memory_space<hbm>> -> memref<128xi32, #tpu.memory_space<hbm>>
      %dma_start3A_74 = arith.constant 0 : i32
      %dma_start3A_75 = tpu.memref_slice %arg8[%dma_start3A_69, %dma_start3A_74] : memref<5x128xi32, #tpu.memory_space<vmem>> -> memref<1x128xi32, #tpu.memory_space<vmem>>
      %dma_start3A_76 = tpu.memref_squeeze %dma_start3A_75 : memref<1x128xi32, #tpu.memory_space<vmem>> -> memref<128xi32, #tpu.memory_space<vmem>>
      %dma_start3A_77 = tpu.memref_slice %arg3[%add3A_68] : memref<81920xi32, #tpu.memory_space<hbm>> -> memref<128xi32, #tpu.memory_space<hbm>>
      tpu.enqueue_dma source(%dma_start3A_77 : memref<128xi32, #tpu.memory_space<hbm>>) target(%dma_start3A_76 : memref<128xi32, #tpu.memory_space<vmem>>) target_semaphore(%arg15 : memref<!tpu.dma_semaphore, #tpu.memory_space<semaphore_mem>>)
      %dma_wait3A = arith.constant 0 : i32
      %dma_wait3A_78 = arith.constant 0 : i32
      %dma_wait3A_79 = tpu.memref_slice %arg7[%dma_wait3A, %dma_wait3A_78] : memref<1x128xi32, #tpu.memory_space<vmem>> -> memref<1x128xi32, #tpu.memory_space<vmem>>
      %dma_wait3A_80 = tpu.memref_squeeze %dma_wait3A_79 : memref<1x128xi32, #tpu.memory_space<vmem>> -> memref<128xi32, #tpu.memory_space<vmem>>
      %dma_wait3A_81 = tpu.memref_slice %arg2[%mul3A_14] : memref<16384xi32, #tpu.memory_space<hbm>> -> memref<128xi32, #tpu.memory_space<hbm>>
      %dma_wait3A_82 = arith.constant 0 : i32
      %dma_wait3A_83 = tpu.memref_slice %arg7[%dma_wait3A, %dma_wait3A_82] : memref<1x128xi32, #tpu.memory_space<vmem>> -> memref<1x128xi32, #tpu.memory_space<vmem>>
      %dma_wait3A_84 = tpu.memref_squeeze %dma_wait3A_83 : memref<1x128xi32, #tpu.memory_space<vmem>> -> memref<128xi32, #tpu.memory_space<vmem>>
      %dma_wait3A_85 = tpu.memref_slice %arg2[%mul3A_14] : memref<16384xi32, #tpu.memory_space<hbm>> -> memref<128xi32, #tpu.memory_space<hbm>>
      tpu.wait_dma2 semaphore(%arg15 : memref<!tpu.dma_semaphore, #tpu.memory_space<semaphore_mem>>) src(%dma_wait3A_85 : memref<128xi32, #tpu.memory_space<hbm>>) dst(%dma_wait3A_84 : memref<128xi32, #tpu.memory_space<vmem>>)
      %dma_wait3A_86 = arith.constant 0 : i32
      %dma_wait3A_87 = arith.constant 0 : i32
      %dma_wait3A_88 = tpu.memref_slice %arg8[%dma_wait3A_86, %dma_wait3A_87] : memref<5x128xi32, #tpu.memory_space<vmem>> -> memref<1x128xi32, #tpu.memory_space<vmem>>
      %dma_wait3A_89 = tpu.memref_squeeze %dma_wait3A_88 : memref<1x128xi32, #tpu.memory_space<vmem>> -> memref<128xi32, #tpu.memory_space<vmem>>
      %dma_wait3A_90 = tpu.memref_slice %arg3[%add3A_24] : memref<81920xi32, #tpu.memory_space<hbm>> -> memref<128xi32, #tpu.memory_space<hbm>>
      %dma_wait3A_91 = arith.constant 0 : i32
      %dma_wait3A_92 = tpu.memref_slice %arg8[%dma_wait3A_86, %dma_wait3A_91] : memref<5x128xi32, #tpu.memory_space<vmem>> -> memref<1x128xi32, #tpu.memory_space<vmem>>
      %dma_wait3A_93 = tpu.memref_squeeze %dma_wait3A_92 : memref<1x128xi32, #tpu.memory_space<vmem>> -> memref<128xi32, #tpu.memory_space<vmem>>
      %dma_wait3A_94 = tpu.memref_slice %arg3[%add3A_24] : memref<81920xi32, #tpu.memory_space<hbm>> -> memref<128xi32, #tpu.memory_space<hbm>>
      tpu.wait_dma2 semaphore(%arg15 : memref<!tpu.dma_semaphore, #tpu.memory_space<semaphore_mem>>) src(%dma_wait3A_94 : memref<128xi32, #tpu.memory_space<hbm>>) dst(%dma_wait3A_93 : memref<128xi32, #tpu.memory_space<vmem>>)
      %dma_wait3A_95 = arith.constant 1 : i32
      %dma_wait3A_96 = arith.constant 0 : i32
      %dma_wait3A_97 = tpu.memref_slice %arg8[%dma_wait3A_95, %dma_wait3A_96] : memref<5x128xi32, #tpu.memory_space<vmem>> -> memref<1x128xi32, #tpu.memory_space<vmem>>
      %dma_wait3A_98 = tpu.memref_squeeze %dma_wait3A_97 : memref<1x128xi32, #tpu.memory_space<vmem>> -> memref<128xi32, #tpu.memory_space<vmem>>
      %dma_wait3A_99 = tpu.memref_slice %arg3[%add3A_35] : memref<81920xi32, #tpu.memory_space<hbm>> -> memref<128xi32, #tpu.memory_space<hbm>>
      %dma_wait3A_100 = arith.constant 0 : i32
      %dma_wait3A_101 = tpu.memref_slice %arg8[%dma_wait3A_95, %dma_wait3A_100] : memref<5x128xi32, #tpu.memory_space<vmem>> -> memref<1x128xi32, #tpu.memory_space<vmem>>
      %dma_wait3A_102 = tpu.memref_squeeze %dma_wait3A_101 : memref<1x128xi32, #tpu.memory_space<vmem>> -> memref<128xi32, #tpu.memory_space<vmem>>
      %dma_wait3A_103 = tpu.memref_slice %arg3[%add3A_35] : memref<81920xi32, #tpu.memory_space<hbm>> -> memref<128xi32, #tpu.memory_space<hbm>>
      tpu.wait_dma2 semaphore(%arg15 : memref<!tpu.dma_semaphore, #tpu.memory_space<semaphore_mem>>) src(%dma_wait3A_103 : memref<128xi32, #tpu.memory_space<hbm>>) dst(%dma_wait3A_102 : memref<128xi32, #tpu.memory_space<vmem>>)
      %dma_wait3A_104 = arith.constant 2 : i32
      %dma_wait3A_105 = arith.constant 0 : i32
      %dma_wait3A_106 = tpu.memref_slice %arg8[%dma_wait3A_104, %dma_wait3A_105] : memref<5x128xi32, #tpu.memory_space<vmem>> -> memref<1x128xi32, #tpu.memory_space<vmem>>
      %dma_wait3A_107 = tpu.memref_squeeze %dma_wait3A_106 : memref<1x128xi32, #tpu.memory_space<vmem>> -> memref<128xi32, #tpu.memory_space<vmem>>
      %dma_wait3A_108 = tpu.memref_slice %arg3[%add3A_46] : memref<81920xi32, #tpu.memory_space<hbm>> -> memref<128xi32, #tpu.memory_space<hbm>>
      %dma_wait3A_109 = arith.constant 0 : i32
      %dma_wait3A_110 = tpu.memref_slice %arg8[%dma_wait3A_104, %dma_wait3A_109] : memref<5x128xi32, #tpu.memory_space<vmem>> -> memref<1x128xi32, #tpu.memory_space<vmem>>
      %dma_wait3A_111 = tpu.memref_squeeze %dma_wait3A_110 : memref<1x128xi32, #tpu.memory_space<vmem>> -> memref<128xi32, #tpu.memory_space<vmem>>
      %dma_wait3A_112 = tpu.memref_slice %arg3[%add3A_46] : memref<81920xi32, #tpu.memory_space<hbm>> -> memref<128xi32, #tpu.memory_space<hbm>>
      tpu.wait_dma2 semaphore(%arg15 : memref<!tpu.dma_semaphore, #tpu.memory_space<semaphore_mem>>) src(%dma_wait3A_112 : memref<128xi32, #tpu.memory_space<hbm>>) dst(%dma_wait3A_111 : memref<128xi32, #tpu.memory_space<vmem>>)
      %dma_wait3A_113 = arith.constant 3 : i32
      %dma_wait3A_114 = arith.constant 0 : i32
      %dma_wait3A_115 = tpu.memref_slice %arg8[%dma_wait3A_113, %dma_wait3A_114] : memref<5x128xi32, #tpu.memory_space<vmem>> -> memref<1x128xi32, #tpu.memory_space<vmem>>
      %dma_wait3A_116 = tpu.memref_squeeze %dma_wait3A_115 : memref<1x128xi32, #tpu.memory_space<vmem>> -> memref<128xi32, #tpu.memory_space<vmem>>
      %dma_wait3A_117 = tpu.memref_slice %arg3[%add3A_57] : memref<81920xi32, #tpu.memory_space<hbm>> -> memref<128xi32, #tpu.memory_space<hbm>>
      %dma_wait3A_118 = arith.constant 0 : i32
      %dma_wait3A_119 = tpu.memref_slice %arg8[%dma_wait3A_113, %dma_wait3A_118] : memref<5x128xi32, #tpu.memory_space<vmem>> -> memref<1x128xi32, #tpu.memory_space<vmem>>
      %dma_wait3A_120 = tpu.memref_squeeze %dma_wait3A_119 : memref<1x128xi32, #tpu.memory_space<vmem>> -> memref<128xi32, #tpu.memory_space<vmem>>
      %dma_wait3A_121 = tpu.memref_slice %arg3[%add3A_57] : memref<81920xi32, #tpu.memory_space<hbm>> -> memref<128xi32, #tpu.memory_space<hbm>>
      tpu.wait_dma2 semaphore(%arg15 : memref<!tpu.dma_semaphore, #tpu.memory_space<semaphore_mem>>) src(%dma_wait3A_121 : memref<128xi32, #tpu.memory_space<hbm>>) dst(%dma_wait3A_120 : memref<128xi32, #tpu.memory_space<vmem>>)
      %dma_wait3A_122 = arith.constant 4 : i32
      %dma_wait3A_123 = arith.constant 0 : i32
      %dma_wait3A_124 = tpu.memref_slice %arg8[%dma_wait3A_122, %dma_wait3A_123] : memref<5x128xi32, #tpu.memory_space<vmem>> -> memref<1x128xi32, #tpu.memory_space<vmem>>
      %dma_wait3A_125 = tpu.memref_squeeze %dma_wait3A_124 : memref<1x128xi32, #tpu.memory_space<vmem>> -> memref<128xi32, #tpu.memory_space<vmem>>
      %dma_wait3A_126 = tpu.memref_slice %arg3[%add3A_68] : memref<81920xi32, #tpu.memory_space<hbm>> -> memref<128xi32, #tpu.memory_space<hbm>>
      %dma_wait3A_127 = arith.constant 0 : i32
      %dma_wait3A_128 = tpu.memref_slice %arg8[%dma_wait3A_122, %dma_wait3A_127] : memref<5x128xi32, #tpu.memory_space<vmem>> -> memref<1x128xi32, #tpu.memory_space<vmem>>
      %dma_wait3A_129 = tpu.memref_squeeze %dma_wait3A_128 : memref<1x128xi32, #tpu.memory_space<vmem>> -> memref<128xi32, #tpu.memory_space<vmem>>
      %dma_wait3A_130 = tpu.memref_slice %arg3[%add3A_68] : memref<81920xi32, #tpu.memory_space<hbm>> -> memref<128xi32, #tpu.memory_space<hbm>>
      tpu.wait_dma2 semaphore(%arg15 : memref<!tpu.dma_semaphore, #tpu.memory_space<semaphore_mem>>) src(%dma_wait3A_130 : memref<128xi32, #tpu.memory_space<hbm>>) dst(%dma_wait3A_129 : memref<128xi32, #tpu.memory_space<vmem>>)
      %get3A = arith.constant 0 : i32
      %get3A_131 = arith.index_cast %get3A : i32 to index
      %get3A_132 = arith.constant 0 : index
      %get3A_133 = tpu.vector_load %arg7[%get3A_131, %get3A_132] {strides = array<i32>} : memref<1x128xi32, #tpu.memory_space<vmem>>, vector<16xi32>,
      %ge3A = arith.constant 253952 : i32
      %ge3A_134 = vector.broadcast %ge3A : i32 to vector<16xi32>
      %ge3A_135 = arith.cmpi sge, %get3A_133, %ge3A_134 : vector<16xi32>
      %convert_element_type3A = arith.extui %ge3A_135 : vector<16xi1> to vector<16xi32>
      %ge3A_136 = arith.constant 507904 : i32
      %ge3A_137 = vector.broadcast %ge3A_136 : i32 to vector<16xi32>
      %ge3A_138 = arith.cmpi sge, %get3A_133, %ge3A_137 : vector<16xi32>
      %convert_element_type3A_139 = arith.extui %ge3A_138 : vector<16xi1> to vector<16xi32>
      %add3A_140 = arith.addi %convert_element_type3A, %convert_element_type3A_139 : vector<16xi32>
      %ge3A_141 = arith.constant 761856 : i32
      %ge3A_142 = vector.broadcast %ge3A_141 : i32 to vector<16xi32>
      %ge3A_143 = arith.cmpi sge, %get3A_133, %ge3A_142 : vector<16xi32>
      %convert_element_type3A_144 = arith.extui %ge3A_143 : vector<16xi1> to vector<16xi32>
      %add3A_145 = arith.addi %add3A_140, %convert_element_type3A_144 : vector<16xi32>
      %mul3A_146 = arith.constant 253952 : i32
      %mul3A_147 = vector.broadcast %mul3A_146 : i32 to vector<16xi32>
      %mul3A_148 = arith.muli %add3A_145, %mul3A_147 : vector<16xi32>
      %sub3A = arith.subi %get3A_133, %mul3A_148 : vector<16xi32>
      %swap3A = arith.constant 0 : i32
      %swap3A_149 = arith.index_cast %swap3A : i32 to index
      %swap3A_150 = arith.constant 0 : index
      %swap3A_151 = tpu.vector_load %arg9[%swap3A_149, %swap3A_150] {strides = array<i32>} : memref<1x128xi32, #tpu.memory_space<vmem>>, vector<16xi32>,
      tpu.vector_store %arg9[%swap3A_149, %swap3A_150], %sub3A {strides = array<i32>} : memref<1x128xi32, #tpu.memory_space<vmem>>, vector<16xi32>,
      %get3A_152 = arith.constant 0 : i32
      %get3A_153 = arith.index_cast %get3A_152 : i32 to index
      %get3A_154 = arith.constant 16 : index
      %get3A_155 = tpu.vector_load %arg7[%get3A_153, %get3A_154] {strides = array<i32>} : memref<1x128xi32, #tpu.memory_space<vmem>>, vector<16xi32>,
      %ge3A_156 = arith.constant 253952 : i32
      %ge3A_157 = vector.broadcast %ge3A_156 : i32 to vector<16xi32>
      %ge3A_158 = arith.cmpi sge, %get3A_155, %ge3A_157 : vector<16xi32>
      %convert_element_type3A_159 = arith.extui %ge3A_158 : vector<16xi1> to vector<16xi32>
      %ge3A_160 = arith.constant 507904 : i32
      %ge3A_161 = vector.broadcast %ge3A_160 : i32 to vector<16xi32>
      %ge3A_162 = arith.cmpi sge, %get3A_155, %ge3A_161 : vector<16xi32>
      %convert_element_type3A_163 = arith.extui %ge3A_162 : vector<16xi1> to vector<16xi32>
      %add3A_164 = arith.addi %convert_element_type3A_159, %convert_element_type3A_163 : vector<16xi32>
      %ge3A_165 = arith.constant 761856 : i32
      %ge3A_166 = vector.broadcast %ge3A_165 : i32 to vector<16xi32>
      %ge3A_167 = arith.cmpi sge, %get3A_155, %ge3A_166 : vector<16xi32>
      %convert_element_type3A_168 = arith.extui %ge3A_167 : vector<16xi1> to vector<16xi32>
      %add3A_169 = arith.addi %add3A_164, %convert_element_type3A_168 : vector<16xi32>
      %mul3A_170 = arith.constant 253952 : i32
      %mul3A_171 = vector.broadcast %mul3A_170 : i32 to vector<16xi32>
      %mul3A_172 = arith.muli %add3A_169, %mul3A_171 : vector<16xi32>
      %sub3A_173 = arith.subi %get3A_155, %mul3A_172 : vector<16xi32>
      %swap3A_174 = arith.constant 0 : i32
      %swap3A_175 = arith.index_cast %swap3A_174 : i32 to index
      %swap3A_176 = arith.constant 16 : index
      %swap3A_177 = tpu.vector_load %arg9[%swap3A_175, %swap3A_176] {strides = array<i32>} : memref<1x128xi32, #tpu.memory_space<vmem>>, vector<16xi32>,
      tpu.vector_store %arg9[%swap3A_175, %swap3A_176], %sub3A_173 {strides = array<i32>} : memref<1x128xi32, #tpu.memory_space<vmem>>, vector<16xi32>,
      %get3A_178 = arith.constant 0 : i32
      %get3A_179 = arith.index_cast %get3A_178 : i32 to index
      %get3A_180 = arith.constant 32 : index
      %get3A_181 = tpu.vector_load %arg7[%get3A_179, %get3A_180] {strides = array<i32>} : memref<1x128xi32, #tpu.memory_space<vmem>>, vector<16xi32>,
      %ge3A_182 = arith.constant 253952 : i32
      %ge3A_183 = vector.broadcast %ge3A_182 : i32 to vector<16xi32>
      %ge3A_184 = arith.cmpi sge, %get3A_181, %ge3A_183 : vector<16xi32>
      %convert_element_type3A_185 = arith.extui %ge3A_184 : vector<16xi1> to vector<16xi32>
      %ge3A_186 = arith.constant 507904 : i32
      %ge3A_187 = vector.broadcast %ge3A_186 : i32 to vector<16xi32>
      %ge3A_188 = arith.cmpi sge, %get3A_181, %ge3A_187 : vector<16xi32>
      %convert_element_type3A_189 = arith.extui %ge3A_188 : vector<16xi1> to vector<16xi32>
      %add3A_190 = arith.addi %convert_element_type3A_185, %convert_element_type3A_189 : vector<16xi32>
      %ge3A_191 = arith.constant 761856 : i32
      %ge3A_192 = vector.broadcast %ge3A_191 : i32 to vector<16xi32>
      %ge3A_193 = arith.cmpi sge, %get3A_181, %ge3A_192 : vector<16xi32>
      %convert_element_type3A_194 = arith.extui %ge3A_193 : vector<16xi1> to vector<16xi32>
      %add3A_195 = arith.addi %add3A_190, %convert_element_type3A_194 : vector<16xi32>
      %mul3A_196 = arith.constant 253952 : i32
      %mul3A_197 = vector.broadcast %mul3A_196 : i32 to vector<16xi32>
      %mul3A_198 = arith.muli %add3A_195, %mul3A_197 : vector<16xi32>
      %sub3A_199 = arith.subi %get3A_181, %mul3A_198 : vector<16xi32>
      %swap3A_200 = arith.constant 0 : i32
      %swap3A_201 = arith.index_cast %swap3A_200 : i32 to index
      %swap3A_202 = arith.constant 32 : index
      %swap3A_203 = tpu.vector_load %arg9[%swap3A_201, %swap3A_202] {strides = array<i32>} : memref<1x128xi32, #tpu.memory_space<vmem>>, vector<16xi32>,
      tpu.vector_store %arg9[%swap3A_201, %swap3A_202], %sub3A_199 {strides = array<i32>} : memref<1x128xi32, #tpu.memory_space<vmem>>, vector<16xi32>,
      %get3A_204 = arith.constant 0 : i32
      %get3A_205 = arith.index_cast %get3A_204 : i32 to index
      %get3A_206 = arith.constant 48 : index
      %get3A_207 = tpu.vector_load %arg7[%get3A_205, %get3A_206] {strides = array<i32>} : memref<1x128xi32, #tpu.memory_space<vmem>>, vector<16xi32>,
      %ge3A_208 = arith.constant 253952 : i32
      %ge3A_209 = vector.broadcast %ge3A_208 : i32 to vector<16xi32>
      %ge3A_210 = arith.cmpi sge, %get3A_207, %ge3A_209 : vector<16xi32>
      %convert_element_type3A_211 = arith.extui %ge3A_210 : vector<16xi1> to vector<16xi32>
      %ge3A_212 = arith.constant 507904 : i32
      %ge3A_213 = vector.broadcast %ge3A_212 : i32 to vector<16xi32>
      %ge3A_214 = arith.cmpi sge, %get3A_207, %ge3A_213 : vector<16xi32>
      %convert_element_type3A_215 = arith.extui %ge3A_214 : vector<16xi1> to vector<16xi32>
      %add3A_216 = arith.addi %convert_element_type3A_211, %convert_element_type3A_215 : vector<16xi32>
      %ge3A_217 = arith.constant 761856 : i32
      %ge3A_218 = vector.broadcast %ge3A_217 : i32 to vector<16xi32>
      %ge3A_219 = arith.cmpi sge, %get3A_207, %ge3A_218 : vector<16xi32>
      %convert_element_type3A_220 = arith.extui %ge3A_219 : vector<16xi1> to vector<16xi32>
      %add3A_221 = arith.addi %add3A_216, %convert_element_type3A_220 : vector<16xi32>
      %mul3A_222 = arith.constant 253952 : i32
      %mul3A_223 = vector.broadcast %mul3A_222 : i32 to vector<16xi32>
      %mul3A_224 = arith.muli %add3A_221, %mul3A_223 : vector<16xi32>
      %sub3A_225 = arith.subi %get3A_207, %mul3A_224 : vector<16xi32>
      %swap3A_226 = arith.constant 0 : i32
      %swap3A_227 = arith.index_cast %swap3A_226 : i32 to index
      %swap3A_228 = arith.constant 48 : index
      %swap3A_229 = tpu.vector_load %arg9[%swap3A_227, %swap3A_228] {strides = array<i32>} : memref<1x128xi32, #tpu.memory_space<vmem>>, vector<16xi32>,
      tpu.vector_store %arg9[%swap3A_227, %swap3A_228], %sub3A_225 {strides = array<i32>} : memref<1x128xi32, #tpu.memory_space<vmem>>, vector<16xi32>,
      %get3A_230 = arith.constant 0 : i32
      %get3A_231 = arith.index_cast %get3A_230 : i32 to index
      %get3A_232 = arith.constant 64 : index
      %get3A_233 = tpu.vector_load %arg7[%get3A_231, %get3A_232] {strides = array<i32>} : memref<1x128xi32, #tpu.memory_space<vmem>>, vector<16xi32>,
      %ge3A_234 = arith.constant 253952 : i32
      %ge3A_235 = vector.broadcast %ge3A_234 : i32 to vector<16xi32>
      %ge3A_236 = arith.cmpi sge, %get3A_233, %ge3A_235 : vector<16xi32>
      %convert_element_type3A_237 = arith.extui %ge3A_236 : vector<16xi1> to vector<16xi32>
      %ge3A_238 = arith.constant 507904 : i32
      %ge3A_239 = vector.broadcast %ge3A_238 : i32 to vector<16xi32>
      %ge3A_240 = arith.cmpi sge, %get3A_233, %ge3A_239 : vector<16xi32>
      %convert_element_type3A_241 = arith.extui %ge3A_240 : vector<16xi1> to vector<16xi32>
      %add3A_242 = arith.addi %convert_element_type3A_237, %convert_element_type3A_241 : vector<16xi32>
      %ge3A_243 = arith.constant 761856 : i32
      %ge3A_244 = vector.broadcast %ge3A_243 : i32 to vector<16xi32>
      %ge3A_245 = arith.cmpi sge, %get3A_233, %ge3A_244 : vector<16xi32>
      %convert_element_type3A_246 = arith.extui %ge3A_245 : vector<16xi1> to vector<16xi32>
      %add3A_247 = arith.addi %add3A_242, %convert_element_type3A_246 : vector<16xi32>
      %mul3A_248 = arith.constant 253952 : i32
      %mul3A_249 = vector.broadcast %mul3A_248 : i32 to vector<16xi32>
      %mul3A_250 = arith.muli %add3A_247, %mul3A_249 : vector<16xi32>
      %sub3A_251 = arith.subi %get3A_233, %mul3A_250 : vector<16xi32>
      %swap3A_252 = arith.constant 0 : i32
      %swap3A_253 = arith.index_cast %swap3A_252 : i32 to index
      %swap3A_254 = arith.constant 64 : index
      %swap3A_255 = tpu.vector_load %arg9[%swap3A_253, %swap3A_254] {strides = array<i32>} : memref<1x128xi32, #tpu.memory_space<vmem>>, vector<16xi32>,
      tpu.vector_store %arg9[%swap3A_253, %swap3A_254], %sub3A_251 {strides = array<i32>} : memref<1x128xi32, #tpu.memory_space<vmem>>, vector<16xi32>,
      %get3A_256 = arith.constant 0 : i32
      %get3A_257 = arith.index_cast %get3A_256 : i32 to index
      %get3A_258 = arith.constant 80 : index
      %get3A_259 = tpu.vector_load %arg7[%get3A_257, %get3A_258] {strides = array<i32>} : memref<1x128xi32, #tpu.memory_space<vmem>>, vector<16xi32>,
      %ge3A_260 = arith.constant 253952 : i32
      %ge3A_261 = vector.broadcast %ge3A_260 : i32 to vector<16xi32>
      %ge3A_262 = arith.cmpi sge, %get3A_259, %ge3A_261 : vector<16xi32>
      %convert_element_type3A_263 = arith.extui %ge3A_262 : vector<16xi1> to vector<16xi32>
      %ge3A_264 = arith.constant 507904 : i32
      %ge3A_265 = vector.broadcast %ge3A_264 : i32 to vector<16xi32>
      %ge3A_266 = arith.cmpi sge, %get3A_259, %ge3A_265 : vector<16xi32>
      %convert_element_type3A_267 = arith.extui %ge3A_266 : vector<16xi1> to vector<16xi32>
      %add3A_268 = arith.addi %convert_element_type3A_263, %convert_element_type3A_267 : vector<16xi32>
      %ge3A_269 = arith.constant 761856 : i32
      %ge3A_270 = vector.broadcast %ge3A_269 : i32 to vector<16xi32>
      %ge3A_271 = arith.cmpi sge, %get3A_259, %ge3A_270 : vector<16xi32>
      %convert_element_type3A_272 = arith.extui %ge3A_271 : vector<16xi1> to vector<16xi32>
      %add3A_273 = arith.addi %add3A_268, %convert_element_type3A_272 : vector<16xi32>
      %mul3A_274 = arith.constant 253952 : i32
      %mul3A_275 = vector.broadcast %mul3A_274 : i32 to vector<16xi32>
      %mul3A_276 = arith.muli %add3A_273, %mul3A_275 : vector<16xi32>
      %sub3A_277 = arith.subi %get3A_259, %mul3A_276 : vector<16xi32>
      %swap3A_278 = arith.constant 0 : i32
      %swap3A_279 = arith.index_cast %swap3A_278 : i32 to index
      %swap3A_280 = arith.constant 80 : index
      %swap3A_281 = tpu.vector_load %arg9[%swap3A_279, %swap3A_280] {strides = array<i32>} : memref<1x128xi32, #tpu.memory_space<vmem>>, vector<16xi32>,
      tpu.vector_store %arg9[%swap3A_279, %swap3A_280], %sub3A_277 {strides = array<i32>} : memref<1x128xi32, #tpu.memory_space<vmem>>, vector<16xi32>,
      %get3A_282 = arith.constant 0 : i32
      %get3A_283 = arith.index_cast %get3A_282 : i32 to index
      %get3A_284 = arith.constant 96 : index
      %get3A_285 = tpu.vector_load %arg7[%get3A_283, %get3A_284] {strides = array<i32>} : memref<1x128xi32, #tpu.memory_space<vmem>>, vector<16xi32>,
      %ge3A_286 = arith.constant 253952 : i32
      %ge3A_287 = vector.broadcast %ge3A_286 : i32 to vector<16xi32>
      %ge3A_288 = arith.cmpi sge, %get3A_285, %ge3A_287 : vector<16xi32>
      %convert_element_type3A_289 = arith.extui %ge3A_288 : vector<16xi1> to vector<16xi32>
      %ge3A_290 = arith.constant 507904 : i32
      %ge3A_291 = vector.broadcast %ge3A_290 : i32 to vector<16xi32>
      %ge3A_292 = arith.cmpi sge, %get3A_285, %ge3A_291 : vector<16xi32>
      %convert_element_type3A_293 = arith.extui %ge3A_292 : vector<16xi1> to vector<16xi32>
      %add3A_294 = arith.addi %convert_element_type3A_289, %convert_element_type3A_293 : vector<16xi32>
      %ge3A_295 = arith.constant 761856 : i32
      %ge3A_296 = vector.broadcast %ge3A_295 : i32 to vector<16xi32>
      %ge3A_297 = arith.cmpi sge, %get3A_285, %ge3A_296 : vector<16xi32>
      %convert_element_type3A_298 = arith.extui %ge3A_297 : vector<16xi1> to vector<16xi32>
      %add3A_299 = arith.addi %add3A_294, %convert_element_type3A_298 : vector<16xi32>
      %mul3A_300 = arith.constant 253952 : i32
      %mul3A_301 = vector.broadcast %mul3A_300 : i32 to vector<16xi32>
      %mul3A_302 = arith.muli %add3A_299, %mul3A_301 : vector<16xi32>
      %sub3A_303 = arith.subi %get3A_285, %mul3A_302 : vector<16xi32>
      %swap3A_304 = arith.constant 0 : i32
      %swap3A_305 = arith.index_cast %swap3A_304 : i32 to index
      %swap3A_306 = arith.constant 96 : index
      %swap3A_307 = tpu.vector_load %arg9[%swap3A_305, %swap3A_306] {strides = array<i32>} : memref<1x128xi32, #tpu.memory_space<vmem>>, vector<16xi32>,
      tpu.vector_store %arg9[%swap3A_305, %swap3A_306], %sub3A_303 {strides = array<i32>} : memref<1x128xi32, #tpu.memory_space<vmem>>, vector<16xi32>,
      %get3A_308 = arith.constant 0 : i32
      %get3A_309 = arith.index_cast %get3A_308 : i32 to index
      %get3A_310 = arith.constant 112 : index
      %get3A_311 = tpu.vector_load %arg7[%get3A_309, %get3A_310] {strides = array<i32>} : memref<1x128xi32, #tpu.memory_space<vmem>>, vector<16xi32>,
      %ge3A_312 = arith.constant 253952 : i32
      %ge3A_313 = vector.broadcast %ge3A_312 : i32 to vector<16xi32>
      %ge3A_314 = arith.cmpi sge, %get3A_311, %ge3A_313 : vector<16xi32>
      %convert_element_type3A_315 = arith.extui %ge3A_314 : vector<16xi1> to vector<16xi32>
      %ge3A_316 = arith.constant 507904 : i32
      %ge3A_317 = vector.broadcast %ge3A_316 : i32 to vector<16xi32>
      %ge3A_318 = arith.cmpi sge, %get3A_311, %ge3A_317 : vector<16xi32>
      %convert_element_type3A_319 = arith.extui %ge3A_318 : vector<16xi1> to vector<16xi32>
      %add3A_320 = arith.addi %convert_element_type3A_315, %convert_element_type3A_319 : vector<16xi32>
      %ge3A_321 = arith.constant 761856 : i32
      %ge3A_322 = vector.broadcast %ge3A_321 : i32 to vector<16xi32>
      %ge3A_323 = arith.cmpi sge, %get3A_311, %ge3A_322 : vector<16xi32>
      %convert_element_type3A_324 = arith.extui %ge3A_323 : vector<16xi1> to vector<16xi32>
      %add3A_325 = arith.addi %add3A_320, %convert_element_type3A_324 : vector<16xi32>
      %mul3A_326 = arith.constant 253952 : i32
      %mul3A_327 = vector.broadcast %mul3A_326 : i32 to vector<16xi32>
      %mul3A_328 = arith.muli %add3A_325, %mul3A_327 : vector<16xi32>
      %sub3A_329 = arith.subi %get3A_311, %mul3A_328 : vector<16xi32>
      %swap3A_330 = arith.constant 0 : i32
      %swap3A_331 = arith.index_cast %swap3A_330 : i32 to index
      %swap3A_332 = arith.constant 112 : index
      %swap3A_333 = tpu.vector_load %arg9[%swap3A_331, %swap3A_332] {strides = array<i32>} : memref<1x128xi32, #tpu.memory_space<vmem>>, vector<16xi32>,
      tpu.vector_store %arg9[%swap3A_331, %swap3A_332], %sub3A_329 {strides = array<i32>} : memref<1x128xi32, #tpu.memory_space<vmem>>, vector<16xi32>,
      %get3A_334 = arith.constant 0 : i32
      %get3A_335 = arith.index_cast %get3A_334 : i32 to index
      %get3A_336 = arith.constant 0 : index
      %get3A_337 = tpu.vector_load %arg8[%get3A_335, %get3A_336] {strides = array<i32>} : memref<5x128xi32, #tpu.memory_space<vmem>>, vector<16xi32>,
      %ge3A_338 = arith.constant 253952 : i32
      %ge3A_339 = vector.broadcast %ge3A_338 : i32 to vector<16xi32>
      %ge3A_340 = arith.cmpi sge, %get3A_337, %ge3A_339 : vector<16xi32>
      %convert_element_type3A_341 = arith.extui %ge3A_340 : vector<16xi1> to vector<16xi32>
      %ge3A_342 = arith.constant 507904 : i32
      %ge3A_343 = vector.broadcast %ge3A_342 : i32 to vector<16xi32>
      %ge3A_344 = arith.cmpi sge, %get3A_337, %ge3A_343 : vector<16xi32>
      %convert_element_type3A_345 = arith.extui %ge3A_344 : vector<16xi1> to vector<16xi32>
      %add3A_346 = arith.addi %convert_element_type3A_341, %convert_element_type3A_345 : vector<16xi32>
      %ge3A_347 = arith.constant 761856 : i32
      %ge3A_348 = vector.broadcast %ge3A_347 : i32 to vector<16xi32>
      %ge3A_349 = arith.cmpi sge, %get3A_337, %ge3A_348 : vector<16xi32>
      %convert_element_type3A_350 = arith.extui %ge3A_349 : vector<16xi1> to vector<16xi32>
      %add3A_351 = arith.addi %add3A_346, %convert_element_type3A_350 : vector<16xi32>
      %mul3A_352 = arith.constant 253952 : i32
      %mul3A_353 = vector.broadcast %mul3A_352 : i32 to vector<16xi32>
      %mul3A_354 = arith.muli %add3A_351, %mul3A_353 : vector<16xi32>
      %sub3A_355 = arith.subi %get3A_337, %mul3A_354 : vector<16xi32>
      %swap3A_356 = arith.constant 0 : i32
      %swap3A_357 = arith.index_cast %swap3A_356 : i32 to index
      %swap3A_358 = arith.constant 0 : index
      %swap3A_359 = tpu.vector_load %arg10[%swap3A_357, %swap3A_358] {strides = array<i32>} : memref<5x128xi32, #tpu.memory_space<vmem>>, vector<16xi32>,
      tpu.vector_store %arg10[%swap3A_357, %swap3A_358], %sub3A_355 {strides = array<i32>} : memref<5x128xi32, #tpu.memory_space<vmem>>, vector<16xi32>,
      %get3A_360 = arith.constant 0 : i32
      %get3A_361 = arith.index_cast %get3A_360 : i32 to index
      %get3A_362 = arith.constant 16 : index
      %get3A_363 = tpu.vector_load %arg8[%get3A_361, %get3A_362] {strides = array<i32>} : memref<5x128xi32, #tpu.memory_space<vmem>>, vector<16xi32>,
      %ge3A_364 = arith.constant 253952 : i32
      %ge3A_365 = vector.broadcast %ge3A_364 : i32 to vector<16xi32>
      %ge3A_366 = arith.cmpi sge, %get3A_363, %ge3A_365 : vector<16xi32>
      %convert_element_type3A_367 = arith.extui %ge3A_366 : vector<16xi1> to vector<16xi32>
      %ge3A_368 = arith.constant 507904 : i32
      %ge3A_369 = vector.broadcast %ge3A_368 : i32 to vector<16xi32>
      %ge3A_370 = arith.cmpi sge, %get3A_363, %ge3A_369 : vector<16xi32>
      %convert_element_type3A_371 = arith.extui %ge3A_370 : vector<16xi1> to vector<16xi32>
      %add3A_372 = arith.addi %convert_element_type3A_367, %convert_element_type3A_371 : vector<16xi32>
      %ge3A_373 = arith.constant 761856 : i32
      %ge3A_374 = vector.broadcast %ge3A_373 : i32 to vector<16xi32>
      %ge3A_375 = arith.cmpi sge, %get3A_363, %ge3A_374 : vector<16xi32>
      %convert_element_type3A_376 = arith.extui %ge3A_375 : vector<16xi1> to vector<16xi32>
      %add3A_377 = arith.addi %add3A_372, %convert_element_type3A_376 : vector<16xi32>
      %mul3A_378 = arith.constant 253952 : i32
      %mul3A_379 = vector.broadcast %mul3A_378 : i32 to vector<16xi32>
      %mul3A_380 = arith.muli %add3A_377, %mul3A_379 : vector<16xi32>
      %sub3A_381 = arith.subi %get3A_363, %mul3A_380 : vector<16xi32>
      %swap3A_382 = arith.constant 0 : i32
      %swap3A_383 = arith.index_cast %swap3A_382 : i32 to index
      %swap3A_384 = arith.constant 16 : index
      %swap3A_385 = tpu.vector_load %arg10[%swap3A_383, %swap3A_384] {strides = array<i32>} : memref<5x128xi32, #tpu.memory_space<vmem>>, vector<16xi32>,
      tpu.vector_store %arg10[%swap3A_383, %swap3A_384], %sub3A_381 {strides = array<i32>} : memref<5x128xi32, #tpu.memory_space<vmem>>, vector<16xi32>,
      %get3A_386 = arith.constant 0 : i32
      %get3A_387 = arith.index_cast %get3A_386 : i32 to index
      %get3A_388 = arith.constant 32 : index
      %get3A_389 = tpu.vector_load %arg8[%get3A_387, %get3A_388] {strides = array<i32>} : memref<5x128xi32, #tpu.memory_space<vmem>>, vector<16xi32>,
      %ge3A_390 = arith.constant 253952 : i32
      %ge3A_391 = vector.broadcast %ge3A_390 : i32 to vector<16xi32>
      %ge3A_392 = arith.cmpi sge, %get3A_389, %ge3A_391 : vector<16xi32>
      %convert_element_type3A_393 = arith.extui %ge3A_392 : vector<16xi1> to vector<16xi32>
      %ge3A_394 = arith.constant 507904 : i32
      %ge3A_395 = vector.broadcast %ge3A_394 : i32 to vector<16xi32>
      %ge3A_396 = arith.cmpi sge, %get3A_389, %ge3A_395 : vector<16xi32>
      %convert_element_type3A_397 = arith.extui %ge3A_396 : vector<16xi1> to vector<16xi32>
      %add3A_398 = arith.addi %convert_element_type3A_393, %convert_element_type3A_397 : vector<16xi32>
      %ge3A_399 = arith.constant 761856 : i32
      %ge3A_400 = vector.broadcast %ge3A_399 : i32 to vector<16xi32>
      %ge3A_401 = arith.cmpi sge, %get3A_389, %ge3A_400 : vector<16xi32>
      %convert_element_type3A_402 = arith.extui %ge3A_401 : vector<16xi1> to vector<16xi32>
      %add3A_403 = arith.addi %add3A_398, %convert_element_type3A_402 : vector<16xi32>
      %mul3A_404 = arith.constant 253952 : i32
      %mul3A_405 = vector.broadcast %mul3A_404 : i32 to vector<16xi32>
      %mul3A_406 = arith.muli %add3A_403, %mul3A_405 : vector<16xi32>
      %sub3A_407 = arith.subi %get3A_389, %mul3A_406 : vector<16xi32>
      %swap3A_408 = arith.constant 0 : i32
      %swap3A_409 = arith.index_cast %swap3A_408 : i32 to index
      %swap3A_410 = arith.constant 32 : index
      %swap3A_411 = tpu.vector_load %arg10[%swap3A_409, %swap3A_410] {strides = array<i32>} : memref<5x128xi32, #tpu.memory_space<vmem>>, vector<16xi32>,
      tpu.vector_store %arg10[%swap3A_409, %swap3A_410], %sub3A_407 {strides = array<i32>} : memref<5x128xi32, #tpu.memory_space<vmem>>, vector<16xi32>,
      %get3A_412 = arith.constant 0 : i32
      %get3A_413 = arith.index_cast %get3A_412 : i32 to index
      %get3A_414 = arith.constant 48 : index
      %get3A_415 = tpu.vector_load %arg8[%get3A_413, %get3A_414] {strides = array<i32>} : memref<5x128xi32, #tpu.memory_space<vmem>>, vector<16xi32>,
      %ge3A_416 = arith.constant 253952 : i32
      %ge3A_417 = vector.broadcast %ge3A_416 : i32 to vector<16xi32>
      %ge3A_418 = arith.cmpi sge, %get3A_415, %ge3A_417 : vector<16xi32>
      %convert_element_type3A_419 = arith.extui %ge3A_418 : vector<16xi1> to vector<16xi32>
      %ge3A_420 = arith.constant 507904 : i32
      %ge3A_421 = vector.broadcast %ge3A_420 : i32 to vector<16xi32>
      %ge3A_422 = arith.cmpi sge, %get3A_415, %ge3A_421 : vector<16xi32>
      %convert_element_type3A_423 = arith.extui %ge3A_422 : vector<16xi1> to vector<16xi32>
      %add3A_424 = arith.addi %convert_element_type3A_419, %convert_element_type3A_423 : vector<16xi32>
      %ge3A_425 = arith.constant 761856 : i32
      %ge3A_426 = vector.broadcast %ge3A_425 : i32 to vector<16xi32>
      %ge3A_427 = arith.cmpi sge, %get3A_415, %ge3A_426 : vector<16xi32>
      %convert_element_type3A_428 = arith.extui %ge3A_427 : vector<16xi1> to vector<16xi32>
      %add3A_429 = arith.addi %add3A_424, %convert_element_type3A_428 : vector<16xi32>
      %mul3A_430 = arith.constant 253952 : i32
      %mul3A_431 = vector.broadcast %mul3A_430 : i32 to vector<16xi32>
      %mul3A_432 = arith.muli %add3A_429, %mul3A_431 : vector<16xi32>
      %sub3A_433 = arith.subi %get3A_415, %mul3A_432 : vector<16xi32>
      %swap3A_434 = arith.constant 0 : i32
      %swap3A_435 = arith.index_cast %swap3A_434 : i32 to index
      %swap3A_436 = arith.constant 48 : index
      %swap3A_437 = tpu.vector_load %arg10[%swap3A_435, %swap3A_436] {strides = array<i32>} : memref<5x128xi32, #tpu.memory_space<vmem>>, vector<16xi32>,
      tpu.vector_store %arg10[%swap3A_435, %swap3A_436], %sub3A_433 {strides = array<i32>} : memref<5x128xi32, #tpu.memory_space<vmem>>, vector<16xi32>,
      %get3A_438 = arith.constant 0 : i32
      %get3A_439 = arith.index_cast %get3A_438 : i32 to index
      %get3A_440 = arith.constant 64 : index
      %get3A_441 = tpu.vector_load %arg8[%get3A_439, %get3A_440] {strides = array<i32>} : memref<5x128xi32, #tpu.memory_space<vmem>>, vector<16xi32>,
      %ge3A_442 = arith.constant 253952 : i32
      %ge3A_443 = vector.broadcast %ge3A_442 : i32 to vector<16xi32>
      %ge3A_444 = arith.cmpi sge, %get3A_441, %ge3A_443 : vector<16xi32>
      %convert_element_type3A_445 = arith.extui %ge3A_444 : vector<16xi1> to vector<16xi32>
      %ge3A_446 = arith.constant 507904 : i32
      %ge3A_447 = vector.broadcast %ge3A_446 : i32 to vector<16xi32>
      %ge3A_448 = arith.cmpi sge, %get3A_441, %ge3A_447 : vector<16xi32>
      %convert_element_type3A_449 = arith.extui %ge3A_448 : vector<16xi1> to vector<16xi32>
      %add3A_450 = arith.addi %convert_element_type3A_445, %convert_element_type3A_449 : vector<16xi32>
      %ge3A_451 = arith.constant 761856 : i32
      %ge3A_452 = vector.broadcast %ge3A_451 : i32 to vector<16xi32>
      %ge3A_453 = arith.cmpi sge, %get3A_441, %ge3A_452 : vector<16xi32>
      %convert_element_type3A_454 = arith.extui %ge3A_453 : vector<16xi1> to vector<16xi32>
      %add3A_455 = arith.addi %add3A_450, %convert_element_type3A_454 : vector<16xi32>
      %mul3A_456 = arith.constant 253952 : i32
      %mul3A_457 = vector.broadcast %mul3A_456 : i32 to vector<16xi32>
      %mul3A_458 = arith.muli %add3A_455, %mul3A_457 : vector<16xi32>
      %sub3A_459 = arith.subi %get3A_441, %mul3A_458 : vector<16xi32>
      %swap3A_460 = arith.constant 0 : i32
      %swap3A_461 = arith.index_cast %swap3A_460 : i32 to index
      %swap3A_462 = arith.constant 64 : index
      %swap3A_463 = tpu.vector_load %arg10[%swap3A_461, %swap3A_462] {strides = array<i32>} : memref<5x128xi32, #tpu.memory_space<vmem>>, vector<16xi32>,
      tpu.vector_store %arg10[%swap3A_461, %swap3A_462], %sub3A_459 {strides = array<i32>} : memref<5x128xi32, #tpu.memory_space<vmem>>, vector<16xi32>,
      %get3A_464 = arith.constant 0 : i32
      %get3A_465 = arith.index_cast %get3A_464 : i32 to index
      %get3A_466 = arith.constant 80 : index
      %get3A_467 = tpu.vector_load %arg8[%get3A_465, %get3A_466] {strides = array<i32>} : memref<5x128xi32, #tpu.memory_space<vmem>>, vector<16xi32>,
      %ge3A_468 = arith.constant 253952 : i32
      %ge3A_469 = vector.broadcast %ge3A_468 : i32 to vector<16xi32>
      %ge3A_470 = arith.cmpi sge, %get3A_467, %ge3A_469 : vector<16xi32>
      %convert_element_type3A_471 = arith.extui %ge3A_470 : vector<16xi1> to vector<16xi32>
      %ge3A_472 = arith.constant 507904 : i32
      %ge3A_473 = vector.broadcast %ge3A_472 : i32 to vector<16xi32>
      %ge3A_474 = arith.cmpi sge, %get3A_467, %ge3A_473 : vector<16xi32>
      %convert_element_type3A_475 = arith.extui %ge3A_474 : vector<16xi1> to vector<16xi32>
      %add3A_476 = arith.addi %convert_element_type3A_471, %convert_element_type3A_475 : vector<16xi32>
      %ge3A_477 = arith.constant 761856 : i32
      %ge3A_478 = vector.broadcast %ge3A_477 : i32 to vector<16xi32>
      %ge3A_479 = arith.cmpi sge, %get3A_467, %ge3A_478 : vector<16xi32>
      %convert_element_type3A_480 = arith.extui %ge3A_479 : vector<16xi1> to vector<16xi32>
      %add3A_481 = arith.addi %add3A_476, %convert_element_type3A_480 : vector<16xi32>
      %mul3A_482 = arith.constant 253952 : i32
      %mul3A_483 = vector.broadcast %mul3A_482 : i32 to vector<16xi32>
      %mul3A_484 = arith.muli %add3A_481, %mul3A_483 : vector<16xi32>
      %sub3A_485 = arith.subi %get3A_467, %mul3A_484 : vector<16xi32>
      %swap3A_486 = arith.constant 0 : i32
      %swap3A_487 = arith.index_cast %swap3A_486 : i32 to index
      %swap3A_488 = arith.constant 80 : index
      %swap3A_489 = tpu.vector_load %arg10[%swap3A_487, %swap3A_488] {strides = array<i32>} : memref<5x128xi32, #tpu.memory_space<vmem>>, vector<16xi32>,
      tpu.vector_store %arg10[%swap3A_487, %swap3A_488], %sub3A_485 {strides = array<i32>} : memref<5x128xi32, #tpu.memory_space<vmem>>, vector<16xi32>,
      %get3A_490 = arith.constant 0 : i32
      %get3A_491 = arith.index_cast %get3A_490 : i32 to index
      %get3A_492 = arith.constant 96 : index
      %get3A_493 = tpu.vector_load %arg8[%get3A_491, %get3A_492] {strides = array<i32>} : memref<5x128xi32, #tpu.memory_space<vmem>>, vector<16xi32>,
      %ge3A_494 = arith.constant 253952 : i32
      %ge3A_495 = vector.broadcast %ge3A_494 : i32 to vector<16xi32>
      %ge3A_496 = arith.cmpi sge, %get3A_493, %ge3A_495 : vector<16xi32>
      %convert_element_type3A_497 = arith.extui %ge3A_496 : vector<16xi1> to vector<16xi32>
      %ge3A_498 = arith.constant 507904 : i32
      %ge3A_499 = vector.broadcast %ge3A_498 : i32 to vector<16xi32>
      %ge3A_500 = arith.cmpi sge, %get3A_493, %ge3A_499 : vector<16xi32>
      %convert_element_type3A_501 = arith.extui %ge3A_500 : vector<16xi1> to vector<16xi32>
      %add3A_502 = arith.addi %convert_element_type3A_497, %convert_element_type3A_501 : vector<16xi32>
      %ge3A_503 = arith.constant 761856 : i32
      %ge3A_504 = vector.broadcast %ge3A_503 : i32 to vector<16xi32>
      %ge3A_505 = arith.cmpi sge, %get3A_493, %ge3A_504 : vector<16xi32>
      %convert_element_type3A_506 = arith.extui %ge3A_505 : vector<16xi1> to vector<16xi32>
      %add3A_507 = arith.addi %add3A_502, %convert_element_type3A_506 : vector<16xi32>
      %mul3A_508 = arith.constant 253952 : i32
      %mul3A_509 = vector.broadcast %mul3A_508 : i32 to vector<16xi32>
      %mul3A_510 = arith.muli %add3A_507, %mul3A_509 : vector<16xi32>
      %sub3A_511 = arith.subi %get3A_493, %mul3A_510 : vector<16xi32>
      %swap3A_512 = arith.constant 0 : i32
      %swap3A_513 = arith.index_cast %swap3A_512 : i32 to index
      %swap3A_514 = arith.constant 96 : index
      %swap3A_515 = tpu.vector_load %arg10[%swap3A_513, %swap3A_514] {strides = array<i32>} : memref<5x128xi32, #tpu.memory_space<vmem>>, vector<16xi32>,
      tpu.vector_store %arg10[%swap3A_513, %swap3A_514], %sub3A_511 {strides = array<i32>} : memref<5x128xi32, #tpu.memory_space<vmem>>, vector<16xi32>,
      %get3A_516 = arith.constant 0 : i32
      %get3A_517 = arith.index_cast %get3A_516 : i32 to index
      %get3A_518 = arith.constant 112 : index
      %get3A_519 = tpu.vector_load %arg8[%get3A_517, %get3A_518] {strides = array<i32>} : memref<5x128xi32, #tpu.memory_space<vmem>>, vector<16xi32>,
      %ge3A_520 = arith.constant 253952 : i32
      %ge3A_521 = vector.broadcast %ge3A_520 : i32 to vector<16xi32>
      %ge3A_522 = arith.cmpi sge, %get3A_519, %ge3A_521 : vector<16xi32>
      %convert_element_type3A_523 = arith.extui %ge3A_522 : vector<16xi1> to vector<16xi32>
      %ge3A_524 = arith.constant 507904 : i32
      %ge3A_525 = vector.broadcast %ge3A_524 : i32 to vector<16xi32>
      %ge3A_526 = arith.cmpi sge, %get3A_519, %ge3A_525 : vector<16xi32>
      %convert_element_type3A_527 = arith.extui %ge3A_526 : vector<16xi1> to vector<16xi32>
      %add3A_528 = arith.addi %convert_element_type3A_523, %convert_element_type3A_527 : vector<16xi32>
      %ge3A_529 = arith.constant 761856 : i32
      %ge3A_530 = vector.broadcast %ge3A_529 : i32 to vector<16xi32>
      %ge3A_531 = arith.cmpi sge, %get3A_519, %ge3A_530 : vector<16xi32>
      %convert_element_type3A_532 = arith.extui %ge3A_531 : vector<16xi1> to vector<16xi32>
      %add3A_533 = arith.addi %add3A_528, %convert_element_type3A_532 : vector<16xi32>
      %mul3A_534 = arith.constant 253952 : i32
      %mul3A_535 = vector.broadcast %mul3A_534 : i32 to vector<16xi32>
      %mul3A_536 = arith.muli %add3A_533, %mul3A_535 : vector<16xi32>
      %sub3A_537 = arith.subi %get3A_519, %mul3A_536 : vector<16xi32>
      %swap3A_538 = arith.constant 0 : i32
      %swap3A_539 = arith.index_cast %swap3A_538 : i32 to index
      %swap3A_540 = arith.constant 112 : index
      %swap3A_541 = tpu.vector_load %arg10[%swap3A_539, %swap3A_540] {strides = array<i32>} : memref<5x128xi32, #tpu.memory_space<vmem>>, vector<16xi32>,
      tpu.vector_store %arg10[%swap3A_539, %swap3A_540], %sub3A_537 {strides = array<i32>} : memref<5x128xi32, #tpu.memory_space<vmem>>, vector<16xi32>,
      %get3A_542 = arith.constant 1 : i32
      %get3A_543 = arith.index_cast %get3A_542 : i32 to index
      %get3A_544 = arith.constant 0 : index
      %get3A_545 = tpu.vector_load %arg8[%get3A_543, %get3A_544] {strides = array<i32>} : memref<5x128xi32, #tpu.memory_space<vmem>>, vector<16xi32>,
      %ge3A_546 = arith.constant 253952 : i32
      %ge3A_547 = vector.broadcast %ge3A_546 : i32 to vector<16xi32>
      %ge3A_548 = arith.cmpi sge, %get3A_545, %ge3A_547 : vector<16xi32>
      %convert_element_type3A_549 = arith.extui %ge3A_548 : vector<16xi1> to vector<16xi32>
      %ge3A_550 = arith.constant 507904 : i32
      %ge3A_551 = vector.broadcast %ge3A_550 : i32 to vector<16xi32>
      %ge3A_552 = arith.cmpi sge, %get3A_545, %ge3A_551 : vector<16xi32>
      %convert_element_type3A_553 = arith.extui %ge3A_552 : vector<16xi1> to vector<16xi32>
      %add3A_554 = arith.addi %convert_element_type3A_549, %convert_element_type3A_553 : vector<16xi32>
      %ge3A_555 = arith.constant 761856 : i32
      %ge3A_556 = vector.broadcast %ge3A_555 : i32 to vector<16xi32>
      %ge3A_557 = arith.cmpi sge, %get3A_545, %ge3A_556 : vector<16xi32>
      %convert_element_type3A_558 = arith.extui %ge3A_557 : vector<16xi1> to vector<16xi32>
      %add3A_559 = arith.addi %add3A_554, %convert_element_type3A_558 : vector<16xi32>
      %mul3A_560 = arith.constant 253952 : i32
      %mul3A_561 = vector.broadcast %mul3A_560 : i32 to vector<16xi32>
      %mul3A_562 = arith.muli %add3A_559, %mul3A_561 : vector<16xi32>
      %sub3A_563 = arith.subi %get3A_545, %mul3A_562 : vector<16xi32>
      %swap3A_564 = arith.constant 1 : i32
      %swap3A_565 = arith.index_cast %swap3A_564 : i32 to index
      %swap3A_566 = arith.constant 0 : index
      %swap3A_567 = tpu.vector_load %arg10[%swap3A_565, %swap3A_566] {strides = array<i32>} : memref<5x128xi32, #tpu.memory_space<vmem>>, vector<16xi32>,
      tpu.vector_store %arg10[%swap3A_565, %swap3A_566], %sub3A_563 {strides = array<i32>} : memref<5x128xi32, #tpu.memory_space<vmem>>, vector<16xi32>,
      %get3A_568 = arith.constant 1 : i32
      %get3A_569 = arith.index_cast %get3A_568 : i32 to index
      %get3A_570 = arith.constant 16 : index
      %get3A_571 = tpu.vector_load %arg8[%get3A_569, %get3A_570] {strides = array<i32>} : memref<5x128xi32, #tpu.memory_space<vmem>>, vector<16xi32>,
      %ge3A_572 = arith.constant 253952 : i32
      %ge3A_573 = vector.broadcast %ge3A_572 : i32 to vector<16xi32>
      %ge3A_574 = arith.cmpi sge, %get3A_571, %ge3A_573 : vector<16xi32>
      %convert_element_type3A_575 = arith.extui %ge3A_574 : vector<16xi1> to vector<16xi32>
      %ge3A_576 = arith.constant 507904 : i32
      %ge3A_577 = vector.broadcast %ge3A_576 : i32 to vector<16xi32>
      %ge3A_578 = arith.cmpi sge, %get3A_571, %ge3A_577 : vector<16xi32>
      %convert_element_type3A_579 = arith.extui %ge3A_578 : vector<16xi1> to vector<16xi32>
      %add3A_580 = arith.addi %convert_element_type3A_575, %convert_element_type3A_579 : vector<16xi32>
      %ge3A_581 = arith.constant 761856 : i32
      %ge3A_582 = vector.broadcast %ge3A_581 : i32 to vector<16xi32>
      %ge3A_583 = arith.cmpi sge, %get3A_571, %ge3A_582 : vector<16xi32>
      %convert_element_type3A_584 = arith.extui %ge3A_583 : vector<16xi1> to vector<16xi32>
      %add3A_585 = arith.addi %add3A_580, %convert_element_type3A_584 : vector<16xi32>
      %mul3A_586 = arith.constant 253952 : i32
      %mul3A_587 = vector.broadcast %mul3A_586 : i32 to vector<16xi32>
      %mul3A_588 = arith.muli %add3A_585, %mul3A_587 : vector<16xi32>
      %sub3A_589 = arith.subi %get3A_571, %mul3A_588 : vector<16xi32>
      %swap3A_590 = arith.constant 1 : i32
      %swap3A_591 = arith.index_cast %swap3A_590 : i32 to index
      %swap3A_592 = arith.constant 16 : index
      %swap3A_593 = tpu.vector_load %arg10[%swap3A_591, %swap3A_592] {strides = array<i32>} : memref<5x128xi32, #tpu.memory_space<vmem>>, vector<16xi32>,
      tpu.vector_store %arg10[%swap3A_591, %swap3A_592], %sub3A_589 {strides = array<i32>} : memref<5x128xi32, #tpu.memory_space<vmem>>, vector<16xi32>,
      %get3A_594 = arith.constant 1 : i32
      %get3A_595 = arith.index_cast %get3A_594 : i32 to index
      %get3A_596 = arith.constant 32 : index
      %get3A_597 = tpu.vector_load %arg8[%get3A_595, %get3A_596] {strides = array<i32>} : memref<5x128xi32, #tpu.memory_space<vmem>>, vector<16xi32>,
      %ge3A_598 = arith.constant 253952 : i32
      %ge3A_599 = vector.broadcast %ge3A_598 : i32 to vector<16xi32>
      %ge3A_600 = arith.cmpi sge, %get3A_597, %ge3A_599 : vector<16xi32>
      %convert_element_type3A_601 = arith.extui %ge3A_600 : vector<16xi1> to vector<16xi32>
      %ge3A_602 = arith.constant 507904 : i32
      %ge3A_603 = vector.broadcast %ge3A_602 : i32 to vector<16xi32>
      %ge3A_604 = arith.cmpi sge, %get3A_597, %ge3A_603 : vector<16xi32>
      %convert_element_type3A_605 = arith.extui %ge3A_604 : vector<16xi1> to vector<16xi32>
      %add3A_606 = arith.addi %convert_element_type3A_601, %convert_element_type3A_605 : vector<16xi32>
      %ge3A_607 = arith.constant 761856 : i32
      %ge3A_608 = vector.broadcast %ge3A_607 : i32 to vector<16xi32>
      %ge3A_609 = arith.cmpi sge, %get3A_597, %ge3A_608 : vector<16xi32>
      %convert_element_type3A_610 = arith.extui %ge3A_609 : vector<16xi1> to vector<16xi32>
      %add3A_611 = arith.addi %add3A_606, %convert_element_type3A_610 : vector<16xi32>
      %mul3A_612 = arith.constant 253952 : i32
      %mul3A_613 = vector.broadcast %mul3A_612 : i32 to vector<16xi32>
      %mul3A_614 = arith.muli %add3A_611, %mul3A_613 : vector<16xi32>
      %sub3A_615 = arith.subi %get3A_597, %mul3A_614 : vector<16xi32>
      %swap3A_616 = arith.constant 1 : i32
      %swap3A_617 = arith.index_cast %swap3A_616 : i32 to index
      %swap3A_618 = arith.constant 32 : index
      %swap3A_619 = tpu.vector_load %arg10[%swap3A_617, %swap3A_618] {strides = array<i32>} : memref<5x128xi32, #tpu.memory_space<vmem>>, vector<16xi32>,
      tpu.vector_store %arg10[%swap3A_617, %swap3A_618], %sub3A_615 {strides = array<i32>} : memref<5x128xi32, #tpu.memory_space<vmem>>, vector<16xi32>,
      %get3A_620 = arith.constant 1 : i32
      %get3A_621 = arith.index_cast %get3A_620 : i32 to index
      %get3A_622 = arith.constant 48 : index
      %get3A_623 = tpu.vector_load %arg8[%get3A_621, %get3A_622] {strides = array<i32>} : memref<5x128xi32, #tpu.memory_space<vmem>>, vector<16xi32>,
      %ge3A_624 = arith.constant 253952 : i32
      %ge3A_625 = vector.broadcast %ge3A_624 : i32 to vector<16xi32>
      %ge3A_626 = arith.cmpi sge, %get3A_623, %ge3A_625 : vector<16xi32>
      %convert_element_type3A_627 = arith.extui %ge3A_626 : vector<16xi1> to vector<16xi32>
      %ge3A_628 = arith.constant 507904 : i32
      %ge3A_629 = vector.broadcast %ge3A_628 : i32 to vector<16xi32>
      %ge3A_630 = arith.cmpi sge, %get3A_623, %ge3A_629 : vector<16xi32>
      %convert_element_type3A_631 = arith.extui %ge3A_630 : vector<16xi1> to vector<16xi32>
      %add3A_632 = arith.addi %convert_element_type3A_627, %convert_element_type3A_631 : vector<16xi32>
      %ge3A_633 = arith.constant 761856 : i32
      %ge3A_634 = vector.broadcast %ge3A_633 : i32 to vector<16xi32>
      %ge3A_635 = arith.cmpi sge, %get3A_623, %ge3A_634 : vector<16xi32>
      %convert_element_type3A_636 = arith.extui %ge3A_635 : vector<16xi1> to vector<16xi32>
      %add3A_637 = arith.addi %add3A_632, %convert_element_type3A_636 : vector<16xi32>
      %mul3A_638 = arith.constant 253952 : i32
      %mul3A_639 = vector.broadcast %mul3A_638 : i32 to vector<16xi32>
      %mul3A_640 = arith.muli %add3A_637, %mul3A_639 : vector<16xi32>
      %sub3A_641 = arith.subi %get3A_623, %mul3A_640 : vector<16xi32>
      %swap3A_642 = arith.constant 1 : i32
      %swap3A_643 = arith.index_cast %swap3A_642 : i32 to index
      %swap3A_644 = arith.constant 48 : index
      %swap3A_645 = tpu.vector_load %arg10[%swap3A_643, %swap3A_644] {strides = array<i32>} : memref<5x128xi32, #tpu.memory_space<vmem>>, vector<16xi32>,
      tpu.vector_store %arg10[%swap3A_643, %swap3A_644], %sub3A_641 {strides = array<i32>} : memref<5x128xi32, #tpu.memory_space<vmem>>, vector<16xi32>,
      %get3A_646 = arith.constant 1 : i32
      %get3A_647 = arith.index_cast %get3A_646 : i32 to index
      %get3A_648 = arith.constant 64 : index
      %get3A_649 = tpu.vector_load %arg8[%get3A_647, %get3A_648] {strides = array<i32>} : memref<5x128xi32, #tpu.memory_space<vmem>>, vector<16xi32>,
      %ge3A_650 = arith.constant 253952 : i32
      %ge3A_651 = vector.broadcast %ge3A_650 : i32 to vector<16xi32>
      %ge3A_652 = arith.cmpi sge, %get3A_649, %ge3A_651 : vector<16xi32>
      %convert_element_type3A_653 = arith.extui %ge3A_652 : vector<16xi1> to vector<16xi32>
      %ge3A_654 = arith.constant 507904 : i32
      %ge3A_655 = vector.broadcast %ge3A_654 : i32 to vector<16xi32>
      %ge3A_656 = arith.cmpi sge, %get3A_649, %ge3A_655 : vector<16xi32>
      %convert_element_type3A_657 = arith.extui %ge3A_656 : vector<16xi1> to vector<16xi32>
      %add3A_658 = arith.addi %convert_element_type3A_653, %convert_element_type3A_657 : vector<16xi32>
      %ge3A_659 = arith.constant 761856 : i32
      %ge3A_660 = vector.broadcast %ge3A_659 : i32 to vector<16xi32>
      %ge3A_661 = arith.cmpi sge, %get3A_649, %ge3A_660 : vector<16xi32>
      %convert_element_type3A_662 = arith.extui %ge3A_661 : vector<16xi1> to vector<16xi32>
      %add3A_663 = arith.addi %add3A_658, %convert_element_type3A_662 : vector<16xi32>
      %mul3A_664 = arith.constant 253952 : i32
      %mul3A_665 = vector.broadcast %mul3A_664 : i32 to vector<16xi32>
      %mul3A_666 = arith.muli %add3A_663, %mul3A_665 : vector<16xi32>
      %sub3A_667 = arith.subi %get3A_649, %mul3A_666 : vector<16xi32>
      %swap3A_668 = arith.constant 1 : i32
      %swap3A_669 = arith.index_cast %swap3A_668 : i32 to index
      %swap3A_670 = arith.constant 64 : index
      %swap3A_671 = tpu.vector_load %arg10[%swap3A_669, %swap3A_670] {strides = array<i32>} : memref<5x128xi32, #tpu.memory_space<vmem>>, vector<16xi32>,
      tpu.vector_store %arg10[%swap3A_669, %swap3A_670], %sub3A_667 {strides = array<i32>} : memref<5x128xi32, #tpu.memory_space<vmem>>, vector<16xi32>,
      %get3A_672 = arith.constant 1 : i32
      %get3A_673 = arith.index_cast %get3A_672 : i32 to index
      %get3A_674 = arith.constant 80 : index
      %get3A_675 = tpu.vector_load %arg8[%get3A_673, %get3A_674] {strides = array<i32>} : memref<5x128xi32, #tpu.memory_space<vmem>>, vector<16xi32>,
      %ge3A_676 = arith.constant 253952 : i32
      %ge3A_677 = vector.broadcast %ge3A_676 : i32 to vector<16xi32>
      %ge3A_678 = arith.cmpi sge, %get3A_675, %ge3A_677 : vector<16xi32>
      %convert_element_type3A_679 = arith.extui %ge3A_678 : vector<16xi1> to vector<16xi32>
      %ge3A_680 = arith.constant 507904 : i32
      %ge3A_681 = vector.broadcast %ge3A_680 : i32 to vector<16xi32>
      %ge3A_682 = arith.cmpi sge, %get3A_675, %ge3A_681 : vector<16xi32>
      %convert_element_type3A_683 = arith.extui %ge3A_682 : vector<16xi1> to vector<16xi32>
      %add3A_684 = arith.addi %convert_element_type3A_679, %convert_element_type3A_683 : vector<16xi32>
      %ge3A_685 = arith.constant 761856 : i32
      %ge3A_686 = vector.broadcast %ge3A_685 : i32 to vector<16xi32>
      %ge3A_687 = arith.cmpi sge, %get3A_675, %ge3A_686 : vector<16xi32>
      %convert_element_type3A_688 = arith.extui %ge3A_687 : vector<16xi1> to vector<16xi32>
      %add3A_689 = arith.addi %add3A_684, %convert_element_type3A_688 : vector<16xi32>
      %mul3A_690 = arith.constant 253952 : i32
      %mul3A_691 = vector.broadcast %mul3A_690 : i32 to vector<16xi32>
      %mul3A_692 = arith.muli %add3A_689, %mul3A_691 : vector<16xi32>
      %sub3A_693 = arith.subi %get3A_675, %mul3A_692 : vector<16xi32>
      %swap3A_694 = arith.constant 1 : i32
      %swap3A_695 = arith.index_cast %swap3A_694 : i32 to index
      %swap3A_696 = arith.constant 80 : index
      %swap3A_697 = tpu.vector_load %arg10[%swap3A_695, %swap3A_696] {strides = array<i32>} : memref<5x128xi32, #tpu.memory_space<vmem>>, vector<16xi32>,
      tpu.vector_store %arg10[%swap3A_695, %swap3A_696], %sub3A_693 {strides = array<i32>} : memref<5x128xi32, #tpu.memory_space<vmem>>, vector<16xi32>,
      %get3A_698 = arith.constant 1 : i32
      %get3A_699 = arith.index_cast %get3A_698 : i32 to index
      %get3A_700 = arith.constant 96 : index
      %get3A_701 = tpu.vector_load %arg8[%get3A_699, %get3A_700] {strides = array<i32>} : memref<5x128xi32, #tpu.memory_space<vmem>>, vector<16xi32>,
      %ge3A_702 = arith.constant 253952 : i32
      %ge3A_703 = vector.broadcast %ge3A_702 : i32 to vector<16xi32>
      %ge3A_704 = arith.cmpi sge, %get3A_701, %ge3A_703 : vector<16xi32>
      %convert_element_type3A_705 = arith.extui %ge3A_704 : vector<16xi1> to vector<16xi32>
      %ge3A_706 = arith.constant 507904 : i32
      %ge3A_707 = vector.broadcast %ge3A_706 : i32 to vector<16xi32>
      %ge3A_708 = arith.cmpi sge, %get3A_701, %ge3A_707 : vector<16xi32>
      %convert_element_type3A_709 = arith.extui %ge3A_708 : vector<16xi1> to vector<16xi32>
      %add3A_710 = arith.addi %convert_element_type3A_705, %convert_element_type3A_709 : vector<16xi32>
      %ge3A_711 = arith.constant 761856 : i32
      %ge3A_712 = vector.broadcast %ge3A_711 : i32 to vector<16xi32>
      %ge3A_713 = arith.cmpi sge, %get3A_701, %ge3A_712 : vector<16xi32>
      %convert_element_type3A_714 = arith.extui %ge3A_713 : vector<16xi1> to vector<16xi32>
      %add3A_715 = arith.addi %add3A_710, %convert_element_type3A_714 : vector<16xi32>
      %mul3A_716 = arith.constant 253952 : i32
      %mul3A_717 = vector.broadcast %mul3A_716 : i32 to vector<16xi32>
      %mul3A_718 = arith.muli %add3A_715, %mul3A_717 : vector<16xi32>
      %sub3A_719 = arith.subi %get3A_701, %mul3A_718 : vector<16xi32>
      %swap3A_720 = arith.constant 1 : i32
      %swap3A_721 = arith.index_cast %swap3A_720 : i32 to index
      %swap3A_722 = arith.constant 96 : index
      %swap3A_723 = tpu.vector_load %arg10[%swap3A_721, %swap3A_722] {strides = array<i32>} : memref<5x128xi32, #tpu.memory_space<vmem>>, vector<16xi32>,
      tpu.vector_store %arg10[%swap3A_721, %swap3A_722], %sub3A_719 {strides = array<i32>} : memref<5x128xi32, #tpu.memory_space<vmem>>, vector<16xi32>,
      %get3A_724 = arith.constant 1 : i32
      %get3A_725 = arith.index_cast %get3A_724 : i32 to index
      %get3A_726 = arith.constant 112 : index
      %get3A_727 = tpu.vector_load %arg8[%get3A_725, %get3A_726] {strides = array<i32>} : memref<5x128xi32, #tpu.memory_space<vmem>>, vector<16xi32>,
      %ge3A_728 = arith.constant 253952 : i32
      %ge3A_729 = vector.broadcast %ge3A_728 : i32 to vector<16xi32>
      %ge3A_730 = arith.cmpi sge, %get3A_727, %ge3A_729 : vector<16xi32>
      %convert_element_type3A_731 = arith.extui %ge3A_730 : vector<16xi1> to vector<16xi32>
      %ge3A_732 = arith.constant 507904 : i32
      %ge3A_733 = vector.broadcast %ge3A_732 : i32 to vector<16xi32>
      %ge3A_734 = arith.cmpi sge, %get3A_727, %ge3A_733 : vector<16xi32>
      %convert_element_type3A_735 = arith.extui %ge3A_734 : vector<16xi1> to vector<16xi32>
      %add3A_736 = arith.addi %convert_element_type3A_731, %convert_element_type3A_735 : vector<16xi32>
      %ge3A_737 = arith.constant 761856 : i32
      %ge3A_738 = vector.broadcast %ge3A_737 : i32 to vector<16xi32>
      %ge3A_739 = arith.cmpi sge, %get3A_727, %ge3A_738 : vector<16xi32>
      %convert_element_type3A_740 = arith.extui %ge3A_739 : vector<16xi1> to vector<16xi32>
      %add3A_741 = arith.addi %add3A_736, %convert_element_type3A_740 : vector<16xi32>
      %mul3A_742 = arith.constant 253952 : i32
      %mul3A_743 = vector.broadcast %mul3A_742 : i32 to vector<16xi32>
      %mul3A_744 = arith.muli %add3A_741, %mul3A_743 : vector<16xi32>
      %sub3A_745 = arith.subi %get3A_727, %mul3A_744 : vector<16xi32>
      %swap3A_746 = arith.constant 1 : i32
      %swap3A_747 = arith.index_cast %swap3A_746 : i32 to index
      %swap3A_748 = arith.constant 112 : index
      %swap3A_749 = tpu.vector_load %arg10[%swap3A_747, %swap3A_748] {strides = array<i32>} : memref<5x128xi32, #tpu.memory_space<vmem>>, vector<16xi32>,
      tpu.vector_store %arg10[%swap3A_747, %swap3A_748], %sub3A_745 {strides = array<i32>} : memref<5x128xi32, #tpu.memory_space<vmem>>, vector<16xi32>,
      %get3A_750 = arith.constant 2 : i32
      %get3A_751 = arith.index_cast %get3A_750 : i32 to index
      %get3A_752 = arith.constant 0 : index
      %get3A_753 = tpu.vector_load %arg8[%get3A_751, %get3A_752] {strides = array<i32>} : memref<5x128xi32, #tpu.memory_space<vmem>>, vector<16xi32>,
      %ge3A_754 = arith.constant 253952 : i32
      %ge3A_755 = vector.broadcast %ge3A_754 : i32 to vector<16xi32>
      %ge3A_756 = arith.cmpi sge, %get3A_753, %ge3A_755 : vector<16xi32>
      %convert_element_type3A_757 = arith.extui %ge3A_756 : vector<16xi1> to vector<16xi32>
      %ge3A_758 = arith.constant 507904 : i32
      %ge3A_759 = vector.broadcast %ge3A_758 : i32 to vector<16xi32>
      %ge3A_760 = arith.cmpi sge, %get3A_753, %ge3A_759 : vector<16xi32>
      %convert_element_type3A_761 = arith.extui %ge3A_760 : vector<16xi1> to vector<16xi32>
      %add3A_762 = arith.addi %convert_element_type3A_757, %convert_element_type3A_761 : vector<16xi32>
      %ge3A_763 = arith.constant 761856 : i32
      %ge3A_764 = vector.broadcast %ge3A_763 : i32 to vector<16xi32>
      %ge3A_765 = arith.cmpi sge, %get3A_753, %ge3A_764 : vector<16xi32>
      %convert_element_type3A_766 = arith.extui %ge3A_765 : vector<16xi1> to vector<16xi32>
      %add3A_767 = arith.addi %add3A_762, %convert_element_type3A_766 : vector<16xi32>
      %mul3A_768 = arith.constant 253952 : i32
      %mul3A_769 = vector.broadcast %mul3A_768 : i32 to vector<16xi32>
      %mul3A_770 = arith.muli %add3A_767, %mul3A_769 : vector<16xi32>
      %sub3A_771 = arith.subi %get3A_753, %mul3A_770 : vector<16xi32>
      %swap3A_772 = arith.constant 2 : i32
      %swap3A_773 = arith.index_cast %swap3A_772 : i32 to index
      %swap3A_774 = arith.constant 0 : index
      %swap3A_775 = tpu.vector_load %arg10[%swap3A_773, %swap3A_774] {strides = array<i32>} : memref<5x128xi32, #tpu.memory_space<vmem>>, vector<16xi32>,
      tpu.vector_store %arg10[%swap3A_773, %swap3A_774], %sub3A_771 {strides = array<i32>} : memref<5x128xi32, #tpu.memory_space<vmem>>, vector<16xi32>,
      %get3A_776 = arith.constant 2 : i32
      %get3A_777 = arith.index_cast %get3A_776 : i32 to index
      %get3A_778 = arith.constant 16 : index
      %get3A_779 = tpu.vector_load %arg8[%get3A_777, %get3A_778] {strides = array<i32>} : memref<5x128xi32, #tpu.memory_space<vmem>>, vector<16xi32>,
      %ge3A_780 = arith.constant 253952 : i32
      %ge3A_781 = vector.broadcast %ge3A_780 : i32 to vector<16xi32>
      %ge3A_782 = arith.cmpi sge, %get3A_779, %ge3A_781 : vector<16xi32>
      %convert_element_type3A_783 = arith.extui %ge3A_782 : vector<16xi1> to vector<16xi32>
      %ge3A_784 = arith.constant 507904 : i32
      %ge3A_785 = vector.broadcast %ge3A_784 : i32 to vector<16xi32>
      %ge3A_786 = arith.cmpi sge, %get3A_779, %ge3A_785 : vector<16xi32>
      %convert_element_type3A_787 = arith.extui %ge3A_786 : vector<16xi1> to vector<16xi32>
      %add3A_788 = arith.addi %convert_element_type3A_783, %convert_element_type3A_787 : vector<16xi32>
      %ge3A_789 = arith.constant 761856 : i32
      %ge3A_790 = vector.broadcast %ge3A_789 : i32 to vector<16xi32>
      %ge3A_791 = arith.cmpi sge, %get3A_779, %ge3A_790 : vector<16xi32>
      %convert_element_type3A_792 = arith.extui %ge3A_791 : vector<16xi1> to vector<16xi32>
      %add3A_793 = arith.addi %add3A_788, %convert_element_type3A_792 : vector<16xi32>
      %mul3A_794 = arith.constant 253952 : i32
      %mul3A_795 = vector.broadcast %mul3A_794 : i32 to vector<16xi32>
      %mul3A_796 = arith.muli %add3A_793, %mul3A_795 : vector<16xi32>
      %sub3A_797 = arith.subi %get3A_779, %mul3A_796 : vector<16xi32>
      %swap3A_798 = arith.constant 2 : i32
      %swap3A_799 = arith.index_cast %swap3A_798 : i32 to index
      %swap3A_800 = arith.constant 16 : index
      %swap3A_801 = tpu.vector_load %arg10[%swap3A_799, %swap3A_800] {strides = array<i32>} : memref<5x128xi32, #tpu.memory_space<vmem>>, vector<16xi32>,
      tpu.vector_store %arg10[%swap3A_799, %swap3A_800], %sub3A_797 {strides = array<i32>} : memref<5x128xi32, #tpu.memory_space<vmem>>, vector<16xi32>,
      %get3A_802 = arith.constant 2 : i32
      %get3A_803 = arith.index_cast %get3A_802 : i32 to index
      %get3A_804 = arith.constant 32 : index
      %get3A_805 = tpu.vector_load %arg8[%get3A_803, %get3A_804] {strides = array<i32>} : memref<5x128xi32, #tpu.memory_space<vmem>>, vector<16xi32>,
      %ge3A_806 = arith.constant 253952 : i32
      %ge3A_807 = vector.broadcast %ge3A_806 : i32 to vector<16xi32>
      %ge3A_808 = arith.cmpi sge, %get3A_805, %ge3A_807 : vector<16xi32>
      %convert_element_type3A_809 = arith.extui %ge3A_808 : vector<16xi1> to vector<16xi32>
      %ge3A_810 = arith.constant 507904 : i32
      %ge3A_811 = vector.broadcast %ge3A_810 : i32 to vector<16xi32>
      %ge3A_812 = arith.cmpi sge, %get3A_805, %ge3A_811 : vector<16xi32>
      %convert_element_type3A_813 = arith.extui %ge3A_812 : vector<16xi1> to vector<16xi32>
      %add3A_814 = arith.addi %convert_element_type3A_809, %convert_element_type3A_813 : vector<16xi32>
      %ge3A_815 = arith.constant 761856 : i32
      %ge3A_816 = vector.broadcast %ge3A_815 : i32 to vector<16xi32>
      %ge3A_817 = arith.cmpi sge, %get3A_805, %ge3A_816 : vector<16xi32>
      %convert_element_type3A_818 = arith.extui %ge3A_817 : vector<16xi1> to vector<16xi32>
      %add3A_819 = arith.addi %add3A_814, %convert_element_type3A_818 : vector<16xi32>
      %mul3A_820 = arith.constant 253952 : i32
      %mul3A_821 = vector.broadcast %mul3A_820 : i32 to vector<16xi32>
      %mul3A_822 = arith.muli %add3A_819, %mul3A_821 : vector<16xi32>
      %sub3A_823 = arith.subi %get3A_805, %mul3A_822 : vector<16xi32>
      %swap3A_824 = arith.constant 2 : i32
      %swap3A_825 = arith.index_cast %swap3A_824 : i32 to index
      %swap3A_826 = arith.constant 32 : index
      %swap3A_827 = tpu.vector_load %arg10[%swap3A_825, %swap3A_826] {strides = array<i32>} : memref<5x128xi32, #tpu.memory_space<vmem>>, vector<16xi32>,
      tpu.vector_store %arg10[%swap3A_825, %swap3A_826], %sub3A_823 {strides = array<i32>} : memref<5x128xi32, #tpu.memory_space<vmem>>, vector<16xi32>,
      %get3A_828 = arith.constant 2 : i32
      %get3A_829 = arith.index_cast %get3A_828 : i32 to index
      %get3A_830 = arith.constant 48 : index
      %get3A_831 = tpu.vector_load %arg8[%get3A_829, %get3A_830] {strides = array<i32>} : memref<5x128xi32, #tpu.memory_space<vmem>>, vector<16xi32>,
      %ge3A_832 = arith.constant 253952 : i32
      %ge3A_833 = vector.broadcast %ge3A_832 : i32 to vector<16xi32>
      %ge3A_834 = arith.cmpi sge, %get3A_831, %ge3A_833 : vector<16xi32>
      %convert_element_type3A_835 = arith.extui %ge3A_834 : vector<16xi1> to vector<16xi32>
      %ge3A_836 = arith.constant 507904 : i32
      %ge3A_837 = vector.broadcast %ge3A_836 : i32 to vector<16xi32>
      %ge3A_838 = arith.cmpi sge, %get3A_831, %ge3A_837 : vector<16xi32>
      %convert_element_type3A_839 = arith.extui %ge3A_838 : vector<16xi1> to vector<16xi32>
      %add3A_840 = arith.addi %convert_element_type3A_835, %convert_element_type3A_839 : vector<16xi32>
      %ge3A_841 = arith.constant 761856 : i32
      %ge3A_842 = vector.broadcast %ge3A_841 : i32 to vector<16xi32>
      %ge3A_843 = arith.cmpi sge, %get3A_831, %ge3A_842 : vector<16xi32>
      %convert_element_type3A_844 = arith.extui %ge3A_843 : vector<16xi1> to vector<16xi32>
      %add3A_845 = arith.addi %add3A_840, %convert_element_type3A_844 : vector<16xi32>
      %mul3A_846 = arith.constant 253952 : i32
      %mul3A_847 = vector.broadcast %mul3A_846 : i32 to vector<16xi32>
      %mul3A_848 = arith.muli %add3A_845, %mul3A_847 : vector<16xi32>
      %sub3A_849 = arith.subi %get3A_831, %mul3A_848 : vector<16xi32>
      %swap3A_850 = arith.constant 2 : i32
      %swap3A_851 = arith.index_cast %swap3A_850 : i32 to index
      %swap3A_852 = arith.constant 48 : index
      %swap3A_853 = tpu.vector_load %arg10[%swap3A_851, %swap3A_852] {strides = array<i32>} : memref<5x128xi32, #tpu.memory_space<vmem>>, vector<16xi32>,
      tpu.vector_store %arg10[%swap3A_851, %swap3A_852], %sub3A_849 {strides = array<i32>} : memref<5x128xi32, #tpu.memory_space<vmem>>, vector<16xi32>,
      %get3A_854 = arith.constant 2 : i32
      %get3A_855 = arith.index_cast %get3A_854 : i32 to index
      %get3A_856 = arith.constant 64 : index
      %get3A_857 = tpu.vector_load %arg8[%get3A_855, %get3A_856] {strides = array<i32>} : memref<5x128xi32, #tpu.memory_space<vmem>>, vector<16xi32>,
      %ge3A_858 = arith.constant 253952 : i32
      %ge3A_859 = vector.broadcast %ge3A_858 : i32 to vector<16xi32>
      %ge3A_860 = arith.cmpi sge, %get3A_857, %ge3A_859 : vector<16xi32>
      %convert_element_type3A_861 = arith.extui %ge3A_860 : vector<16xi1> to vector<16xi32>
      %ge3A_862 = arith.constant 507904 : i32
      %ge3A_863 = vector.broadcast %ge3A_862 : i32 to vector<16xi32>
      %ge3A_864 = arith.cmpi sge, %get3A_857, %ge3A_863 : vector<16xi32>
      %convert_element_type3A_865 = arith.extui %ge3A_864 : vector<16xi1> to vector<16xi32>
      %add3A_866 = arith.addi %convert_element_type3A_861, %convert_element_type3A_865 : vector<16xi32>
      %ge3A_867 = arith.constant 761856 : i32
      %ge3A_868 = vector.broadcast %ge3A_867 : i32 to vector<16xi32>
      %ge3A_869 = arith.cmpi sge, %get3A_857, %ge3A_868 : vector<16xi32>
      %convert_element_type3A_870 = arith.extui %ge3A_869 : vector<16xi1> to vector<16xi32>
      %add3A_871 = arith.addi %add3A_866, %convert_element_type3A_870 : vector<16xi32>
      %mul3A_872 = arith.constant 253952 : i32
      %mul3A_873 = vector.broadcast %mul3A_872 : i32 to vector<16xi32>
      %mul3A_874 = arith.muli %add3A_871, %mul3A_873 : vector<16xi32>
      %sub3A_875 = arith.subi %get3A_857, %mul3A_874 : vector<16xi32>
      %swap3A_876 = arith.constant 2 : i32
      %swap3A_877 = arith.index_cast %swap3A_876 : i32 to index
      %swap3A_878 = arith.constant 64 : index
      %swap3A_879 = tpu.vector_load %arg10[%swap3A_877, %swap3A_878] {strides = array<i32>} : memref<5x128xi32, #tpu.memory_space<vmem>>, vector<16xi32>,
      tpu.vector_store %arg10[%swap3A_877, %swap3A_878], %sub3A_875 {strides = array<i32>} : memref<5x128xi32, #tpu.memory_space<vmem>>, vector<16xi32>,
      %get3A_880 = arith.constant 2 : i32
      %get3A_881 = arith.index_cast %get3A_880 : i32 to index
      %get3A_882 = arith.constant 80 : index
      %get3A_883 = tpu.vector_load %arg8[%get3A_881, %get3A_882] {strides = array<i32>} : memref<5x128xi32, #tpu.memory_space<vmem>>, vector<16xi32>,
      %ge3A_884 = arith.constant 253952 : i32
      %ge3A_885 = vector.broadcast %ge3A_884 : i32 to vector<16xi32>
      %ge3A_886 = arith.cmpi sge, %get3A_883, %ge3A_885 : vector<16xi32>
      %convert_element_type3A_887 = arith.extui %ge3A_886 : vector<16xi1> to vector<16xi32>
      %ge3A_888 = arith.constant 507904 : i32
      %ge3A_889 = vector.broadcast %ge3A_888 : i32 to vector<16xi32>
      %ge3A_890 = arith.cmpi sge, %get3A_883, %ge3A_889 : vector<16xi32>
      %convert_element_type3A_891 = arith.extui %ge3A_890 : vector<16xi1> to vector<16xi32>
      %add3A_892 = arith.addi %convert_element_type3A_887, %convert_element_type3A_891 : vector<16xi32>
      %ge3A_893 = arith.constant 761856 : i32
      %ge3A_894 = vector.broadcast %ge3A_893 : i32 to vector<16xi32>
      %ge3A_895 = arith.cmpi sge, %get3A_883, %ge3A_894 : vector<16xi32>
      %convert_element_type3A_896 = arith.extui %ge3A_895 : vector<16xi1> to vector<16xi32>
      %add3A_897 = arith.addi %add3A_892, %convert_element_type3A_896 : vector<16xi32>
      %mul3A_898 = arith.constant 253952 : i32
      %mul3A_899 = vector.broadcast %mul3A_898 : i32 to vector<16xi32>
      %mul3A_900 = arith.muli %add3A_897, %mul3A_899 : vector<16xi32>
      %sub3A_901 = arith.subi %get3A_883, %mul3A_900 : vector<16xi32>
      %swap3A_902 = arith.constant 2 : i32
      %swap3A_903 = arith.index_cast %swap3A_902 : i32 to index
      %swap3A_904 = arith.constant 80 : index
      %swap3A_905 = tpu.vector_load %arg10[%swap3A_903, %swap3A_904] {strides = array<i32>} : memref<5x128xi32, #tpu.memory_space<vmem>>, vector<16xi32>,
      tpu.vector_store %arg10[%swap3A_903, %swap3A_904], %sub3A_901 {strides = array<i32>} : memref<5x128xi32, #tpu.memory_space<vmem>>, vector<16xi32>,
      %get3A_906 = arith.constant 2 : i32
      %get3A_907 = arith.index_cast %get3A_906 : i32 to index
      %get3A_908 = arith.constant 96 : index
      %get3A_909 = tpu.vector_load %arg8[%get3A_907, %get3A_908] {strides = array<i32>} : memref<5x128xi32, #tpu.memory_space<vmem>>, vector<16xi32>,
      %ge3A_910 = arith.constant 253952 : i32
      %ge3A_911 = vector.broadcast %ge3A_910 : i32 to vector<16xi32>
      %ge3A_912 = arith.cmpi sge, %get3A_909, %ge3A_911 : vector<16xi32>
      %convert_element_type3A_913 = arith.extui %ge3A_912 : vector<16xi1> to vector<16xi32>
      %ge3A_914 = arith.constant 507904 : i32
      %ge3A_915 = vector.broadcast %ge3A_914 : i32 to vector<16xi32>
      %ge3A_916 = arith.cmpi sge, %get3A_909, %ge3A_915 : vector<16xi32>
      %convert_element_type3A_917 = arith.extui %ge3A_916 : vector<16xi1> to vector<16xi32>
      %add3A_918 = arith.addi %convert_element_type3A_913, %convert_element_type3A_917 : vector<16xi32>
      %ge3A_919 = arith.constant 761856 : i32
      %ge3A_920 = vector.broadcast %ge3A_919 : i32 to vector<16xi32>
      %ge3A_921 = arith.cmpi sge, %get3A_909, %ge3A_920 : vector<16xi32>
      %convert_element_type3A_922 = arith.extui %ge3A_921 : vector<16xi1> to vector<16xi32>
      %add3A_923 = arith.addi %add3A_918, %convert_element_type3A_922 : vector<16xi32>
      %mul3A_924 = arith.constant 253952 : i32
      %mul3A_925 = vector.broadcast %mul3A_924 : i32 to vector<16xi32>
      %mul3A_926 = arith.muli %add3A_923, %mul3A_925 : vector<16xi32>
      %sub3A_927 = arith.subi %get3A_909, %mul3A_926 : vector<16xi32>
      %swap3A_928 = arith.constant 2 : i32
      %swap3A_929 = arith.index_cast %swap3A_928 : i32 to index
      %swap3A_930 = arith.constant 96 : index
      %swap3A_931 = tpu.vector_load %arg10[%swap3A_929, %swap3A_930] {strides = array<i32>} : memref<5x128xi32, #tpu.memory_space<vmem>>, vector<16xi32>,
      tpu.vector_store %arg10[%swap3A_929, %swap3A_930], %sub3A_927 {strides = array<i32>} : memref<5x128xi32, #tpu.memory_space<vmem>>, vector<16xi32>,
      %get3A_932 = arith.constant 2 : i32
      %get3A_933 = arith.index_cast %get3A_932 : i32 to index
      %get3A_934 = arith.constant 112 : index
      %get3A_935 = tpu.vector_load %arg8[%get3A_933, %get3A_934] {strides = array<i32>} : memref<5x128xi32, #tpu.memory_space<vmem>>, vector<16xi32>,
      %ge3A_936 = arith.constant 253952 : i32
      %ge3A_937 = vector.broadcast %ge3A_936 : i32 to vector<16xi32>
      %ge3A_938 = arith.cmpi sge, %get3A_935, %ge3A_937 : vector<16xi32>
      %convert_element_type3A_939 = arith.extui %ge3A_938 : vector<16xi1> to vector<16xi32>
      %ge3A_940 = arith.constant 507904 : i32
      %ge3A_941 = vector.broadcast %ge3A_940 : i32 to vector<16xi32>
      %ge3A_942 = arith.cmpi sge, %get3A_935, %ge3A_941 : vector<16xi32>
      %convert_element_type3A_943 = arith.extui %ge3A_942 : vector<16xi1> to vector<16xi32>
      %add3A_944 = arith.addi %convert_element_type3A_939, %convert_element_type3A_943 : vector<16xi32>
      %ge3A_945 = arith.constant 761856 : i32
      %ge3A_946 = vector.broadcast %ge3A_945 : i32 to vector<16xi32>
      %ge3A_947 = arith.cmpi sge, %get3A_935, %ge3A_946 : vector<16xi32>
      %convert_element_type3A_948 = arith.extui %ge3A_947 : vector<16xi1> to vector<16xi32>
      %add3A_949 = arith.addi %add3A_944, %convert_element_type3A_948 : vector<16xi32>
      %mul3A_950 = arith.constant 253952 : i32
      %mul3A_951 = vector.broadcast %mul3A_950 : i32 to vector<16xi32>
      %mul3A_952 = arith.muli %add3A_949, %mul3A_951 : vector<16xi32>
      %sub3A_953 = arith.subi %get3A_935, %mul3A_952 : vector<16xi32>
      %swap3A_954 = arith.constant 2 : i32
      %swap3A_955 = arith.index_cast %swap3A_954 : i32 to index
      %swap3A_956 = arith.constant 112 : index
      %swap3A_957 = tpu.vector_load %arg10[%swap3A_955, %swap3A_956] {strides = array<i32>} : memref<5x128xi32, #tpu.memory_space<vmem>>, vector<16xi32>,
      tpu.vector_store %arg10[%swap3A_955, %swap3A_956], %sub3A_953 {strides = array<i32>} : memref<5x128xi32, #tpu.memory_space<vmem>>, vector<16xi32>,
      %get3A_958 = arith.constant 3 : i32
      %get3A_959 = arith.index_cast %get3A_958 : i32 to index
      %get3A_960 = arith.constant 0 : index
      %get3A_961 = tpu.vector_load %arg8[%get3A_959, %get3A_960] {strides = array<i32>} : memref<5x128xi32, #tpu.memory_space<vmem>>, vector<16xi32>,
      %ge3A_962 = arith.constant 253952 : i32
      %ge3A_963 = vector.broadcast %ge3A_962 : i32 to vector<16xi32>
      %ge3A_964 = arith.cmpi sge, %get3A_961, %ge3A_963 : vector<16xi32>
      %convert_element_type3A_965 = arith.extui %ge3A_964 : vector<16xi1> to vector<16xi32>
      %ge3A_966 = arith.constant 507904 : i32
      %ge3A_967 = vector.broadcast %ge3A_966 : i32 to vector<16xi32>
      %ge3A_968 = arith.cmpi sge, %get3A_961, %ge3A_967 : vector<16xi32>
      %convert_element_type3A_969 = arith.extui %ge3A_968 : vector<16xi1> to vector<16xi32>
      %add3A_970 = arith.addi %convert_element_type3A_965, %convert_element_type3A_969 : vector<16xi32>
      %ge3A_971 = arith.constant 761856 : i32
      %ge3A_972 = vector.broadcast %ge3A_971 : i32 to vector<16xi32>
      %ge3A_973 = arith.cmpi sge, %get3A_961, %ge3A_972 : vector<16xi32>
      %convert_element_type3A_974 = arith.extui %ge3A_973 : vector<16xi1> to vector<16xi32>
      %add3A_975 = arith.addi %add3A_970, %convert_element_type3A_974 : vector<16xi32>
      %mul3A_976 = arith.constant 253952 : i32
      %mul3A_977 = vector.broadcast %mul3A_976 : i32 to vector<16xi32>
      %mul3A_978 = arith.muli %add3A_975, %mul3A_977 : vector<16xi32>
      %sub3A_979 = arith.subi %get3A_961, %mul3A_978 : vector<16xi32>
      %swap3A_980 = arith.constant 3 : i32
      %swap3A_981 = arith.index_cast %swap3A_980 : i32 to index
      %swap3A_982 = arith.constant 0 : index
      %swap3A_983 = tpu.vector_load %arg10[%swap3A_981, %swap3A_982] {strides = array<i32>} : memref<5x128xi32, #tpu.memory_space<vmem>>, vector<16xi32>,
      tpu.vector_store %arg10[%swap3A_981, %swap3A_982], %sub3A_979 {strides = array<i32>} : memref<5x128xi32, #tpu.memory_space<vmem>>, vector<16xi32>,
      %get3A_984 = arith.constant 3 : i32
      %get3A_985 = arith.index_cast %get3A_984 : i32 to index
      %get3A_986 = arith.constant 16 : index
      %get3A_987 = tpu.vector_load %arg8[%get3A_985, %get3A_986] {strides = array<i32>} : memref<5x128xi32, #tpu.memory_space<vmem>>, vector<16xi32>,
      %ge3A_988 = arith.constant 253952 : i32
      %ge3A_989 = vector.broadcast %ge3A_988 : i32 to vector<16xi32>
      %ge3A_990 = arith.cmpi sge, %get3A_987, %ge3A_989 : vector<16xi32>
      %convert_element_type3A_991 = arith.extui %ge3A_990 : vector<16xi1> to vector<16xi32>
      %ge3A_992 = arith.constant 507904 : i32
      %ge3A_993 = vector.broadcast %ge3A_992 : i32 to vector<16xi32>
      %ge3A_994 = arith.cmpi sge, %get3A_987, %ge3A_993 : vector<16xi32>
      %convert_element_type3A_995 = arith.extui %ge3A_994 : vector<16xi1> to vector<16xi32>
      %add3A_996 = arith.addi %convert_element_type3A_991, %convert_element_type3A_995 : vector<16xi32>
      %ge3A_997 = arith.constant 761856 : i32
      %ge3A_998 = vector.broadcast %ge3A_997 : i32 to vector<16xi32>
      %ge3A_999 = arith.cmpi sge, %get3A_987, %ge3A_998 : vector<16xi32>
      %convert_element_type3A_1000 = arith.extui %ge3A_999 : vector<16xi1> to vector<16xi32>
      %add3A_1001 = arith.addi %add3A_996, %convert_element_type3A_1000 : vector<16xi32>
      %mul3A_1002 = arith.constant 253952 : i32
      %mul3A_1003 = vector.broadcast %mul3A_1002 : i32 to vector<16xi32>
      %mul3A_1004 = arith.muli %add3A_1001, %mul3A_1003 : vector<16xi32>
      %sub3A_1005 = arith.subi %get3A_987, %mul3A_1004 : vector<16xi32>
      %swap3A_1006 = arith.constant 3 : i32
      %swap3A_1007 = arith.index_cast %swap3A_1006 : i32 to index
      %swap3A_1008 = arith.constant 16 : index
      %swap3A_1009 = tpu.vector_load %arg10[%swap3A_1007, %swap3A_1008] {strides = array<i32>} : memref<5x128xi32, #tpu.memory_space<vmem>>, vector<16xi32>,
      tpu.vector_store %arg10[%swap3A_1007, %swap3A_1008], %sub3A_1005 {strides = array<i32>} : memref<5x128xi32, #tpu.memory_space<vmem>>, vector<16xi32>,
      %get3A_1010 = arith.constant 3 : i32
      %get3A_1011 = arith.index_cast %get3A_1010 : i32 to index
      %get3A_1012 = arith.constant 32 : index
      %get3A_1013 = tpu.vector_load %arg8[%get3A_1011, %get3A_1012] {strides = array<i32>} : memref<5x128xi32, #tpu.memory_space<vmem>>, vector<16xi32>,
      %ge3A_1014 = arith.constant 253952 : i32
      %ge3A_1015 = vector.broadcast %ge3A_1014 : i32 to vector<16xi32>
      %ge3A_1016 = arith.cmpi sge, %get3A_1013, %ge3A_1015 : vector<16xi32>
      %convert_element_type3A_1017 = arith.extui %ge3A_1016 : vector<16xi1> to vector<16xi32>
      %ge3A_1018 = arith.constant 507904 : i32
      %ge3A_1019 = vector.broadcast %ge3A_1018 : i32 to vector<16xi32>
      %ge3A_1020 = arith.cmpi sge, %get3A_1013, %ge3A_1019 : vector<16xi32>
      %convert_element_type3A_1021 = arith.extui %ge3A_1020 : vector<16xi1> to vector<16xi32>
      %add3A_1022 = arith.addi %convert_element_type3A_1017, %convert_element_type3A_1021 : vector<16xi32>
      %ge3A_1023 = arith.constant 761856 : i32
      %ge3A_1024 = vector.broadcast %ge3A_1023 : i32 to vector<16xi32>
      %ge3A_1025 = arith.cmpi sge, %get3A_1013, %ge3A_1024 : vector<16xi32>
      %convert_element_type3A_1026 = arith.extui %ge3A_1025 : vector<16xi1> to vector<16xi32>
      %add3A_1027 = arith.addi %add3A_1022, %convert_element_type3A_1026 : vector<16xi32>
      %mul3A_1028 = arith.constant 253952 : i32
      %mul3A_1029 = vector.broadcast %mul3A_1028 : i32 to vector<16xi32>
      %mul3A_1030 = arith.muli %add3A_1027, %mul3A_1029 : vector<16xi32>
      %sub3A_1031 = arith.subi %get3A_1013, %mul3A_1030 : vector<16xi32>
      %swap3A_1032 = arith.constant 3 : i32
      %swap3A_1033 = arith.index_cast %swap3A_1032 : i32 to index
      %swap3A_1034 = arith.constant 32 : index
      %swap3A_1035 = tpu.vector_load %arg10[%swap3A_1033, %swap3A_1034] {strides = array<i32>} : memref<5x128xi32, #tpu.memory_space<vmem>>, vector<16xi32>,
      tpu.vector_store %arg10[%swap3A_1033, %swap3A_1034], %sub3A_1031 {strides = array<i32>} : memref<5x128xi32, #tpu.memory_space<vmem>>, vector<16xi32>,
      %get3A_1036 = arith.constant 3 : i32
      %get3A_1037 = arith.index_cast %get3A_1036 : i32 to index
      %get3A_1038 = arith.constant 48 : index
      %get3A_1039 = tpu.vector_load %arg8[%get3A_1037, %get3A_1038] {strides = array<i32>} : memref<5x128xi32, #tpu.memory_space<vmem>>, vector<16xi32>,
      %ge3A_1040 = arith.constant 253952 : i32
      %ge3A_1041 = vector.broadcast %ge3A_1040 : i32 to vector<16xi32>
      %ge3A_1042 = arith.cmpi sge, %get3A_1039, %ge3A_1041 : vector<16xi32>
      %convert_element_type3A_1043 = arith.extui %ge3A_1042 : vector<16xi1> to vector<16xi32>
      %ge3A_1044 = arith.constant 507904 : i32
      %ge3A_1045 = vector.broadcast %ge3A_1044 : i32 to vector<16xi32>
      %ge3A_1046 = arith.cmpi sge, %get3A_1039, %ge3A_1045 : vector<16xi32>
      %convert_element_type3A_1047 = arith.extui %ge3A_1046 : vector<16xi1> to vector<16xi32>
      %add3A_1048 = arith.addi %convert_element_type3A_1043, %convert_element_type3A_1047 : vector<16xi32>
      %ge3A_1049 = arith.constant 761856 : i32
      %ge3A_1050 = vector.broadcast %ge3A_1049 : i32 to vector<16xi32>
      %ge3A_1051 = arith.cmpi sge, %get3A_1039, %ge3A_1050 : vector<16xi32>
      %convert_element_type3A_1052 = arith.extui %ge3A_1051 : vector<16xi1> to vector<16xi32>
      %add3A_1053 = arith.addi %add3A_1048, %convert_element_type3A_1052 : vector<16xi32>
      %mul3A_1054 = arith.constant 253952 : i32
      %mul3A_1055 = vector.broadcast %mul3A_1054 : i32 to vector<16xi32>
      %mul3A_1056 = arith.muli %add3A_1053, %mul3A_1055 : vector<16xi32>
      %sub3A_1057 = arith.subi %get3A_1039, %mul3A_1056 : vector<16xi32>
      %swap3A_1058 = arith.constant 3 : i32
      %swap3A_1059 = arith.index_cast %swap3A_1058 : i32 to index
      %swap3A_1060 = arith.constant 48 : index
      %swap3A_1061 = tpu.vector_load %arg10[%swap3A_1059, %swap3A_1060] {strides = array<i32>} : memref<5x128xi32, #tpu.memory_space<vmem>>, vector<16xi32>,
      tpu.vector_store %arg10[%swap3A_1059, %swap3A_1060], %sub3A_1057 {strides = array<i32>} : memref<5x128xi32, #tpu.memory_space<vmem>>, vector<16xi32>,
      %get3A_1062 = arith.constant 3 : i32
      %get3A_1063 = arith.index_cast %get3A_1062 : i32 to index
      %get3A_1064 = arith.constant 64 : index
      %get3A_1065 = tpu.vector_load %arg8[%get3A_1063, %get3A_1064] {strides = array<i32>} : memref<5x128xi32, #tpu.memory_space<vmem>>, vector<16xi32>,
      %ge3A_1066 = arith.constant 253952 : i32
      %ge3A_1067 = vector.broadcast %ge3A_1066 : i32 to vector<16xi32>
      %ge3A_1068 = arith.cmpi sge, %get3A_1065, %ge3A_1067 : vector<16xi32>
      %convert_element_type3A_1069 = arith.extui %ge3A_1068 : vector<16xi1> to vector<16xi32>
      %ge3A_1070 = arith.constant 507904 : i32
      %ge3A_1071 = vector.broadcast %ge3A_1070 : i32 to vector<16xi32>
      %ge3A_1072 = arith.cmpi sge, %get3A_1065, %ge3A_1071 : vector<16xi32>
      %convert_element_type3A_1073 = arith.extui %ge3A_1072 : vector<16xi1> to vector<16xi32>
      %add3A_1074 = arith.addi %convert_element_type3A_1069, %convert_element_type3A_1073 : vector<16xi32>
      %ge3A_1075 = arith.constant 761856 : i32
      %ge3A_1076 = vector.broadcast %ge3A_1075 : i32 to vector<16xi32>
      %ge3A_1077 = arith.cmpi sge, %get3A_1065, %ge3A_1076 : vector<16xi32>
      %convert_element_type3A_1078 = arith.extui %ge3A_1077 : vector<16xi1> to vector<16xi32>
      %add3A_1079 = arith.addi %add3A_1074, %convert_element_type3A_1078 : vector<16xi32>
      %mul3A_1080 = arith.constant 253952 : i32
      %mul3A_1081 = vector.broadcast %mul3A_1080 : i32 to vector<16xi32>
      %mul3A_1082 = arith.muli %add3A_1079, %mul3A_1081 : vector<16xi32>
      %sub3A_1083 = arith.subi %get3A_1065, %mul3A_1082 : vector<16xi32>
      %swap3A_1084 = arith.constant 3 : i32
      %swap3A_1085 = arith.index_cast %swap3A_1084 : i32 to index
      %swap3A_1086 = arith.constant 64 : index
      %swap3A_1087 = tpu.vector_load %arg10[%swap3A_1085, %swap3A_1086] {strides = array<i32>} : memref<5x128xi32, #tpu.memory_space<vmem>>, vector<16xi32>,
      tpu.vector_store %arg10[%swap3A_1085, %swap3A_1086], %sub3A_1083 {strides = array<i32>} : memref<5x128xi32, #tpu.memory_space<vmem>>, vector<16xi32>,
      %get3A_1088 = arith.constant 3 : i32
      %get3A_1089 = arith.index_cast %get3A_1088 : i32 to index
      %get3A_1090 = arith.constant 80 : index
      %get3A_1091 = tpu.vector_load %arg8[%get3A_1089, %get3A_1090] {strides = array<i32>} : memref<5x128xi32, #tpu.memory_space<vmem>>, vector<16xi32>,
      %ge3A_1092 = arith.constant 253952 : i32
      %ge3A_1093 = vector.broadcast %ge3A_1092 : i32 to vector<16xi32>
      %ge3A_1094 = arith.cmpi sge, %get3A_1091, %ge3A_1093 : vector<16xi32>
      %convert_element_type3A_1095 = arith.extui %ge3A_1094 : vector<16xi1> to vector<16xi32>
      %ge3A_1096 = arith.constant 507904 : i32
      %ge3A_1097 = vector.broadcast %ge3A_1096 : i32 to vector<16xi32>
      %ge3A_1098 = arith.cmpi sge, %get3A_1091, %ge3A_1097 : vector<16xi32>
      %convert_element_type3A_1099 = arith.extui %ge3A_1098 : vector<16xi1> to vector<16xi32>
      %add3A_1100 = arith.addi %convert_element_type3A_1095, %convert_element_type3A_1099 : vector<16xi32>
      %ge3A_1101 = arith.constant 761856 : i32
      %ge3A_1102 = vector.broadcast %ge3A_1101 : i32 to vector<16xi32>
      %ge3A_1103 = arith.cmpi sge, %get3A_1091, %ge3A_1102 : vector<16xi32>
      %convert_element_type3A_1104 = arith.extui %ge3A_1103 : vector<16xi1> to vector<16xi32>
      %add3A_1105 = arith.addi %add3A_1100, %convert_element_type3A_1104 : vector<16xi32>
      %mul3A_1106 = arith.constant 253952 : i32
      %mul3A_1107 = vector.broadcast %mul3A_1106 : i32 to vector<16xi32>
      %mul3A_1108 = arith.muli %add3A_1105, %mul3A_1107 : vector<16xi32>
      %sub3A_1109 = arith.subi %get3A_1091, %mul3A_1108 : vector<16xi32>
      %swap3A_1110 = arith.constant 3 : i32
      %swap3A_1111 = arith.index_cast %swap3A_1110 : i32 to index
      %swap3A_1112 = arith.constant 80 : index
      %swap3A_1113 = tpu.vector_load %arg10[%swap3A_1111, %swap3A_1112] {strides = array<i32>} : memref<5x128xi32, #tpu.memory_space<vmem>>, vector<16xi32>,
      tpu.vector_store %arg10[%swap3A_1111, %swap3A_1112], %sub3A_1109 {strides = array<i32>} : memref<5x128xi32, #tpu.memory_space<vmem>>, vector<16xi32>,
      %get3A_1114 = arith.constant 3 : i32
      %get3A_1115 = arith.index_cast %get3A_1114 : i32 to index
      %get3A_1116 = arith.constant 96 : index
      %get3A_1117 = tpu.vector_load %arg8[%get3A_1115, %get3A_1116] {strides = array<i32>} : memref<5x128xi32, #tpu.memory_space<vmem>>, vector<16xi32>,
      %ge3A_1118 = arith.constant 253952 : i32
      %ge3A_1119 = vector.broadcast %ge3A_1118 : i32 to vector<16xi32>
      %ge3A_1120 = arith.cmpi sge, %get3A_1117, %ge3A_1119 : vector<16xi32>
      %convert_element_type3A_1121 = arith.extui %ge3A_1120 : vector<16xi1> to vector<16xi32>
      %ge3A_1122 = arith.constant 507904 : i32
      %ge3A_1123 = vector.broadcast %ge3A_1122 : i32 to vector<16xi32>
      %ge3A_1124 = arith.cmpi sge, %get3A_1117, %ge3A_1123 : vector<16xi32>
      %convert_element_type3A_1125 = arith.extui %ge3A_1124 : vector<16xi1> to vector<16xi32>
      %add3A_1126 = arith.addi %convert_element_type3A_1121, %convert_element_type3A_1125 : vector<16xi32>
      %ge3A_1127 = arith.constant 761856 : i32
      %ge3A_1128 = vector.broadcast %ge3A_1127 : i32 to vector<16xi32>
      %ge3A_1129 = arith.cmpi sge, %get3A_1117, %ge3A_1128 : vector<16xi32>
      %convert_element_type3A_1130 = arith.extui %ge3A_1129 : vector<16xi1> to vector<16xi32>
      %add3A_1131 = arith.addi %add3A_1126, %convert_element_type3A_1130 : vector<16xi32>
      %mul3A_1132 = arith.constant 253952 : i32
      %mul3A_1133 = vector.broadcast %mul3A_1132 : i32 to vector<16xi32>
      %mul3A_1134 = arith.muli %add3A_1131, %mul3A_1133 : vector<16xi32>
      %sub3A_1135 = arith.subi %get3A_1117, %mul3A_1134 : vector<16xi32>
      %swap3A_1136 = arith.constant 3 : i32
      %swap3A_1137 = arith.index_cast %swap3A_1136 : i32 to index
      %swap3A_1138 = arith.constant 96 : index
      %swap3A_1139 = tpu.vector_load %arg10[%swap3A_1137, %swap3A_1138] {strides = array<i32>} : memref<5x128xi32, #tpu.memory_space<vmem>>, vector<16xi32>,
      tpu.vector_store %arg10[%swap3A_1137, %swap3A_1138], %sub3A_1135 {strides = array<i32>} : memref<5x128xi32, #tpu.memory_space<vmem>>, vector<16xi32>,
      %get3A_1140 = arith.constant 3 : i32
      %get3A_1141 = arith.index_cast %get3A_1140 : i32 to index
      %get3A_1142 = arith.constant 112 : index
      %get3A_1143 = tpu.vector_load %arg8[%get3A_1141, %get3A_1142] {strides = array<i32>} : memref<5x128xi32, #tpu.memory_space<vmem>>, vector<16xi32>,
      %ge3A_1144 = arith.constant 253952 : i32
      %ge3A_1145 = vector.broadcast %ge3A_1144 : i32 to vector<16xi32>
      %ge3A_1146 = arith.cmpi sge, %get3A_1143, %ge3A_1145 : vector<16xi32>
      %convert_element_type3A_1147 = arith.extui %ge3A_1146 : vector<16xi1> to vector<16xi32>
      %ge3A_1148 = arith.constant 507904 : i32
      %ge3A_1149 = vector.broadcast %ge3A_1148 : i32 to vector<16xi32>
      %ge3A_1150 = arith.cmpi sge, %get3A_1143, %ge3A_1149 : vector<16xi32>
      %convert_element_type3A_1151 = arith.extui %ge3A_1150 : vector<16xi1> to vector<16xi32>
      %add3A_1152 = arith.addi %convert_element_type3A_1147, %convert_element_type3A_1151 : vector<16xi32>
      %ge3A_1153 = arith.constant 761856 : i32
      %ge3A_1154 = vector.broadcast %ge3A_1153 : i32 to vector<16xi32>
      %ge3A_1155 = arith.cmpi sge, %get3A_1143, %ge3A_1154 : vector<16xi32>
      %convert_element_type3A_1156 = arith.extui %ge3A_1155 : vector<16xi1> to vector<16xi32>
      %add3A_1157 = arith.addi %add3A_1152, %convert_element_type3A_1156 : vector<16xi32>
      %mul3A_1158 = arith.constant 253952 : i32
      %mul3A_1159 = vector.broadcast %mul3A_1158 : i32 to vector<16xi32>
      %mul3A_1160 = arith.muli %add3A_1157, %mul3A_1159 : vector<16xi32>
      %sub3A_1161 = arith.subi %get3A_1143, %mul3A_1160 : vector<16xi32>
      %swap3A_1162 = arith.constant 3 : i32
      %swap3A_1163 = arith.index_cast %swap3A_1162 : i32 to index
      %swap3A_1164 = arith.constant 112 : index
      %swap3A_1165 = tpu.vector_load %arg10[%swap3A_1163, %swap3A_1164] {strides = array<i32>} : memref<5x128xi32, #tpu.memory_space<vmem>>, vector<16xi32>,
      tpu.vector_store %arg10[%swap3A_1163, %swap3A_1164], %sub3A_1161 {strides = array<i32>} : memref<5x128xi32, #tpu.memory_space<vmem>>, vector<16xi32>,
      %get3A_1166 = arith.constant 4 : i32
      %get3A_1167 = arith.index_cast %get3A_1166 : i32 to index
      %get3A_1168 = arith.constant 0 : index
      %get3A_1169 = tpu.vector_load %arg8[%get3A_1167, %get3A_1168] {strides = array<i32>} : memref<5x128xi32, #tpu.memory_space<vmem>>, vector<16xi32>,
      %ge3A_1170 = arith.constant 253952 : i32
      %ge3A_1171 = vector.broadcast %ge3A_1170 : i32 to vector<16xi32>
      %ge3A_1172 = arith.cmpi sge, %get3A_1169, %ge3A_1171 : vector<16xi32>
      %convert_element_type3A_1173 = arith.extui %ge3A_1172 : vector<16xi1> to vector<16xi32>
      %ge3A_1174 = arith.constant 507904 : i32
      %ge3A_1175 = vector.broadcast %ge3A_1174 : i32 to vector<16xi32>
      %ge3A_1176 = arith.cmpi sge, %get3A_1169, %ge3A_1175 : vector<16xi32>
      %convert_element_type3A_1177 = arith.extui %ge3A_1176 : vector<16xi1> to vector<16xi32>
      %add3A_1178 = arith.addi %convert_element_type3A_1173, %convert_element_type3A_1177 : vector<16xi32>
      %ge3A_1179 = arith.constant 761856 : i32
      %ge3A_1180 = vector.broadcast %ge3A_1179 : i32 to vector<16xi32>
      %ge3A_1181 = arith.cmpi sge, %get3A_1169, %ge3A_1180 : vector<16xi32>
      %convert_element_type3A_1182 = arith.extui %ge3A_1181 : vector<16xi1> to vector<16xi32>
      %add3A_1183 = arith.addi %add3A_1178, %convert_element_type3A_1182 : vector<16xi32>
      %mul3A_1184 = arith.constant 253952 : i32
      %mul3A_1185 = vector.broadcast %mul3A_1184 : i32 to vector<16xi32>
      %mul3A_1186 = arith.muli %add3A_1183, %mul3A_1185 : vector<16xi32>
      %sub3A_1187 = arith.subi %get3A_1169, %mul3A_1186 : vector<16xi32>
      %swap3A_1188 = arith.constant 4 : i32
      %swap3A_1189 = arith.index_cast %swap3A_1188 : i32 to index
      %swap3A_1190 = arith.constant 0 : index
      %swap3A_1191 = tpu.vector_load %arg10[%swap3A_1189, %swap3A_1190] {strides = array<i32>} : memref<5x128xi32, #tpu.memory_space<vmem>>, vector<16xi32>,
      tpu.vector_store %arg10[%swap3A_1189, %swap3A_1190], %sub3A_1187 {strides = array<i32>} : memref<5x128xi32, #tpu.memory_space<vmem>>, vector<16xi32>,
      %get3A_1192 = arith.constant 4 : i32
      %get3A_1193 = arith.index_cast %get3A_1192 : i32 to index
      %get3A_1194 = arith.constant 16 : index
      %get3A_1195 = tpu.vector_load %arg8[%get3A_1193, %get3A_1194] {strides = array<i32>} : memref<5x128xi32, #tpu.memory_space<vmem>>, vector<16xi32>,
      %ge3A_1196 = arith.constant 253952 : i32
      %ge3A_1197 = vector.broadcast %ge3A_1196 : i32 to vector<16xi32>
      %ge3A_1198 = arith.cmpi sge, %get3A_1195, %ge3A_1197 : vector<16xi32>
      %convert_element_type3A_1199 = arith.extui %ge3A_1198 : vector<16xi1> to vector<16xi32>
      %ge3A_1200 = arith.constant 507904 : i32
      %ge3A_1201 = vector.broadcast %ge3A_1200 : i32 to vector<16xi32>
      %ge3A_1202 = arith.cmpi sge, %get3A_1195, %ge3A_1201 : vector<16xi32>
      %convert_element_type3A_1203 = arith.extui %ge3A_1202 : vector<16xi1> to vector<16xi32>
      %add3A_1204 = arith.addi %convert_element_type3A_1199, %convert_element_type3A_1203 : vector<16xi32>
      %ge3A_1205 = arith.constant 761856 : i32
      %ge3A_1206 = vector.broadcast %ge3A_1205 : i32 to vector<16xi32>
      %ge3A_1207 = arith.cmpi sge, %get3A_1195, %ge3A_1206 : vector<16xi32>
      %convert_element_type3A_1208 = arith.extui %ge3A_1207 : vector<16xi1> to vector<16xi32>
      %add3A_1209 = arith.addi %add3A_1204, %convert_element_type3A_1208 : vector<16xi32>
      %mul3A_1210 = arith.constant 253952 : i32
      %mul3A_1211 = vector.broadcast %mul3A_1210 : i32 to vector<16xi32>
      %mul3A_1212 = arith.muli %add3A_1209, %mul3A_1211 : vector<16xi32>
      %sub3A_1213 = arith.subi %get3A_1195, %mul3A_1212 : vector<16xi32>
      %swap3A_1214 = arith.constant 4 : i32
      %swap3A_1215 = arith.index_cast %swap3A_1214 : i32 to index
      %swap3A_1216 = arith.constant 16 : index
      %swap3A_1217 = tpu.vector_load %arg10[%swap3A_1215, %swap3A_1216] {strides = array<i32>} : memref<5x128xi32, #tpu.memory_space<vmem>>, vector<16xi32>,
      tpu.vector_store %arg10[%swap3A_1215, %swap3A_1216], %sub3A_1213 {strides = array<i32>} : memref<5x128xi32, #tpu.memory_space<vmem>>, vector<16xi32>,
      %get3A_1218 = arith.constant 4 : i32
      %get3A_1219 = arith.index_cast %get3A_1218 : i32 to index
      %get3A_1220 = arith.constant 32 : index
      %get3A_1221 = tpu.vector_load %arg8[%get3A_1219, %get3A_1220] {strides = array<i32>} : memref<5x128xi32, #tpu.memory_space<vmem>>, vector<16xi32>,
      %ge3A_1222 = arith.constant 253952 : i32
      %ge3A_1223 = vector.broadcast %ge3A_1222 : i32 to vector<16xi32>
      %ge3A_1224 = arith.cmpi sge, %get3A_1221, %ge3A_1223 : vector<16xi32>
      %convert_element_type3A_1225 = arith.extui %ge3A_1224 : vector<16xi1> to vector<16xi32>
      %ge3A_1226 = arith.constant 507904 : i32
      %ge3A_1227 = vector.broadcast %ge3A_1226 : i32 to vector<16xi32>
      %ge3A_1228 = arith.cmpi sge, %get3A_1221, %ge3A_1227 : vector<16xi32>
      %convert_element_type3A_1229 = arith.extui %ge3A_1228 : vector<16xi1> to vector<16xi32>
      %add3A_1230 = arith.addi %convert_element_type3A_1225, %convert_element_type3A_1229 : vector<16xi32>
      %ge3A_1231 = arith.constant 761856 : i32
      %ge3A_1232 = vector.broadcast %ge3A_1231 : i32 to vector<16xi32>
      %ge3A_1233 = arith.cmpi sge, %get3A_1221, %ge3A_1232 : vector<16xi32>
      %convert_element_type3A_1234 = arith.extui %ge3A_1233 : vector<16xi1> to vector<16xi32>
      %add3A_1235 = arith.addi %add3A_1230, %convert_element_type3A_1234 : vector<16xi32>
      %mul3A_1236 = arith.constant 253952 : i32
      %mul3A_1237 = vector.broadcast %mul3A_1236 : i32 to vector<16xi32>
      %mul3A_1238 = arith.muli %add3A_1235, %mul3A_1237 : vector<16xi32>
      %sub3A_1239 = arith.subi %get3A_1221, %mul3A_1238 : vector<16xi32>
      %swap3A_1240 = arith.constant 4 : i32
      %swap3A_1241 = arith.index_cast %swap3A_1240 : i32 to index
      %swap3A_1242 = arith.constant 32 : index
      %swap3A_1243 = tpu.vector_load %arg10[%swap3A_1241, %swap3A_1242] {strides = array<i32>} : memref<5x128xi32, #tpu.memory_space<vmem>>, vector<16xi32>,
      tpu.vector_store %arg10[%swap3A_1241, %swap3A_1242], %sub3A_1239 {strides = array<i32>} : memref<5x128xi32, #tpu.memory_space<vmem>>, vector<16xi32>,
      %get3A_1244 = arith.constant 4 : i32
      %get3A_1245 = arith.index_cast %get3A_1244 : i32 to index
      %get3A_1246 = arith.constant 48 : index
      %get3A_1247 = tpu.vector_load %arg8[%get3A_1245, %get3A_1246] {strides = array<i32>} : memref<5x128xi32, #tpu.memory_space<vmem>>, vector<16xi32>,
      %ge3A_1248 = arith.constant 253952 : i32
      %ge3A_1249 = vector.broadcast %ge3A_1248 : i32 to vector<16xi32>
      %ge3A_1250 = arith.cmpi sge, %get3A_1247, %ge3A_1249 : vector<16xi32>
      %convert_element_type3A_1251 = arith.extui %ge3A_1250 : vector<16xi1> to vector<16xi32>
      %ge3A_1252 = arith.constant 507904 : i32
      %ge3A_1253 = vector.broadcast %ge3A_1252 : i32 to vector<16xi32>
      %ge3A_1254 = arith.cmpi sge, %get3A_1247, %ge3A_1253 : vector<16xi32>
      %convert_element_type3A_1255 = arith.extui %ge3A_1254 : vector<16xi1> to vector<16xi32>
      %add3A_1256 = arith.addi %convert_element_type3A_1251, %convert_element_type3A_1255 : vector<16xi32>
      %ge3A_1257 = arith.constant 761856 : i32
      %ge3A_1258 = vector.broadcast %ge3A_1257 : i32 to vector<16xi32>
      %ge3A_1259 = arith.cmpi sge, %get3A_1247, %ge3A_1258 : vector<16xi32>
      %convert_element_type3A_1260 = arith.extui %ge3A_1259 : vector<16xi1> to vector<16xi32>
      %add3A_1261 = arith.addi %add3A_1256, %convert_element_type3A_1260 : vector<16xi32>
      %mul3A_1262 = arith.constant 253952 : i32
      %mul3A_1263 = vector.broadcast %mul3A_1262 : i32 to vector<16xi32>
      %mul3A_1264 = arith.muli %add3A_1261, %mul3A_1263 : vector<16xi32>
      %sub3A_1265 = arith.subi %get3A_1247, %mul3A_1264 : vector<16xi32>
      %swap3A_1266 = arith.constant 4 : i32
      %swap3A_1267 = arith.index_cast %swap3A_1266 : i32 to index
      %swap3A_1268 = arith.constant 48 : index
      %swap3A_1269 = tpu.vector_load %arg10[%swap3A_1267, %swap3A_1268] {strides = array<i32>} : memref<5x128xi32, #tpu.memory_space<vmem>>, vector<16xi32>,
      tpu.vector_store %arg10[%swap3A_1267, %swap3A_1268], %sub3A_1265 {strides = array<i32>} : memref<5x128xi32, #tpu.memory_space<vmem>>, vector<16xi32>,
      %get3A_1270 = arith.constant 4 : i32
      %get3A_1271 = arith.index_cast %get3A_1270 : i32 to index
      %get3A_1272 = arith.constant 64 : index
      %get3A_1273 = tpu.vector_load %arg8[%get3A_1271, %get3A_1272] {strides = array<i32>} : memref<5x128xi32, #tpu.memory_space<vmem>>, vector<16xi32>,
      %ge3A_1274 = arith.constant 253952 : i32
      %ge3A_1275 = vector.broadcast %ge3A_1274 : i32 to vector<16xi32>
      %ge3A_1276 = arith.cmpi sge, %get3A_1273, %ge3A_1275 : vector<16xi32>
      %convert_element_type3A_1277 = arith.extui %ge3A_1276 : vector<16xi1> to vector<16xi32>
      %ge3A_1278 = arith.constant 507904 : i32
      %ge3A_1279 = vector.broadcast %ge3A_1278 : i32 to vector<16xi32>
      %ge3A_1280 = arith.cmpi sge, %get3A_1273, %ge3A_1279 : vector<16xi32>
      %convert_element_type3A_1281 = arith.extui %ge3A_1280 : vector<16xi1> to vector<16xi32>
      %add3A_1282 = arith.addi %convert_element_type3A_1277, %convert_element_type3A_1281 : vector<16xi32>
      %ge3A_1283 = arith.constant 761856 : i32
      %ge3A_1284 = vector.broadcast %ge3A_1283 : i32 to vector<16xi32>
      %ge3A_1285 = arith.cmpi sge, %get3A_1273, %ge3A_1284 : vector<16xi32>
      %convert_element_type3A_1286 = arith.extui %ge3A_1285 : vector<16xi1> to vector<16xi32>
      %add3A_1287 = arith.addi %add3A_1282, %convert_element_type3A_1286 : vector<16xi32>
      %mul3A_1288 = arith.constant 253952 : i32
      %mul3A_1289 = vector.broadcast %mul3A_1288 : i32 to vector<16xi32>
      %mul3A_1290 = arith.muli %add3A_1287, %mul3A_1289 : vector<16xi32>
      %sub3A_1291 = arith.subi %get3A_1273, %mul3A_1290 : vector<16xi32>
      %swap3A_1292 = arith.constant 4 : i32
      %swap3A_1293 = arith.index_cast %swap3A_1292 : i32 to index
      %swap3A_1294 = arith.constant 64 : index
      %swap3A_1295 = tpu.vector_load %arg10[%swap3A_1293, %swap3A_1294] {strides = array<i32>} : memref<5x128xi32, #tpu.memory_space<vmem>>, vector<16xi32>,
      tpu.vector_store %arg10[%swap3A_1293, %swap3A_1294], %sub3A_1291 {strides = array<i32>} : memref<5x128xi32, #tpu.memory_space<vmem>>, vector<16xi32>,
      %get3A_1296 = arith.constant 4 : i32
      %get3A_1297 = arith.index_cast %get3A_1296 : i32 to index
      %get3A_1298 = arith.constant 80 : index
      %get3A_1299 = tpu.vector_load %arg8[%get3A_1297, %get3A_1298] {strides = array<i32>} : memref<5x128xi32, #tpu.memory_space<vmem>>, vector<16xi32>,
      %ge3A_1300 = arith.constant 253952 : i32
      %ge3A_1301 = vector.broadcast %ge3A_1300 : i32 to vector<16xi32>
      %ge3A_1302 = arith.cmpi sge, %get3A_1299, %ge3A_1301 : vector<16xi32>
      %convert_element_type3A_1303 = arith.extui %ge3A_1302 : vector<16xi1> to vector<16xi32>
      %ge3A_1304 = arith.constant 507904 : i32
      %ge3A_1305 = vector.broadcast %ge3A_1304 : i32 to vector<16xi32>
      %ge3A_1306 = arith.cmpi sge, %get3A_1299, %ge3A_1305 : vector<16xi32>
      %convert_element_type3A_1307 = arith.extui %ge3A_1306 : vector<16xi1> to vector<16xi32>
      %add3A_1308 = arith.addi %convert_element_type3A_1303, %convert_element_type3A_1307 : vector<16xi32>
      %ge3A_1309 = arith.constant 761856 : i32
      %ge3A_1310 = vector.broadcast %ge3A_1309 : i32 to vector<16xi32>
      %ge3A_1311 = arith.cmpi sge, %get3A_1299, %ge3A_1310 : vector<16xi32>
      %convert_element_type3A_1312 = arith.extui %ge3A_1311 : vector<16xi1> to vector<16xi32>
      %add3A_1313 = arith.addi %add3A_1308, %convert_element_type3A_1312 : vector<16xi32>
      %mul3A_1314 = arith.constant 253952 : i32
      %mul3A_1315 = vector.broadcast %mul3A_1314 : i32 to vector<16xi32>
      %mul3A_1316 = arith.muli %add3A_1313, %mul3A_1315 : vector<16xi32>
      %sub3A_1317 = arith.subi %get3A_1299, %mul3A_1316 : vector<16xi32>
      %swap3A_1318 = arith.constant 4 : i32
      %swap3A_1319 = arith.index_cast %swap3A_1318 : i32 to index
      %swap3A_1320 = arith.constant 80 : index
      %swap3A_1321 = tpu.vector_load %arg10[%swap3A_1319, %swap3A_1320] {strides = array<i32>} : memref<5x128xi32, #tpu.memory_space<vmem>>, vector<16xi32>,
      tpu.vector_store %arg10[%swap3A_1319, %swap3A_1320], %sub3A_1317 {strides = array<i32>} : memref<5x128xi32, #tpu.memory_space<vmem>>, vector<16xi32>,
      %get3A_1322 = arith.constant 4 : i32
      %get3A_1323 = arith.index_cast %get3A_1322 : i32 to index
      %get3A_1324 = arith.constant 96 : index
      %get3A_1325 = tpu.vector_load %arg8[%get3A_1323, %get3A_1324] {strides = array<i32>} : memref<5x128xi32, #tpu.memory_space<vmem>>, vector<16xi32>,
      %ge3A_1326 = arith.constant 253952 : i32
      %ge3A_1327 = vector.broadcast %ge3A_1326 : i32 to vector<16xi32>
      %ge3A_1328 = arith.cmpi sge, %get3A_1325, %ge3A_1327 : vector<16xi32>
      %convert_element_type3A_1329 = arith.extui %ge3A_1328 : vector<16xi1> to vector<16xi32>
      %ge3A_1330 = arith.constant 507904 : i32
      %ge3A_1331 = vector.broadcast %ge3A_1330 : i32 to vector<16xi32>
      %ge3A_1332 = arith.cmpi sge, %get3A_1325, %ge3A_1331 : vector<16xi32>
      %convert_element_type3A_1333 = arith.extui %ge3A_1332 : vector<16xi1> to vector<16xi32>
      %add3A_1334 = arith.addi %convert_element_type3A_1329, %convert_element_type3A_1333 : vector<16xi32>
      %ge3A_1335 = arith.constant 761856 : i32
      %ge3A_1336 = vector.broadcast %ge3A_1335 : i32 to vector<16xi32>
      %ge3A_1337 = arith.cmpi sge, %get3A_1325, %ge3A_1336 : vector<16xi32>
      %convert_element_type3A_1338 = arith.extui %ge3A_1337 : vector<16xi1> to vector<16xi32>
      %add3A_1339 = arith.addi %add3A_1334, %convert_element_type3A_1338 : vector<16xi32>
      %mul3A_1340 = arith.constant 253952 : i32
      %mul3A_1341 = vector.broadcast %mul3A_1340 : i32 to vector<16xi32>
      %mul3A_1342 = arith.muli %add3A_1339, %mul3A_1341 : vector<16xi32>
      %sub3A_1343 = arith.subi %get3A_1325, %mul3A_1342 : vector<16xi32>
      %swap3A_1344 = arith.constant 4 : i32
      %swap3A_1345 = arith.index_cast %swap3A_1344 : i32 to index
      %swap3A_1346 = arith.constant 96 : index
      %swap3A_1347 = tpu.vector_load %arg10[%swap3A_1345, %swap3A_1346] {strides = array<i32>} : memref<5x128xi32, #tpu.memory_space<vmem>>, vector<16xi32>,
      tpu.vector_store %arg10[%swap3A_1345, %swap3A_1346], %sub3A_1343 {strides = array<i32>} : memref<5x128xi32, #tpu.memory_space<vmem>>, vector<16xi32>,
      %get3A_1348 = arith.constant 4 : i32
      %get3A_1349 = arith.index_cast %get3A_1348 : i32 to index
      %get3A_1350 = arith.constant 112 : index
      %get3A_1351 = tpu.vector_load %arg8[%get3A_1349, %get3A_1350] {strides = array<i32>} : memref<5x128xi32, #tpu.memory_space<vmem>>, vector<16xi32>,
      %ge3A_1352 = arith.constant 253952 : i32
      %ge3A_1353 = vector.broadcast %ge3A_1352 : i32 to vector<16xi32>
      %ge3A_1354 = arith.cmpi sge, %get3A_1351, %ge3A_1353 : vector<16xi32>
      %convert_element_type3A_1355 = arith.extui %ge3A_1354 : vector<16xi1> to vector<16xi32>
      %ge3A_1356 = arith.constant 507904 : i32
      %ge3A_1357 = vector.broadcast %ge3A_1356 : i32 to vector<16xi32>
      %ge3A_1358 = arith.cmpi sge, %get3A_1351, %ge3A_1357 : vector<16xi32>
      %convert_element_type3A_1359 = arith.extui %ge3A_1358 : vector<16xi1> to vector<16xi32>
      %add3A_1360 = arith.addi %convert_element_type3A_1355, %convert_element_type3A_1359 : vector<16xi32>
      %ge3A_1361 = arith.constant 761856 : i32
      %ge3A_1362 = vector.broadcast %ge3A_1361 : i32 to vector<16xi32>
      %ge3A_1363 = arith.cmpi sge, %get3A_1351, %ge3A_1362 : vector<16xi32>
      %convert_element_type3A_1364 = arith.extui %ge3A_1363 : vector<16xi1> to vector<16xi32>
      %add3A_1365 = arith.addi %add3A_1360, %convert_element_type3A_1364 : vector<16xi32>
      %mul3A_1366 = arith.constant 253952 : i32
      %mul3A_1367 = vector.broadcast %mul3A_1366 : i32 to vector<16xi32>
      %mul3A_1368 = arith.muli %add3A_1365, %mul3A_1367 : vector<16xi32>
      %sub3A_1369 = arith.subi %get3A_1351, %mul3A_1368 : vector<16xi32>
      %swap3A_1370 = arith.constant 4 : i32
      %swap3A_1371 = arith.index_cast %swap3A_1370 : i32 to index
      %swap3A_1372 = arith.constant 112 : index
      %swap3A_1373 = tpu.vector_load %arg10[%swap3A_1371, %swap3A_1372] {strides = array<i32>} : memref<5x128xi32, #tpu.memory_space<vmem>>, vector<16xi32>,
      tpu.vector_store %arg10[%swap3A_1371, %swap3A_1372], %sub3A_1369 {strides = array<i32>} : memref<5x128xi32, #tpu.memory_space<vmem>>, vector<16xi32>,
      %dma_start3A_1374 = arith.constant 0 : i32
      %dma_start3A_1375 = arith.constant 0 : i32
      %dma_start3A_1376 = tpu.memref_slice %arg9[%dma_start3A_1374, %dma_start3A_1375] : memref<1x128xi32, #tpu.memory_space<vmem>> -> memref<1x128xi32, #tpu.memory_space<vmem>>
      %dma_start3A_1377 = tpu.memref_squeeze %dma_start3A_1376 : memref<1x128xi32, #tpu.memory_space<vmem>> -> memref<128xi32, #tpu.memory_space<vmem>>
      %dma_start3A_1378 = arith.constant 0 : i32
      %dma_start3A_1379 = arith.constant 0 : i32
      %dma_start3A_1380 = tpu.memref_slice %arg4[%dma_start3A_1378, %dma_start3A_1379] : memref<253952x128xi32, #tpu.memory_space<hbm>> -> memref<253952x128xi32, #tpu.memory_space<hbm>>
      tpu.enqueue_indirect_dma source(%dma_start3A_1380 : memref<253952x128xi32, #tpu.memory_space<hbm>>) target(%arg11 : memref<128x128xi32, #tpu.memory_space<vmem>>) offsets(%dma_start3A_1377 : memref<128xi32, #tpu.memory_space<vmem>>) semaphore(%arg14 : memref<!tpu.dma_semaphore, #tpu.memory_space<semaphore_mem>>)
      %dma_start3A_1381 = arith.constant 0 : i32
      %dma_start3A_1382 = arith.constant 0 : i32
      %dma_start3A_1383 = arith.constant 0 : i32
      %dma_start3A_1384 = tpu.memref_slice %arg12[%dma_start3A_1382, %dma_start3A_1383] : memref<640x128xi32, #tpu.memory_space<vmem>> -> memref<128x128xi32, #tpu.memory_space<vmem>>
      %dma_start3A_1385 = arith.constant 0 : i32
      %dma_start3A_1386 = tpu.memref_slice %arg10[%dma_start3A_1381, %dma_start3A_1385] : memref<5x128xi32, #tpu.memory_space<vmem>> -> memref<1x128xi32, #tpu.memory_space<vmem>>
      %dma_start3A_1387 = tpu.memref_squeeze %dma_start3A_1386 : memref<1x128xi32, #tpu.memory_space<vmem>> -> memref<128xi32, #tpu.memory_space<vmem>>
      %dma_start3A_1388 = arith.constant 0 : i32
      %dma_start3A_1389 = arith.constant 0 : i32
      %dma_start3A_1390 = tpu.memref_slice %arg5[%dma_start3A_1388, %dma_start3A_1389] : memref<253952x128xi32, #tpu.memory_space<hbm>> -> memref<253952x128xi32, #tpu.memory_space<hbm>>
      tpu.enqueue_indirect_dma source(%dma_start3A_1390 : memref<253952x128xi32, #tpu.memory_space<hbm>>) target(%dma_start3A_1384 : memref<128x128xi32, #tpu.memory_space<vmem>>) offsets(%dma_start3A_1387 : memref<128xi32, #tpu.memory_space<vmem>>) semaphore(%arg14 : memref<!tpu.dma_semaphore, #tpu.memory_space<semaphore_mem>>)
      %dma_start3A_1391 = arith.constant 1 : i32
      %dma_start3A_1392 = arith.constant 128 : i32
      %dma_start3A_1393 = arith.constant 0 : i32
      %dma_start3A_1394 = tpu.memref_slice %arg12[%dma_start3A_1392, %dma_start3A_1393] : memref<640x128xi32, #tpu.memory_space<vmem>> -> memref<128x128xi32, #tpu.memory_space<vmem>>
      %dma_start3A_1395 = arith.constant 0 : i32
      %dma_start3A_1396 = tpu.memref_slice %arg10[%dma_start3A_1391, %dma_start3A_1395] : memref<5x128xi32, #tpu.memory_space<vmem>> -> memref<1x128xi32, #tpu.memory_space<vmem>>
      %dma_start3A_1397 = tpu.memref_squeeze %dma_start3A_1396 : memref<1x128xi32, #tpu.memory_space<vmem>> -> memref<128xi32, #tpu.memory_space<vmem>>
      %dma_start3A_1398 = arith.constant 0 : i32
      %dma_start3A_1399 = arith.constant 0 : i32
      %dma_start3A_1400 = tpu.memref_slice %arg5[%dma_start3A_1398, %dma_start3A_1399] : memref<253952x128xi32, #tpu.memory_space<hbm>> -> memref<253952x128xi32, #tpu.memory_space<hbm>>
      tpu.enqueue_indirect_dma source(%dma_start3A_1400 : memref<253952x128xi32, #tpu.memory_space<hbm>>) target(%dma_start3A_1394 : memref<128x128xi32, #tpu.memory_space<vmem>>) offsets(%dma_start3A_1397 : memref<128xi32, #tpu.memory_space<vmem>>) semaphore(%arg14 : memref<!tpu.dma_semaphore, #tpu.memory_space<semaphore_mem>>)
      %dma_start3A_1401 = arith.constant 2 : i32
      %dma_start3A_1402 = arith.constant 256 : i32
      %dma_start3A_1403 = arith.constant 0 : i32
      %dma_start3A_1404 = tpu.memref_slice %arg12[%dma_start3A_1402, %dma_start3A_1403] : memref<640x128xi32, #tpu.memory_space<vmem>> -> memref<128x128xi32, #tpu.memory_space<vmem>>
      %dma_start3A_1405 = arith.constant 0 : i32
      %dma_start3A_1406 = tpu.memref_slice %arg10[%dma_start3A_1401, %dma_start3A_1405] : memref<5x128xi32, #tpu.memory_space<vmem>> -> memref<1x128xi32, #tpu.memory_space<vmem>>
      %dma_start3A_1407 = tpu.memref_squeeze %dma_start3A_1406 : memref<1x128xi32, #tpu.memory_space<vmem>> -> memref<128xi32, #tpu.memory_space<vmem>>
      %dma_start3A_1408 = arith.constant 0 : i32
      %dma_start3A_1409 = arith.constant 0 : i32
      %dma_start3A_1410 = tpu.memref_slice %arg5[%dma_start3A_1408, %dma_start3A_1409] : memref<253952x128xi32, #tpu.memory_space<hbm>> -> memref<253952x128xi32, #tpu.memory_space<hbm>>
      tpu.enqueue_indirect_dma source(%dma_start3A_1410 : memref<253952x128xi32, #tpu.memory_space<hbm>>) target(%dma_start3A_1404 : memref<128x128xi32, #tpu.memory_space<vmem>>) offsets(%dma_start3A_1407 : memref<128xi32, #tpu.memory_space<vmem>>) semaphore(%arg14 : memref<!tpu.dma_semaphore, #tpu.memory_space<semaphore_mem>>)
      %dma_start3A_1411 = arith.constant 3 : i32
      %dma_start3A_1412 = arith.constant 384 : i32
      %dma_start3A_1413 = arith.constant 0 : i32
      %dma_start3A_1414 = tpu.memref_slice %arg12[%dma_start3A_1412, %dma_start3A_1413] : memref<640x128xi32, #tpu.memory_space<vmem>> -> memref<128x128xi32, #tpu.memory_space<vmem>>
      %dma_start3A_1415 = arith.constant 0 : i32
      %dma_start3A_1416 = tpu.memref_slice %arg10[%dma_start3A_1411, %dma_start3A_1415] : memref<5x128xi32, #tpu.memory_space<vmem>> -> memref<1x128xi32, #tpu.memory_space<vmem>>
      %dma_start3A_1417 = tpu.memref_squeeze %dma_start3A_1416 : memref<1x128xi32, #tpu.memory_space<vmem>> -> memref<128xi32, #tpu.memory_space<vmem>>
      %dma_start3A_1418 = arith.constant 0 : i32
      %dma_start3A_1419 = arith.constant 0 : i32
      %dma_start3A_1420 = tpu.memref_slice %arg5[%dma_start3A_1418, %dma_start3A_1419] : memref<253952x128xi32, #tpu.memory_space<hbm>> -> memref<253952x128xi32, #tpu.memory_space<hbm>>
      tpu.enqueue_indirect_dma source(%dma_start3A_1420 : memref<253952x128xi32, #tpu.memory_space<hbm>>) target(%dma_start3A_1414 : memref<128x128xi32, #tpu.memory_space<vmem>>) offsets(%dma_start3A_1417 : memref<128xi32, #tpu.memory_space<vmem>>) semaphore(%arg14 : memref<!tpu.dma_semaphore, #tpu.memory_space<semaphore_mem>>)
      %dma_start3A_1421 = arith.constant 4 : i32
      %dma_start3A_1422 = arith.constant 512 : i32
      %dma_start3A_1423 = arith.constant 0 : i32
      %dma_start3A_1424 = tpu.memref_slice %arg12[%dma_start3A_1422, %dma_start3A_1423] : memref<640x128xi32, #tpu.memory_space<vmem>> -> memref<128x128xi32, #tpu.memory_space<vmem>>
      %dma_start3A_1425 = arith.constant 0 : i32
      %dma_start3A_1426 = tpu.memref_slice %arg10[%dma_start3A_1421, %dma_start3A_1425] : memref<5x128xi32, #tpu.memory_space<vmem>> -> memref<1x128xi32, #tpu.memory_space<vmem>>
      %dma_start3A_1427 = tpu.memref_squeeze %dma_start3A_1426 : memref<1x128xi32, #tpu.memory_space<vmem>> -> memref<128xi32, #tpu.memory_space<vmem>>
      %dma_start3A_1428 = arith.constant 0 : i32
      %dma_start3A_1429 = arith.constant 0 : i32
      %dma_start3A_1430 = tpu.memref_slice %arg5[%dma_start3A_1428, %dma_start3A_1429] : memref<253952x128xi32, #tpu.memory_space<hbm>> -> memref<253952x128xi32, #tpu.memory_space<hbm>>
      tpu.enqueue_indirect_dma source(%dma_start3A_1430 : memref<253952x128xi32, #tpu.memory_space<hbm>>) target(%dma_start3A_1424 : memref<128x128xi32, #tpu.memory_space<vmem>>) offsets(%dma_start3A_1427 : memref<128xi32, #tpu.memory_space<vmem>>) semaphore(%arg14 : memref<!tpu.dma_semaphore, #tpu.memory_space<semaphore_mem>>)
      %dma_wait3A_1431 = arith.constant 0 : i32
      %dma_wait3A_1432 = arith.constant 0 : i32
      %dma_wait3A_1433 = tpu.memref_slice %arg9[%dma_wait3A_1431, %dma_wait3A_1432] : memref<1x128xi32, #tpu.memory_space<vmem>> -> memref<1x128xi32, #tpu.memory_space<vmem>>
      %dma_wait3A_1434 = tpu.memref_squeeze %dma_wait3A_1433 : memref<1x128xi32, #tpu.memory_space<vmem>> -> memref<128xi32, #tpu.memory_space<vmem>>
      %dma_wait3A_1435 = arith.constant 0 : i32
      %dma_wait3A_1436 = arith.constant 0 : i32
      %dma_wait3A_1437 = tpu.memref_slice %arg4[%dma_wait3A_1435, %dma_wait3A_1436] : memref<253952x128xi32, #tpu.memory_space<hbm>> -> memref<253952x128xi32, #tpu.memory_space<hbm>>
      tpu.wait_indirect_dma semaphore(%arg14 : memref<!tpu.dma_semaphore, #tpu.memory_space<semaphore_mem>>) src(%dma_wait3A_1437 : memref<253952x128xi32, #tpu.memory_space<hbm>>) dst(%arg11 : memref<128x128xi32, #tpu.memory_space<vmem>>)
      %dma_wait3A_1438 = arith.constant 0 : i32
      %dma_wait3A_1439 = arith.constant 0 : i32
      %dma_wait3A_1440 = arith.constant 0 : i32
      %dma_wait3A_1441 = tpu.memref_slice %arg12[%dma_wait3A_1439, %dma_wait3A_1440] : memref<640x128xi32, #tpu.memory_space<vmem>> -> memref<128x128xi32, #tpu.memory_space<vmem>>
      %dma_wait3A_1442 = arith.constant 0 : i32
      %dma_wait3A_1443 = tpu.memref_slice %arg10[%dma_wait3A_1438, %dma_wait3A_1442] : memref<5x128xi32, #tpu.memory_space<vmem>> -> memref<1x128xi32, #tpu.memory_space<vmem>>
      %dma_wait3A_1444 = tpu.memref_squeeze %dma_wait3A_1443 : memref<1x128xi32, #tpu.memory_space<vmem>> -> memref<128xi32, #tpu.memory_space<vmem>>
      %dma_wait3A_1445 = arith.constant 0 : i32
      %dma_wait3A_1446 = arith.constant 0 : i32
      %dma_wait3A_1447 = tpu.memref_slice %arg5[%dma_wait3A_1445, %dma_wait3A_1446] : memref<253952x128xi32, #tpu.memory_space<hbm>> -> memref<253952x128xi32, #tpu.memory_space<hbm>>
      tpu.wait_indirect_dma semaphore(%arg14 : memref<!tpu.dma_semaphore, #tpu.memory_space<semaphore_mem>>) src(%dma_wait3A_1447 : memref<253952x128xi32, #tpu.memory_space<hbm>>) dst(%dma_wait3A_1441 : memref<128x128xi32, #tpu.memory_space<vmem>>)
      %dma_wait3A_1448 = arith.constant 1 : i32
      %dma_wait3A_1449 = arith.constant 128 : i32
      %dma_wait3A_1450 = arith.constant 0 : i32
      %dma_wait3A_1451 = tpu.memref_slice %arg12[%dma_wait3A_1449, %dma_wait3A_1450] : memref<640x128xi32, #tpu.memory_space<vmem>> -> memref<128x128xi32, #tpu.memory_space<vmem>>
      %dma_wait3A_1452 = arith.constant 0 : i32
      %dma_wait3A_1453 = tpu.memref_slice %arg10[%dma_wait3A_1448, %dma_wait3A_1452] : memref<5x128xi32, #tpu.memory_space<vmem>> -> memref<1x128xi32, #tpu.memory_space<vmem>>
      %dma_wait3A_1454 = tpu.memref_squeeze %dma_wait3A_1453 : memref<1x128xi32, #tpu.memory_space<vmem>> -> memref<128xi32, #tpu.memory_space<vmem>>
      %dma_wait3A_1455 = arith.constant 0 : i32
      %dma_wait3A_1456 = arith.constant 0 : i32
      %dma_wait3A_1457 = tpu.memref_slice %arg5[%dma_wait3A_1455, %dma_wait3A_1456] : memref<253952x128xi32, #tpu.memory_space<hbm>> -> memref<253952x128xi32, #tpu.memory_space<hbm>>
      tpu.wait_indirect_dma semaphore(%arg14 : memref<!tpu.dma_semaphore, #tpu.memory_space<semaphore_mem>>) src(%dma_wait3A_1457 : memref<253952x128xi32, #tpu.memory_space<hbm>>) dst(%dma_wait3A_1451 : memref<128x128xi32, #tpu.memory_space<vmem>>)
      %dma_wait3A_1458 = arith.constant 2 : i32
      %dma_wait3A_1459 = arith.constant 256 : i32
      %dma_wait3A_1460 = arith.constant 0 : i32
      %dma_wait3A_1461 = tpu.memref_slice %arg12[%dma_wait3A_1459, %dma_wait3A_1460] : memref<640x128xi32, #tpu.memory_space<vmem>> -> memref<128x128xi32, #tpu.memory_space<vmem>>
      %dma_wait3A_1462 = arith.constant 0 : i32
      %dma_wait3A_1463 = tpu.memref_slice %arg10[%dma_wait3A_1458, %dma_wait3A_1462] : memref<5x128xi32, #tpu.memory_space<vmem>> -> memref<1x128xi32, #tpu.memory_space<vmem>>
      %dma_wait3A_1464 = tpu.memref_squeeze %dma_wait3A_1463 : memref<1x128xi32, #tpu.memory_space<vmem>> -> memref<128xi32, #tpu.memory_space<vmem>>
      %dma_wait3A_1465 = arith.constant 0 : i32
      %dma_wait3A_1466 = arith.constant 0 : i32
      %dma_wait3A_1467 = tpu.memref_slice %arg5[%dma_wait3A_1465, %dma_wait3A_1466] : memref<253952x128xi32, #tpu.memory_space<hbm>> -> memref<253952x128xi32, #tpu.memory_space<hbm>>
      tpu.wait_indirect_dma semaphore(%arg14 : memref<!tpu.dma_semaphore, #tpu.memory_space<semaphore_mem>>) src(%dma_wait3A_1467 : memref<253952x128xi32, #tpu.memory_space<hbm>>) dst(%dma_wait3A_1461 : memref<128x128xi32, #tpu.memory_space<vmem>>)
      %dma_wait3A_1468 = arith.constant 3 : i32
      %dma_wait3A_1469 = arith.constant 384 : i32
      %dma_wait3A_1470 = arith.constant 0 : i32
      %dma_wait3A_1471 = tpu.memref_slice %arg12[%dma_wait3A_1469, %dma_wait3A_1470] : memref<640x128xi32, #tpu.memory_space<vmem>> -> memref<128x128xi32, #tpu.memory_space<vmem>>
      %dma_wait3A_1472 = arith.constant 0 : i32
      %dma_wait3A_1473 = tpu.memref_slice %arg10[%dma_wait3A_1468, %dma_wait3A_1472] : memref<5x128xi32, #tpu.memory_space<vmem>> -> memref<1x128xi32, #tpu.memory_space<vmem>>
      %dma_wait3A_1474 = tpu.memref_squeeze %dma_wait3A_1473 : memref<1x128xi32, #tpu.memory_space<vmem>> -> memref<128xi32, #tpu.memory_space<vmem>>
      %dma_wait3A_1475 = arith.constant 0 : i32
      %dma_wait3A_1476 = arith.constant 0 : i32
      %dma_wait3A_1477 = tpu.memref_slice %arg5[%dma_wait3A_1475, %dma_wait3A_1476] : memref<253952x128xi32, #tpu.memory_space<hbm>> -> memref<253952x128xi32, #tpu.memory_space<hbm>>
      tpu.wait_indirect_dma semaphore(%arg14 : memref<!tpu.dma_semaphore, #tpu.memory_space<semaphore_mem>>) src(%dma_wait3A_1477 : memref<253952x128xi32, #tpu.memory_space<hbm>>) dst(%dma_wait3A_1471 : memref<128x128xi32, #tpu.memory_space<vmem>>)
      %dma_wait3A_1478 = arith.constant 4 : i32
      %dma_wait3A_1479 = arith.constant 512 : i32
      %dma_wait3A_1480 = arith.constant 0 : i32
      %dma_wait3A_1481 = tpu.memref_slice %arg12[%dma_wait3A_1479, %dma_wait3A_1480] : memref<640x128xi32, #tpu.memory_space<vmem>> -> memref<128x128xi32, #tpu.memory_space<vmem>>
      %dma_wait3A_1482 = arith.constant 0 : i32
      %dma_wait3A_1483 = tpu.memref_slice %arg10[%dma_wait3A_1478, %dma_wait3A_1482] : memref<5x128xi32, #tpu.memory_space<vmem>> -> memref<1x128xi32, #tpu.memory_space<vmem>>
      %dma_wait3A_1484 = tpu.memref_squeeze %dma_wait3A_1483 : memref<1x128xi32, #tpu.memory_space<vmem>> -> memref<128xi32, #tpu.memory_space<vmem>>
      %dma_wait3A_1485 = arith.constant 0 : i32
      %dma_wait3A_1486 = arith.constant 0 : i32
      %dma_wait3A_1487 = tpu.memref_slice %arg5[%dma_wait3A_1485, %dma_wait3A_1486] : memref<253952x128xi32, #tpu.memory_space<hbm>> -> memref<253952x128xi32, #tpu.memory_space<hbm>>
      tpu.wait_indirect_dma semaphore(%arg14 : memref<!tpu.dma_semaphore, #tpu.memory_space<semaphore_mem>>) src(%dma_wait3A_1487 : memref<253952x128xi32, #tpu.memory_space<hbm>>) dst(%dma_wait3A_1481 : memref<128x128xi32, #tpu.memory_space<vmem>>)
      %scan3A_1488 = arith.constant 0 : i32
      %scan3A_1489 = arith.constant 8 : i32
      %scan3A_1490 = arith.addi %scan3A_1488, %scan3A_1489 : i32
      %scan3A_1491 = arith.constant 1 : i32
      scf.for %scan3A_1503 = %scan3A_1488 to %scan3A_1490 step %scan3A_1491  : i32 {
        %mul3A_1504 = arith.constant 1 : i32
        %mul3A_1505 = arith.muli %scan3A_1503, %mul3A_1504 : i32
        %add3A_1506 = arith.constant 0 : i32
        %add3A_1507 = arith.addi %add3A_1506, %mul3A_1505 : i32
        %mul3A_1508 = arith.constant 16 : i32
        %mul3A_1509 = arith.muli %add3A_1507, %mul3A_1508 : i32
        %add3A_1510 = vector.broadcast %mul3A_1509 : i32 to vector<16xi32>
        %add3A_1511 = arith.addi %add3A_1510, %iota3A : vector<16xi32>
        %gather3A = arith.constant 0 : i32
        %gather3A_1512 = arith.constant 0 : i32
        %gather3A_1513 = tpu.memref_slice %arg7[%gather3A, %gather3A_1512] : memref<1x128xi32, #tpu.memory_space<vmem>> -> memref<1x128xi32, #tpu.memory_space<vmem>>
        %gather3A_1514 = tpu.memref_squeeze %gather3A_1513 : memref<1x128xi32, #tpu.memory_space<vmem>> -> memref<128xi32, #tpu.memory_space<vmem>>
        %gather3A_1515 = tpu.vector_load_idx %gather3A_1514[%add3A_1511] : memref<128xi32, #tpu.memory_space<vmem>>[vector<16xi32>], vector<16xi32>,
        %ge3A_1516 = arith.constant 253952 : i32
        %ge3A_1517 = vector.broadcast %ge3A_1516 : i32 to vector<16xi32>
        %ge3A_1518 = arith.cmpi sge, %gather3A_1515, %ge3A_1517 : vector<16xi32>
        %convert_element_type3A_1519 = arith.extui %ge3A_1518 : vector<16xi1> to vector<16xi32>
        %ge3A_1520 = arith.constant 507904 : i32
        %ge3A_1521 = vector.broadcast %ge3A_1520 : i32 to vector<16xi32>
        %ge3A_1522 = arith.cmpi sge, %gather3A_1515, %ge3A_1521 : vector<16xi32>
        %convert_element_type3A_1523 = arith.extui %ge3A_1522 : vector<16xi1> to vector<16xi32>
        %add3A_1524 = arith.addi %convert_element_type3A_1519, %convert_element_type3A_1523 : vector<16xi32>
        %ge3A_1525 = arith.constant 761856 : i32
        %ge3A_1526 = vector.broadcast %ge3A_1525 : i32 to vector<16xi32>
        %ge3A_1527 = arith.cmpi sge, %gather3A_1515, %ge3A_1526 : vector<16xi32>
        %convert_element_type3A_1528 = arith.extui %ge3A_1527 : vector<16xi1> to vector<16xi32>
        %add3A_1529 = arith.addi %add3A_1524, %convert_element_type3A_1528 : vector<16xi32>
        %mul3A_1530 = arith.constant 253952 : i32
        %mul3A_1531 = vector.broadcast %mul3A_1530 : i32 to vector<16xi32>
        %mul3A_1532 = arith.muli %add3A_1529, %mul3A_1531 : vector<16xi32>
        %sub3A_1533 = arith.subi %gather3A_1515, %mul3A_1532 : vector<16xi32>
        %mul3A_1534 = arith.constant 32 : i32
        %mul3A_1535 = vector.broadcast %mul3A_1534 : i32 to vector<16xi32>
        %mul3A_1536 = arith.muli %add3A_1529, %mul3A_1535 : vector<16xi32>
        %add3A_1537 = arith.constant 0 : i32
        %add3A_1538 = vector.broadcast %add3A_1537 : i32 to vector<16xi32>
        %add3A_1539 = arith.addi %add3A_1538, %add3A_1511 : vector<16xi32>
        %gather3A_1540 = arith.constant 0 : i32
        %gather3A_1541 = arith.constant 0 : i32
        %gather3A_1542 = tpu.memref_slice %arg8[%gather3A_1540, %gather3A_1541] : memref<5x128xi32, #tpu.memory_space<vmem>> -> memref<1x128xi32, #tpu.memory_space<vmem>>
        %gather3A_1543 = tpu.memref_squeeze %gather3A_1542 : memref<1x128xi32, #tpu.memory_space<vmem>> -> memref<128xi32, #tpu.memory_space<vmem>>
        %gather3A_1544 = tpu.vector_load_idx %gather3A_1543[%add3A_1511] : memref<128xi32, #tpu.memory_space<vmem>>[vector<16xi32>], vector<16xi32>,
        %ge3A_1545 = arith.constant 253952 : i32
        %ge3A_1546 = vector.broadcast %ge3A_1545 : i32 to vector<16xi32>
        %ge3A_1547 = arith.cmpi sge, %gather3A_1544, %ge3A_1546 : vector<16xi32>
        %convert_element_type3A_1548 = arith.extui %ge3A_1547 : vector<16xi1> to vector<16xi32>
        %ge3A_1549 = arith.constant 507904 : i32
        %ge3A_1550 = vector.broadcast %ge3A_1549 : i32 to vector<16xi32>
        %ge3A_1551 = arith.cmpi sge, %gather3A_1544, %ge3A_1550 : vector<16xi32>
        %convert_element_type3A_1552 = arith.extui %ge3A_1551 : vector<16xi1> to vector<16xi32>
        %add3A_1553 = arith.addi %convert_element_type3A_1548, %convert_element_type3A_1552 : vector<16xi32>
        %ge3A_1554 = arith.constant 761856 : i32
        %ge3A_1555 = vector.broadcast %ge3A_1554 : i32 to vector<16xi32>
        %ge3A_1556 = arith.cmpi sge, %gather3A_1544, %ge3A_1555 : vector<16xi32>
        %convert_element_type3A_1557 = arith.extui %ge3A_1556 : vector<16xi1> to vector<16xi32>
        %add3A_1558 = arith.addi %add3A_1553, %convert_element_type3A_1557 : vector<16xi32>
        %mul3A_1559 = arith.constant 253952 : i32
        %mul3A_1560 = vector.broadcast %mul3A_1559 : i32 to vector<16xi32>
        %mul3A_1561 = arith.muli %add3A_1558, %mul3A_1560 : vector<16xi32>
        %sub3A_1562 = arith.subi %gather3A_1544, %mul3A_1561 : vector<16xi32>
        %mul3A_1563 = arith.constant 32 : i32
        %mul3A_1564 = vector.broadcast %mul3A_1563 : i32 to vector<16xi32>
        %mul3A_1565 = arith.muli %add3A_1558, %mul3A_1564 : vector<16xi32>
        %broadcast_in_dim3A = arith.constant 0.000000e+00 : f32
        %broadcast_in_dim3A_1566 = vector.broadcast %broadcast_in_dim3A : f32 to vector<16xf32>
        %add3A_1567 = arith.constant 128 : i32
        %add3A_1568 = vector.broadcast %add3A_1567 : i32 to vector<16xi32>
        %add3A_1569 = arith.addi %add3A_1568, %add3A_1511 : vector<16xi32>
        %gather3A_1570 = arith.constant 1 : i32
        %gather3A_1571 = arith.constant 0 : i32
        %gather3A_1572 = tpu.memref_slice %arg8[%gather3A_1570, %gather3A_1571] : memref<5x128xi32, #tpu.memory_space<vmem>> -> memref<1x128xi32, #tpu.memory_space<vmem>>
        %gather3A_1573 = tpu.memref_squeeze %gather3A_1572 : memref<1x128xi32, #tpu.memory_space<vmem>> -> memref<128xi32, #tpu.memory_space<vmem>>
        %gather3A_1574 = tpu.vector_load_idx %gather3A_1573[%add3A_1511] : memref<128xi32, #tpu.memory_space<vmem>>[vector<16xi32>], vector<16xi32>,
        %ge3A_1575 = arith.constant 253952 : i32
        %ge3A_1576 = vector.broadcast %ge3A_1575 : i32 to vector<16xi32>
        %ge3A_1577 = arith.cmpi sge, %gather3A_1574, %ge3A_1576 : vector<16xi32>
        %convert_element_type3A_1578 = arith.extui %ge3A_1577 : vector<16xi1> to vector<16xi32>
        %ge3A_1579 = arith.constant 507904 : i32
        %ge3A_1580 = vector.broadcast %ge3A_1579 : i32 to vector<16xi32>
        %ge3A_1581 = arith.cmpi sge, %gather3A_1574, %ge3A_1580 : vector<16xi32>
        %convert_element_type3A_1582 = arith.extui %ge3A_1581 : vector<16xi1> to vector<16xi32>
        %add3A_1583 = arith.addi %convert_element_type3A_1578, %convert_element_type3A_1582 : vector<16xi32>
        %ge3A_1584 = arith.constant 761856 : i32
        %ge3A_1585 = vector.broadcast %ge3A_1584 : i32 to vector<16xi32>
        %ge3A_1586 = arith.cmpi sge, %gather3A_1574, %ge3A_1585 : vector<16xi32>
        %convert_element_type3A_1587 = arith.extui %ge3A_1586 : vector<16xi1> to vector<16xi32>
        %add3A_1588 = arith.addi %add3A_1583, %convert_element_type3A_1587 : vector<16xi32>
        %mul3A_1589 = arith.constant 253952 : i32
        %mul3A_1590 = vector.broadcast %mul3A_1589 : i32 to vector<16xi32>
        %mul3A_1591 = arith.muli %add3A_1588, %mul3A_1590 : vector<16xi32>
        %sub3A_1592 = arith.subi %gather3A_1574, %mul3A_1591 : vector<16xi32>
        %mul3A_1593 = arith.constant 32 : i32
        %mul3A_1594 = vector.broadcast %mul3A_1593 : i32 to vector<16xi32>
        %mul3A_1595 = arith.muli %add3A_1588, %mul3A_1594 : vector<16xi32>
        %broadcast_in_dim3A_1596 = arith.constant 0.000000e+00 : f32
        %broadcast_in_dim3A_1597 = vector.broadcast %broadcast_in_dim3A_1596 : f32 to vector<16xf32>
        %add3A_1598 = arith.constant 256 : i32
        %add3A_1599 = vector.broadcast %add3A_1598 : i32 to vector<16xi32>
        %add3A_1600 = arith.addi %add3A_1599, %add3A_1511 : vector<16xi32>
        %gather3A_1601 = arith.constant 2 : i32
        %gather3A_1602 = arith.constant 0 : i32
        %gather3A_1603 = tpu.memref_slice %arg8[%gather3A_1601, %gather3A_1602] : memref<5x128xi32, #tpu.memory_space<vmem>> -> memref<1x128xi32, #tpu.memory_space<vmem>>
        %gather3A_1604 = tpu.memref_squeeze %gather3A_1603 : memref<1x128xi32, #tpu.memory_space<vmem>> -> memref<128xi32, #tpu.memory_space<vmem>>
        %gather3A_1605 = tpu.vector_load_idx %gather3A_1604[%add3A_1511] : memref<128xi32, #tpu.memory_space<vmem>>[vector<16xi32>], vector<16xi32>,
        %ge3A_1606 = arith.constant 253952 : i32
        %ge3A_1607 = vector.broadcast %ge3A_1606 : i32 to vector<16xi32>
        %ge3A_1608 = arith.cmpi sge, %gather3A_1605, %ge3A_1607 : vector<16xi32>
        %convert_element_type3A_1609 = arith.extui %ge3A_1608 : vector<16xi1> to vector<16xi32>
        %ge3A_1610 = arith.constant 507904 : i32
        %ge3A_1611 = vector.broadcast %ge3A_1610 : i32 to vector<16xi32>
        %ge3A_1612 = arith.cmpi sge, %gather3A_1605, %ge3A_1611 : vector<16xi32>
        %convert_element_type3A_1613 = arith.extui %ge3A_1612 : vector<16xi1> to vector<16xi32>
        %add3A_1614 = arith.addi %convert_element_type3A_1609, %convert_element_type3A_1613 : vector<16xi32>
        %ge3A_1615 = arith.constant 761856 : i32
        %ge3A_1616 = vector.broadcast %ge3A_1615 : i32 to vector<16xi32>
        %ge3A_1617 = arith.cmpi sge, %gather3A_1605, %ge3A_1616 : vector<16xi32>
        %convert_element_type3A_1618 = arith.extui %ge3A_1617 : vector<16xi1> to vector<16xi32>
        %add3A_1619 = arith.addi %add3A_1614, %convert_element_type3A_1618 : vector<16xi32>
        %mul3A_1620 = arith.constant 253952 : i32
        %mul3A_1621 = vector.broadcast %mul3A_1620 : i32 to vector<16xi32>
        %mul3A_1622 = arith.muli %add3A_1619, %mul3A_1621 : vector<16xi32>
        %sub3A_1623 = arith.subi %gather3A_1605, %mul3A_1622 : vector<16xi32>
        %mul3A_1624 = arith.constant 32 : i32
        %mul3A_1625 = vector.broadcast %mul3A_1624 : i32 to vector<16xi32>
        %mul3A_1626 = arith.muli %add3A_1619, %mul3A_1625 : vector<16xi32>
        %broadcast_in_dim3A_1627 = arith.constant 0.000000e+00 : f32
        %broadcast_in_dim3A_1628 = vector.broadcast %broadcast_in_dim3A_1627 : f32 to vector<16xf32>
        %add3A_1629 = arith.constant 384 : i32
        %add3A_1630 = vector.broadcast %add3A_1629 : i32 to vector<16xi32>
        %add3A_1631 = arith.addi %add3A_1630, %add3A_1511 : vector<16xi32>
        %gather3A_1632 = arith.constant 3 : i32
        %gather3A_1633 = arith.constant 0 : i32
        %gather3A_1634 = tpu.memref_slice %arg8[%gather3A_1632, %gather3A_1633] : memref<5x128xi32, #tpu.memory_space<vmem>> -> memref<1x128xi32, #tpu.memory_space<vmem>>
        %gather3A_1635 = tpu.memref_squeeze %gather3A_1634 : memref<1x128xi32, #tpu.memory_space<vmem>> -> memref<128xi32, #tpu.memory_space<vmem>>
        %gather3A_1636 = tpu.vector_load_idx %gather3A_1635[%add3A_1511] : memref<128xi32, #tpu.memory_space<vmem>>[vector<16xi32>], vector<16xi32>,
        %ge3A_1637 = arith.constant 253952 : i32
        %ge3A_1638 = vector.broadcast %ge3A_1637 : i32 to vector<16xi32>
        %ge3A_1639 = arith.cmpi sge, %gather3A_1636, %ge3A_1638 : vector<16xi32>
        %convert_element_type3A_1640 = arith.extui %ge3A_1639 : vector<16xi1> to vector<16xi32>
        %ge3A_1641 = arith.constant 507904 : i32
        %ge3A_1642 = vector.broadcast %ge3A_1641 : i32 to vector<16xi32>
        %ge3A_1643 = arith.cmpi sge, %gather3A_1636, %ge3A_1642 : vector<16xi32>
        %convert_element_type3A_1644 = arith.extui %ge3A_1643 : vector<16xi1> to vector<16xi32>
        %add3A_1645 = arith.addi %convert_element_type3A_1640, %convert_element_type3A_1644 : vector<16xi32>
        %ge3A_1646 = arith.constant 761856 : i32
        %ge3A_1647 = vector.broadcast %ge3A_1646 : i32 to vector<16xi32>
        %ge3A_1648 = arith.cmpi sge, %gather3A_1636, %ge3A_1647 : vector<16xi32>
        %convert_element_type3A_1649 = arith.extui %ge3A_1648 : vector<16xi1> to vector<16xi32>
        %add3A_1650 = arith.addi %add3A_1645, %convert_element_type3A_1649 : vector<16xi32>
        %mul3A_1651 = arith.constant 253952 : i32
        %mul3A_1652 = vector.broadcast %mul3A_1651 : i32 to vector<16xi32>
        %mul3A_1653 = arith.muli %add3A_1650, %mul3A_1652 : vector<16xi32>
        %sub3A_1654 = arith.subi %gather3A_1636, %mul3A_1653 : vector<16xi32>
        %mul3A_1655 = arith.constant 32 : i32
        %mul3A_1656 = vector.broadcast %mul3A_1655 : i32 to vector<16xi32>
        %mul3A_1657 = arith.muli %add3A_1650, %mul3A_1656 : vector<16xi32>
        %broadcast_in_dim3A_1658 = arith.constant 0.000000e+00 : f32
        %broadcast_in_dim3A_1659 = vector.broadcast %broadcast_in_dim3A_1658 : f32 to vector<16xf32>
        %add3A_1660 = arith.constant 512 : i32
        %add3A_1661 = vector.broadcast %add3A_1660 : i32 to vector<16xi32>
        %add3A_1662 = arith.addi %add3A_1661, %add3A_1511 : vector<16xi32>
        %gather3A_1663 = arith.constant 4 : i32
        %gather3A_1664 = arith.constant 0 : i32
        %gather3A_1665 = tpu.memref_slice %arg8[%gather3A_1663, %gather3A_1664] : memref<5x128xi32, #tpu.memory_space<vmem>> -> memref<1x128xi32, #tpu.memory_space<vmem>>
        %gather3A_1666 = tpu.memref_squeeze %gather3A_1665 : memref<1x128xi32, #tpu.memory_space<vmem>> -> memref<128xi32, #tpu.memory_space<vmem>>
        %gather3A_1667 = tpu.vector_load_idx %gather3A_1666[%add3A_1511] : memref<128xi32, #tpu.memory_space<vmem>>[vector<16xi32>], vector<16xi32>,
        %ge3A_1668 = arith.constant 253952 : i32
        %ge3A_1669 = vector.broadcast %ge3A_1668 : i32 to vector<16xi32>
        %ge3A_1670 = arith.cmpi sge, %gather3A_1667, %ge3A_1669 : vector<16xi32>
        %convert_element_type3A_1671 = arith.extui %ge3A_1670 : vector<16xi1> to vector<16xi32>
        %ge3A_1672 = arith.constant 507904 : i32
        %ge3A_1673 = vector.broadcast %ge3A_1672 : i32 to vector<16xi32>
        %ge3A_1674 = arith.cmpi sge, %gather3A_1667, %ge3A_1673 : vector<16xi32>
        %convert_element_type3A_1675 = arith.extui %ge3A_1674 : vector<16xi1> to vector<16xi32>
        %add3A_1676 = arith.addi %convert_element_type3A_1671, %convert_element_type3A_1675 : vector<16xi32>
        %ge3A_1677 = arith.constant 761856 : i32
        %ge3A_1678 = vector.broadcast %ge3A_1677 : i32 to vector<16xi32>
        %ge3A_1679 = arith.cmpi sge, %gather3A_1667, %ge3A_1678 : vector<16xi32>
        %convert_element_type3A_1680 = arith.extui %ge3A_1679 : vector<16xi1> to vector<16xi32>
        %add3A_1681 = arith.addi %add3A_1676, %convert_element_type3A_1680 : vector<16xi32>
        %mul3A_1682 = arith.constant 253952 : i32
        %mul3A_1683 = vector.broadcast %mul3A_1682 : i32 to vector<16xi32>
        %mul3A_1684 = arith.muli %add3A_1681, %mul3A_1683 : vector<16xi32>
        %sub3A_1685 = arith.subi %gather3A_1667, %mul3A_1684 : vector<16xi32>
        %mul3A_1686 = arith.constant 32 : i32
        %mul3A_1687 = vector.broadcast %mul3A_1686 : i32 to vector<16xi32>
        %mul3A_1688 = arith.muli %add3A_1681, %mul3A_1687 : vector<16xi32>
        %broadcast_in_dim3A_1689 = arith.constant 0.000000e+00 : f32
        %broadcast_in_dim3A_1690 = vector.broadcast %broadcast_in_dim3A_1689 : f32 to vector<16xf32>
        %add3A_1691 = arith.constant 0 : i32
        %add3A_1692 = vector.broadcast %add3A_1691 : i32 to vector<16xi32>
        %add3A_1693 = arith.addi %mul3A_1536, %add3A_1692 : vector<16xi32>
        %gather3A_1694 = tpu.vector_load_idx %arg11[%add3A_1511, %add3A_1693] : memref<128x128xi32, #tpu.memory_space<vmem>>[vector<16xi32>, vector<16xi32>], vector<16xi32>,
        %shift_left3A = arith.constant 16 : i32
        %shift_left3A_1695 = vector.broadcast %shift_left3A : i32 to vector<16xi32>
        %shift_left3A_1696 = arith.shli %gather3A_1694, %shift_left3A_1695 : vector<16xi32>
        %bitcast3A = vector.bitcast %shift_left3A_1696 : vector<16xi32> to vector<16xf32>
        %and3A = arith.constant -65536 : i32
        %and3A_1697 = vector.broadcast %and3A : i32 to vector<16xi32>
        %and3A_1698 = arith.andi %gather3A_1694, %and3A_1697 : vector<16xi32>
        %bitcast3A_1699 = vector.bitcast %and3A_1698 : vector<16xi32> to vector<16xf32>
        %add3A_1700 = arith.constant 0 : i32
        %add3A_1701 = vector.broadcast %add3A_1700 : i32 to vector<16xi32>
        %add3A_1702 = arith.addi %mul3A_1565, %add3A_1701 : vector<16xi32>
        %gather3A_1703 = tpu.vector_load_idx %arg12[%add3A_1539, %add3A_1702] : memref<640x128xi32, #tpu.memory_space<vmem>>[vector<16xi32>, vector<16xi32>], vector<16xi32>,
        %shift_left3A_1704 = arith.constant 16 : i32
        %shift_left3A_1705 = vector.broadcast %shift_left3A_1704 : i32 to vector<16xi32>
        %shift_left3A_1706 = arith.shli %gather3A_1703, %shift_left3A_1705 : vector<16xi32>
        %bitcast3A_1707 = vector.bitcast %shift_left3A_1706 : vector<16xi32> to vector<16xf32>
        %and3A_1708 = arith.constant -65536 : i32
        %and3A_1709 = vector.broadcast %and3A_1708 : i32 to vector<16xi32>
        %and3A_1710 = arith.andi %gather3A_1703, %and3A_1709 : vector<16xi32>
        %bitcast3A_1711 = vector.bitcast %and3A_1710 : vector<16xi32> to vector<16xf32>
        %mul3A_1712 = arith.mulf %bitcast3A_1707, %bitcast3A : vector<16xf32>
        %add3A_1713 = arith.addf %broadcast_in_dim3A_1566, %mul3A_1712 : vector<16xf32>
        %mul3A_1714 = arith.mulf %bitcast3A_1711, %bitcast3A_1699 : vector<16xf32>
        %add3A_1715 = arith.addf %add3A_1713, %mul3A_1714 : vector<16xf32>
        %add3A_1716 = arith.constant 0 : i32
        %add3A_1717 = vector.broadcast %add3A_1716 : i32 to vector<16xi32>
        %add3A_1718 = arith.addi %mul3A_1595, %add3A_1717 : vector<16xi32>
        %gather3A_1719 = tpu.vector_load_idx %arg12[%add3A_1569, %add3A_1718] : memref<640x128xi32, #tpu.memory_space<vmem>>[vector<16xi32>, vector<16xi32>], vector<16xi32>,
        %shift_left3A_1720 = arith.constant 16 : i32
        %shift_left3A_1721 = vector.broadcast %shift_left3A_1720 : i32 to vector<16xi32>
        %shift_left3A_1722 = arith.shli %gather3A_1719, %shift_left3A_1721 : vector<16xi32>
        %bitcast3A_1723 = vector.bitcast %shift_left3A_1722 : vector<16xi32> to vector<16xf32>
        %and3A_1724 = arith.constant -65536 : i32
        %and3A_1725 = vector.broadcast %and3A_1724 : i32 to vector<16xi32>
        %and3A_1726 = arith.andi %gather3A_1719, %and3A_1725 : vector<16xi32>
        %bitcast3A_1727 = vector.bitcast %and3A_1726 : vector<16xi32> to vector<16xf32>
        %mul3A_1728 = arith.mulf %bitcast3A_1723, %bitcast3A : vector<16xf32>
        %add3A_1729 = arith.addf %broadcast_in_dim3A_1597, %mul3A_1728 : vector<16xf32>
        %mul3A_1730 = arith.mulf %bitcast3A_1727, %bitcast3A_1699 : vector<16xf32>
        %add3A_1731 = arith.addf %add3A_1729, %mul3A_1730 : vector<16xf32>
        %add3A_1732 = arith.constant 0 : i32
        %add3A_1733 = vector.broadcast %add3A_1732 : i32 to vector<16xi32>
        %add3A_1734 = arith.addi %mul3A_1626, %add3A_1733 : vector<16xi32>
        %gather3A_1735 = tpu.vector_load_idx %arg12[%add3A_1600, %add3A_1734] : memref<640x128xi32, #tpu.memory_space<vmem>>[vector<16xi32>, vector<16xi32>], vector<16xi32>,
        %shift_left3A_1736 = arith.constant 16 : i32
        %shift_left3A_1737 = vector.broadcast %shift_left3A_1736 : i32 to vector<16xi32>
        %shift_left3A_1738 = arith.shli %gather3A_1735, %shift_left3A_1737 : vector<16xi32>
        %bitcast3A_1739 = vector.bitcast %shift_left3A_1738 : vector<16xi32> to vector<16xf32>
        %and3A_1740 = arith.constant -65536 : i32
        %and3A_1741 = vector.broadcast %and3A_1740 : i32 to vector<16xi32>
        %and3A_1742 = arith.andi %gather3A_1735, %and3A_1741 : vector<16xi32>
        %bitcast3A_1743 = vector.bitcast %and3A_1742 : vector<16xi32> to vector<16xf32>
        %mul3A_1744 = arith.mulf %bitcast3A_1739, %bitcast3A : vector<16xf32>
        %add3A_1745 = arith.addf %broadcast_in_dim3A_1628, %mul3A_1744 : vector<16xf32>
        %mul3A_1746 = arith.mulf %bitcast3A_1743, %bitcast3A_1699 : vector<16xf32>
        %add3A_1747 = arith.addf %add3A_1745, %mul3A_1746 : vector<16xf32>
        %add3A_1748 = arith.constant 0 : i32
        %add3A_1749 = vector.broadcast %add3A_1748 : i32 to vector<16xi32>
        %add3A_1750 = arith.addi %mul3A_1657, %add3A_1749 : vector<16xi32>
        %gather3A_1751 = tpu.vector_load_idx %arg12[%add3A_1631, %add3A_1750] : memref<640x128xi32, #tpu.memory_space<vmem>>[vector<16xi32>, vector<16xi32>], vector<16xi32>,
        %shift_left3A_1752 = arith.constant 16 : i32
        %shift_left3A_1753 = vector.broadcast %shift_left3A_1752 : i32 to vector<16xi32>
        %shift_left3A_1754 = arith.shli %gather3A_1751, %shift_left3A_1753 : vector<16xi32>
        %bitcast3A_1755 = vector.bitcast %shift_left3A_1754 : vector<16xi32> to vector<16xf32>
        %and3A_1756 = arith.constant -65536 : i32
        %and3A_1757 = vector.broadcast %and3A_1756 : i32 to vector<16xi32>
        %and3A_1758 = arith.andi %gather3A_1751, %and3A_1757 : vector<16xi32>
        %bitcast3A_1759 = vector.bitcast %and3A_1758 : vector<16xi32> to vector<16xf32>
        %mul3A_1760 = arith.mulf %bitcast3A_1755, %bitcast3A : vector<16xf32>
        %add3A_1761 = arith.addf %broadcast_in_dim3A_1659, %mul3A_1760 : vector<16xf32>
        %mul3A_1762 = arith.mulf %bitcast3A_1759, %bitcast3A_1699 : vector<16xf32>
        %add3A_1763 = arith.addf %add3A_1761, %mul3A_1762 : vector<16xf32>
        %add3A_1764 = arith.constant 0 : i32
        %add3A_1765 = vector.broadcast %add3A_1764 : i32 to vector<16xi32>
        %add3A_1766 = arith.addi %mul3A_1688, %add3A_1765 : vector<16xi32>
        %gather3A_1767 = tpu.vector_load_idx %arg12[%add3A_1662, %add3A_1766] : memref<640x128xi32, #tpu.memory_space<vmem>>[vector<16xi32>, vector<16xi32>], vector<16xi32>,
        %shift_left3A_1768 = arith.constant 16 : i32
        %shift_left3A_1769 = vector.broadcast %shift_left3A_1768 : i32 to vector<16xi32>
        %shift_left3A_1770 = arith.shli %gather3A_1767, %shift_left3A_1769 : vector<16xi32>
        %bitcast3A_1771 = vector.bitcast %shift_left3A_1770 : vector<16xi32> to vector<16xf32>
        %and3A_1772 = arith.constant -65536 : i32
        %and3A_1773 = vector.broadcast %and3A_1772 : i32 to vector<16xi32>
        %and3A_1774 = arith.andi %gather3A_1767, %and3A_1773 : vector<16xi32>
        %bitcast3A_1775 = vector.bitcast %and3A_1774 : vector<16xi32> to vector<16xf32>
        %mul3A_1776 = arith.mulf %bitcast3A_1771, %bitcast3A : vector<16xf32>
        %add3A_1777 = arith.addf %broadcast_in_dim3A_1690, %mul3A_1776 : vector<16xf32>
        %mul3A_1778 = arith.mulf %bitcast3A_1775, %bitcast3A_1699 : vector<16xf32>
        %add3A_1779 = arith.addf %add3A_1777, %mul3A_1778 : vector<16xf32>
        %add3A_1780 = arith.constant 1 : i32
        %add3A_1781 = vector.broadcast %add3A_1780 : i32 to vector<16xi32>
        %add3A_1782 = arith.addi %mul3A_1536, %add3A_1781 : vector<16xi32>
        %gather3A_1783 = tpu.vector_load_idx %arg11[%add3A_1511, %add3A_1782] : memref<128x128xi32, #tpu.memory_space<vmem>>[vector<16xi32>, vector<16xi32>], vector<16xi32>,
        %shift_left3A_1784 = arith.constant 16 : i32
        %shift_left3A_1785 = vector.broadcast %shift_left3A_1784 : i32 to vector<16xi32>
        %shift_left3A_1786 = arith.shli %gather3A_1783, %shift_left3A_1785 : vector<16xi32>
        %bitcast3A_1787 = vector.bitcast %shift_left3A_1786 : vector<16xi32> to vector<16xf32>
        %and3A_1788 = arith.constant -65536 : i32
        %and3A_1789 = vector.broadcast %and3A_1788 : i32 to vector<16xi32>
        %and3A_1790 = arith.andi %gather3A_1783, %and3A_1789 : vector<16xi32>
        %bitcast3A_1791 = vector.bitcast %and3A_1790 : vector<16xi32> to vector<16xf32>
        %add3A_1792 = arith.constant 1 : i32
        %add3A_1793 = vector.broadcast %add3A_1792 : i32 to vector<16xi32>
        %add3A_1794 = arith.addi %mul3A_1565, %add3A_1793 : vector<16xi32>
        %gather3A_1795 = tpu.vector_load_idx %arg12[%add3A_1539, %add3A_1794] : memref<640x128xi32, #tpu.memory_space<vmem>>[vector<16xi32>, vector<16xi32>], vector<16xi32>,
        %shift_left3A_1796 = arith.constant 16 : i32
        %shift_left3A_1797 = vector.broadcast %shift_left3A_1796 : i32 to vector<16xi32>
        %shift_left3A_1798 = arith.shli %gather3A_1795, %shift_left3A_1797 : vector<16xi32>
        %bitcast3A_1799 = vector.bitcast %shift_left3A_1798 : vector<16xi32> to vector<16xf32>
        %and3A_1800 = arith.constant -65536 : i32
        %and3A_1801 = vector.broadcast %and3A_1800 : i32 to vector<16xi32>
        %and3A_1802 = arith.andi %gather3A_1795, %and3A_1801 : vector<16xi32>
        %bitcast3A_1803 = vector.bitcast %and3A_1802 : vector<16xi32> to vector<16xf32>
        %mul3A_1804 = arith.mulf %bitcast3A_1799, %bitcast3A_1787 : vector<16xf32>
        %add3A_1805 = arith.addf %add3A_1715, %mul3A_1804 : vector<16xf32>
        %mul3A_1806 = arith.mulf %bitcast3A_1803, %bitcast3A_1791 : vector<16xf32>
        %add3A_1807 = arith.addf %add3A_1805, %mul3A_1806 : vector<16xf32>
        %add3A_1808 = arith.constant 1 : i32
        %add3A_1809 = vector.broadcast %add3A_1808 : i32 to vector<16xi32>
        %add3A_1810 = arith.addi %mul3A_1595, %add3A_1809 : vector<16xi32>
        %gather3A_1811 = tpu.vector_load_idx %arg12[%add3A_1569, %add3A_1810] : memref<640x128xi32, #tpu.memory_space<vmem>>[vector<16xi32>, vector<16xi32>], vector<16xi32>,
        %shift_left3A_1812 = arith.constant 16 : i32
        %shift_left3A_1813 = vector.broadcast %shift_left3A_1812 : i32 to vector<16xi32>
        %shift_left3A_1814 = arith.shli %gather3A_1811, %shift_left3A_1813 : vector<16xi32>
        %bitcast3A_1815 = vector.bitcast %shift_left3A_1814 : vector<16xi32> to vector<16xf32>
        %and3A_1816 = arith.constant -65536 : i32
        %and3A_1817 = vector.broadcast %and3A_1816 : i32 to vector<16xi32>
        %and3A_1818 = arith.andi %gather3A_1811, %and3A_1817 : vector<16xi32>
        %bitcast3A_1819 = vector.bitcast %and3A_1818 : vector<16xi32> to vector<16xf32>
        %mul3A_1820 = arith.mulf %bitcast3A_1815, %bitcast3A_1787 : vector<16xf32>
        %add3A_1821 = arith.addf %add3A_1731, %mul3A_1820 : vector<16xf32>
        %mul3A_1822 = arith.mulf %bitcast3A_1819, %bitcast3A_1791 : vector<16xf32>
        %add3A_1823 = arith.addf %add3A_1821, %mul3A_1822 : vector<16xf32>
        %add3A_1824 = arith.constant 1 : i32
        %add3A_1825 = vector.broadcast %add3A_1824 : i32 to vector<16xi32>
        %add3A_1826 = arith.addi %mul3A_1626, %add3A_1825 : vector<16xi32>
        %gather3A_1827 = tpu.vector_load_idx %arg12[%add3A_1600, %add3A_1826] : memref<640x128xi32, #tpu.memory_space<vmem>>[vector<16xi32>, vector<16xi32>], vector<16xi32>,
        %shift_left3A_1828 = arith.constant 16 : i32
        %shift_left3A_1829 = vector.broadcast %shift_left3A_1828 : i32 to vector<16xi32>
        %shift_left3A_1830 = arith.shli %gather3A_1827, %shift_left3A_1829 : vector<16xi32>
        %bitcast3A_1831 = vector.bitcast %shift_left3A_1830 : vector<16xi32> to vector<16xf32>
        %and3A_1832 = arith.constant -65536 : i32
        %and3A_1833 = vector.broadcast %and3A_1832 : i32 to vector<16xi32>
        %and3A_1834 = arith.andi %gather3A_1827, %and3A_1833 : vector<16xi32>
        %bitcast3A_1835 = vector.bitcast %and3A_1834 : vector<16xi32> to vector<16xf32>
        %mul3A_1836 = arith.mulf %bitcast3A_1831, %bitcast3A_1787 : vector<16xf32>
        %add3A_1837 = arith.addf %add3A_1747, %mul3A_1836 : vector<16xf32>
        %mul3A_1838 = arith.mulf %bitcast3A_1835, %bitcast3A_1791 : vector<16xf32>
        %add3A_1839 = arith.addf %add3A_1837, %mul3A_1838 : vector<16xf32>
        %add3A_1840 = arith.constant 1 : i32
        %add3A_1841 = vector.broadcast %add3A_1840 : i32 to vector<16xi32>
        %add3A_1842 = arith.addi %mul3A_1657, %add3A_1841 : vector<16xi32>
        %gather3A_1843 = tpu.vector_load_idx %arg12[%add3A_1631, %add3A_1842] : memref<640x128xi32, #tpu.memory_space<vmem>>[vector<16xi32>, vector<16xi32>], vector<16xi32>,
        %shift_left3A_1844 = arith.constant 16 : i32
        %shift_left3A_1845 = vector.broadcast %shift_left3A_1844 : i32 to vector<16xi32>
        %shift_left3A_1846 = arith.shli %gather3A_1843, %shift_left3A_1845 : vector<16xi32>
        %bitcast3A_1847 = vector.bitcast %shift_left3A_1846 : vector<16xi32> to vector<16xf32>
        %and3A_1848 = arith.constant -65536 : i32
        %and3A_1849 = vector.broadcast %and3A_1848 : i32 to vector<16xi32>
        %and3A_1850 = arith.andi %gather3A_1843, %and3A_1849 : vector<16xi32>
        %bitcast3A_1851 = vector.bitcast %and3A_1850 : vector<16xi32> to vector<16xf32>
        %mul3A_1852 = arith.mulf %bitcast3A_1847, %bitcast3A_1787 : vector<16xf32>
        %add3A_1853 = arith.addf %add3A_1763, %mul3A_1852 : vector<16xf32>
        %mul3A_1854 = arith.mulf %bitcast3A_1851, %bitcast3A_1791 : vector<16xf32>
        %add3A_1855 = arith.addf %add3A_1853, %mul3A_1854 : vector<16xf32>
        %add3A_1856 = arith.constant 1 : i32
        %add3A_1857 = vector.broadcast %add3A_1856 : i32 to vector<16xi32>
        %add3A_1858 = arith.addi %mul3A_1688, %add3A_1857 : vector<16xi32>
        %gather3A_1859 = tpu.vector_load_idx %arg12[%add3A_1662, %add3A_1858] : memref<640x128xi32, #tpu.memory_space<vmem>>[vector<16xi32>, vector<16xi32>], vector<16xi32>,
        %shift_left3A_1860 = arith.constant 16 : i32
        %shift_left3A_1861 = vector.broadcast %shift_left3A_1860 : i32 to vector<16xi32>
        %shift_left3A_1862 = arith.shli %gather3A_1859, %shift_left3A_1861 : vector<16xi32>
        %bitcast3A_1863 = vector.bitcast %shift_left3A_1862 : vector<16xi32> to vector<16xf32>
        %and3A_1864 = arith.constant -65536 : i32
        %and3A_1865 = vector.broadcast %and3A_1864 : i32 to vector<16xi32>
        %and3A_1866 = arith.andi %gather3A_1859, %and3A_1865 : vector<16xi32>
        %bitcast3A_1867 = vector.bitcast %and3A_1866 : vector<16xi32> to vector<16xf32>
        %mul3A_1868 = arith.mulf %bitcast3A_1863, %bitcast3A_1787 : vector<16xf32>
        %add3A_1869 = arith.addf %add3A_1779, %mul3A_1868 : vector<16xf32>
        %mul3A_1870 = arith.mulf %bitcast3A_1867, %bitcast3A_1791 : vector<16xf32>
        %add3A_1871 = arith.addf %add3A_1869, %mul3A_1870 : vector<16xf32>
        %add3A_1872 = arith.constant 2 : i32
        %add3A_1873 = vector.broadcast %add3A_1872 : i32 to vector<16xi32>
        %add3A_1874 = arith.addi %mul3A_1536, %add3A_1873 : vector<16xi32>
        %gather3A_1875 = tpu.vector_load_idx %arg11[%add3A_1511, %add3A_1874] : memref<128x128xi32, #tpu.memory_space<vmem>>[vector<16xi32>, vector<16xi32>], vector<16xi32>,
        %shift_left3A_1876 = arith.constant 16 : i32
        %shift_left3A_1877 = vector.broadcast %shift_left3A_1876 : i32 to vector<16xi32>
        %shift_left3A_1878 = arith.shli %gather3A_1875, %shift_left3A_1877 : vector<16xi32>
        %bitcast3A_1879 = vector.bitcast %shift_left3A_1878 : vector<16xi32> to vector<16xf32>
        %and3A_1880 = arith.constant -65536 : i32
        %and3A_1881 = vector.broadcast %and3A_1880 : i32 to vector<16xi32>
        %and3A_1882 = arith.andi %gather3A_1875, %and3A_1881 : vector<16xi32>
        %bitcast3A_1883 = vector.bitcast %and3A_1882 : vector<16xi32> to vector<16xf32>
        %add3A_1884 = arith.constant 2 : i32
        %add3A_1885 = vector.broadcast %add3A_1884 : i32 to vector<16xi32>
        %add3A_1886 = arith.addi %mul3A_1565, %add3A_1885 : vector<16xi32>
        %gather3A_1887 = tpu.vector_load_idx %arg12[%add3A_1539, %add3A_1886] : memref<640x128xi32, #tpu.memory_space<vmem>>[vector<16xi32>, vector<16xi32>], vector<16xi32>,
        %shift_left3A_1888 = arith.constant 16 : i32
        %shift_left3A_1889 = vector.broadcast %shift_left3A_1888 : i32 to vector<16xi32>
        %shift_left3A_1890 = arith.shli %gather3A_1887, %shift_left3A_1889 : vector<16xi32>
        %bitcast3A_1891 = vector.bitcast %shift_left3A_1890 : vector<16xi32> to vector<16xf32>
        %and3A_1892 = arith.constant -65536 : i32
        %and3A_1893 = vector.broadcast %and3A_1892 : i32 to vector<16xi32>
        %and3A_1894 = arith.andi %gather3A_1887, %and3A_1893 : vector<16xi32>
        %bitcast3A_1895 = vector.bitcast %and3A_1894 : vector<16xi32> to vector<16xf32>
        %mul3A_1896 = arith.mulf %bitcast3A_1891, %bitcast3A_1879 : vector<16xf32>
        %add3A_1897 = arith.addf %add3A_1807, %mul3A_1896 : vector<16xf32>
        %mul3A_1898 = arith.mulf %bitcast3A_1895, %bitcast3A_1883 : vector<16xf32>
        %add3A_1899 = arith.addf %add3A_1897, %mul3A_1898 : vector<16xf32>
        %add3A_1900 = arith.constant 2 : i32
        %add3A_1901 = vector.broadcast %add3A_1900 : i32 to vector<16xi32>
        %add3A_1902 = arith.addi %mul3A_1595, %add3A_1901 : vector<16xi32>
        %gather3A_1903 = tpu.vector_load_idx %arg12[%add3A_1569, %add3A_1902] : memref<640x128xi32, #tpu.memory_space<vmem>>[vector<16xi32>, vector<16xi32>], vector<16xi32>,
        %shift_left3A_1904 = arith.constant 16 : i32
        %shift_left3A_1905 = vector.broadcast %shift_left3A_1904 : i32 to vector<16xi32>
        %shift_left3A_1906 = arith.shli %gather3A_1903, %shift_left3A_1905 : vector<16xi32>
        %bitcast3A_1907 = vector.bitcast %shift_left3A_1906 : vector<16xi32> to vector<16xf32>
        %and3A_1908 = arith.constant -65536 : i32
        %and3A_1909 = vector.broadcast %and3A_1908 : i32 to vector<16xi32>
        %and3A_1910 = arith.andi %gather3A_1903, %and3A_1909 : vector<16xi32>
        %bitcast3A_1911 = vector.bitcast %and3A_1910 : vector<16xi32> to vector<16xf32>
        %mul3A_1912 = arith.mulf %bitcast3A_1907, %bitcast3A_1879 : vector<16xf32>
        %add3A_1913 = arith.addf %add3A_1823, %mul3A_1912 : vector<16xf32>
        %mul3A_1914 = arith.mulf %bitcast3A_1911, %bitcast3A_1883 : vector<16xf32>
        %add3A_1915 = arith.addf %add3A_1913, %mul3A_1914 : vector<16xf32>
        %add3A_1916 = arith.constant 2 : i32
        %add3A_1917 = vector.broadcast %add3A_1916 : i32 to vector<16xi32>
        %add3A_1918 = arith.addi %mul3A_1626, %add3A_1917 : vector<16xi32>
        %gather3A_1919 = tpu.vector_load_idx %arg12[%add3A_1600, %add3A_1918] : memref<640x128xi32, #tpu.memory_space<vmem>>[vector<16xi32>, vector<16xi32>], vector<16xi32>,
        %shift_left3A_1920 = arith.constant 16 : i32
        %shift_left3A_1921 = vector.broadcast %shift_left3A_1920 : i32 to vector<16xi32>
        %shift_left3A_1922 = arith.shli %gather3A_1919, %shift_left3A_1921 : vector<16xi32>
        %bitcast3A_1923 = vector.bitcast %shift_left3A_1922 : vector<16xi32> to vector<16xf32>
        %and3A_1924 = arith.constant -65536 : i32
        %and3A_1925 = vector.broadcast %and3A_1924 : i32 to vector<16xi32>
        %and3A_1926 = arith.andi %gather3A_1919, %and3A_1925 : vector<16xi32>
        %bitcast3A_1927 = vector.bitcast %and3A_1926 : vector<16xi32> to vector<16xf32>
        %mul3A_1928 = arith.mulf %bitcast3A_1923, %bitcast3A_1879 : vector<16xf32>
        %add3A_1929 = arith.addf %add3A_1839, %mul3A_1928 : vector<16xf32>
        %mul3A_1930 = arith.mulf %bitcast3A_1927, %bitcast3A_1883 : vector<16xf32>
        %add3A_1931 = arith.addf %add3A_1929, %mul3A_1930 : vector<16xf32>
        %add3A_1932 = arith.constant 2 : i32
        %add3A_1933 = vector.broadcast %add3A_1932 : i32 to vector<16xi32>
        %add3A_1934 = arith.addi %mul3A_1657, %add3A_1933 : vector<16xi32>
        %gather3A_1935 = tpu.vector_load_idx %arg12[%add3A_1631, %add3A_1934] : memref<640x128xi32, #tpu.memory_space<vmem>>[vector<16xi32>, vector<16xi32>], vector<16xi32>,
        %shift_left3A_1936 = arith.constant 16 : i32
        %shift_left3A_1937 = vector.broadcast %shift_left3A_1936 : i32 to vector<16xi32>
        %shift_left3A_1938 = arith.shli %gather3A_1935, %shift_left3A_1937 : vector<16xi32>
        %bitcast3A_1939 = vector.bitcast %shift_left3A_1938 : vector<16xi32> to vector<16xf32>
        %and3A_1940 = arith.constant -65536 : i32
        %and3A_1941 = vector.broadcast %and3A_1940 : i32 to vector<16xi32>
        %and3A_1942 = arith.andi %gather3A_1935, %and3A_1941 : vector<16xi32>
        %bitcast3A_1943 = vector.bitcast %and3A_1942 : vector<16xi32> to vector<16xf32>
        %mul3A_1944 = arith.mulf %bitcast3A_1939, %bitcast3A_1879 : vector<16xf32>
        %add3A_1945 = arith.addf %add3A_1855, %mul3A_1944 : vector<16xf32>
        %mul3A_1946 = arith.mulf %bitcast3A_1943, %bitcast3A_1883 : vector<16xf32>
        %add3A_1947 = arith.addf %add3A_1945, %mul3A_1946 : vector<16xf32>
        %add3A_1948 = arith.constant 2 : i32
        %add3A_1949 = vector.broadcast %add3A_1948 : i32 to vector<16xi32>
        %add3A_1950 = arith.addi %mul3A_1688, %add3A_1949 : vector<16xi32>
        %gather3A_1951 = tpu.vector_load_idx %arg12[%add3A_1662, %add3A_1950] : memref<640x128xi32, #tpu.memory_space<vmem>>[vector<16xi32>, vector<16xi32>], vector<16xi32>,
        %shift_left3A_1952 = arith.constant 16 : i32
        %shift_left3A_1953 = vector.broadcast %shift_left3A_1952 : i32 to vector<16xi32>
        %shift_left3A_1954 = arith.shli %gather3A_1951, %shift_left3A_1953 : vector<16xi32>
        %bitcast3A_1955 = vector.bitcast %shift_left3A_1954 : vector<16xi32> to vector<16xf32>
        %and3A_1956 = arith.constant -65536 : i32
        %and3A_1957 = vector.broadcast %and3A_1956 : i32 to vector<16xi32>
        %and3A_1958 = arith.andi %gather3A_1951, %and3A_1957 : vector<16xi32>
        %bitcast3A_1959 = vector.bitcast %and3A_1958 : vector<16xi32> to vector<16xf32>
        %mul3A_1960 = arith.mulf %bitcast3A_1955, %bitcast3A_1879 : vector<16xf32>
        %add3A_1961 = arith.addf %add3A_1871, %mul3A_1960 : vector<16xf32>
        %mul3A_1962 = arith.mulf %bitcast3A_1959, %bitcast3A_1883 : vector<16xf32>
        %add3A_1963 = arith.addf %add3A_1961, %mul3A_1962 : vector<16xf32>
        %add3A_1964 = arith.constant 3 : i32
        %add3A_1965 = vector.broadcast %add3A_1964 : i32 to vector<16xi32>
        %add3A_1966 = arith.addi %mul3A_1536, %add3A_1965 : vector<16xi32>
        %gather3A_1967 = tpu.vector_load_idx %arg11[%add3A_1511, %add3A_1966] : memref<128x128xi32, #tpu.memory_space<vmem>>[vector<16xi32>, vector<16xi32>], vector<16xi32>,
        %shift_left3A_1968 = arith.constant 16 : i32
        %shift_left3A_1969 = vector.broadcast %shift_left3A_1968 : i32 to vector<16xi32>
        %shift_left3A_1970 = arith.shli %gather3A_1967, %shift_left3A_1969 : vector<16xi32>
        %bitcast3A_1971 = vector.bitcast %shift_left3A_1970 : vector<16xi32> to vector<16xf32>
        %and3A_1972 = arith.constant -65536 : i32
        %and3A_1973 = vector.broadcast %and3A_1972 : i32 to vector<16xi32>
        %and3A_1974 = arith.andi %gather3A_1967, %and3A_1973 : vector<16xi32>
        %bitcast3A_1975 = vector.bitcast %and3A_1974 : vector<16xi32> to vector<16xf32>
        %add3A_1976 = arith.constant 3 : i32
        %add3A_1977 = vector.broadcast %add3A_1976 : i32 to vector<16xi32>
        %add3A_1978 = arith.addi %mul3A_1565, %add3A_1977 : vector<16xi32>
        %gather3A_1979 = tpu.vector_load_idx %arg12[%add3A_1539, %add3A_1978] : memref<640x128xi32, #tpu.memory_space<vmem>>[vector<16xi32>, vector<16xi32>], vector<16xi32>,
        %shift_left3A_1980 = arith.constant 16 : i32
        %shift_left3A_1981 = vector.broadcast %shift_left3A_1980 : i32 to vector<16xi32>
        %shift_left3A_1982 = arith.shli %gather3A_1979, %shift_left3A_1981 : vector<16xi32>
        %bitcast3A_1983 = vector.bitcast %shift_left3A_1982 : vector<16xi32> to vector<16xf32>
        %and3A_1984 = arith.constant -65536 : i32
        %and3A_1985 = vector.broadcast %and3A_1984 : i32 to vector<16xi32>
        %and3A_1986 = arith.andi %gather3A_1979, %and3A_1985 : vector<16xi32>
        %bitcast3A_1987 = vector.bitcast %and3A_1986 : vector<16xi32> to vector<16xf32>
        %mul3A_1988 = arith.mulf %bitcast3A_1983, %bitcast3A_1971 : vector<16xf32>
        %add3A_1989 = arith.addf %add3A_1899, %mul3A_1988 : vector<16xf32>
        %mul3A_1990 = arith.mulf %bitcast3A_1987, %bitcast3A_1975 : vector<16xf32>
        %add3A_1991 = arith.addf %add3A_1989, %mul3A_1990 : vector<16xf32>
        %add3A_1992 = arith.constant 3 : i32
        %add3A_1993 = vector.broadcast %add3A_1992 : i32 to vector<16xi32>
        %add3A_1994 = arith.addi %mul3A_1595, %add3A_1993 : vector<16xi32>
        %gather3A_1995 = tpu.vector_load_idx %arg12[%add3A_1569, %add3A_1994] : memref<640x128xi32, #tpu.memory_space<vmem>>[vector<16xi32>, vector<16xi32>], vector<16xi32>,
        %shift_left3A_1996 = arith.constant 16 : i32
        %shift_left3A_1997 = vector.broadcast %shift_left3A_1996 : i32 to vector<16xi32>
        %shift_left3A_1998 = arith.shli %gather3A_1995, %shift_left3A_1997 : vector<16xi32>
        %bitcast3A_1999 = vector.bitcast %shift_left3A_1998 : vector<16xi32> to vector<16xf32>
        %and3A_2000 = arith.constant -65536 : i32
        %and3A_2001 = vector.broadcast %and3A_2000 : i32 to vector<16xi32>
        %and3A_2002 = arith.andi %gather3A_1995, %and3A_2001 : vector<16xi32>
        %bitcast3A_2003 = vector.bitcast %and3A_2002 : vector<16xi32> to vector<16xf32>
        %mul3A_2004 = arith.mulf %bitcast3A_1999, %bitcast3A_1971 : vector<16xf32>
        %add3A_2005 = arith.addf %add3A_1915, %mul3A_2004 : vector<16xf32>
        %mul3A_2006 = arith.mulf %bitcast3A_2003, %bitcast3A_1975 : vector<16xf32>
        %add3A_2007 = arith.addf %add3A_2005, %mul3A_2006 : vector<16xf32>
        %add3A_2008 = arith.constant 3 : i32
        %add3A_2009 = vector.broadcast %add3A_2008 : i32 to vector<16xi32>
        %add3A_2010 = arith.addi %mul3A_1626, %add3A_2009 : vector<16xi32>
        %gather3A_2011 = tpu.vector_load_idx %arg12[%add3A_1600, %add3A_2010] : memref<640x128xi32, #tpu.memory_space<vmem>>[vector<16xi32>, vector<16xi32>], vector<16xi32>,
        %shift_left3A_2012 = arith.constant 16 : i32
        %shift_left3A_2013 = vector.broadcast %shift_left3A_2012 : i32 to vector<16xi32>
        %shift_left3A_2014 = arith.shli %gather3A_2011, %shift_left3A_2013 : vector<16xi32>
        %bitcast3A_2015 = vector.bitcast %shift_left3A_2014 : vector<16xi32> to vector<16xf32>
        %and3A_2016 = arith.constant -65536 : i32
        %and3A_2017 = vector.broadcast %and3A_2016 : i32 to vector<16xi32>
        %and3A_2018 = arith.andi %gather3A_2011, %and3A_2017 : vector<16xi32>
        %bitcast3A_2019 = vector.bitcast %and3A_2018 : vector<16xi32> to vector<16xf32>
        %mul3A_2020 = arith.mulf %bitcast3A_2015, %bitcast3A_1971 : vector<16xf32>
        %add3A_2021 = arith.addf %add3A_1931, %mul3A_2020 : vector<16xf32>
        %mul3A_2022 = arith.mulf %bitcast3A_2019, %bitcast3A_1975 : vector<16xf32>
        %add3A_2023 = arith.addf %add3A_2021, %mul3A_2022 : vector<16xf32>
        %add3A_2024 = arith.constant 3 : i32
        %add3A_2025 = vector.broadcast %add3A_2024 : i32 to vector<16xi32>
        %add3A_2026 = arith.addi %mul3A_1657, %add3A_2025 : vector<16xi32>
        %gather3A_2027 = tpu.vector_load_idx %arg12[%add3A_1631, %add3A_2026] : memref<640x128xi32, #tpu.memory_space<vmem>>[vector<16xi32>, vector<16xi32>], vector<16xi32>,
        %shift_left3A_2028 = arith.constant 16 : i32
        %shift_left3A_2029 = vector.broadcast %shift_left3A_2028 : i32 to vector<16xi32>
        %shift_left3A_2030 = arith.shli %gather3A_2027, %shift_left3A_2029 : vector<16xi32>
        %bitcast3A_2031 = vector.bitcast %shift_left3A_2030 : vector<16xi32> to vector<16xf32>
        %and3A_2032 = arith.constant -65536 : i32
        %and3A_2033 = vector.broadcast %and3A_2032 : i32 to vector<16xi32>
        %and3A_2034 = arith.andi %gather3A_2027, %and3A_2033 : vector<16xi32>
        %bitcast3A_2035 = vector.bitcast %and3A_2034 : vector<16xi32> to vector<16xf32>
        %mul3A_2036 = arith.mulf %bitcast3A_2031, %bitcast3A_1971 : vector<16xf32>
        %add3A_2037 = arith.addf %add3A_1947, %mul3A_2036 : vector<16xf32>
        %mul3A_2038 = arith.mulf %bitcast3A_2035, %bitcast3A_1975 : vector<16xf32>
        %add3A_2039 = arith.addf %add3A_2037, %mul3A_2038 : vector<16xf32>
        %add3A_2040 = arith.constant 3 : i32
        %add3A_2041 = vector.broadcast %add3A_2040 : i32 to vector<16xi32>
        %add3A_2042 = arith.addi %mul3A_1688, %add3A_2041 : vector<16xi32>
        %gather3A_2043 = tpu.vector_load_idx %arg12[%add3A_1662, %add3A_2042] : memref<640x128xi32, #tpu.memory_space<vmem>>[vector<16xi32>, vector<16xi32>], vector<16xi32>,
        %shift_left3A_2044 = arith.constant 16 : i32
        %shift_left3A_2045 = vector.broadcast %shift_left3A_2044 : i32 to vector<16xi32>
        %shift_left3A_2046 = arith.shli %gather3A_2043, %shift_left3A_2045 : vector<16xi32>
        %bitcast3A_2047 = vector.bitcast %shift_left3A_2046 : vector<16xi32> to vector<16xf32>
        %and3A_2048 = arith.constant -65536 : i32
        %and3A_2049 = vector.broadcast %and3A_2048 : i32 to vector<16xi32>
        %and3A_2050 = arith.andi %gather3A_2043, %and3A_2049 : vector<16xi32>
        %bitcast3A_2051 = vector.bitcast %and3A_2050 : vector<16xi32> to vector<16xf32>
        %mul3A_2052 = arith.mulf %bitcast3A_2047, %bitcast3A_1971 : vector<16xf32>
        %add3A_2053 = arith.addf %add3A_1963, %mul3A_2052 : vector<16xf32>
        %mul3A_2054 = arith.mulf %bitcast3A_2051, %bitcast3A_1975 : vector<16xf32>
        %add3A_2055 = arith.addf %add3A_2053, %mul3A_2054 : vector<16xf32>
        %add3A_2056 = arith.constant 4 : i32
        %add3A_2057 = vector.broadcast %add3A_2056 : i32 to vector<16xi32>
        %add3A_2058 = arith.addi %mul3A_1536, %add3A_2057 : vector<16xi32>
        %gather3A_2059 = tpu.vector_load_idx %arg11[%add3A_1511, %add3A_2058] : memref<128x128xi32, #tpu.memory_space<vmem>>[vector<16xi32>, vector<16xi32>], vector<16xi32>,
        %shift_left3A_2060 = arith.constant 16 : i32
        %shift_left3A_2061 = vector.broadcast %shift_left3A_2060 : i32 to vector<16xi32>
        %shift_left3A_2062 = arith.shli %gather3A_2059, %shift_left3A_2061 : vector<16xi32>
        %bitcast3A_2063 = vector.bitcast %shift_left3A_2062 : vector<16xi32> to vector<16xf32>
        %and3A_2064 = arith.constant -65536 : i32
        %and3A_2065 = vector.broadcast %and3A_2064 : i32 to vector<16xi32>
        %and3A_2066 = arith.andi %gather3A_2059, %and3A_2065 : vector<16xi32>
        %bitcast3A_2067 = vector.bitcast %and3A_2066 : vector<16xi32> to vector<16xf32>
        %add3A_2068 = arith.constant 4 : i32
        %add3A_2069 = vector.broadcast %add3A_2068 : i32 to vector<16xi32>
        %add3A_2070 = arith.addi %mul3A_1565, %add3A_2069 : vector<16xi32>
        %gather3A_2071 = tpu.vector_load_idx %arg12[%add3A_1539, %add3A_2070] : memref<640x128xi32, #tpu.memory_space<vmem>>[vector<16xi32>, vector<16xi32>], vector<16xi32>,
        %shift_left3A_2072 = arith.constant 16 : i32
        %shift_left3A_2073 = vector.broadcast %shift_left3A_2072 : i32 to vector<16xi32>
        %shift_left3A_2074 = arith.shli %gather3A_2071, %shift_left3A_2073 : vector<16xi32>
        %bitcast3A_2075 = vector.bitcast %shift_left3A_2074 : vector<16xi32> to vector<16xf32>
        %and3A_2076 = arith.constant -65536 : i32
        %and3A_2077 = vector.broadcast %and3A_2076 : i32 to vector<16xi32>
        %and3A_2078 = arith.andi %gather3A_2071, %and3A_2077 : vector<16xi32>
        %bitcast3A_2079 = vector.bitcast %and3A_2078 : vector<16xi32> to vector<16xf32>
        %mul3A_2080 = arith.mulf %bitcast3A_2075, %bitcast3A_2063 : vector<16xf32>
        %add3A_2081 = arith.addf %add3A_1991, %mul3A_2080 : vector<16xf32>
        %mul3A_2082 = arith.mulf %bitcast3A_2079, %bitcast3A_2067 : vector<16xf32>
        %add3A_2083 = arith.addf %add3A_2081, %mul3A_2082 : vector<16xf32>
        %add3A_2084 = arith.constant 4 : i32
        %add3A_2085 = vector.broadcast %add3A_2084 : i32 to vector<16xi32>
        %add3A_2086 = arith.addi %mul3A_1595, %add3A_2085 : vector<16xi32>
        %gather3A_2087 = tpu.vector_load_idx %arg12[%add3A_1569, %add3A_2086] : memref<640x128xi32, #tpu.memory_space<vmem>>[vector<16xi32>, vector<16xi32>], vector<16xi32>,
        %shift_left3A_2088 = arith.constant 16 : i32
        %shift_left3A_2089 = vector.broadcast %shift_left3A_2088 : i32 to vector<16xi32>
        %shift_left3A_2090 = arith.shli %gather3A_2087, %shift_left3A_2089 : vector<16xi32>
        %bitcast3A_2091 = vector.bitcast %shift_left3A_2090 : vector<16xi32> to vector<16xf32>
        %and3A_2092 = arith.constant -65536 : i32
        %and3A_2093 = vector.broadcast %and3A_2092 : i32 to vector<16xi32>
        %and3A_2094 = arith.andi %gather3A_2087, %and3A_2093 : vector<16xi32>
        %bitcast3A_2095 = vector.bitcast %and3A_2094 : vector<16xi32> to vector<16xf32>
        %mul3A_2096 = arith.mulf %bitcast3A_2091, %bitcast3A_2063 : vector<16xf32>
        %add3A_2097 = arith.addf %add3A_2007, %mul3A_2096 : vector<16xf32>
        %mul3A_2098 = arith.mulf %bitcast3A_2095, %bitcast3A_2067 : vector<16xf32>
        %add3A_2099 = arith.addf %add3A_2097, %mul3A_2098 : vector<16xf32>
        %add3A_2100 = arith.constant 4 : i32
        %add3A_2101 = vector.broadcast %add3A_2100 : i32 to vector<16xi32>
        %add3A_2102 = arith.addi %mul3A_1626, %add3A_2101 : vector<16xi32>
        %gather3A_2103 = tpu.vector_load_idx %arg12[%add3A_1600, %add3A_2102] : memref<640x128xi32, #tpu.memory_space<vmem>>[vector<16xi32>, vector<16xi32>], vector<16xi32>,
        %shift_left3A_2104 = arith.constant 16 : i32
        %shift_left3A_2105 = vector.broadcast %shift_left3A_2104 : i32 to vector<16xi32>
        %shift_left3A_2106 = arith.shli %gather3A_2103, %shift_left3A_2105 : vector<16xi32>
        %bitcast3A_2107 = vector.bitcast %shift_left3A_2106 : vector<16xi32> to vector<16xf32>
        %and3A_2108 = arith.constant -65536 : i32
        %and3A_2109 = vector.broadcast %and3A_2108 : i32 to vector<16xi32>
        %and3A_2110 = arith.andi %gather3A_2103, %and3A_2109 : vector<16xi32>
        %bitcast3A_2111 = vector.bitcast %and3A_2110 : vector<16xi32> to vector<16xf32>
        %mul3A_2112 = arith.mulf %bitcast3A_2107, %bitcast3A_2063 : vector<16xf32>
        %add3A_2113 = arith.addf %add3A_2023, %mul3A_2112 : vector<16xf32>
        %mul3A_2114 = arith.mulf %bitcast3A_2111, %bitcast3A_2067 : vector<16xf32>
        %add3A_2115 = arith.addf %add3A_2113, %mul3A_2114 : vector<16xf32>
        %add3A_2116 = arith.constant 4 : i32
        %add3A_2117 = vector.broadcast %add3A_2116 : i32 to vector<16xi32>
        %add3A_2118 = arith.addi %mul3A_1657, %add3A_2117 : vector<16xi32>
        %gather3A_2119 = tpu.vector_load_idx %arg12[%add3A_1631, %add3A_2118] : memref<640x128xi32, #tpu.memory_space<vmem>>[vector<16xi32>, vector<16xi32>], vector<16xi32>,
        %shift_left3A_2120 = arith.constant 16 : i32
        %shift_left3A_2121 = vector.broadcast %shift_left3A_2120 : i32 to vector<16xi32>
        %shift_left3A_2122 = arith.shli %gather3A_2119, %shift_left3A_2121 : vector<16xi32>
        %bitcast3A_2123 = vector.bitcast %shift_left3A_2122 : vector<16xi32> to vector<16xf32>
        %and3A_2124 = arith.constant -65536 : i32
        %and3A_2125 = vector.broadcast %and3A_2124 : i32 to vector<16xi32>
        %and3A_2126 = arith.andi %gather3A_2119, %and3A_2125 : vector<16xi32>
        %bitcast3A_2127 = vector.bitcast %and3A_2126 : vector<16xi32> to vector<16xf32>
        %mul3A_2128 = arith.mulf %bitcast3A_2123, %bitcast3A_2063 : vector<16xf32>
        %add3A_2129 = arith.addf %add3A_2039, %mul3A_2128 : vector<16xf32>
        %mul3A_2130 = arith.mulf %bitcast3A_2127, %bitcast3A_2067 : vector<16xf32>
        %add3A_2131 = arith.addf %add3A_2129, %mul3A_2130 : vector<16xf32>
        %add3A_2132 = arith.constant 4 : i32
        %add3A_2133 = vector.broadcast %add3A_2132 : i32 to vector<16xi32>
        %add3A_2134 = arith.addi %mul3A_1688, %add3A_2133 : vector<16xi32>
        %gather3A_2135 = tpu.vector_load_idx %arg12[%add3A_1662, %add3A_2134] : memref<640x128xi32, #tpu.memory_space<vmem>>[vector<16xi32>, vector<16xi32>], vector<16xi32>,
        %shift_left3A_2136 = arith.constant 16 : i32
        %shift_left3A_2137 = vector.broadcast %shift_left3A_2136 : i32 to vector<16xi32>
        %shift_left3A_2138 = arith.shli %gather3A_2135, %shift_left3A_2137 : vector<16xi32>
        %bitcast3A_2139 = vector.bitcast %shift_left3A_2138 : vector<16xi32> to vector<16xf32>
        %and3A_2140 = arith.constant -65536 : i32
        %and3A_2141 = vector.broadcast %and3A_2140 : i32 to vector<16xi32>
        %and3A_2142 = arith.andi %gather3A_2135, %and3A_2141 : vector<16xi32>
        %bitcast3A_2143 = vector.bitcast %and3A_2142 : vector<16xi32> to vector<16xf32>
        %mul3A_2144 = arith.mulf %bitcast3A_2139, %bitcast3A_2063 : vector<16xf32>
        %add3A_2145 = arith.addf %add3A_2055, %mul3A_2144 : vector<16xf32>
        %mul3A_2146 = arith.mulf %bitcast3A_2143, %bitcast3A_2067 : vector<16xf32>
        %add3A_2147 = arith.addf %add3A_2145, %mul3A_2146 : vector<16xf32>
        %add3A_2148 = arith.constant 5 : i32
        %add3A_2149 = vector.broadcast %add3A_2148 : i32 to vector<16xi32>
        %add3A_2150 = arith.addi %mul3A_1536, %add3A_2149 : vector<16xi32>
        %gather3A_2151 = tpu.vector_load_idx %arg11[%add3A_1511, %add3A_2150] : memref<128x128xi32, #tpu.memory_space<vmem>>[vector<16xi32>, vector<16xi32>], vector<16xi32>,
        %shift_left3A_2152 = arith.constant 16 : i32
        %shift_left3A_2153 = vector.broadcast %shift_left3A_2152 : i32 to vector<16xi32>
        %shift_left3A_2154 = arith.shli %gather3A_2151, %shift_left3A_2153 : vector<16xi32>
        %bitcast3A_2155 = vector.bitcast %shift_left3A_2154 : vector<16xi32> to vector<16xf32>
        %and3A_2156 = arith.constant -65536 : i32
        %and3A_2157 = vector.broadcast %and3A_2156 : i32 to vector<16xi32>
        %and3A_2158 = arith.andi %gather3A_2151, %and3A_2157 : vector<16xi32>
        %bitcast3A_2159 = vector.bitcast %and3A_2158 : vector<16xi32> to vector<16xf32>
        %add3A_2160 = arith.constant 5 : i32
        %add3A_2161 = vector.broadcast %add3A_2160 : i32 to vector<16xi32>
        %add3A_2162 = arith.addi %mul3A_1565, %add3A_2161 : vector<16xi32>
        %gather3A_2163 = tpu.vector_load_idx %arg12[%add3A_1539, %add3A_2162] : memref<640x128xi32, #tpu.memory_space<vmem>>[vector<16xi32>, vector<16xi32>], vector<16xi32>,
        %shift_left3A_2164 = arith.constant 16 : i32
        %shift_left3A_2165 = vector.broadcast %shift_left3A_2164 : i32 to vector<16xi32>
        %shift_left3A_2166 = arith.shli %gather3A_2163, %shift_left3A_2165 : vector<16xi32>
        %bitcast3A_2167 = vector.bitcast %shift_left3A_2166 : vector<16xi32> to vector<16xf32>
        %and3A_2168 = arith.constant -65536 : i32
        %and3A_2169 = vector.broadcast %and3A_2168 : i32 to vector<16xi32>
        %and3A_2170 = arith.andi %gather3A_2163, %and3A_2169 : vector<16xi32>
        %bitcast3A_2171 = vector.bitcast %and3A_2170 : vector<16xi32> to vector<16xf32>
        %mul3A_2172 = arith.mulf %bitcast3A_2167, %bitcast3A_2155 : vector<16xf32>
        %add3A_2173 = arith.addf %add3A_2083, %mul3A_2172 : vector<16xf32>
        %mul3A_2174 = arith.mulf %bitcast3A_2171, %bitcast3A_2159 : vector<16xf32>
        %add3A_2175 = arith.addf %add3A_2173, %mul3A_2174 : vector<16xf32>
        %add3A_2176 = arith.constant 5 : i32
        %add3A_2177 = vector.broadcast %add3A_2176 : i32 to vector<16xi32>
        %add3A_2178 = arith.addi %mul3A_1595, %add3A_2177 : vector<16xi32>
        %gather3A_2179 = tpu.vector_load_idx %arg12[%add3A_1569, %add3A_2178] : memref<640x128xi32, #tpu.memory_space<vmem>>[vector<16xi32>, vector<16xi32>], vector<16xi32>,
        %shift_left3A_2180 = arith.constant 16 : i32
        %shift_left3A_2181 = vector.broadcast %shift_left3A_2180 : i32 to vector<16xi32>
        %shift_left3A_2182 = arith.shli %gather3A_2179, %shift_left3A_2181 : vector<16xi32>
        %bitcast3A_2183 = vector.bitcast %shift_left3A_2182 : vector<16xi32> to vector<16xf32>
        %and3A_2184 = arith.constant -65536 : i32
        %and3A_2185 = vector.broadcast %and3A_2184 : i32 to vector<16xi32>
        %and3A_2186 = arith.andi %gather3A_2179, %and3A_2185 : vector<16xi32>
        %bitcast3A_2187 = vector.bitcast %and3A_2186 : vector<16xi32> to vector<16xf32>
        %mul3A_2188 = arith.mulf %bitcast3A_2183, %bitcast3A_2155 : vector<16xf32>
        %add3A_2189 = arith.addf %add3A_2099, %mul3A_2188 : vector<16xf32>
        %mul3A_2190 = arith.mulf %bitcast3A_2187, %bitcast3A_2159 : vector<16xf32>
        %add3A_2191 = arith.addf %add3A_2189, %mul3A_2190 : vector<16xf32>
        %add3A_2192 = arith.constant 5 : i32
        %add3A_2193 = vector.broadcast %add3A_2192 : i32 to vector<16xi32>
        %add3A_2194 = arith.addi %mul3A_1626, %add3A_2193 : vector<16xi32>
        %gather3A_2195 = tpu.vector_load_idx %arg12[%add3A_1600, %add3A_2194] : memref<640x128xi32, #tpu.memory_space<vmem>>[vector<16xi32>, vector<16xi32>], vector<16xi32>,
        %shift_left3A_2196 = arith.constant 16 : i32
        %shift_left3A_2197 = vector.broadcast %shift_left3A_2196 : i32 to vector<16xi32>
        %shift_left3A_2198 = arith.shli %gather3A_2195, %shift_left3A_2197 : vector<16xi32>
        %bitcast3A_2199 = vector.bitcast %shift_left3A_2198 : vector<16xi32> to vector<16xf32>
        %and3A_2200 = arith.constant -65536 : i32
        %and3A_2201 = vector.broadcast %and3A_2200 : i32 to vector<16xi32>
        %and3A_2202 = arith.andi %gather3A_2195, %and3A_2201 : vector<16xi32>
        %bitcast3A_2203 = vector.bitcast %and3A_2202 : vector<16xi32> to vector<16xf32>
        %mul3A_2204 = arith.mulf %bitcast3A_2199, %bitcast3A_2155 : vector<16xf32>
        %add3A_2205 = arith.addf %add3A_2115, %mul3A_2204 : vector<16xf32>
        %mul3A_2206 = arith.mulf %bitcast3A_2203, %bitcast3A_2159 : vector<16xf32>
        %add3A_2207 = arith.addf %add3A_2205, %mul3A_2206 : vector<16xf32>
        %add3A_2208 = arith.constant 5 : i32
        %add3A_2209 = vector.broadcast %add3A_2208 : i32 to vector<16xi32>
        %add3A_2210 = arith.addi %mul3A_1657, %add3A_2209 : vector<16xi32>
        %gather3A_2211 = tpu.vector_load_idx %arg12[%add3A_1631, %add3A_2210] : memref<640x128xi32, #tpu.memory_space<vmem>>[vector<16xi32>, vector<16xi32>], vector<16xi32>,
        %shift_left3A_2212 = arith.constant 16 : i32
        %shift_left3A_2213 = vector.broadcast %shift_left3A_2212 : i32 to vector<16xi32>
        %shift_left3A_2214 = arith.shli %gather3A_2211, %shift_left3A_2213 : vector<16xi32>
        %bitcast3A_2215 = vector.bitcast %shift_left3A_2214 : vector<16xi32> to vector<16xf32>
        %and3A_2216 = arith.constant -65536 : i32
        %and3A_2217 = vector.broadcast %and3A_2216 : i32 to vector<16xi32>
        %and3A_2218 = arith.andi %gather3A_2211, %and3A_2217 : vector<16xi32>
        %bitcast3A_2219 = vector.bitcast %and3A_2218 : vector<16xi32> to vector<16xf32>
        %mul3A_2220 = arith.mulf %bitcast3A_2215, %bitcast3A_2155 : vector<16xf32>
        %add3A_2221 = arith.addf %add3A_2131, %mul3A_2220 : vector<16xf32>
        %mul3A_2222 = arith.mulf %bitcast3A_2219, %bitcast3A_2159 : vector<16xf32>
        %add3A_2223 = arith.addf %add3A_2221, %mul3A_2222 : vector<16xf32>
        %add3A_2224 = arith.constant 5 : i32
        %add3A_2225 = vector.broadcast %add3A_2224 : i32 to vector<16xi32>
        %add3A_2226 = arith.addi %mul3A_1688, %add3A_2225 : vector<16xi32>
        %gather3A_2227 = tpu.vector_load_idx %arg12[%add3A_1662, %add3A_2226] : memref<640x128xi32, #tpu.memory_space<vmem>>[vector<16xi32>, vector<16xi32>], vector<16xi32>,
        %shift_left3A_2228 = arith.constant 16 : i32
        %shift_left3A_2229 = vector.broadcast %shift_left3A_2228 : i32 to vector<16xi32>
        %shift_left3A_2230 = arith.shli %gather3A_2227, %shift_left3A_2229 : vector<16xi32>
        %bitcast3A_2231 = vector.bitcast %shift_left3A_2230 : vector<16xi32> to vector<16xf32>
        %and3A_2232 = arith.constant -65536 : i32
        %and3A_2233 = vector.broadcast %and3A_2232 : i32 to vector<16xi32>
        %and3A_2234 = arith.andi %gather3A_2227, %and3A_2233 : vector<16xi32>
        %bitcast3A_2235 = vector.bitcast %and3A_2234 : vector<16xi32> to vector<16xf32>
        %mul3A_2236 = arith.mulf %bitcast3A_2231, %bitcast3A_2155 : vector<16xf32>
        %add3A_2237 = arith.addf %add3A_2147, %mul3A_2236 : vector<16xf32>
        %mul3A_2238 = arith.mulf %bitcast3A_2235, %bitcast3A_2159 : vector<16xf32>
        %add3A_2239 = arith.addf %add3A_2237, %mul3A_2238 : vector<16xf32>
        %add3A_2240 = arith.constant 6 : i32
        %add3A_2241 = vector.broadcast %add3A_2240 : i32 to vector<16xi32>
        %add3A_2242 = arith.addi %mul3A_1536, %add3A_2241 : vector<16xi32>
        %gather3A_2243 = tpu.vector_load_idx %arg11[%add3A_1511, %add3A_2242] : memref<128x128xi32, #tpu.memory_space<vmem>>[vector<16xi32>, vector<16xi32>], vector<16xi32>,
        %shift_left3A_2244 = arith.constant 16 : i32
        %shift_left3A_2245 = vector.broadcast %shift_left3A_2244 : i32 to vector<16xi32>
        %shift_left3A_2246 = arith.shli %gather3A_2243, %shift_left3A_2245 : vector<16xi32>
        %bitcast3A_2247 = vector.bitcast %shift_left3A_2246 : vector<16xi32> to vector<16xf32>
        %and3A_2248 = arith.constant -65536 : i32
        %and3A_2249 = vector.broadcast %and3A_2248 : i32 to vector<16xi32>
        %and3A_2250 = arith.andi %gather3A_2243, %and3A_2249 : vector<16xi32>
        %bitcast3A_2251 = vector.bitcast %and3A_2250 : vector<16xi32> to vector<16xf32>
        %add3A_2252 = arith.constant 6 : i32
        %add3A_2253 = vector.broadcast %add3A_2252 : i32 to vector<16xi32>
        %add3A_2254 = arith.addi %mul3A_1565, %add3A_2253 : vector<16xi32>
        %gather3A_2255 = tpu.vector_load_idx %arg12[%add3A_1539, %add3A_2254] : memref<640x128xi32, #tpu.memory_space<vmem>>[vector<16xi32>, vector<16xi32>], vector<16xi32>,
        %shift_left3A_2256 = arith.constant 16 : i32
        %shift_left3A_2257 = vector.broadcast %shift_left3A_2256 : i32 to vector<16xi32>
        %shift_left3A_2258 = arith.shli %gather3A_2255, %shift_left3A_2257 : vector<16xi32>
        %bitcast3A_2259 = vector.bitcast %shift_left3A_2258 : vector<16xi32> to vector<16xf32>
        %and3A_2260 = arith.constant -65536 : i32
        %and3A_2261 = vector.broadcast %and3A_2260 : i32 to vector<16xi32>
        %and3A_2262 = arith.andi %gather3A_2255, %and3A_2261 : vector<16xi32>
        %bitcast3A_2263 = vector.bitcast %and3A_2262 : vector<16xi32> to vector<16xf32>
        %mul3A_2264 = arith.mulf %bitcast3A_2259, %bitcast3A_2247 : vector<16xf32>
        %add3A_2265 = arith.addf %add3A_2175, %mul3A_2264 : vector<16xf32>
        %mul3A_2266 = arith.mulf %bitcast3A_2263, %bitcast3A_2251 : vector<16xf32>
        %add3A_2267 = arith.addf %add3A_2265, %mul3A_2266 : vector<16xf32>
        %add3A_2268 = arith.constant 6 : i32
        %add3A_2269 = vector.broadcast %add3A_2268 : i32 to vector<16xi32>
        %add3A_2270 = arith.addi %mul3A_1595, %add3A_2269 : vector<16xi32>
        %gather3A_2271 = tpu.vector_load_idx %arg12[%add3A_1569, %add3A_2270] : memref<640x128xi32, #tpu.memory_space<vmem>>[vector<16xi32>, vector<16xi32>], vector<16xi32>,
        %shift_left3A_2272 = arith.constant 16 : i32
        %shift_left3A_2273 = vector.broadcast %shift_left3A_2272 : i32 to vector<16xi32>
        %shift_left3A_2274 = arith.shli %gather3A_2271, %shift_left3A_2273 : vector<16xi32>
        %bitcast3A_2275 = vector.bitcast %shift_left3A_2274 : vector<16xi32> to vector<16xf32>
        %and3A_2276 = arith.constant -65536 : i32
        %and3A_2277 = vector.broadcast %and3A_2276 : i32 to vector<16xi32>
        %and3A_2278 = arith.andi %gather3A_2271, %and3A_2277 : vector<16xi32>
        %bitcast3A_2279 = vector.bitcast %and3A_2278 : vector<16xi32> to vector<16xf32>
        %mul3A_2280 = arith.mulf %bitcast3A_2275, %bitcast3A_2247 : vector<16xf32>
        %add3A_2281 = arith.addf %add3A_2191, %mul3A_2280 : vector<16xf32>
        %mul3A_2282 = arith.mulf %bitcast3A_2279, %bitcast3A_2251 : vector<16xf32>
        %add3A_2283 = arith.addf %add3A_2281, %mul3A_2282 : vector<16xf32>
        %add3A_2284 = arith.constant 6 : i32
        %add3A_2285 = vector.broadcast %add3A_2284 : i32 to vector<16xi32>
        %add3A_2286 = arith.addi %mul3A_1626, %add3A_2285 : vector<16xi32>
        %gather3A_2287 = tpu.vector_load_idx %arg12[%add3A_1600, %add3A_2286] : memref<640x128xi32, #tpu.memory_space<vmem>>[vector<16xi32>, vector<16xi32>], vector<16xi32>,
        %shift_left3A_2288 = arith.constant 16 : i32
        %shift_left3A_2289 = vector.broadcast %shift_left3A_2288 : i32 to vector<16xi32>
        %shift_left3A_2290 = arith.shli %gather3A_2287, %shift_left3A_2289 : vector<16xi32>
        %bitcast3A_2291 = vector.bitcast %shift_left3A_2290 : vector<16xi32> to vector<16xf32>
        %and3A_2292 = arith.constant -65536 : i32
        %and3A_2293 = vector.broadcast %and3A_2292 : i32 to vector<16xi32>
        %and3A_2294 = arith.andi %gather3A_2287, %and3A_2293 : vector<16xi32>
        %bitcast3A_2295 = vector.bitcast %and3A_2294 : vector<16xi32> to vector<16xf32>
        %mul3A_2296 = arith.mulf %bitcast3A_2291, %bitcast3A_2247 : vector<16xf32>
        %add3A_2297 = arith.addf %add3A_2207, %mul3A_2296 : vector<16xf32>
        %mul3A_2298 = arith.mulf %bitcast3A_2295, %bitcast3A_2251 : vector<16xf32>
        %add3A_2299 = arith.addf %add3A_2297, %mul3A_2298 : vector<16xf32>
        %add3A_2300 = arith.constant 6 : i32
        %add3A_2301 = vector.broadcast %add3A_2300 : i32 to vector<16xi32>
        %add3A_2302 = arith.addi %mul3A_1657, %add3A_2301 : vector<16xi32>
        %gather3A_2303 = tpu.vector_load_idx %arg12[%add3A_1631, %add3A_2302] : memref<640x128xi32, #tpu.memory_space<vmem>>[vector<16xi32>, vector<16xi32>], vector<16xi32>,
        %shift_left3A_2304 = arith.constant 16 : i32
        %shift_left3A_2305 = vector.broadcast %shift_left3A_2304 : i32 to vector<16xi32>
        %shift_left3A_2306 = arith.shli %gather3A_2303, %shift_left3A_2305 : vector<16xi32>
        %bitcast3A_2307 = vector.bitcast %shift_left3A_2306 : vector<16xi32> to vector<16xf32>
        %and3A_2308 = arith.constant -65536 : i32
        %and3A_2309 = vector.broadcast %and3A_2308 : i32 to vector<16xi32>
        %and3A_2310 = arith.andi %gather3A_2303, %and3A_2309 : vector<16xi32>
        %bitcast3A_2311 = vector.bitcast %and3A_2310 : vector<16xi32> to vector<16xf32>
        %mul3A_2312 = arith.mulf %bitcast3A_2307, %bitcast3A_2247 : vector<16xf32>
        %add3A_2313 = arith.addf %add3A_2223, %mul3A_2312 : vector<16xf32>
        %mul3A_2314 = arith.mulf %bitcast3A_2311, %bitcast3A_2251 : vector<16xf32>
        %add3A_2315 = arith.addf %add3A_2313, %mul3A_2314 : vector<16xf32>
        %add3A_2316 = arith.constant 6 : i32
        %add3A_2317 = vector.broadcast %add3A_2316 : i32 to vector<16xi32>
        %add3A_2318 = arith.addi %mul3A_1688, %add3A_2317 : vector<16xi32>
        %gather3A_2319 = tpu.vector_load_idx %arg12[%add3A_1662, %add3A_2318] : memref<640x128xi32, #tpu.memory_space<vmem>>[vector<16xi32>, vector<16xi32>], vector<16xi32>,
        %shift_left3A_2320 = arith.constant 16 : i32
        %shift_left3A_2321 = vector.broadcast %shift_left3A_2320 : i32 to vector<16xi32>
        %shift_left3A_2322 = arith.shli %gather3A_2319, %shift_left3A_2321 : vector<16xi32>
        %bitcast3A_2323 = vector.bitcast %shift_left3A_2322 : vector<16xi32> to vector<16xf32>
        %and3A_2324 = arith.constant -65536 : i32
        %and3A_2325 = vector.broadcast %and3A_2324 : i32 to vector<16xi32>
        %and3A_2326 = arith.andi %gather3A_2319, %and3A_2325 : vector<16xi32>
        %bitcast3A_2327 = vector.bitcast %and3A_2326 : vector<16xi32> to vector<16xf32>
        %mul3A_2328 = arith.mulf %bitcast3A_2323, %bitcast3A_2247 : vector<16xf32>
        %add3A_2329 = arith.addf %add3A_2239, %mul3A_2328 : vector<16xf32>
        %mul3A_2330 = arith.mulf %bitcast3A_2327, %bitcast3A_2251 : vector<16xf32>
        %add3A_2331 = arith.addf %add3A_2329, %mul3A_2330 : vector<16xf32>
        %add3A_2332 = arith.constant 7 : i32
        %add3A_2333 = vector.broadcast %add3A_2332 : i32 to vector<16xi32>
        %add3A_2334 = arith.addi %mul3A_1536, %add3A_2333 : vector<16xi32>
        %gather3A_2335 = tpu.vector_load_idx %arg11[%add3A_1511, %add3A_2334] : memref<128x128xi32, #tpu.memory_space<vmem>>[vector<16xi32>, vector<16xi32>], vector<16xi32>,
        %shift_left3A_2336 = arith.constant 16 : i32
        %shift_left3A_2337 = vector.broadcast %shift_left3A_2336 : i32 to vector<16xi32>
        %shift_left3A_2338 = arith.shli %gather3A_2335, %shift_left3A_2337 : vector<16xi32>
        %bitcast3A_2339 = vector.bitcast %shift_left3A_2338 : vector<16xi32> to vector<16xf32>
        %and3A_2340 = arith.constant -65536 : i32
        %and3A_2341 = vector.broadcast %and3A_2340 : i32 to vector<16xi32>
        %and3A_2342 = arith.andi %gather3A_2335, %and3A_2341 : vector<16xi32>
        %bitcast3A_2343 = vector.bitcast %and3A_2342 : vector<16xi32> to vector<16xf32>
        %add3A_2344 = arith.constant 7 : i32
        %add3A_2345 = vector.broadcast %add3A_2344 : i32 to vector<16xi32>
        %add3A_2346 = arith.addi %mul3A_1565, %add3A_2345 : vector<16xi32>
        %gather3A_2347 = tpu.vector_load_idx %arg12[%add3A_1539, %add3A_2346] : memref<640x128xi32, #tpu.memory_space<vmem>>[vector<16xi32>, vector<16xi32>], vector<16xi32>,
        %shift_left3A_2348 = arith.constant 16 : i32
        %shift_left3A_2349 = vector.broadcast %shift_left3A_2348 : i32 to vector<16xi32>
        %shift_left3A_2350 = arith.shli %gather3A_2347, %shift_left3A_2349 : vector<16xi32>
        %bitcast3A_2351 = vector.bitcast %shift_left3A_2350 : vector<16xi32> to vector<16xf32>
        %and3A_2352 = arith.constant -65536 : i32
        %and3A_2353 = vector.broadcast %and3A_2352 : i32 to vector<16xi32>
        %and3A_2354 = arith.andi %gather3A_2347, %and3A_2353 : vector<16xi32>
        %bitcast3A_2355 = vector.bitcast %and3A_2354 : vector<16xi32> to vector<16xf32>
        %mul3A_2356 = arith.mulf %bitcast3A_2351, %bitcast3A_2339 : vector<16xf32>
        %add3A_2357 = arith.addf %add3A_2267, %mul3A_2356 : vector<16xf32>
        %mul3A_2358 = arith.mulf %bitcast3A_2355, %bitcast3A_2343 : vector<16xf32>
        %add3A_2359 = arith.addf %add3A_2357, %mul3A_2358 : vector<16xf32>
        %add3A_2360 = arith.constant 7 : i32
        %add3A_2361 = vector.broadcast %add3A_2360 : i32 to vector<16xi32>
        %add3A_2362 = arith.addi %mul3A_1595, %add3A_2361 : vector<16xi32>
        %gather3A_2363 = tpu.vector_load_idx %arg12[%add3A_1569, %add3A_2362] : memref<640x128xi32, #tpu.memory_space<vmem>>[vector<16xi32>, vector<16xi32>], vector<16xi32>,
        %shift_left3A_2364 = arith.constant 16 : i32
        %shift_left3A_2365 = vector.broadcast %shift_left3A_2364 : i32 to vector<16xi32>
        %shift_left3A_2366 = arith.shli %gather3A_2363, %shift_left3A_2365 : vector<16xi32>
        %bitcast3A_2367 = vector.bitcast %shift_left3A_2366 : vector<16xi32> to vector<16xf32>
        %and3A_2368 = arith.constant -65536 : i32
        %and3A_2369 = vector.broadcast %and3A_2368 : i32 to vector<16xi32>
        %and3A_2370 = arith.andi %gather3A_2363, %and3A_2369 : vector<16xi32>
        %bitcast3A_2371 = vector.bitcast %and3A_2370 : vector<16xi32> to vector<16xf32>
        %mul3A_2372 = arith.mulf %bitcast3A_2367, %bitcast3A_2339 : vector<16xf32>
        %add3A_2373 = arith.addf %add3A_2283, %mul3A_2372 : vector<16xf32>
        %mul3A_2374 = arith.mulf %bitcast3A_2371, %bitcast3A_2343 : vector<16xf32>
        %add3A_2375 = arith.addf %add3A_2373, %mul3A_2374 : vector<16xf32>
        %add3A_2376 = arith.constant 7 : i32
        %add3A_2377 = vector.broadcast %add3A_2376 : i32 to vector<16xi32>
        %add3A_2378 = arith.addi %mul3A_1626, %add3A_2377 : vector<16xi32>
        %gather3A_2379 = tpu.vector_load_idx %arg12[%add3A_1600, %add3A_2378] : memref<640x128xi32, #tpu.memory_space<vmem>>[vector<16xi32>, vector<16xi32>], vector<16xi32>,
        %shift_left3A_2380 = arith.constant 16 : i32
        %shift_left3A_2381 = vector.broadcast %shift_left3A_2380 : i32 to vector<16xi32>
        %shift_left3A_2382 = arith.shli %gather3A_2379, %shift_left3A_2381 : vector<16xi32>
        %bitcast3A_2383 = vector.bitcast %shift_left3A_2382 : vector<16xi32> to vector<16xf32>
        %and3A_2384 = arith.constant -65536 : i32
        %and3A_2385 = vector.broadcast %and3A_2384 : i32 to vector<16xi32>
        %and3A_2386 = arith.andi %gather3A_2379, %and3A_2385 : vector<16xi32>
        %bitcast3A_2387 = vector.bitcast %and3A_2386 : vector<16xi32> to vector<16xf32>
        %mul3A_2388 = arith.mulf %bitcast3A_2383, %bitcast3A_2339 : vector<16xf32>
        %add3A_2389 = arith.addf %add3A_2299, %mul3A_2388 : vector<16xf32>
        %mul3A_2390 = arith.mulf %bitcast3A_2387, %bitcast3A_2343 : vector<16xf32>
        %add3A_2391 = arith.addf %add3A_2389, %mul3A_2390 : vector<16xf32>
        %add3A_2392 = arith.constant 7 : i32
        %add3A_2393 = vector.broadcast %add3A_2392 : i32 to vector<16xi32>
        %add3A_2394 = arith.addi %mul3A_1657, %add3A_2393 : vector<16xi32>
        %gather3A_2395 = tpu.vector_load_idx %arg12[%add3A_1631, %add3A_2394] : memref<640x128xi32, #tpu.memory_space<vmem>>[vector<16xi32>, vector<16xi32>], vector<16xi32>,
        %shift_left3A_2396 = arith.constant 16 : i32
        %shift_left3A_2397 = vector.broadcast %shift_left3A_2396 : i32 to vector<16xi32>
        %shift_left3A_2398 = arith.shli %gather3A_2395, %shift_left3A_2397 : vector<16xi32>
        %bitcast3A_2399 = vector.bitcast %shift_left3A_2398 : vector<16xi32> to vector<16xf32>
        %and3A_2400 = arith.constant -65536 : i32
        %and3A_2401 = vector.broadcast %and3A_2400 : i32 to vector<16xi32>
        %and3A_2402 = arith.andi %gather3A_2395, %and3A_2401 : vector<16xi32>
        %bitcast3A_2403 = vector.bitcast %and3A_2402 : vector<16xi32> to vector<16xf32>
        %mul3A_2404 = arith.mulf %bitcast3A_2399, %bitcast3A_2339 : vector<16xf32>
        %add3A_2405 = arith.addf %add3A_2315, %mul3A_2404 : vector<16xf32>
        %mul3A_2406 = arith.mulf %bitcast3A_2403, %bitcast3A_2343 : vector<16xf32>
        %add3A_2407 = arith.addf %add3A_2405, %mul3A_2406 : vector<16xf32>
        %add3A_2408 = arith.constant 7 : i32
        %add3A_2409 = vector.broadcast %add3A_2408 : i32 to vector<16xi32>
        %add3A_2410 = arith.addi %mul3A_1688, %add3A_2409 : vector<16xi32>
        %gather3A_2411 = tpu.vector_load_idx %arg12[%add3A_1662, %add3A_2410] : memref<640x128xi32, #tpu.memory_space<vmem>>[vector<16xi32>, vector<16xi32>], vector<16xi32>,
        %shift_left3A_2412 = arith.constant 16 : i32
        %shift_left3A_2413 = vector.broadcast %shift_left3A_2412 : i32 to vector<16xi32>
        %shift_left3A_2414 = arith.shli %gather3A_2411, %shift_left3A_2413 : vector<16xi32>
        %bitcast3A_2415 = vector.bitcast %shift_left3A_2414 : vector<16xi32> to vector<16xf32>
        %and3A_2416 = arith.constant -65536 : i32
        %and3A_2417 = vector.broadcast %and3A_2416 : i32 to vector<16xi32>
        %and3A_2418 = arith.andi %gather3A_2411, %and3A_2417 : vector<16xi32>
        %bitcast3A_2419 = vector.bitcast %and3A_2418 : vector<16xi32> to vector<16xf32>
        %mul3A_2420 = arith.mulf %bitcast3A_2415, %bitcast3A_2339 : vector<16xf32>
        %add3A_2421 = arith.addf %add3A_2331, %mul3A_2420 : vector<16xf32>
        %mul3A_2422 = arith.mulf %bitcast3A_2419, %bitcast3A_2343 : vector<16xf32>
        %add3A_2423 = arith.addf %add3A_2421, %mul3A_2422 : vector<16xf32>
        %add3A_2424 = arith.constant 8 : i32
        %add3A_2425 = vector.broadcast %add3A_2424 : i32 to vector<16xi32>
        %add3A_2426 = arith.addi %mul3A_1536, %add3A_2425 : vector<16xi32>
        %gather3A_2427 = tpu.vector_load_idx %arg11[%add3A_1511, %add3A_2426] : memref<128x128xi32, #tpu.memory_space<vmem>>[vector<16xi32>, vector<16xi32>], vector<16xi32>,
        %shift_left3A_2428 = arith.constant 16 : i32
        %shift_left3A_2429 = vector.broadcast %shift_left3A_2428 : i32 to vector<16xi32>
        %shift_left3A_2430 = arith.shli %gather3A_2427, %shift_left3A_2429 : vector<16xi32>
        %bitcast3A_2431 = vector.bitcast %shift_left3A_2430 : vector<16xi32> to vector<16xf32>
        %and3A_2432 = arith.constant -65536 : i32
        %and3A_2433 = vector.broadcast %and3A_2432 : i32 to vector<16xi32>
        %and3A_2434 = arith.andi %gather3A_2427, %and3A_2433 : vector<16xi32>
        %bitcast3A_2435 = vector.bitcast %and3A_2434 : vector<16xi32> to vector<16xf32>
        %add3A_2436 = arith.constant 8 : i32
        %add3A_2437 = vector.broadcast %add3A_2436 : i32 to vector<16xi32>
        %add3A_2438 = arith.addi %mul3A_1565, %add3A_2437 : vector<16xi32>
        %gather3A_2439 = tpu.vector_load_idx %arg12[%add3A_1539, %add3A_2438] : memref<640x128xi32, #tpu.memory_space<vmem>>[vector<16xi32>, vector<16xi32>], vector<16xi32>,
        %shift_left3A_2440 = arith.constant 16 : i32
        %shift_left3A_2441 = vector.broadcast %shift_left3A_2440 : i32 to vector<16xi32>
        %shift_left3A_2442 = arith.shli %gather3A_2439, %shift_left3A_2441 : vector<16xi32>
        %bitcast3A_2443 = vector.bitcast %shift_left3A_2442 : vector<16xi32> to vector<16xf32>
        %and3A_2444 = arith.constant -65536 : i32
        %and3A_2445 = vector.broadcast %and3A_2444 : i32 to vector<16xi32>
        %and3A_2446 = arith.andi %gather3A_2439, %and3A_2445 : vector<16xi32>
        %bitcast3A_2447 = vector.bitcast %and3A_2446 : vector<16xi32> to vector<16xf32>
        %mul3A_2448 = arith.mulf %bitcast3A_2443, %bitcast3A_2431 : vector<16xf32>
        %add3A_2449 = arith.addf %add3A_2359, %mul3A_2448 : vector<16xf32>
        %mul3A_2450 = arith.mulf %bitcast3A_2447, %bitcast3A_2435 : vector<16xf32>
        %add3A_2451 = arith.addf %add3A_2449, %mul3A_2450 : vector<16xf32>
        %add3A_2452 = arith.constant 8 : i32
        %add3A_2453 = vector.broadcast %add3A_2452 : i32 to vector<16xi32>
        %add3A_2454 = arith.addi %mul3A_1595, %add3A_2453 : vector<16xi32>
        %gather3A_2455 = tpu.vector_load_idx %arg12[%add3A_1569, %add3A_2454] : memref<640x128xi32, #tpu.memory_space<vmem>>[vector<16xi32>, vector<16xi32>], vector<16xi32>,
        %shift_left3A_2456 = arith.constant 16 : i32
        %shift_left3A_2457 = vector.broadcast %shift_left3A_2456 : i32 to vector<16xi32>
        %shift_left3A_2458 = arith.shli %gather3A_2455, %shift_left3A_2457 : vector<16xi32>
        %bitcast3A_2459 = vector.bitcast %shift_left3A_2458 : vector<16xi32> to vector<16xf32>
        %and3A_2460 = arith.constant -65536 : i32
        %and3A_2461 = vector.broadcast %and3A_2460 : i32 to vector<16xi32>
        %and3A_2462 = arith.andi %gather3A_2455, %and3A_2461 : vector<16xi32>
        %bitcast3A_2463 = vector.bitcast %and3A_2462 : vector<16xi32> to vector<16xf32>
        %mul3A_2464 = arith.mulf %bitcast3A_2459, %bitcast3A_2431 : vector<16xf32>
        %add3A_2465 = arith.addf %add3A_2375, %mul3A_2464 : vector<16xf32>
        %mul3A_2466 = arith.mulf %bitcast3A_2463, %bitcast3A_2435 : vector<16xf32>
        %add3A_2467 = arith.addf %add3A_2465, %mul3A_2466 : vector<16xf32>
        %add3A_2468 = arith.constant 8 : i32
        %add3A_2469 = vector.broadcast %add3A_2468 : i32 to vector<16xi32>
        %add3A_2470 = arith.addi %mul3A_1626, %add3A_2469 : vector<16xi32>
        %gather3A_2471 = tpu.vector_load_idx %arg12[%add3A_1600, %add3A_2470] : memref<640x128xi32, #tpu.memory_space<vmem>>[vector<16xi32>, vector<16xi32>], vector<16xi32>,
        %shift_left3A_2472 = arith.constant 16 : i32
        %shift_left3A_2473 = vector.broadcast %shift_left3A_2472 : i32 to vector<16xi32>
        %shift_left3A_2474 = arith.shli %gather3A_2471, %shift_left3A_2473 : vector<16xi32>
        %bitcast3A_2475 = vector.bitcast %shift_left3A_2474 : vector<16xi32> to vector<16xf32>
        %and3A_2476 = arith.constant -65536 : i32
        %and3A_2477 = vector.broadcast %and3A_2476 : i32 to vector<16xi32>
        %and3A_2478 = arith.andi %gather3A_2471, %and3A_2477 : vector<16xi32>
        %bitcast3A_2479 = vector.bitcast %and3A_2478 : vector<16xi32> to vector<16xf32>
        %mul3A_2480 = arith.mulf %bitcast3A_2475, %bitcast3A_2431 : vector<16xf32>
        %add3A_2481 = arith.addf %add3A_2391, %mul3A_2480 : vector<16xf32>
        %mul3A_2482 = arith.mulf %bitcast3A_2479, %bitcast3A_2435 : vector<16xf32>
        %add3A_2483 = arith.addf %add3A_2481, %mul3A_2482 : vector<16xf32>
        %add3A_2484 = arith.constant 8 : i32
        %add3A_2485 = vector.broadcast %add3A_2484 : i32 to vector<16xi32>
        %add3A_2486 = arith.addi %mul3A_1657, %add3A_2485 : vector<16xi32>
        %gather3A_2487 = tpu.vector_load_idx %arg12[%add3A_1631, %add3A_2486] : memref<640x128xi32, #tpu.memory_space<vmem>>[vector<16xi32>, vector<16xi32>], vector<16xi32>,
        %shift_left3A_2488 = arith.constant 16 : i32
        %shift_left3A_2489 = vector.broadcast %shift_left3A_2488 : i32 to vector<16xi32>
        %shift_left3A_2490 = arith.shli %gather3A_2487, %shift_left3A_2489 : vector<16xi32>
        %bitcast3A_2491 = vector.bitcast %shift_left3A_2490 : vector<16xi32> to vector<16xf32>
        %and3A_2492 = arith.constant -65536 : i32
        %and3A_2493 = vector.broadcast %and3A_2492 : i32 to vector<16xi32>
        %and3A_2494 = arith.andi %gather3A_2487, %and3A_2493 : vector<16xi32>
        %bitcast3A_2495 = vector.bitcast %and3A_2494 : vector<16xi32> to vector<16xf32>
        %mul3A_2496 = arith.mulf %bitcast3A_2491, %bitcast3A_2431 : vector<16xf32>
        %add3A_2497 = arith.addf %add3A_2407, %mul3A_2496 : vector<16xf32>
        %mul3A_2498 = arith.mulf %bitcast3A_2495, %bitcast3A_2435 : vector<16xf32>
        %add3A_2499 = arith.addf %add3A_2497, %mul3A_2498 : vector<16xf32>
        %add3A_2500 = arith.constant 8 : i32
        %add3A_2501 = vector.broadcast %add3A_2500 : i32 to vector<16xi32>
        %add3A_2502 = arith.addi %mul3A_1688, %add3A_2501 : vector<16xi32>
        %gather3A_2503 = tpu.vector_load_idx %arg12[%add3A_1662, %add3A_2502] : memref<640x128xi32, #tpu.memory_space<vmem>>[vector<16xi32>, vector<16xi32>], vector<16xi32>,
        %shift_left3A_2504 = arith.constant 16 : i32
        %shift_left3A_2505 = vector.broadcast %shift_left3A_2504 : i32 to vector<16xi32>
        %shift_left3A_2506 = arith.shli %gather3A_2503, %shift_left3A_2505 : vector<16xi32>
        %bitcast3A_2507 = vector.bitcast %shift_left3A_2506 : vector<16xi32> to vector<16xf32>
        %and3A_2508 = arith.constant -65536 : i32
        %and3A_2509 = vector.broadcast %and3A_2508 : i32 to vector<16xi32>
        %and3A_2510 = arith.andi %gather3A_2503, %and3A_2509 : vector<16xi32>
        %bitcast3A_2511 = vector.bitcast %and3A_2510 : vector<16xi32> to vector<16xf32>
        %mul3A_2512 = arith.mulf %bitcast3A_2507, %bitcast3A_2431 : vector<16xf32>
        %add3A_2513 = arith.addf %add3A_2423, %mul3A_2512 : vector<16xf32>
        %mul3A_2514 = arith.mulf %bitcast3A_2511, %bitcast3A_2435 : vector<16xf32>
        %add3A_2515 = arith.addf %add3A_2513, %mul3A_2514 : vector<16xf32>
        %add3A_2516 = arith.constant 9 : i32
        %add3A_2517 = vector.broadcast %add3A_2516 : i32 to vector<16xi32>
        %add3A_2518 = arith.addi %mul3A_1536, %add3A_2517 : vector<16xi32>
        %gather3A_2519 = tpu.vector_load_idx %arg11[%add3A_1511, %add3A_2518] : memref<128x128xi32, #tpu.memory_space<vmem>>[vector<16xi32>, vector<16xi32>], vector<16xi32>,
        %shift_left3A_2520 = arith.constant 16 : i32
        %shift_left3A_2521 = vector.broadcast %shift_left3A_2520 : i32 to vector<16xi32>
        %shift_left3A_2522 = arith.shli %gather3A_2519, %shift_left3A_2521 : vector<16xi32>
        %bitcast3A_2523 = vector.bitcast %shift_left3A_2522 : vector<16xi32> to vector<16xf32>
        %and3A_2524 = arith.constant -65536 : i32
        %and3A_2525 = vector.broadcast %and3A_2524 : i32 to vector<16xi32>
        %and3A_2526 = arith.andi %gather3A_2519, %and3A_2525 : vector<16xi32>
        %bitcast3A_2527 = vector.bitcast %and3A_2526 : vector<16xi32> to vector<16xf32>
        %add3A_2528 = arith.constant 9 : i32
        %add3A_2529 = vector.broadcast %add3A_2528 : i32 to vector<16xi32>
        %add3A_2530 = arith.addi %mul3A_1565, %add3A_2529 : vector<16xi32>
        %gather3A_2531 = tpu.vector_load_idx %arg12[%add3A_1539, %add3A_2530] : memref<640x128xi32, #tpu.memory_space<vmem>>[vector<16xi32>, vector<16xi32>], vector<16xi32>,
        %shift_left3A_2532 = arith.constant 16 : i32
        %shift_left3A_2533 = vector.broadcast %shift_left3A_2532 : i32 to vector<16xi32>
        %shift_left3A_2534 = arith.shli %gather3A_2531, %shift_left3A_2533 : vector<16xi32>
        %bitcast3A_2535 = vector.bitcast %shift_left3A_2534 : vector<16xi32> to vector<16xf32>
        %and3A_2536 = arith.constant -65536 : i32
        %and3A_2537 = vector.broadcast %and3A_2536 : i32 to vector<16xi32>
        %and3A_2538 = arith.andi %gather3A_2531, %and3A_2537 : vector<16xi32>
        %bitcast3A_2539 = vector.bitcast %and3A_2538 : vector<16xi32> to vector<16xf32>
        %mul3A_2540 = arith.mulf %bitcast3A_2535, %bitcast3A_2523 : vector<16xf32>
        %add3A_2541 = arith.addf %add3A_2451, %mul3A_2540 : vector<16xf32>
        %mul3A_2542 = arith.mulf %bitcast3A_2539, %bitcast3A_2527 : vector<16xf32>
        %add3A_2543 = arith.addf %add3A_2541, %mul3A_2542 : vector<16xf32>
        %add3A_2544 = arith.constant 9 : i32
        %add3A_2545 = vector.broadcast %add3A_2544 : i32 to vector<16xi32>
        %add3A_2546 = arith.addi %mul3A_1595, %add3A_2545 : vector<16xi32>
        %gather3A_2547 = tpu.vector_load_idx %arg12[%add3A_1569, %add3A_2546] : memref<640x128xi32, #tpu.memory_space<vmem>>[vector<16xi32>, vector<16xi32>], vector<16xi32>,
        %shift_left3A_2548 = arith.constant 16 : i32
        %shift_left3A_2549 = vector.broadcast %shift_left3A_2548 : i32 to vector<16xi32>
        %shift_left3A_2550 = arith.shli %gather3A_2547, %shift_left3A_2549 : vector<16xi32>
        %bitcast3A_2551 = vector.bitcast %shift_left3A_2550 : vector<16xi32> to vector<16xf32>
        %and3A_2552 = arith.constant -65536 : i32
        %and3A_2553 = vector.broadcast %and3A_2552 : i32 to vector<16xi32>
        %and3A_2554 = arith.andi %gather3A_2547, %and3A_2553 : vector<16xi32>
        %bitcast3A_2555 = vector.bitcast %and3A_2554 : vector<16xi32> to vector<16xf32>
        %mul3A_2556 = arith.mulf %bitcast3A_2551, %bitcast3A_2523 : vector<16xf32>
        %add3A_2557 = arith.addf %add3A_2467, %mul3A_2556 : vector<16xf32>
        %mul3A_2558 = arith.mulf %bitcast3A_2555, %bitcast3A_2527 : vector<16xf32>
        %add3A_2559 = arith.addf %add3A_2557, %mul3A_2558 : vector<16xf32>
        %add3A_2560 = arith.constant 9 : i32
        %add3A_2561 = vector.broadcast %add3A_2560 : i32 to vector<16xi32>
        %add3A_2562 = arith.addi %mul3A_1626, %add3A_2561 : vector<16xi32>
        %gather3A_2563 = tpu.vector_load_idx %arg12[%add3A_1600, %add3A_2562] : memref<640x128xi32, #tpu.memory_space<vmem>>[vector<16xi32>, vector<16xi32>], vector<16xi32>,
        %shift_left3A_2564 = arith.constant 16 : i32
        %shift_left3A_2565 = vector.broadcast %shift_left3A_2564 : i32 to vector<16xi32>
        %shift_left3A_2566 = arith.shli %gather3A_2563, %shift_left3A_2565 : vector<16xi32>
        %bitcast3A_2567 = vector.bitcast %shift_left3A_2566 : vector<16xi32> to vector<16xf32>
        %and3A_2568 = arith.constant -65536 : i32
        %and3A_2569 = vector.broadcast %and3A_2568 : i32 to vector<16xi32>
        %and3A_2570 = arith.andi %gather3A_2563, %and3A_2569 : vector<16xi32>
        %bitcast3A_2571 = vector.bitcast %and3A_2570 : vector<16xi32> to vector<16xf32>
        %mul3A_2572 = arith.mulf %bitcast3A_2567, %bitcast3A_2523 : vector<16xf32>
        %add3A_2573 = arith.addf %add3A_2483, %mul3A_2572 : vector<16xf32>
        %mul3A_2574 = arith.mulf %bitcast3A_2571, %bitcast3A_2527 : vector<16xf32>
        %add3A_2575 = arith.addf %add3A_2573, %mul3A_2574 : vector<16xf32>
        %add3A_2576 = arith.constant 9 : i32
        %add3A_2577 = vector.broadcast %add3A_2576 : i32 to vector<16xi32>
        %add3A_2578 = arith.addi %mul3A_1657, %add3A_2577 : vector<16xi32>
        %gather3A_2579 = tpu.vector_load_idx %arg12[%add3A_1631, %add3A_2578] : memref<640x128xi32, #tpu.memory_space<vmem>>[vector<16xi32>, vector<16xi32>], vector<16xi32>,
        %shift_left3A_2580 = arith.constant 16 : i32
        %shift_left3A_2581 = vector.broadcast %shift_left3A_2580 : i32 to vector<16xi32>
        %shift_left3A_2582 = arith.shli %gather3A_2579, %shift_left3A_2581 : vector<16xi32>
        %bitcast3A_2583 = vector.bitcast %shift_left3A_2582 : vector<16xi32> to vector<16xf32>
        %and3A_2584 = arith.constant -65536 : i32
        %and3A_2585 = vector.broadcast %and3A_2584 : i32 to vector<16xi32>
        %and3A_2586 = arith.andi %gather3A_2579, %and3A_2585 : vector<16xi32>
        %bitcast3A_2587 = vector.bitcast %and3A_2586 : vector<16xi32> to vector<16xf32>
        %mul3A_2588 = arith.mulf %bitcast3A_2583, %bitcast3A_2523 : vector<16xf32>
        %add3A_2589 = arith.addf %add3A_2499, %mul3A_2588 : vector<16xf32>
        %mul3A_2590 = arith.mulf %bitcast3A_2587, %bitcast3A_2527 : vector<16xf32>
        %add3A_2591 = arith.addf %add3A_2589, %mul3A_2590 : vector<16xf32>
        %add3A_2592 = arith.constant 9 : i32
        %add3A_2593 = vector.broadcast %add3A_2592 : i32 to vector<16xi32>
        %add3A_2594 = arith.addi %mul3A_1688, %add3A_2593 : vector<16xi32>
        %gather3A_2595 = tpu.vector_load_idx %arg12[%add3A_1662, %add3A_2594] : memref<640x128xi32, #tpu.memory_space<vmem>>[vector<16xi32>, vector<16xi32>], vector<16xi32>,
        %shift_left3A_2596 = arith.constant 16 : i32
        %shift_left3A_2597 = vector.broadcast %shift_left3A_2596 : i32 to vector<16xi32>
        %shift_left3A_2598 = arith.shli %gather3A_2595, %shift_left3A_2597 : vector<16xi32>
        %bitcast3A_2599 = vector.bitcast %shift_left3A_2598 : vector<16xi32> to vector<16xf32>
        %and3A_2600 = arith.constant -65536 : i32
        %and3A_2601 = vector.broadcast %and3A_2600 : i32 to vector<16xi32>
        %and3A_2602 = arith.andi %gather3A_2595, %and3A_2601 : vector<16xi32>
        %bitcast3A_2603 = vector.bitcast %and3A_2602 : vector<16xi32> to vector<16xf32>
        %mul3A_2604 = arith.mulf %bitcast3A_2599, %bitcast3A_2523 : vector<16xf32>
        %add3A_2605 = arith.addf %add3A_2515, %mul3A_2604 : vector<16xf32>
        %mul3A_2606 = arith.mulf %bitcast3A_2603, %bitcast3A_2527 : vector<16xf32>
        %add3A_2607 = arith.addf %add3A_2605, %mul3A_2606 : vector<16xf32>
        %add3A_2608 = arith.constant 10 : i32
        %add3A_2609 = vector.broadcast %add3A_2608 : i32 to vector<16xi32>
        %add3A_2610 = arith.addi %mul3A_1536, %add3A_2609 : vector<16xi32>
        %gather3A_2611 = tpu.vector_load_idx %arg11[%add3A_1511, %add3A_2610] : memref<128x128xi32, #tpu.memory_space<vmem>>[vector<16xi32>, vector<16xi32>], vector<16xi32>,
        %shift_left3A_2612 = arith.constant 16 : i32
        %shift_left3A_2613 = vector.broadcast %shift_left3A_2612 : i32 to vector<16xi32>
        %shift_left3A_2614 = arith.shli %gather3A_2611, %shift_left3A_2613 : vector<16xi32>
        %bitcast3A_2615 = vector.bitcast %shift_left3A_2614 : vector<16xi32> to vector<16xf32>
        %and3A_2616 = arith.constant -65536 : i32
        %and3A_2617 = vector.broadcast %and3A_2616 : i32 to vector<16xi32>
        %and3A_2618 = arith.andi %gather3A_2611, %and3A_2617 : vector<16xi32>
        %bitcast3A_2619 = vector.bitcast %and3A_2618 : vector<16xi32> to vector<16xf32>
        %add3A_2620 = arith.constant 10 : i32
        %add3A_2621 = vector.broadcast %add3A_2620 : i32 to vector<16xi32>
        %add3A_2622 = arith.addi %mul3A_1565, %add3A_2621 : vector<16xi32>
        %gather3A_2623 = tpu.vector_load_idx %arg12[%add3A_1539, %add3A_2622] : memref<640x128xi32, #tpu.memory_space<vmem>>[vector<16xi32>, vector<16xi32>], vector<16xi32>,
        %shift_left3A_2624 = arith.constant 16 : i32
        %shift_left3A_2625 = vector.broadcast %shift_left3A_2624 : i32 to vector<16xi32>
        %shift_left3A_2626 = arith.shli %gather3A_2623, %shift_left3A_2625 : vector<16xi32>
        %bitcast3A_2627 = vector.bitcast %shift_left3A_2626 : vector<16xi32> to vector<16xf32>
        %and3A_2628 = arith.constant -65536 : i32
        %and3A_2629 = vector.broadcast %and3A_2628 : i32 to vector<16xi32>
        %and3A_2630 = arith.andi %gather3A_2623, %and3A_2629 : vector<16xi32>
        %bitcast3A_2631 = vector.bitcast %and3A_2630 : vector<16xi32> to vector<16xf32>
        %mul3A_2632 = arith.mulf %bitcast3A_2627, %bitcast3A_2615 : vector<16xf32>
        %add3A_2633 = arith.addf %add3A_2543, %mul3A_2632 : vector<16xf32>
        %mul3A_2634 = arith.mulf %bitcast3A_2631, %bitcast3A_2619 : vector<16xf32>
        %add3A_2635 = arith.addf %add3A_2633, %mul3A_2634 : vector<16xf32>
        %add3A_2636 = arith.constant 10 : i32
        %add3A_2637 = vector.broadcast %add3A_2636 : i32 to vector<16xi32>
        %add3A_2638 = arith.addi %mul3A_1595, %add3A_2637 : vector<16xi32>
        %gather3A_2639 = tpu.vector_load_idx %arg12[%add3A_1569, %add3A_2638] : memref<640x128xi32, #tpu.memory_space<vmem>>[vector<16xi32>, vector<16xi32>], vector<16xi32>,
        %shift_left3A_2640 = arith.constant 16 : i32
        %shift_left3A_2641 = vector.broadcast %shift_left3A_2640 : i32 to vector<16xi32>
        %shift_left3A_2642 = arith.shli %gather3A_2639, %shift_left3A_2641 : vector<16xi32>
        %bitcast3A_2643 = vector.bitcast %shift_left3A_2642 : vector<16xi32> to vector<16xf32>
        %and3A_2644 = arith.constant -65536 : i32
        %and3A_2645 = vector.broadcast %and3A_2644 : i32 to vector<16xi32>
        %and3A_2646 = arith.andi %gather3A_2639, %and3A_2645 : vector<16xi32>
        %bitcast3A_2647 = vector.bitcast %and3A_2646 : vector<16xi32> to vector<16xf32>
        %mul3A_2648 = arith.mulf %bitcast3A_2643, %bitcast3A_2615 : vector<16xf32>
        %add3A_2649 = arith.addf %add3A_2559, %mul3A_2648 : vector<16xf32>
        %mul3A_2650 = arith.mulf %bitcast3A_2647, %bitcast3A_2619 : vector<16xf32>
        %add3A_2651 = arith.addf %add3A_2649, %mul3A_2650 : vector<16xf32>
        %add3A_2652 = arith.constant 10 : i32
        %add3A_2653 = vector.broadcast %add3A_2652 : i32 to vector<16xi32>
        %add3A_2654 = arith.addi %mul3A_1626, %add3A_2653 : vector<16xi32>
        %gather3A_2655 = tpu.vector_load_idx %arg12[%add3A_1600, %add3A_2654] : memref<640x128xi32, #tpu.memory_space<vmem>>[vector<16xi32>, vector<16xi32>], vector<16xi32>,
        %shift_left3A_2656 = arith.constant 16 : i32
        %shift_left3A_2657 = vector.broadcast %shift_left3A_2656 : i32 to vector<16xi32>
        %shift_left3A_2658 = arith.shli %gather3A_2655, %shift_left3A_2657 : vector<16xi32>
        %bitcast3A_2659 = vector.bitcast %shift_left3A_2658 : vector<16xi32> to vector<16xf32>
        %and3A_2660 = arith.constant -65536 : i32
        %and3A_2661 = vector.broadcast %and3A_2660 : i32 to vector<16xi32>
        %and3A_2662 = arith.andi %gather3A_2655, %and3A_2661 : vector<16xi32>
        %bitcast3A_2663 = vector.bitcast %and3A_2662 : vector<16xi32> to vector<16xf32>
        %mul3A_2664 = arith.mulf %bitcast3A_2659, %bitcast3A_2615 : vector<16xf32>
        %add3A_2665 = arith.addf %add3A_2575, %mul3A_2664 : vector<16xf32>
        %mul3A_2666 = arith.mulf %bitcast3A_2663, %bitcast3A_2619 : vector<16xf32>
        %add3A_2667 = arith.addf %add3A_2665, %mul3A_2666 : vector<16xf32>
        %add3A_2668 = arith.constant 10 : i32
        %add3A_2669 = vector.broadcast %add3A_2668 : i32 to vector<16xi32>
        %add3A_2670 = arith.addi %mul3A_1657, %add3A_2669 : vector<16xi32>
        %gather3A_2671 = tpu.vector_load_idx %arg12[%add3A_1631, %add3A_2670] : memref<640x128xi32, #tpu.memory_space<vmem>>[vector<16xi32>, vector<16xi32>], vector<16xi32>,
        %shift_left3A_2672 = arith.constant 16 : i32
        %shift_left3A_2673 = vector.broadcast %shift_left3A_2672 : i32 to vector<16xi32>
        %shift_left3A_2674 = arith.shli %gather3A_2671, %shift_left3A_2673 : vector<16xi32>
        %bitcast3A_2675 = vector.bitcast %shift_left3A_2674 : vector<16xi32> to vector<16xf32>
        %and3A_2676 = arith.constant -65536 : i32
        %and3A_2677 = vector.broadcast %and3A_2676 : i32 to vector<16xi32>
        %and3A_2678 = arith.andi %gather3A_2671, %and3A_2677 : vector<16xi32>
        %bitcast3A_2679 = vector.bitcast %and3A_2678 : vector<16xi32> to vector<16xf32>
        %mul3A_2680 = arith.mulf %bitcast3A_2675, %bitcast3A_2615 : vector<16xf32>
        %add3A_2681 = arith.addf %add3A_2591, %mul3A_2680 : vector<16xf32>
        %mul3A_2682 = arith.mulf %bitcast3A_2679, %bitcast3A_2619 : vector<16xf32>
        %add3A_2683 = arith.addf %add3A_2681, %mul3A_2682 : vector<16xf32>
        %add3A_2684 = arith.constant 10 : i32
        %add3A_2685 = vector.broadcast %add3A_2684 : i32 to vector<16xi32>
        %add3A_2686 = arith.addi %mul3A_1688, %add3A_2685 : vector<16xi32>
        %gather3A_2687 = tpu.vector_load_idx %arg12[%add3A_1662, %add3A_2686] : memref<640x128xi32, #tpu.memory_space<vmem>>[vector<16xi32>, vector<16xi32>], vector<16xi32>,
        %shift_left3A_2688 = arith.constant 16 : i32
        %shift_left3A_2689 = vector.broadcast %shift_left3A_2688 : i32 to vector<16xi32>
        %shift_left3A_2690 = arith.shli %gather3A_2687, %shift_left3A_2689 : vector<16xi32>
        %bitcast3A_2691 = vector.bitcast %shift_left3A_2690 : vector<16xi32> to vector<16xf32>
        %and3A_2692 = arith.constant -65536 : i32
        %and3A_2693 = vector.broadcast %and3A_2692 : i32 to vector<16xi32>
        %and3A_2694 = arith.andi %gather3A_2687, %and3A_2693 : vector<16xi32>
        %bitcast3A_2695 = vector.bitcast %and3A_2694 : vector<16xi32> to vector<16xf32>
        %mul3A_2696 = arith.mulf %bitcast3A_2691, %bitcast3A_2615 : vector<16xf32>
        %add3A_2697 = arith.addf %add3A_2607, %mul3A_2696 : vector<16xf32>
        %mul3A_2698 = arith.mulf %bitcast3A_2695, %bitcast3A_2619 : vector<16xf32>
        %add3A_2699 = arith.addf %add3A_2697, %mul3A_2698 : vector<16xf32>
        %add3A_2700 = arith.constant 11 : i32
        %add3A_2701 = vector.broadcast %add3A_2700 : i32 to vector<16xi32>
        %add3A_2702 = arith.addi %mul3A_1536, %add3A_2701 : vector<16xi32>
        %gather3A_2703 = tpu.vector_load_idx %arg11[%add3A_1511, %add3A_2702] : memref<128x128xi32, #tpu.memory_space<vmem>>[vector<16xi32>, vector<16xi32>], vector<16xi32>,
        %shift_left3A_2704 = arith.constant 16 : i32
        %shift_left3A_2705 = vector.broadcast %shift_left3A_2704 : i32 to vector<16xi32>
        %shift_left3A_2706 = arith.shli %gather3A_2703, %shift_left3A_2705 : vector<16xi32>
        %bitcast3A_2707 = vector.bitcast %shift_left3A_2706 : vector<16xi32> to vector<16xf32>
        %and3A_2708 = arith.constant -65536 : i32
        %and3A_2709 = vector.broadcast %and3A_2708 : i32 to vector<16xi32>
        %and3A_2710 = arith.andi %gather3A_2703, %and3A_2709 : vector<16xi32>
        %bitcast3A_2711 = vector.bitcast %and3A_2710 : vector<16xi32> to vector<16xf32>
        %add3A_2712 = arith.constant 11 : i32
        %add3A_2713 = vector.broadcast %add3A_2712 : i32 to vector<16xi32>
        %add3A_2714 = arith.addi %mul3A_1565, %add3A_2713 : vector<16xi32>
        %gather3A_2715 = tpu.vector_load_idx %arg12[%add3A_1539, %add3A_2714] : memref<640x128xi32, #tpu.memory_space<vmem>>[vector<16xi32>, vector<16xi32>], vector<16xi32>,
        %shift_left3A_2716 = arith.constant 16 : i32
        %shift_left3A_2717 = vector.broadcast %shift_left3A_2716 : i32 to vector<16xi32>
        %shift_left3A_2718 = arith.shli %gather3A_2715, %shift_left3A_2717 : vector<16xi32>
        %bitcast3A_2719 = vector.bitcast %shift_left3A_2718 : vector<16xi32> to vector<16xf32>
        %and3A_2720 = arith.constant -65536 : i32
        %and3A_2721 = vector.broadcast %and3A_2720 : i32 to vector<16xi32>
        %and3A_2722 = arith.andi %gather3A_2715, %and3A_2721 : vector<16xi32>
        %bitcast3A_2723 = vector.bitcast %and3A_2722 : vector<16xi32> to vector<16xf32>
        %mul3A_2724 = arith.mulf %bitcast3A_2719, %bitcast3A_2707 : vector<16xf32>
        %add3A_2725 = arith.addf %add3A_2635, %mul3A_2724 : vector<16xf32>
        %mul3A_2726 = arith.mulf %bitcast3A_2723, %bitcast3A_2711 : vector<16xf32>
        %add3A_2727 = arith.addf %add3A_2725, %mul3A_2726 : vector<16xf32>
        %add3A_2728 = arith.constant 11 : i32
        %add3A_2729 = vector.broadcast %add3A_2728 : i32 to vector<16xi32>
        %add3A_2730 = arith.addi %mul3A_1595, %add3A_2729 : vector<16xi32>
        %gather3A_2731 = tpu.vector_load_idx %arg12[%add3A_1569, %add3A_2730] : memref<640x128xi32, #tpu.memory_space<vmem>>[vector<16xi32>, vector<16xi32>], vector<16xi32>,
        %shift_left3A_2732 = arith.constant 16 : i32
        %shift_left3A_2733 = vector.broadcast %shift_left3A_2732 : i32 to vector<16xi32>
        %shift_left3A_2734 = arith.shli %gather3A_2731, %shift_left3A_2733 : vector<16xi32>
        %bitcast3A_2735 = vector.bitcast %shift_left3A_2734 : vector<16xi32> to vector<16xf32>
        %and3A_2736 = arith.constant -65536 : i32
        %and3A_2737 = vector.broadcast %and3A_2736 : i32 to vector<16xi32>
        %and3A_2738 = arith.andi %gather3A_2731, %and3A_2737 : vector<16xi32>
        %bitcast3A_2739 = vector.bitcast %and3A_2738 : vector<16xi32> to vector<16xf32>
        %mul3A_2740 = arith.mulf %bitcast3A_2735, %bitcast3A_2707 : vector<16xf32>
        %add3A_2741 = arith.addf %add3A_2651, %mul3A_2740 : vector<16xf32>
        %mul3A_2742 = arith.mulf %bitcast3A_2739, %bitcast3A_2711 : vector<16xf32>
        %add3A_2743 = arith.addf %add3A_2741, %mul3A_2742 : vector<16xf32>
        %add3A_2744 = arith.constant 11 : i32
        %add3A_2745 = vector.broadcast %add3A_2744 : i32 to vector<16xi32>
        %add3A_2746 = arith.addi %mul3A_1626, %add3A_2745 : vector<16xi32>
        %gather3A_2747 = tpu.vector_load_idx %arg12[%add3A_1600, %add3A_2746] : memref<640x128xi32, #tpu.memory_space<vmem>>[vector<16xi32>, vector<16xi32>], vector<16xi32>,
        %shift_left3A_2748 = arith.constant 16 : i32
        %shift_left3A_2749 = vector.broadcast %shift_left3A_2748 : i32 to vector<16xi32>
        %shift_left3A_2750 = arith.shli %gather3A_2747, %shift_left3A_2749 : vector<16xi32>
        %bitcast3A_2751 = vector.bitcast %shift_left3A_2750 : vector<16xi32> to vector<16xf32>
        %and3A_2752 = arith.constant -65536 : i32
        %and3A_2753 = vector.broadcast %and3A_2752 : i32 to vector<16xi32>
        %and3A_2754 = arith.andi %gather3A_2747, %and3A_2753 : vector<16xi32>
        %bitcast3A_2755 = vector.bitcast %and3A_2754 : vector<16xi32> to vector<16xf32>
        %mul3A_2756 = arith.mulf %bitcast3A_2751, %bitcast3A_2707 : vector<16xf32>
        %add3A_2757 = arith.addf %add3A_2667, %mul3A_2756 : vector<16xf32>
        %mul3A_2758 = arith.mulf %bitcast3A_2755, %bitcast3A_2711 : vector<16xf32>
        %add3A_2759 = arith.addf %add3A_2757, %mul3A_2758 : vector<16xf32>
        %add3A_2760 = arith.constant 11 : i32
        %add3A_2761 = vector.broadcast %add3A_2760 : i32 to vector<16xi32>
        %add3A_2762 = arith.addi %mul3A_1657, %add3A_2761 : vector<16xi32>
        %gather3A_2763 = tpu.vector_load_idx %arg12[%add3A_1631, %add3A_2762] : memref<640x128xi32, #tpu.memory_space<vmem>>[vector<16xi32>, vector<16xi32>], vector<16xi32>,
        %shift_left3A_2764 = arith.constant 16 : i32
        %shift_left3A_2765 = vector.broadcast %shift_left3A_2764 : i32 to vector<16xi32>
        %shift_left3A_2766 = arith.shli %gather3A_2763, %shift_left3A_2765 : vector<16xi32>
        %bitcast3A_2767 = vector.bitcast %shift_left3A_2766 : vector<16xi32> to vector<16xf32>
        %and3A_2768 = arith.constant -65536 : i32
        %and3A_2769 = vector.broadcast %and3A_2768 : i32 to vector<16xi32>
        %and3A_2770 = arith.andi %gather3A_2763, %and3A_2769 : vector<16xi32>
        %bitcast3A_2771 = vector.bitcast %and3A_2770 : vector<16xi32> to vector<16xf32>
        %mul3A_2772 = arith.mulf %bitcast3A_2767, %bitcast3A_2707 : vector<16xf32>
        %add3A_2773 = arith.addf %add3A_2683, %mul3A_2772 : vector<16xf32>
        %mul3A_2774 = arith.mulf %bitcast3A_2771, %bitcast3A_2711 : vector<16xf32>
        %add3A_2775 = arith.addf %add3A_2773, %mul3A_2774 : vector<16xf32>
        %add3A_2776 = arith.constant 11 : i32
        %add3A_2777 = vector.broadcast %add3A_2776 : i32 to vector<16xi32>
        %add3A_2778 = arith.addi %mul3A_1688, %add3A_2777 : vector<16xi32>
        %gather3A_2779 = tpu.vector_load_idx %arg12[%add3A_1662, %add3A_2778] : memref<640x128xi32, #tpu.memory_space<vmem>>[vector<16xi32>, vector<16xi32>], vector<16xi32>,
        %shift_left3A_2780 = arith.constant 16 : i32
        %shift_left3A_2781 = vector.broadcast %shift_left3A_2780 : i32 to vector<16xi32>
        %shift_left3A_2782 = arith.shli %gather3A_2779, %shift_left3A_2781 : vector<16xi32>
        %bitcast3A_2783 = vector.bitcast %shift_left3A_2782 : vector<16xi32> to vector<16xf32>
        %and3A_2784 = arith.constant -65536 : i32
        %and3A_2785 = vector.broadcast %and3A_2784 : i32 to vector<16xi32>
        %and3A_2786 = arith.andi %gather3A_2779, %and3A_2785 : vector<16xi32>
        %bitcast3A_2787 = vector.bitcast %and3A_2786 : vector<16xi32> to vector<16xf32>
        %mul3A_2788 = arith.mulf %bitcast3A_2783, %bitcast3A_2707 : vector<16xf32>
        %add3A_2789 = arith.addf %add3A_2699, %mul3A_2788 : vector<16xf32>
        %mul3A_2790 = arith.mulf %bitcast3A_2787, %bitcast3A_2711 : vector<16xf32>
        %add3A_2791 = arith.addf %add3A_2789, %mul3A_2790 : vector<16xf32>
        %add3A_2792 = arith.constant 12 : i32
        %add3A_2793 = vector.broadcast %add3A_2792 : i32 to vector<16xi32>
        %add3A_2794 = arith.addi %mul3A_1536, %add3A_2793 : vector<16xi32>
        %gather3A_2795 = tpu.vector_load_idx %arg11[%add3A_1511, %add3A_2794] : memref<128x128xi32, #tpu.memory_space<vmem>>[vector<16xi32>, vector<16xi32>], vector<16xi32>,
        %shift_left3A_2796 = arith.constant 16 : i32
        %shift_left3A_2797 = vector.broadcast %shift_left3A_2796 : i32 to vector<16xi32>
        %shift_left3A_2798 = arith.shli %gather3A_2795, %shift_left3A_2797 : vector<16xi32>
        %bitcast3A_2799 = vector.bitcast %shift_left3A_2798 : vector<16xi32> to vector<16xf32>
        %and3A_2800 = arith.constant -65536 : i32
        %and3A_2801 = vector.broadcast %and3A_2800 : i32 to vector<16xi32>
        %and3A_2802 = arith.andi %gather3A_2795, %and3A_2801 : vector<16xi32>
        %bitcast3A_2803 = vector.bitcast %and3A_2802 : vector<16xi32> to vector<16xf32>
        %add3A_2804 = arith.constant 12 : i32
        %add3A_2805 = vector.broadcast %add3A_2804 : i32 to vector<16xi32>
        %add3A_2806 = arith.addi %mul3A_1565, %add3A_2805 : vector<16xi32>
        %gather3A_2807 = tpu.vector_load_idx %arg12[%add3A_1539, %add3A_2806] : memref<640x128xi32, #tpu.memory_space<vmem>>[vector<16xi32>, vector<16xi32>], vector<16xi32>,
        %shift_left3A_2808 = arith.constant 16 : i32
        %shift_left3A_2809 = vector.broadcast %shift_left3A_2808 : i32 to vector<16xi32>
        %shift_left3A_2810 = arith.shli %gather3A_2807, %shift_left3A_2809 : vector<16xi32>
        %bitcast3A_2811 = vector.bitcast %shift_left3A_2810 : vector<16xi32> to vector<16xf32>
        %and3A_2812 = arith.constant -65536 : i32
        %and3A_2813 = vector.broadcast %and3A_2812 : i32 to vector<16xi32>
        %and3A_2814 = arith.andi %gather3A_2807, %and3A_2813 : vector<16xi32>
        %bitcast3A_2815 = vector.bitcast %and3A_2814 : vector<16xi32> to vector<16xf32>
        %mul3A_2816 = arith.mulf %bitcast3A_2811, %bitcast3A_2799 : vector<16xf32>
        %add3A_2817 = arith.addf %add3A_2727, %mul3A_2816 : vector<16xf32>
        %mul3A_2818 = arith.mulf %bitcast3A_2815, %bitcast3A_2803 : vector<16xf32>
        %add3A_2819 = arith.addf %add3A_2817, %mul3A_2818 : vector<16xf32>
        %add3A_2820 = arith.constant 12 : i32
        %add3A_2821 = vector.broadcast %add3A_2820 : i32 to vector<16xi32>
        %add3A_2822 = arith.addi %mul3A_1595, %add3A_2821 : vector<16xi32>
        %gather3A_2823 = tpu.vector_load_idx %arg12[%add3A_1569, %add3A_2822] : memref<640x128xi32, #tpu.memory_space<vmem>>[vector<16xi32>, vector<16xi32>], vector<16xi32>,
        %shift_left3A_2824 = arith.constant 16 : i32
        %shift_left3A_2825 = vector.broadcast %shift_left3A_2824 : i32 to vector<16xi32>
        %shift_left3A_2826 = arith.shli %gather3A_2823, %shift_left3A_2825 : vector<16xi32>
        %bitcast3A_2827 = vector.bitcast %shift_left3A_2826 : vector<16xi32> to vector<16xf32>
        %and3A_2828 = arith.constant -65536 : i32
        %and3A_2829 = vector.broadcast %and3A_2828 : i32 to vector<16xi32>
        %and3A_2830 = arith.andi %gather3A_2823, %and3A_2829 : vector<16xi32>
        %bitcast3A_2831 = vector.bitcast %and3A_2830 : vector<16xi32> to vector<16xf32>
        %mul3A_2832 = arith.mulf %bitcast3A_2827, %bitcast3A_2799 : vector<16xf32>
        %add3A_2833 = arith.addf %add3A_2743, %mul3A_2832 : vector<16xf32>
        %mul3A_2834 = arith.mulf %bitcast3A_2831, %bitcast3A_2803 : vector<16xf32>
        %add3A_2835 = arith.addf %add3A_2833, %mul3A_2834 : vector<16xf32>
        %add3A_2836 = arith.constant 12 : i32
        %add3A_2837 = vector.broadcast %add3A_2836 : i32 to vector<16xi32>
        %add3A_2838 = arith.addi %mul3A_1626, %add3A_2837 : vector<16xi32>
        %gather3A_2839 = tpu.vector_load_idx %arg12[%add3A_1600, %add3A_2838] : memref<640x128xi32, #tpu.memory_space<vmem>>[vector<16xi32>, vector<16xi32>], vector<16xi32>,
        %shift_left3A_2840 = arith.constant 16 : i32
        %shift_left3A_2841 = vector.broadcast %shift_left3A_2840 : i32 to vector<16xi32>
        %shift_left3A_2842 = arith.shli %gather3A_2839, %shift_left3A_2841 : vector<16xi32>
        %bitcast3A_2843 = vector.bitcast %shift_left3A_2842 : vector<16xi32> to vector<16xf32>
        %and3A_2844 = arith.constant -65536 : i32
        %and3A_2845 = vector.broadcast %and3A_2844 : i32 to vector<16xi32>
        %and3A_2846 = arith.andi %gather3A_2839, %and3A_2845 : vector<16xi32>
        %bitcast3A_2847 = vector.bitcast %and3A_2846 : vector<16xi32> to vector<16xf32>
        %mul3A_2848 = arith.mulf %bitcast3A_2843, %bitcast3A_2799 : vector<16xf32>
        %add3A_2849 = arith.addf %add3A_2759, %mul3A_2848 : vector<16xf32>
        %mul3A_2850 = arith.mulf %bitcast3A_2847, %bitcast3A_2803 : vector<16xf32>
        %add3A_2851 = arith.addf %add3A_2849, %mul3A_2850 : vector<16xf32>
        %add3A_2852 = arith.constant 12 : i32
        %add3A_2853 = vector.broadcast %add3A_2852 : i32 to vector<16xi32>
        %add3A_2854 = arith.addi %mul3A_1657, %add3A_2853 : vector<16xi32>
        %gather3A_2855 = tpu.vector_load_idx %arg12[%add3A_1631, %add3A_2854] : memref<640x128xi32, #tpu.memory_space<vmem>>[vector<16xi32>, vector<16xi32>], vector<16xi32>,
        %shift_left3A_2856 = arith.constant 16 : i32
        %shift_left3A_2857 = vector.broadcast %shift_left3A_2856 : i32 to vector<16xi32>
        %shift_left3A_2858 = arith.shli %gather3A_2855, %shift_left3A_2857 : vector<16xi32>
        %bitcast3A_2859 = vector.bitcast %shift_left3A_2858 : vector<16xi32> to vector<16xf32>
        %and3A_2860 = arith.constant -65536 : i32
        %and3A_2861 = vector.broadcast %and3A_2860 : i32 to vector<16xi32>
        %and3A_2862 = arith.andi %gather3A_2855, %and3A_2861 : vector<16xi32>
        %bitcast3A_2863 = vector.bitcast %and3A_2862 : vector<16xi32> to vector<16xf32>
        %mul3A_2864 = arith.mulf %bitcast3A_2859, %bitcast3A_2799 : vector<16xf32>
        %add3A_2865 = arith.addf %add3A_2775, %mul3A_2864 : vector<16xf32>
        %mul3A_2866 = arith.mulf %bitcast3A_2863, %bitcast3A_2803 : vector<16xf32>
        %add3A_2867 = arith.addf %add3A_2865, %mul3A_2866 : vector<16xf32>
        %add3A_2868 = arith.constant 12 : i32
        %add3A_2869 = vector.broadcast %add3A_2868 : i32 to vector<16xi32>
        %add3A_2870 = arith.addi %mul3A_1688, %add3A_2869 : vector<16xi32>
        %gather3A_2871 = tpu.vector_load_idx %arg12[%add3A_1662, %add3A_2870] : memref<640x128xi32, #tpu.memory_space<vmem>>[vector<16xi32>, vector<16xi32>], vector<16xi32>,
        %shift_left3A_2872 = arith.constant 16 : i32
        %shift_left3A_2873 = vector.broadcast %shift_left3A_2872 : i32 to vector<16xi32>
        %shift_left3A_2874 = arith.shli %gather3A_2871, %shift_left3A_2873 : vector<16xi32>
        %bitcast3A_2875 = vector.bitcast %shift_left3A_2874 : vector<16xi32> to vector<16xf32>
        %and3A_2876 = arith.constant -65536 : i32
        %and3A_2877 = vector.broadcast %and3A_2876 : i32 to vector<16xi32>
        %and3A_2878 = arith.andi %gather3A_2871, %and3A_2877 : vector<16xi32>
        %bitcast3A_2879 = vector.bitcast %and3A_2878 : vector<16xi32> to vector<16xf32>
        %mul3A_2880 = arith.mulf %bitcast3A_2875, %bitcast3A_2799 : vector<16xf32>
        %add3A_2881 = arith.addf %add3A_2791, %mul3A_2880 : vector<16xf32>
        %mul3A_2882 = arith.mulf %bitcast3A_2879, %bitcast3A_2803 : vector<16xf32>
        %add3A_2883 = arith.addf %add3A_2881, %mul3A_2882 : vector<16xf32>
        %add3A_2884 = arith.constant 13 : i32
        %add3A_2885 = vector.broadcast %add3A_2884 : i32 to vector<16xi32>
        %add3A_2886 = arith.addi %mul3A_1536, %add3A_2885 : vector<16xi32>
        %gather3A_2887 = tpu.vector_load_idx %arg11[%add3A_1511, %add3A_2886] : memref<128x128xi32, #tpu.memory_space<vmem>>[vector<16xi32>, vector<16xi32>], vector<16xi32>,
        %shift_left3A_2888 = arith.constant 16 : i32
        %shift_left3A_2889 = vector.broadcast %shift_left3A_2888 : i32 to vector<16xi32>
        %shift_left3A_2890 = arith.shli %gather3A_2887, %shift_left3A_2889 : vector<16xi32>
        %bitcast3A_2891 = vector.bitcast %shift_left3A_2890 : vector<16xi32> to vector<16xf32>
        %and3A_2892 = arith.constant -65536 : i32
        %and3A_2893 = vector.broadcast %and3A_2892 : i32 to vector<16xi32>
        %and3A_2894 = arith.andi %gather3A_2887, %and3A_2893 : vector<16xi32>
        %bitcast3A_2895 = vector.bitcast %and3A_2894 : vector<16xi32> to vector<16xf32>
        %add3A_2896 = arith.constant 13 : i32
        %add3A_2897 = vector.broadcast %add3A_2896 : i32 to vector<16xi32>
        %add3A_2898 = arith.addi %mul3A_1565, %add3A_2897 : vector<16xi32>
        %gather3A_2899 = tpu.vector_load_idx %arg12[%add3A_1539, %add3A_2898] : memref<640x128xi32, #tpu.memory_space<vmem>>[vector<16xi32>, vector<16xi32>], vector<16xi32>,
        %shift_left3A_2900 = arith.constant 16 : i32
        %shift_left3A_2901 = vector.broadcast %shift_left3A_2900 : i32 to vector<16xi32>
        %shift_left3A_2902 = arith.shli %gather3A_2899, %shift_left3A_2901 : vector<16xi32>
        %bitcast3A_2903 = vector.bitcast %shift_left3A_2902 : vector<16xi32> to vector<16xf32>
        %and3A_2904 = arith.constant -65536 : i32
        %and3A_2905 = vector.broadcast %and3A_2904 : i32 to vector<16xi32>
        %and3A_2906 = arith.andi %gather3A_2899, %and3A_2905 : vector<16xi32>
        %bitcast3A_2907 = vector.bitcast %and3A_2906 : vector<16xi32> to vector<16xf32>
        %mul3A_2908 = arith.mulf %bitcast3A_2903, %bitcast3A_2891 : vector<16xf32>
        %add3A_2909 = arith.addf %add3A_2819, %mul3A_2908 : vector<16xf32>
        %mul3A_2910 = arith.mulf %bitcast3A_2907, %bitcast3A_2895 : vector<16xf32>
        %add3A_2911 = arith.addf %add3A_2909, %mul3A_2910 : vector<16xf32>
        %add3A_2912 = arith.constant 13 : i32
        %add3A_2913 = vector.broadcast %add3A_2912 : i32 to vector<16xi32>
        %add3A_2914 = arith.addi %mul3A_1595, %add3A_2913 : vector<16xi32>
        %gather3A_2915 = tpu.vector_load_idx %arg12[%add3A_1569, %add3A_2914] : memref<640x128xi32, #tpu.memory_space<vmem>>[vector<16xi32>, vector<16xi32>], vector<16xi32>,
        %shift_left3A_2916 = arith.constant 16 : i32
        %shift_left3A_2917 = vector.broadcast %shift_left3A_2916 : i32 to vector<16xi32>
        %shift_left3A_2918 = arith.shli %gather3A_2915, %shift_left3A_2917 : vector<16xi32>
        %bitcast3A_2919 = vector.bitcast %shift_left3A_2918 : vector<16xi32> to vector<16xf32>
        %and3A_2920 = arith.constant -65536 : i32
        %and3A_2921 = vector.broadcast %and3A_2920 : i32 to vector<16xi32>
        %and3A_2922 = arith.andi %gather3A_2915, %and3A_2921 : vector<16xi32>
        %bitcast3A_2923 = vector.bitcast %and3A_2922 : vector<16xi32> to vector<16xf32>
        %mul3A_2924 = arith.mulf %bitcast3A_2919, %bitcast3A_2891 : vector<16xf32>
        %add3A_2925 = arith.addf %add3A_2835, %mul3A_2924 : vector<16xf32>
        %mul3A_2926 = arith.mulf %bitcast3A_2923, %bitcast3A_2895 : vector<16xf32>
        %add3A_2927 = arith.addf %add3A_2925, %mul3A_2926 : vector<16xf32>
        %add3A_2928 = arith.constant 13 : i32
        %add3A_2929 = vector.broadcast %add3A_2928 : i32 to vector<16xi32>
        %add3A_2930 = arith.addi %mul3A_1626, %add3A_2929 : vector<16xi32>
        %gather3A_2931 = tpu.vector_load_idx %arg12[%add3A_1600, %add3A_2930] : memref<640x128xi32, #tpu.memory_space<vmem>>[vector<16xi32>, vector<16xi32>], vector<16xi32>,
        %shift_left3A_2932 = arith.constant 16 : i32
        %shift_left3A_2933 = vector.broadcast %shift_left3A_2932 : i32 to vector<16xi32>
        %shift_left3A_2934 = arith.shli %gather3A_2931, %shift_left3A_2933 : vector<16xi32>
        %bitcast3A_2935 = vector.bitcast %shift_left3A_2934 : vector<16xi32> to vector<16xf32>
        %and3A_2936 = arith.constant -65536 : i32
        %and3A_2937 = vector.broadcast %and3A_2936 : i32 to vector<16xi32>
        %and3A_2938 = arith.andi %gather3A_2931, %and3A_2937 : vector<16xi32>
        %bitcast3A_2939 = vector.bitcast %and3A_2938 : vector<16xi32> to vector<16xf32>
        %mul3A_2940 = arith.mulf %bitcast3A_2935, %bitcast3A_2891 : vector<16xf32>
        %add3A_2941 = arith.addf %add3A_2851, %mul3A_2940 : vector<16xf32>
        %mul3A_2942 = arith.mulf %bitcast3A_2939, %bitcast3A_2895 : vector<16xf32>
        %add3A_2943 = arith.addf %add3A_2941, %mul3A_2942 : vector<16xf32>
        %add3A_2944 = arith.constant 13 : i32
        %add3A_2945 = vector.broadcast %add3A_2944 : i32 to vector<16xi32>
        %add3A_2946 = arith.addi %mul3A_1657, %add3A_2945 : vector<16xi32>
        %gather3A_2947 = tpu.vector_load_idx %arg12[%add3A_1631, %add3A_2946] : memref<640x128xi32, #tpu.memory_space<vmem>>[vector<16xi32>, vector<16xi32>], vector<16xi32>,
        %shift_left3A_2948 = arith.constant 16 : i32
        %shift_left3A_2949 = vector.broadcast %shift_left3A_2948 : i32 to vector<16xi32>
        %shift_left3A_2950 = arith.shli %gather3A_2947, %shift_left3A_2949 : vector<16xi32>
        %bitcast3A_2951 = vector.bitcast %shift_left3A_2950 : vector<16xi32> to vector<16xf32>
        %and3A_2952 = arith.constant -65536 : i32
        %and3A_2953 = vector.broadcast %and3A_2952 : i32 to vector<16xi32>
        %and3A_2954 = arith.andi %gather3A_2947, %and3A_2953 : vector<16xi32>
        %bitcast3A_2955 = vector.bitcast %and3A_2954 : vector<16xi32> to vector<16xf32>
        %mul3A_2956 = arith.mulf %bitcast3A_2951, %bitcast3A_2891 : vector<16xf32>
        %add3A_2957 = arith.addf %add3A_2867, %mul3A_2956 : vector<16xf32>
        %mul3A_2958 = arith.mulf %bitcast3A_2955, %bitcast3A_2895 : vector<16xf32>
        %add3A_2959 = arith.addf %add3A_2957, %mul3A_2958 : vector<16xf32>
        %add3A_2960 = arith.constant 13 : i32
        %add3A_2961 = vector.broadcast %add3A_2960 : i32 to vector<16xi32>
        %add3A_2962 = arith.addi %mul3A_1688, %add3A_2961 : vector<16xi32>
        %gather3A_2963 = tpu.vector_load_idx %arg12[%add3A_1662, %add3A_2962] : memref<640x128xi32, #tpu.memory_space<vmem>>[vector<16xi32>, vector<16xi32>], vector<16xi32>,
        %shift_left3A_2964 = arith.constant 16 : i32
        %shift_left3A_2965 = vector.broadcast %shift_left3A_2964 : i32 to vector<16xi32>
        %shift_left3A_2966 = arith.shli %gather3A_2963, %shift_left3A_2965 : vector<16xi32>
        %bitcast3A_2967 = vector.bitcast %shift_left3A_2966 : vector<16xi32> to vector<16xf32>
        %and3A_2968 = arith.constant -65536 : i32
        %and3A_2969 = vector.broadcast %and3A_2968 : i32 to vector<16xi32>
        %and3A_2970 = arith.andi %gather3A_2963, %and3A_2969 : vector<16xi32>
        %bitcast3A_2971 = vector.bitcast %and3A_2970 : vector<16xi32> to vector<16xf32>
        %mul3A_2972 = arith.mulf %bitcast3A_2967, %bitcast3A_2891 : vector<16xf32>
        %add3A_2973 = arith.addf %add3A_2883, %mul3A_2972 : vector<16xf32>
        %mul3A_2974 = arith.mulf %bitcast3A_2971, %bitcast3A_2895 : vector<16xf32>
        %add3A_2975 = arith.addf %add3A_2973, %mul3A_2974 : vector<16xf32>
        %add3A_2976 = arith.constant 14 : i32
        %add3A_2977 = vector.broadcast %add3A_2976 : i32 to vector<16xi32>
        %add3A_2978 = arith.addi %mul3A_1536, %add3A_2977 : vector<16xi32>
        %gather3A_2979 = tpu.vector_load_idx %arg11[%add3A_1511, %add3A_2978] : memref<128x128xi32, #tpu.memory_space<vmem>>[vector<16xi32>, vector<16xi32>], vector<16xi32>,
        %shift_left3A_2980 = arith.constant 16 : i32
        %shift_left3A_2981 = vector.broadcast %shift_left3A_2980 : i32 to vector<16xi32>
        %shift_left3A_2982 = arith.shli %gather3A_2979, %shift_left3A_2981 : vector<16xi32>
        %bitcast3A_2983 = vector.bitcast %shift_left3A_2982 : vector<16xi32> to vector<16xf32>
        %and3A_2984 = arith.constant -65536 : i32
        %and3A_2985 = vector.broadcast %and3A_2984 : i32 to vector<16xi32>
        %and3A_2986 = arith.andi %gather3A_2979, %and3A_2985 : vector<16xi32>
        %bitcast3A_2987 = vector.bitcast %and3A_2986 : vector<16xi32> to vector<16xf32>
        %add3A_2988 = arith.constant 14 : i32
        %add3A_2989 = vector.broadcast %add3A_2988 : i32 to vector<16xi32>
        %add3A_2990 = arith.addi %mul3A_1565, %add3A_2989 : vector<16xi32>
        %gather3A_2991 = tpu.vector_load_idx %arg12[%add3A_1539, %add3A_2990] : memref<640x128xi32, #tpu.memory_space<vmem>>[vector<16xi32>, vector<16xi32>], vector<16xi32>,
        %shift_left3A_2992 = arith.constant 16 : i32
        %shift_left3A_2993 = vector.broadcast %shift_left3A_2992 : i32 to vector<16xi32>
        %shift_left3A_2994 = arith.shli %gather3A_2991, %shift_left3A_2993 : vector<16xi32>
        %bitcast3A_2995 = vector.bitcast %shift_left3A_2994 : vector<16xi32> to vector<16xf32>
        %and3A_2996 = arith.constant -65536 : i32
        %and3A_2997 = vector.broadcast %and3A_2996 : i32 to vector<16xi32>
        %and3A_2998 = arith.andi %gather3A_2991, %and3A_2997 : vector<16xi32>
        %bitcast3A_2999 = vector.bitcast %and3A_2998 : vector<16xi32> to vector<16xf32>
        %mul3A_3000 = arith.mulf %bitcast3A_2995, %bitcast3A_2983 : vector<16xf32>
        %add3A_3001 = arith.addf %add3A_2911, %mul3A_3000 : vector<16xf32>
        %mul3A_3002 = arith.mulf %bitcast3A_2999, %bitcast3A_2987 : vector<16xf32>
        %add3A_3003 = arith.addf %add3A_3001, %mul3A_3002 : vector<16xf32>
        %add3A_3004 = arith.constant 14 : i32
        %add3A_3005 = vector.broadcast %add3A_3004 : i32 to vector<16xi32>
        %add3A_3006 = arith.addi %mul3A_1595, %add3A_3005 : vector<16xi32>
        %gather3A_3007 = tpu.vector_load_idx %arg12[%add3A_1569, %add3A_3006] : memref<640x128xi32, #tpu.memory_space<vmem>>[vector<16xi32>, vector<16xi32>], vector<16xi32>,
        %shift_left3A_3008 = arith.constant 16 : i32
        %shift_left3A_3009 = vector.broadcast %shift_left3A_3008 : i32 to vector<16xi32>
        %shift_left3A_3010 = arith.shli %gather3A_3007, %shift_left3A_3009 : vector<16xi32>
        %bitcast3A_3011 = vector.bitcast %shift_left3A_3010 : vector<16xi32> to vector<16xf32>
        %and3A_3012 = arith.constant -65536 : i32
        %and3A_3013 = vector.broadcast %and3A_3012 : i32 to vector<16xi32>
        %and3A_3014 = arith.andi %gather3A_3007, %and3A_3013 : vector<16xi32>
        %bitcast3A_3015 = vector.bitcast %and3A_3014 : vector<16xi32> to vector<16xf32>
        %mul3A_3016 = arith.mulf %bitcast3A_3011, %bitcast3A_2983 : vector<16xf32>
        %add3A_3017 = arith.addf %add3A_2927, %mul3A_3016 : vector<16xf32>
        %mul3A_3018 = arith.mulf %bitcast3A_3015, %bitcast3A_2987 : vector<16xf32>
        %add3A_3019 = arith.addf %add3A_3017, %mul3A_3018 : vector<16xf32>
        %add3A_3020 = arith.constant 14 : i32
        %add3A_3021 = vector.broadcast %add3A_3020 : i32 to vector<16xi32>
        %add3A_3022 = arith.addi %mul3A_1626, %add3A_3021 : vector<16xi32>
        %gather3A_3023 = tpu.vector_load_idx %arg12[%add3A_1600, %add3A_3022] : memref<640x128xi32, #tpu.memory_space<vmem>>[vector<16xi32>, vector<16xi32>], vector<16xi32>,
        %shift_left3A_3024 = arith.constant 16 : i32
        %shift_left3A_3025 = vector.broadcast %shift_left3A_3024 : i32 to vector<16xi32>
        %shift_left3A_3026 = arith.shli %gather3A_3023, %shift_left3A_3025 : vector<16xi32>
        %bitcast3A_3027 = vector.bitcast %shift_left3A_3026 : vector<16xi32> to vector<16xf32>
        %and3A_3028 = arith.constant -65536 : i32
        %and3A_3029 = vector.broadcast %and3A_3028 : i32 to vector<16xi32>
        %and3A_3030 = arith.andi %gather3A_3023, %and3A_3029 : vector<16xi32>
        %bitcast3A_3031 = vector.bitcast %and3A_3030 : vector<16xi32> to vector<16xf32>
        %mul3A_3032 = arith.mulf %bitcast3A_3027, %bitcast3A_2983 : vector<16xf32>
        %add3A_3033 = arith.addf %add3A_2943, %mul3A_3032 : vector<16xf32>
        %mul3A_3034 = arith.mulf %bitcast3A_3031, %bitcast3A_2987 : vector<16xf32>
        %add3A_3035 = arith.addf %add3A_3033, %mul3A_3034 : vector<16xf32>
        %add3A_3036 = arith.constant 14 : i32
        %add3A_3037 = vector.broadcast %add3A_3036 : i32 to vector<16xi32>
        %add3A_3038 = arith.addi %mul3A_1657, %add3A_3037 : vector<16xi32>
        %gather3A_3039 = tpu.vector_load_idx %arg12[%add3A_1631, %add3A_3038] : memref<640x128xi32, #tpu.memory_space<vmem>>[vector<16xi32>, vector<16xi32>], vector<16xi32>,
        %shift_left3A_3040 = arith.constant 16 : i32
        %shift_left3A_3041 = vector.broadcast %shift_left3A_3040 : i32 to vector<16xi32>
        %shift_left3A_3042 = arith.shli %gather3A_3039, %shift_left3A_3041 : vector<16xi32>
        %bitcast3A_3043 = vector.bitcast %shift_left3A_3042 : vector<16xi32> to vector<16xf32>
        %and3A_3044 = arith.constant -65536 : i32
        %and3A_3045 = vector.broadcast %and3A_3044 : i32 to vector<16xi32>
        %and3A_3046 = arith.andi %gather3A_3039, %and3A_3045 : vector<16xi32>
        %bitcast3A_3047 = vector.bitcast %and3A_3046 : vector<16xi32> to vector<16xf32>
        %mul3A_3048 = arith.mulf %bitcast3A_3043, %bitcast3A_2983 : vector<16xf32>
        %add3A_3049 = arith.addf %add3A_2959, %mul3A_3048 : vector<16xf32>
        %mul3A_3050 = arith.mulf %bitcast3A_3047, %bitcast3A_2987 : vector<16xf32>
        %add3A_3051 = arith.addf %add3A_3049, %mul3A_3050 : vector<16xf32>
        %add3A_3052 = arith.constant 14 : i32
        %add3A_3053 = vector.broadcast %add3A_3052 : i32 to vector<16xi32>
        %add3A_3054 = arith.addi %mul3A_1688, %add3A_3053 : vector<16xi32>
        %gather3A_3055 = tpu.vector_load_idx %arg12[%add3A_1662, %add3A_3054] : memref<640x128xi32, #tpu.memory_space<vmem>>[vector<16xi32>, vector<16xi32>], vector<16xi32>,
        %shift_left3A_3056 = arith.constant 16 : i32
        %shift_left3A_3057 = vector.broadcast %shift_left3A_3056 : i32 to vector<16xi32>
        %shift_left3A_3058 = arith.shli %gather3A_3055, %shift_left3A_3057 : vector<16xi32>
        %bitcast3A_3059 = vector.bitcast %shift_left3A_3058 : vector<16xi32> to vector<16xf32>
        %and3A_3060 = arith.constant -65536 : i32
        %and3A_3061 = vector.broadcast %and3A_3060 : i32 to vector<16xi32>
        %and3A_3062 = arith.andi %gather3A_3055, %and3A_3061 : vector<16xi32>
        %bitcast3A_3063 = vector.bitcast %and3A_3062 : vector<16xi32> to vector<16xf32>
        %mul3A_3064 = arith.mulf %bitcast3A_3059, %bitcast3A_2983 : vector<16xf32>
        %add3A_3065 = arith.addf %add3A_2975, %mul3A_3064 : vector<16xf32>
        %mul3A_3066 = arith.mulf %bitcast3A_3063, %bitcast3A_2987 : vector<16xf32>
        %add3A_3067 = arith.addf %add3A_3065, %mul3A_3066 : vector<16xf32>
        %add3A_3068 = arith.constant 15 : i32
        %add3A_3069 = vector.broadcast %add3A_3068 : i32 to vector<16xi32>
        %add3A_3070 = arith.addi %mul3A_1536, %add3A_3069 : vector<16xi32>
        %gather3A_3071 = tpu.vector_load_idx %arg11[%add3A_1511, %add3A_3070] : memref<128x128xi32, #tpu.memory_space<vmem>>[vector<16xi32>, vector<16xi32>], vector<16xi32>,
        %shift_left3A_3072 = arith.constant 16 : i32
        %shift_left3A_3073 = vector.broadcast %shift_left3A_3072 : i32 to vector<16xi32>
        %shift_left3A_3074 = arith.shli %gather3A_3071, %shift_left3A_3073 : vector<16xi32>
        %bitcast3A_3075 = vector.bitcast %shift_left3A_3074 : vector<16xi32> to vector<16xf32>
        %and3A_3076 = arith.constant -65536 : i32
        %and3A_3077 = vector.broadcast %and3A_3076 : i32 to vector<16xi32>
        %and3A_3078 = arith.andi %gather3A_3071, %and3A_3077 : vector<16xi32>
        %bitcast3A_3079 = vector.bitcast %and3A_3078 : vector<16xi32> to vector<16xf32>
        %add3A_3080 = arith.constant 15 : i32
        %add3A_3081 = vector.broadcast %add3A_3080 : i32 to vector<16xi32>
        %add3A_3082 = arith.addi %mul3A_1565, %add3A_3081 : vector<16xi32>
        %gather3A_3083 = tpu.vector_load_idx %arg12[%add3A_1539, %add3A_3082] : memref<640x128xi32, #tpu.memory_space<vmem>>[vector<16xi32>, vector<16xi32>], vector<16xi32>,
        %shift_left3A_3084 = arith.constant 16 : i32
        %shift_left3A_3085 = vector.broadcast %shift_left3A_3084 : i32 to vector<16xi32>
        %shift_left3A_3086 = arith.shli %gather3A_3083, %shift_left3A_3085 : vector<16xi32>
        %bitcast3A_3087 = vector.bitcast %shift_left3A_3086 : vector<16xi32> to vector<16xf32>
        %and3A_3088 = arith.constant -65536 : i32
        %and3A_3089 = vector.broadcast %and3A_3088 : i32 to vector<16xi32>
        %and3A_3090 = arith.andi %gather3A_3083, %and3A_3089 : vector<16xi32>
        %bitcast3A_3091 = vector.bitcast %and3A_3090 : vector<16xi32> to vector<16xf32>
        %mul3A_3092 = arith.mulf %bitcast3A_3087, %bitcast3A_3075 : vector<16xf32>
        %add3A_3093 = arith.addf %add3A_3003, %mul3A_3092 : vector<16xf32>
        %mul3A_3094 = arith.mulf %bitcast3A_3091, %bitcast3A_3079 : vector<16xf32>
        %add3A_3095 = arith.addf %add3A_3093, %mul3A_3094 : vector<16xf32>
        %add3A_3096 = arith.constant 15 : i32
        %add3A_3097 = vector.broadcast %add3A_3096 : i32 to vector<16xi32>
        %add3A_3098 = arith.addi %mul3A_1595, %add3A_3097 : vector<16xi32>
        %gather3A_3099 = tpu.vector_load_idx %arg12[%add3A_1569, %add3A_3098] : memref<640x128xi32, #tpu.memory_space<vmem>>[vector<16xi32>, vector<16xi32>], vector<16xi32>,
        %shift_left3A_3100 = arith.constant 16 : i32
        %shift_left3A_3101 = vector.broadcast %shift_left3A_3100 : i32 to vector<16xi32>
        %shift_left3A_3102 = arith.shli %gather3A_3099, %shift_left3A_3101 : vector<16xi32>
        %bitcast3A_3103 = vector.bitcast %shift_left3A_3102 : vector<16xi32> to vector<16xf32>
        %and3A_3104 = arith.constant -65536 : i32
        %and3A_3105 = vector.broadcast %and3A_3104 : i32 to vector<16xi32>
        %and3A_3106 = arith.andi %gather3A_3099, %and3A_3105 : vector<16xi32>
        %bitcast3A_3107 = vector.bitcast %and3A_3106 : vector<16xi32> to vector<16xf32>
        %mul3A_3108 = arith.mulf %bitcast3A_3103, %bitcast3A_3075 : vector<16xf32>
        %add3A_3109 = arith.addf %add3A_3019, %mul3A_3108 : vector<16xf32>
        %mul3A_3110 = arith.mulf %bitcast3A_3107, %bitcast3A_3079 : vector<16xf32>
        %add3A_3111 = arith.addf %add3A_3109, %mul3A_3110 : vector<16xf32>
        %add3A_3112 = arith.constant 15 : i32
        %add3A_3113 = vector.broadcast %add3A_3112 : i32 to vector<16xi32>
        %add3A_3114 = arith.addi %mul3A_1626, %add3A_3113 : vector<16xi32>
        %gather3A_3115 = tpu.vector_load_idx %arg12[%add3A_1600, %add3A_3114] : memref<640x128xi32, #tpu.memory_space<vmem>>[vector<16xi32>, vector<16xi32>], vector<16xi32>,
        %shift_left3A_3116 = arith.constant 16 : i32
        %shift_left3A_3117 = vector.broadcast %shift_left3A_3116 : i32 to vector<16xi32>
        %shift_left3A_3118 = arith.shli %gather3A_3115, %shift_left3A_3117 : vector<16xi32>
        %bitcast3A_3119 = vector.bitcast %shift_left3A_3118 : vector<16xi32> to vector<16xf32>
        %and3A_3120 = arith.constant -65536 : i32
        %and3A_3121 = vector.broadcast %and3A_3120 : i32 to vector<16xi32>
        %and3A_3122 = arith.andi %gather3A_3115, %and3A_3121 : vector<16xi32>
        %bitcast3A_3123 = vector.bitcast %and3A_3122 : vector<16xi32> to vector<16xf32>
        %mul3A_3124 = arith.mulf %bitcast3A_3119, %bitcast3A_3075 : vector<16xf32>
        %add3A_3125 = arith.addf %add3A_3035, %mul3A_3124 : vector<16xf32>
        %mul3A_3126 = arith.mulf %bitcast3A_3123, %bitcast3A_3079 : vector<16xf32>
        %add3A_3127 = arith.addf %add3A_3125, %mul3A_3126 : vector<16xf32>
        %add3A_3128 = arith.constant 15 : i32
        %add3A_3129 = vector.broadcast %add3A_3128 : i32 to vector<16xi32>
        %add3A_3130 = arith.addi %mul3A_1657, %add3A_3129 : vector<16xi32>
        %gather3A_3131 = tpu.vector_load_idx %arg12[%add3A_1631, %add3A_3130] : memref<640x128xi32, #tpu.memory_space<vmem>>[vector<16xi32>, vector<16xi32>], vector<16xi32>,
        %shift_left3A_3132 = arith.constant 16 : i32
        %shift_left3A_3133 = vector.broadcast %shift_left3A_3132 : i32 to vector<16xi32>
        %shift_left3A_3134 = arith.shli %gather3A_3131, %shift_left3A_3133 : vector<16xi32>
        %bitcast3A_3135 = vector.bitcast %shift_left3A_3134 : vector<16xi32> to vector<16xf32>
        %and3A_3136 = arith.constant -65536 : i32
        %and3A_3137 = vector.broadcast %and3A_3136 : i32 to vector<16xi32>
        %and3A_3138 = arith.andi %gather3A_3131, %and3A_3137 : vector<16xi32>
        %bitcast3A_3139 = vector.bitcast %and3A_3138 : vector<16xi32> to vector<16xf32>
        %mul3A_3140 = arith.mulf %bitcast3A_3135, %bitcast3A_3075 : vector<16xf32>
        %add3A_3141 = arith.addf %add3A_3051, %mul3A_3140 : vector<16xf32>
        %mul3A_3142 = arith.mulf %bitcast3A_3139, %bitcast3A_3079 : vector<16xf32>
        %add3A_3143 = arith.addf %add3A_3141, %mul3A_3142 : vector<16xf32>
        %add3A_3144 = arith.constant 15 : i32
        %add3A_3145 = vector.broadcast %add3A_3144 : i32 to vector<16xi32>
        %add3A_3146 = arith.addi %mul3A_1688, %add3A_3145 : vector<16xi32>
        %gather3A_3147 = tpu.vector_load_idx %arg12[%add3A_1662, %add3A_3146] : memref<640x128xi32, #tpu.memory_space<vmem>>[vector<16xi32>, vector<16xi32>], vector<16xi32>,
        %shift_left3A_3148 = arith.constant 16 : i32
        %shift_left3A_3149 = vector.broadcast %shift_left3A_3148 : i32 to vector<16xi32>
        %shift_left3A_3150 = arith.shli %gather3A_3147, %shift_left3A_3149 : vector<16xi32>
        %bitcast3A_3151 = vector.bitcast %shift_left3A_3150 : vector<16xi32> to vector<16xf32>
        %and3A_3152 = arith.constant -65536 : i32
        %and3A_3153 = vector.broadcast %and3A_3152 : i32 to vector<16xi32>
        %and3A_3154 = arith.andi %gather3A_3147, %and3A_3153 : vector<16xi32>
        %bitcast3A_3155 = vector.bitcast %and3A_3154 : vector<16xi32> to vector<16xf32>
        %mul3A_3156 = arith.mulf %bitcast3A_3151, %bitcast3A_3075 : vector<16xf32>
        %add3A_3157 = arith.addf %add3A_3067, %mul3A_3156 : vector<16xf32>
        %mul3A_3158 = arith.mulf %bitcast3A_3155, %bitcast3A_3079 : vector<16xf32>
        %add3A_3159 = arith.addf %add3A_3157, %mul3A_3158 : vector<16xf32>
        %add3A_3160 = arith.constant 16 : i32
        %add3A_3161 = vector.broadcast %add3A_3160 : i32 to vector<16xi32>
        %add3A_3162 = arith.addi %mul3A_1536, %add3A_3161 : vector<16xi32>
        %gather3A_3163 = tpu.vector_load_idx %arg11[%add3A_1511, %add3A_3162] : memref<128x128xi32, #tpu.memory_space<vmem>>[vector<16xi32>, vector<16xi32>], vector<16xi32>,
        %shift_left3A_3164 = arith.constant 16 : i32
        %shift_left3A_3165 = vector.broadcast %shift_left3A_3164 : i32 to vector<16xi32>
        %shift_left3A_3166 = arith.shli %gather3A_3163, %shift_left3A_3165 : vector<16xi32>
        %bitcast3A_3167 = vector.bitcast %shift_left3A_3166 : vector<16xi32> to vector<16xf32>
        %and3A_3168 = arith.constant -65536 : i32
        %and3A_3169 = vector.broadcast %and3A_3168 : i32 to vector<16xi32>
        %and3A_3170 = arith.andi %gather3A_3163, %and3A_3169 : vector<16xi32>
        %bitcast3A_3171 = vector.bitcast %and3A_3170 : vector<16xi32> to vector<16xf32>
        %add3A_3172 = arith.constant 16 : i32
        %add3A_3173 = vector.broadcast %add3A_3172 : i32 to vector<16xi32>
        %add3A_3174 = arith.addi %mul3A_1565, %add3A_3173 : vector<16xi32>
        %gather3A_3175 = tpu.vector_load_idx %arg12[%add3A_1539, %add3A_3174] : memref<640x128xi32, #tpu.memory_space<vmem>>[vector<16xi32>, vector<16xi32>], vector<16xi32>,
        %shift_left3A_3176 = arith.constant 16 : i32
        %shift_left3A_3177 = vector.broadcast %shift_left3A_3176 : i32 to vector<16xi32>
        %shift_left3A_3178 = arith.shli %gather3A_3175, %shift_left3A_3177 : vector<16xi32>
        %bitcast3A_3179 = vector.bitcast %shift_left3A_3178 : vector<16xi32> to vector<16xf32>
        %and3A_3180 = arith.constant -65536 : i32
        %and3A_3181 = vector.broadcast %and3A_3180 : i32 to vector<16xi32>
        %and3A_3182 = arith.andi %gather3A_3175, %and3A_3181 : vector<16xi32>
        %bitcast3A_3183 = vector.bitcast %and3A_3182 : vector<16xi32> to vector<16xf32>
        %mul3A_3184 = arith.mulf %bitcast3A_3179, %bitcast3A_3167 : vector<16xf32>
        %add3A_3185 = arith.addf %add3A_3095, %mul3A_3184 : vector<16xf32>
        %mul3A_3186 = arith.mulf %bitcast3A_3183, %bitcast3A_3171 : vector<16xf32>
        %add3A_3187 = arith.addf %add3A_3185, %mul3A_3186 : vector<16xf32>
        %add3A_3188 = arith.constant 16 : i32
        %add3A_3189 = vector.broadcast %add3A_3188 : i32 to vector<16xi32>
        %add3A_3190 = arith.addi %mul3A_1595, %add3A_3189 : vector<16xi32>
        %gather3A_3191 = tpu.vector_load_idx %arg12[%add3A_1569, %add3A_3190] : memref<640x128xi32, #tpu.memory_space<vmem>>[vector<16xi32>, vector<16xi32>], vector<16xi32>,
        %shift_left3A_3192 = arith.constant 16 : i32
        %shift_left3A_3193 = vector.broadcast %shift_left3A_3192 : i32 to vector<16xi32>
        %shift_left3A_3194 = arith.shli %gather3A_3191, %shift_left3A_3193 : vector<16xi32>
        %bitcast3A_3195 = vector.bitcast %shift_left3A_3194 : vector<16xi32> to vector<16xf32>
        %and3A_3196 = arith.constant -65536 : i32
        %and3A_3197 = vector.broadcast %and3A_3196 : i32 to vector<16xi32>
        %and3A_3198 = arith.andi %gather3A_3191, %and3A_3197 : vector<16xi32>
        %bitcast3A_3199 = vector.bitcast %and3A_3198 : vector<16xi32> to vector<16xf32>
        %mul3A_3200 = arith.mulf %bitcast3A_3195, %bitcast3A_3167 : vector<16xf32>
        %add3A_3201 = arith.addf %add3A_3111, %mul3A_3200 : vector<16xf32>
        %mul3A_3202 = arith.mulf %bitcast3A_3199, %bitcast3A_3171 : vector<16xf32>
        %add3A_3203 = arith.addf %add3A_3201, %mul3A_3202 : vector<16xf32>
        %add3A_3204 = arith.constant 16 : i32
        %add3A_3205 = vector.broadcast %add3A_3204 : i32 to vector<16xi32>
        %add3A_3206 = arith.addi %mul3A_1626, %add3A_3205 : vector<16xi32>
        %gather3A_3207 = tpu.vector_load_idx %arg12[%add3A_1600, %add3A_3206] : memref<640x128xi32, #tpu.memory_space<vmem>>[vector<16xi32>, vector<16xi32>], vector<16xi32>,
        %shift_left3A_3208 = arith.constant 16 : i32
        %shift_left3A_3209 = vector.broadcast %shift_left3A_3208 : i32 to vector<16xi32>
        %shift_left3A_3210 = arith.shli %gather3A_3207, %shift_left3A_3209 : vector<16xi32>
        %bitcast3A_3211 = vector.bitcast %shift_left3A_3210 : vector<16xi32> to vector<16xf32>
        %and3A_3212 = arith.constant -65536 : i32
        %and3A_3213 = vector.broadcast %and3A_3212 : i32 to vector<16xi32>
        %and3A_3214 = arith.andi %gather3A_3207, %and3A_3213 : vector<16xi32>
        %bitcast3A_3215 = vector.bitcast %and3A_3214 : vector<16xi32> to vector<16xf32>
        %mul3A_3216 = arith.mulf %bitcast3A_3211, %bitcast3A_3167 : vector<16xf32>
        %add3A_3217 = arith.addf %add3A_3127, %mul3A_3216 : vector<16xf32>
        %mul3A_3218 = arith.mulf %bitcast3A_3215, %bitcast3A_3171 : vector<16xf32>
        %add3A_3219 = arith.addf %add3A_3217, %mul3A_3218 : vector<16xf32>
        %add3A_3220 = arith.constant 16 : i32
        %add3A_3221 = vector.broadcast %add3A_3220 : i32 to vector<16xi32>
        %add3A_3222 = arith.addi %mul3A_1657, %add3A_3221 : vector<16xi32>
        %gather3A_3223 = tpu.vector_load_idx %arg12[%add3A_1631, %add3A_3222] : memref<640x128xi32, #tpu.memory_space<vmem>>[vector<16xi32>, vector<16xi32>], vector<16xi32>,
        %shift_left3A_3224 = arith.constant 16 : i32
        %shift_left3A_3225 = vector.broadcast %shift_left3A_3224 : i32 to vector<16xi32>
        %shift_left3A_3226 = arith.shli %gather3A_3223, %shift_left3A_3225 : vector<16xi32>
        %bitcast3A_3227 = vector.bitcast %shift_left3A_3226 : vector<16xi32> to vector<16xf32>
        %and3A_3228 = arith.constant -65536 : i32
        %and3A_3229 = vector.broadcast %and3A_3228 : i32 to vector<16xi32>
        %and3A_3230 = arith.andi %gather3A_3223, %and3A_3229 : vector<16xi32>
        %bitcast3A_3231 = vector.bitcast %and3A_3230 : vector<16xi32> to vector<16xf32>
        %mul3A_3232 = arith.mulf %bitcast3A_3227, %bitcast3A_3167 : vector<16xf32>
        %add3A_3233 = arith.addf %add3A_3143, %mul3A_3232 : vector<16xf32>
        %mul3A_3234 = arith.mulf %bitcast3A_3231, %bitcast3A_3171 : vector<16xf32>
        %add3A_3235 = arith.addf %add3A_3233, %mul3A_3234 : vector<16xf32>
        %add3A_3236 = arith.constant 16 : i32
        %add3A_3237 = vector.broadcast %add3A_3236 : i32 to vector<16xi32>
        %add3A_3238 = arith.addi %mul3A_1688, %add3A_3237 : vector<16xi32>
        %gather3A_3239 = tpu.vector_load_idx %arg12[%add3A_1662, %add3A_3238] : memref<640x128xi32, #tpu.memory_space<vmem>>[vector<16xi32>, vector<16xi32>], vector<16xi32>,
        %shift_left3A_3240 = arith.constant 16 : i32
        %shift_left3A_3241 = vector.broadcast %shift_left3A_3240 : i32 to vector<16xi32>
        %shift_left3A_3242 = arith.shli %gather3A_3239, %shift_left3A_3241 : vector<16xi32>
        %bitcast3A_3243 = vector.bitcast %shift_left3A_3242 : vector<16xi32> to vector<16xf32>
        %and3A_3244 = arith.constant -65536 : i32
        %and3A_3245 = vector.broadcast %and3A_3244 : i32 to vector<16xi32>
        %and3A_3246 = arith.andi %gather3A_3239, %and3A_3245 : vector<16xi32>
        %bitcast3A_3247 = vector.bitcast %and3A_3246 : vector<16xi32> to vector<16xf32>
        %mul3A_3248 = arith.mulf %bitcast3A_3243, %bitcast3A_3167 : vector<16xf32>
        %add3A_3249 = arith.addf %add3A_3159, %mul3A_3248 : vector<16xf32>
        %mul3A_3250 = arith.mulf %bitcast3A_3247, %bitcast3A_3171 : vector<16xf32>
        %add3A_3251 = arith.addf %add3A_3249, %mul3A_3250 : vector<16xf32>
        %add3A_3252 = arith.constant 17 : i32
        %add3A_3253 = vector.broadcast %add3A_3252 : i32 to vector<16xi32>
        %add3A_3254 = arith.addi %mul3A_1536, %add3A_3253 : vector<16xi32>
        %gather3A_3255 = tpu.vector_load_idx %arg11[%add3A_1511, %add3A_3254] : memref<128x128xi32, #tpu.memory_space<vmem>>[vector<16xi32>, vector<16xi32>], vector<16xi32>,
        %shift_left3A_3256 = arith.constant 16 : i32
        %shift_left3A_3257 = vector.broadcast %shift_left3A_3256 : i32 to vector<16xi32>
        %shift_left3A_3258 = arith.shli %gather3A_3255, %shift_left3A_3257 : vector<16xi32>
        %bitcast3A_3259 = vector.bitcast %shift_left3A_3258 : vector<16xi32> to vector<16xf32>
        %and3A_3260 = arith.constant -65536 : i32
        %and3A_3261 = vector.broadcast %and3A_3260 : i32 to vector<16xi32>
        %and3A_3262 = arith.andi %gather3A_3255, %and3A_3261 : vector<16xi32>
        %bitcast3A_3263 = vector.bitcast %and3A_3262 : vector<16xi32> to vector<16xf32>
        %add3A_3264 = arith.constant 17 : i32
        %add3A_3265 = vector.broadcast %add3A_3264 : i32 to vector<16xi32>
        %add3A_3266 = arith.addi %mul3A_1565, %add3A_3265 : vector<16xi32>
        %gather3A_3267 = tpu.vector_load_idx %arg12[%add3A_1539, %add3A_3266] : memref<640x128xi32, #tpu.memory_space<vmem>>[vector<16xi32>, vector<16xi32>], vector<16xi32>,
        %shift_left3A_3268 = arith.constant 16 : i32
        %shift_left3A_3269 = vector.broadcast %shift_left3A_3268 : i32 to vector<16xi32>
        %shift_left3A_3270 = arith.shli %gather3A_3267, %shift_left3A_3269 : vector<16xi32>
        %bitcast3A_3271 = vector.bitcast %shift_left3A_3270 : vector<16xi32> to vector<16xf32>
        %and3A_3272 = arith.constant -65536 : i32
        %and3A_3273 = vector.broadcast %and3A_3272 : i32 to vector<16xi32>
        %and3A_3274 = arith.andi %gather3A_3267, %and3A_3273 : vector<16xi32>
        %bitcast3A_3275 = vector.bitcast %and3A_3274 : vector<16xi32> to vector<16xf32>
        %mul3A_3276 = arith.mulf %bitcast3A_3271, %bitcast3A_3259 : vector<16xf32>
        %add3A_3277 = arith.addf %add3A_3187, %mul3A_3276 : vector<16xf32>
        %mul3A_3278 = arith.mulf %bitcast3A_3275, %bitcast3A_3263 : vector<16xf32>
        %add3A_3279 = arith.addf %add3A_3277, %mul3A_3278 : vector<16xf32>
        %add3A_3280 = arith.constant 17 : i32
        %add3A_3281 = vector.broadcast %add3A_3280 : i32 to vector<16xi32>
        %add3A_3282 = arith.addi %mul3A_1595, %add3A_3281 : vector<16xi32>
        %gather3A_3283 = tpu.vector_load_idx %arg12[%add3A_1569, %add3A_3282] : memref<640x128xi32, #tpu.memory_space<vmem>>[vector<16xi32>, vector<16xi32>], vector<16xi32>,
        %shift_left3A_3284 = arith.constant 16 : i32
        %shift_left3A_3285 = vector.broadcast %shift_left3A_3284 : i32 to vector<16xi32>
        %shift_left3A_3286 = arith.shli %gather3A_3283, %shift_left3A_3285 : vector<16xi32>
        %bitcast3A_3287 = vector.bitcast %shift_left3A_3286 : vector<16xi32> to vector<16xf32>
        %and3A_3288 = arith.constant -65536 : i32
        %and3A_3289 = vector.broadcast %and3A_3288 : i32 to vector<16xi32>
        %and3A_3290 = arith.andi %gather3A_3283, %and3A_3289 : vector<16xi32>
        %bitcast3A_3291 = vector.bitcast %and3A_3290 : vector<16xi32> to vector<16xf32>
        %mul3A_3292 = arith.mulf %bitcast3A_3287, %bitcast3A_3259 : vector<16xf32>
        %add3A_3293 = arith.addf %add3A_3203, %mul3A_3292 : vector<16xf32>
        %mul3A_3294 = arith.mulf %bitcast3A_3291, %bitcast3A_3263 : vector<16xf32>
        %add3A_3295 = arith.addf %add3A_3293, %mul3A_3294 : vector<16xf32>
        %add3A_3296 = arith.constant 17 : i32
        %add3A_3297 = vector.broadcast %add3A_3296 : i32 to vector<16xi32>
        %add3A_3298 = arith.addi %mul3A_1626, %add3A_3297 : vector<16xi32>
        %gather3A_3299 = tpu.vector_load_idx %arg12[%add3A_1600, %add3A_3298] : memref<640x128xi32, #tpu.memory_space<vmem>>[vector<16xi32>, vector<16xi32>], vector<16xi32>,
        %shift_left3A_3300 = arith.constant 16 : i32
        %shift_left3A_3301 = vector.broadcast %shift_left3A_3300 : i32 to vector<16xi32>
        %shift_left3A_3302 = arith.shli %gather3A_3299, %shift_left3A_3301 : vector<16xi32>
        %bitcast3A_3303 = vector.bitcast %shift_left3A_3302 : vector<16xi32> to vector<16xf32>
        %and3A_3304 = arith.constant -65536 : i32
        %and3A_3305 = vector.broadcast %and3A_3304 : i32 to vector<16xi32>
        %and3A_3306 = arith.andi %gather3A_3299, %and3A_3305 : vector<16xi32>
        %bitcast3A_3307 = vector.bitcast %and3A_3306 : vector<16xi32> to vector<16xf32>
        %mul3A_3308 = arith.mulf %bitcast3A_3303, %bitcast3A_3259 : vector<16xf32>
        %add3A_3309 = arith.addf %add3A_3219, %mul3A_3308 : vector<16xf32>
        %mul3A_3310 = arith.mulf %bitcast3A_3307, %bitcast3A_3263 : vector<16xf32>
        %add3A_3311 = arith.addf %add3A_3309, %mul3A_3310 : vector<16xf32>
        %add3A_3312 = arith.constant 17 : i32
        %add3A_3313 = vector.broadcast %add3A_3312 : i32 to vector<16xi32>
        %add3A_3314 = arith.addi %mul3A_1657, %add3A_3313 : vector<16xi32>
        %gather3A_3315 = tpu.vector_load_idx %arg12[%add3A_1631, %add3A_3314] : memref<640x128xi32, #tpu.memory_space<vmem>>[vector<16xi32>, vector<16xi32>], vector<16xi32>,
        %shift_left3A_3316 = arith.constant 16 : i32
        %shift_left3A_3317 = vector.broadcast %shift_left3A_3316 : i32 to vector<16xi32>
        %shift_left3A_3318 = arith.shli %gather3A_3315, %shift_left3A_3317 : vector<16xi32>
        %bitcast3A_3319 = vector.bitcast %shift_left3A_3318 : vector<16xi32> to vector<16xf32>
        %and3A_3320 = arith.constant -65536 : i32
        %and3A_3321 = vector.broadcast %and3A_3320 : i32 to vector<16xi32>
        %and3A_3322 = arith.andi %gather3A_3315, %and3A_3321 : vector<16xi32>
        %bitcast3A_3323 = vector.bitcast %and3A_3322 : vector<16xi32> to vector<16xf32>
        %mul3A_3324 = arith.mulf %bitcast3A_3319, %bitcast3A_3259 : vector<16xf32>
        %add3A_3325 = arith.addf %add3A_3235, %mul3A_3324 : vector<16xf32>
        %mul3A_3326 = arith.mulf %bitcast3A_3323, %bitcast3A_3263 : vector<16xf32>
        %add3A_3327 = arith.addf %add3A_3325, %mul3A_3326 : vector<16xf32>
        %add3A_3328 = arith.constant 17 : i32
        %add3A_3329 = vector.broadcast %add3A_3328 : i32 to vector<16xi32>
        %add3A_3330 = arith.addi %mul3A_1688, %add3A_3329 : vector<16xi32>
        %gather3A_3331 = tpu.vector_load_idx %arg12[%add3A_1662, %add3A_3330] : memref<640x128xi32, #tpu.memory_space<vmem>>[vector<16xi32>, vector<16xi32>], vector<16xi32>,
        %shift_left3A_3332 = arith.constant 16 : i32
        %shift_left3A_3333 = vector.broadcast %shift_left3A_3332 : i32 to vector<16xi32>
        %shift_left3A_3334 = arith.shli %gather3A_3331, %shift_left3A_3333 : vector<16xi32>
        %bitcast3A_3335 = vector.bitcast %shift_left3A_3334 : vector<16xi32> to vector<16xf32>
        %and3A_3336 = arith.constant -65536 : i32
        %and3A_3337 = vector.broadcast %and3A_3336 : i32 to vector<16xi32>
        %and3A_3338 = arith.andi %gather3A_3331, %and3A_3337 : vector<16xi32>
        %bitcast3A_3339 = vector.bitcast %and3A_3338 : vector<16xi32> to vector<16xf32>
        %mul3A_3340 = arith.mulf %bitcast3A_3335, %bitcast3A_3259 : vector<16xf32>
        %add3A_3341 = arith.addf %add3A_3251, %mul3A_3340 : vector<16xf32>
        %mul3A_3342 = arith.mulf %bitcast3A_3339, %bitcast3A_3263 : vector<16xf32>
        %add3A_3343 = arith.addf %add3A_3341, %mul3A_3342 : vector<16xf32>
        %add3A_3344 = arith.constant 18 : i32
        %add3A_3345 = vector.broadcast %add3A_3344 : i32 to vector<16xi32>
        %add3A_3346 = arith.addi %mul3A_1536, %add3A_3345 : vector<16xi32>
        %gather3A_3347 = tpu.vector_load_idx %arg11[%add3A_1511, %add3A_3346] : memref<128x128xi32, #tpu.memory_space<vmem>>[vector<16xi32>, vector<16xi32>], vector<16xi32>,
        %shift_left3A_3348 = arith.constant 16 : i32
        %shift_left3A_3349 = vector.broadcast %shift_left3A_3348 : i32 to vector<16xi32>
        %shift_left3A_3350 = arith.shli %gather3A_3347, %shift_left3A_3349 : vector<16xi32>
        %bitcast3A_3351 = vector.bitcast %shift_left3A_3350 : vector<16xi32> to vector<16xf32>
        %and3A_3352 = arith.constant -65536 : i32
        %and3A_3353 = vector.broadcast %and3A_3352 : i32 to vector<16xi32>
        %and3A_3354 = arith.andi %gather3A_3347, %and3A_3353 : vector<16xi32>
        %bitcast3A_3355 = vector.bitcast %and3A_3354 : vector<16xi32> to vector<16xf32>
        %add3A_3356 = arith.constant 18 : i32
        %add3A_3357 = vector.broadcast %add3A_3356 : i32 to vector<16xi32>
        %add3A_3358 = arith.addi %mul3A_1565, %add3A_3357 : vector<16xi32>
        %gather3A_3359 = tpu.vector_load_idx %arg12[%add3A_1539, %add3A_3358] : memref<640x128xi32, #tpu.memory_space<vmem>>[vector<16xi32>, vector<16xi32>], vector<16xi32>,
        %shift_left3A_3360 = arith.constant 16 : i32
        %shift_left3A_3361 = vector.broadcast %shift_left3A_3360 : i32 to vector<16xi32>
        %shift_left3A_3362 = arith.shli %gather3A_3359, %shift_left3A_3361 : vector<16xi32>
        %bitcast3A_3363 = vector.bitcast %shift_left3A_3362 : vector<16xi32> to vector<16xf32>
        %and3A_3364 = arith.constant -65536 : i32
        %and3A_3365 = vector.broadcast %and3A_3364 : i32 to vector<16xi32>
        %and3A_3366 = arith.andi %gather3A_3359, %and3A_3365 : vector<16xi32>
        %bitcast3A_3367 = vector.bitcast %and3A_3366 : vector<16xi32> to vector<16xf32>
        %mul3A_3368 = arith.mulf %bitcast3A_3363, %bitcast3A_3351 : vector<16xf32>
        %add3A_3369 = arith.addf %add3A_3279, %mul3A_3368 : vector<16xf32>
        %mul3A_3370 = arith.mulf %bitcast3A_3367, %bitcast3A_3355 : vector<16xf32>
        %add3A_3371 = arith.addf %add3A_3369, %mul3A_3370 : vector<16xf32>
        %add3A_3372 = arith.constant 18 : i32
        %add3A_3373 = vector.broadcast %add3A_3372 : i32 to vector<16xi32>
        %add3A_3374 = arith.addi %mul3A_1595, %add3A_3373 : vector<16xi32>
        %gather3A_3375 = tpu.vector_load_idx %arg12[%add3A_1569, %add3A_3374] : memref<640x128xi32, #tpu.memory_space<vmem>>[vector<16xi32>, vector<16xi32>], vector<16xi32>,
        %shift_left3A_3376 = arith.constant 16 : i32
        %shift_left3A_3377 = vector.broadcast %shift_left3A_3376 : i32 to vector<16xi32>
        %shift_left3A_3378 = arith.shli %gather3A_3375, %shift_left3A_3377 : vector<16xi32>
        %bitcast3A_3379 = vector.bitcast %shift_left3A_3378 : vector<16xi32> to vector<16xf32>
        %and3A_3380 = arith.constant -65536 : i32
        %and3A_3381 = vector.broadcast %and3A_3380 : i32 to vector<16xi32>
        %and3A_3382 = arith.andi %gather3A_3375, %and3A_3381 : vector<16xi32>
        %bitcast3A_3383 = vector.bitcast %and3A_3382 : vector<16xi32> to vector<16xf32>
        %mul3A_3384 = arith.mulf %bitcast3A_3379, %bitcast3A_3351 : vector<16xf32>
        %add3A_3385 = arith.addf %add3A_3295, %mul3A_3384 : vector<16xf32>
        %mul3A_3386 = arith.mulf %bitcast3A_3383, %bitcast3A_3355 : vector<16xf32>
        %add3A_3387 = arith.addf %add3A_3385, %mul3A_3386 : vector<16xf32>
        %add3A_3388 = arith.constant 18 : i32
        %add3A_3389 = vector.broadcast %add3A_3388 : i32 to vector<16xi32>
        %add3A_3390 = arith.addi %mul3A_1626, %add3A_3389 : vector<16xi32>
        %gather3A_3391 = tpu.vector_load_idx %arg12[%add3A_1600, %add3A_3390] : memref<640x128xi32, #tpu.memory_space<vmem>>[vector<16xi32>, vector<16xi32>], vector<16xi32>,
        %shift_left3A_3392 = arith.constant 16 : i32
        %shift_left3A_3393 = vector.broadcast %shift_left3A_3392 : i32 to vector<16xi32>
        %shift_left3A_3394 = arith.shli %gather3A_3391, %shift_left3A_3393 : vector<16xi32>
        %bitcast3A_3395 = vector.bitcast %shift_left3A_3394 : vector<16xi32> to vector<16xf32>
        %and3A_3396 = arith.constant -65536 : i32
        %and3A_3397 = vector.broadcast %and3A_3396 : i32 to vector<16xi32>
        %and3A_3398 = arith.andi %gather3A_3391, %and3A_3397 : vector<16xi32>
        %bitcast3A_3399 = vector.bitcast %and3A_3398 : vector<16xi32> to vector<16xf32>
        %mul3A_3400 = arith.mulf %bitcast3A_3395, %bitcast3A_3351 : vector<16xf32>
        %add3A_3401 = arith.addf %add3A_3311, %mul3A_3400 : vector<16xf32>
        %mul3A_3402 = arith.mulf %bitcast3A_3399, %bitcast3A_3355 : vector<16xf32>
        %add3A_3403 = arith.addf %add3A_3401, %mul3A_3402 : vector<16xf32>
        %add3A_3404 = arith.constant 18 : i32
        %add3A_3405 = vector.broadcast %add3A_3404 : i32 to vector<16xi32>
        %add3A_3406 = arith.addi %mul3A_1657, %add3A_3405 : vector<16xi32>
        %gather3A_3407 = tpu.vector_load_idx %arg12[%add3A_1631, %add3A_3406] : memref<640x128xi32, #tpu.memory_space<vmem>>[vector<16xi32>, vector<16xi32>], vector<16xi32>,
        %shift_left3A_3408 = arith.constant 16 : i32
        %shift_left3A_3409 = vector.broadcast %shift_left3A_3408 : i32 to vector<16xi32>
        %shift_left3A_3410 = arith.shli %gather3A_3407, %shift_left3A_3409 : vector<16xi32>
        %bitcast3A_3411 = vector.bitcast %shift_left3A_3410 : vector<16xi32> to vector<16xf32>
        %and3A_3412 = arith.constant -65536 : i32
        %and3A_3413 = vector.broadcast %and3A_3412 : i32 to vector<16xi32>
        %and3A_3414 = arith.andi %gather3A_3407, %and3A_3413 : vector<16xi32>
        %bitcast3A_3415 = vector.bitcast %and3A_3414 : vector<16xi32> to vector<16xf32>
        %mul3A_3416 = arith.mulf %bitcast3A_3411, %bitcast3A_3351 : vector<16xf32>
        %add3A_3417 = arith.addf %add3A_3327, %mul3A_3416 : vector<16xf32>
        %mul3A_3418 = arith.mulf %bitcast3A_3415, %bitcast3A_3355 : vector<16xf32>
        %add3A_3419 = arith.addf %add3A_3417, %mul3A_3418 : vector<16xf32>
        %add3A_3420 = arith.constant 18 : i32
        %add3A_3421 = vector.broadcast %add3A_3420 : i32 to vector<16xi32>
        %add3A_3422 = arith.addi %mul3A_1688, %add3A_3421 : vector<16xi32>
        %gather3A_3423 = tpu.vector_load_idx %arg12[%add3A_1662, %add3A_3422] : memref<640x128xi32, #tpu.memory_space<vmem>>[vector<16xi32>, vector<16xi32>], vector<16xi32>,
        %shift_left3A_3424 = arith.constant 16 : i32
        %shift_left3A_3425 = vector.broadcast %shift_left3A_3424 : i32 to vector<16xi32>
        %shift_left3A_3426 = arith.shli %gather3A_3423, %shift_left3A_3425 : vector<16xi32>
        %bitcast3A_3427 = vector.bitcast %shift_left3A_3426 : vector<16xi32> to vector<16xf32>
        %and3A_3428 = arith.constant -65536 : i32
        %and3A_3429 = vector.broadcast %and3A_3428 : i32 to vector<16xi32>
        %and3A_3430 = arith.andi %gather3A_3423, %and3A_3429 : vector<16xi32>
        %bitcast3A_3431 = vector.bitcast %and3A_3430 : vector<16xi32> to vector<16xf32>
        %mul3A_3432 = arith.mulf %bitcast3A_3427, %bitcast3A_3351 : vector<16xf32>
        %add3A_3433 = arith.addf %add3A_3343, %mul3A_3432 : vector<16xf32>
        %mul3A_3434 = arith.mulf %bitcast3A_3431, %bitcast3A_3355 : vector<16xf32>
        %add3A_3435 = arith.addf %add3A_3433, %mul3A_3434 : vector<16xf32>
        %add3A_3436 = arith.constant 19 : i32
        %add3A_3437 = vector.broadcast %add3A_3436 : i32 to vector<16xi32>
        %add3A_3438 = arith.addi %mul3A_1536, %add3A_3437 : vector<16xi32>
        %gather3A_3439 = tpu.vector_load_idx %arg11[%add3A_1511, %add3A_3438] : memref<128x128xi32, #tpu.memory_space<vmem>>[vector<16xi32>, vector<16xi32>], vector<16xi32>,
        %shift_left3A_3440 = arith.constant 16 : i32
        %shift_left3A_3441 = vector.broadcast %shift_left3A_3440 : i32 to vector<16xi32>
        %shift_left3A_3442 = arith.shli %gather3A_3439, %shift_left3A_3441 : vector<16xi32>
        %bitcast3A_3443 = vector.bitcast %shift_left3A_3442 : vector<16xi32> to vector<16xf32>
        %and3A_3444 = arith.constant -65536 : i32
        %and3A_3445 = vector.broadcast %and3A_3444 : i32 to vector<16xi32>
        %and3A_3446 = arith.andi %gather3A_3439, %and3A_3445 : vector<16xi32>
        %bitcast3A_3447 = vector.bitcast %and3A_3446 : vector<16xi32> to vector<16xf32>
        %add3A_3448 = arith.constant 19 : i32
        %add3A_3449 = vector.broadcast %add3A_3448 : i32 to vector<16xi32>
        %add3A_3450 = arith.addi %mul3A_1565, %add3A_3449 : vector<16xi32>
        %gather3A_3451 = tpu.vector_load_idx %arg12[%add3A_1539, %add3A_3450] : memref<640x128xi32, #tpu.memory_space<vmem>>[vector<16xi32>, vector<16xi32>], vector<16xi32>,
        %shift_left3A_3452 = arith.constant 16 : i32
        %shift_left3A_3453 = vector.broadcast %shift_left3A_3452 : i32 to vector<16xi32>
        %shift_left3A_3454 = arith.shli %gather3A_3451, %shift_left3A_3453 : vector<16xi32>
        %bitcast3A_3455 = vector.bitcast %shift_left3A_3454 : vector<16xi32> to vector<16xf32>
        %and3A_3456 = arith.constant -65536 : i32
        %and3A_3457 = vector.broadcast %and3A_3456 : i32 to vector<16xi32>
        %and3A_3458 = arith.andi %gather3A_3451, %and3A_3457 : vector<16xi32>
        %bitcast3A_3459 = vector.bitcast %and3A_3458 : vector<16xi32> to vector<16xf32>
        %mul3A_3460 = arith.mulf %bitcast3A_3455, %bitcast3A_3443 : vector<16xf32>
        %add3A_3461 = arith.addf %add3A_3371, %mul3A_3460 : vector<16xf32>
        %mul3A_3462 = arith.mulf %bitcast3A_3459, %bitcast3A_3447 : vector<16xf32>
        %add3A_3463 = arith.addf %add3A_3461, %mul3A_3462 : vector<16xf32>
        %add3A_3464 = arith.constant 19 : i32
        %add3A_3465 = vector.broadcast %add3A_3464 : i32 to vector<16xi32>
        %add3A_3466 = arith.addi %mul3A_1595, %add3A_3465 : vector<16xi32>
        %gather3A_3467 = tpu.vector_load_idx %arg12[%add3A_1569, %add3A_3466] : memref<640x128xi32, #tpu.memory_space<vmem>>[vector<16xi32>, vector<16xi32>], vector<16xi32>,
        %shift_left3A_3468 = arith.constant 16 : i32
        %shift_left3A_3469 = vector.broadcast %shift_left3A_3468 : i32 to vector<16xi32>
        %shift_left3A_3470 = arith.shli %gather3A_3467, %shift_left3A_3469 : vector<16xi32>
        %bitcast3A_3471 = vector.bitcast %shift_left3A_3470 : vector<16xi32> to vector<16xf32>
        %and3A_3472 = arith.constant -65536 : i32
        %and3A_3473 = vector.broadcast %and3A_3472 : i32 to vector<16xi32>
        %and3A_3474 = arith.andi %gather3A_3467, %and3A_3473 : vector<16xi32>
        %bitcast3A_3475 = vector.bitcast %and3A_3474 : vector<16xi32> to vector<16xf32>
        %mul3A_3476 = arith.mulf %bitcast3A_3471, %bitcast3A_3443 : vector<16xf32>
        %add3A_3477 = arith.addf %add3A_3387, %mul3A_3476 : vector<16xf32>
        %mul3A_3478 = arith.mulf %bitcast3A_3475, %bitcast3A_3447 : vector<16xf32>
        %add3A_3479 = arith.addf %add3A_3477, %mul3A_3478 : vector<16xf32>
        %add3A_3480 = arith.constant 19 : i32
        %add3A_3481 = vector.broadcast %add3A_3480 : i32 to vector<16xi32>
        %add3A_3482 = arith.addi %mul3A_1626, %add3A_3481 : vector<16xi32>
        %gather3A_3483 = tpu.vector_load_idx %arg12[%add3A_1600, %add3A_3482] : memref<640x128xi32, #tpu.memory_space<vmem>>[vector<16xi32>, vector<16xi32>], vector<16xi32>,
        %shift_left3A_3484 = arith.constant 16 : i32
        %shift_left3A_3485 = vector.broadcast %shift_left3A_3484 : i32 to vector<16xi32>
        %shift_left3A_3486 = arith.shli %gather3A_3483, %shift_left3A_3485 : vector<16xi32>
        %bitcast3A_3487 = vector.bitcast %shift_left3A_3486 : vector<16xi32> to vector<16xf32>
        %and3A_3488 = arith.constant -65536 : i32
        %and3A_3489 = vector.broadcast %and3A_3488 : i32 to vector<16xi32>
        %and3A_3490 = arith.andi %gather3A_3483, %and3A_3489 : vector<16xi32>
        %bitcast3A_3491 = vector.bitcast %and3A_3490 : vector<16xi32> to vector<16xf32>
        %mul3A_3492 = arith.mulf %bitcast3A_3487, %bitcast3A_3443 : vector<16xf32>
        %add3A_3493 = arith.addf %add3A_3403, %mul3A_3492 : vector<16xf32>
        %mul3A_3494 = arith.mulf %bitcast3A_3491, %bitcast3A_3447 : vector<16xf32>
        %add3A_3495 = arith.addf %add3A_3493, %mul3A_3494 : vector<16xf32>
        %add3A_3496 = arith.constant 19 : i32
        %add3A_3497 = vector.broadcast %add3A_3496 : i32 to vector<16xi32>
        %add3A_3498 = arith.addi %mul3A_1657, %add3A_3497 : vector<16xi32>
        %gather3A_3499 = tpu.vector_load_idx %arg12[%add3A_1631, %add3A_3498] : memref<640x128xi32, #tpu.memory_space<vmem>>[vector<16xi32>, vector<16xi32>], vector<16xi32>,
        %shift_left3A_3500 = arith.constant 16 : i32
        %shift_left3A_3501 = vector.broadcast %shift_left3A_3500 : i32 to vector<16xi32>
        %shift_left3A_3502 = arith.shli %gather3A_3499, %shift_left3A_3501 : vector<16xi32>
        %bitcast3A_3503 = vector.bitcast %shift_left3A_3502 : vector<16xi32> to vector<16xf32>
        %and3A_3504 = arith.constant -65536 : i32
        %and3A_3505 = vector.broadcast %and3A_3504 : i32 to vector<16xi32>
        %and3A_3506 = arith.andi %gather3A_3499, %and3A_3505 : vector<16xi32>
        %bitcast3A_3507 = vector.bitcast %and3A_3506 : vector<16xi32> to vector<16xf32>
        %mul3A_3508 = arith.mulf %bitcast3A_3503, %bitcast3A_3443 : vector<16xf32>
        %add3A_3509 = arith.addf %add3A_3419, %mul3A_3508 : vector<16xf32>
        %mul3A_3510 = arith.mulf %bitcast3A_3507, %bitcast3A_3447 : vector<16xf32>
        %add3A_3511 = arith.addf %add3A_3509, %mul3A_3510 : vector<16xf32>
        %add3A_3512 = arith.constant 19 : i32
        %add3A_3513 = vector.broadcast %add3A_3512 : i32 to vector<16xi32>
        %add3A_3514 = arith.addi %mul3A_1688, %add3A_3513 : vector<16xi32>
        %gather3A_3515 = tpu.vector_load_idx %arg12[%add3A_1662, %add3A_3514] : memref<640x128xi32, #tpu.memory_space<vmem>>[vector<16xi32>, vector<16xi32>], vector<16xi32>,
        %shift_left3A_3516 = arith.constant 16 : i32
        %shift_left3A_3517 = vector.broadcast %shift_left3A_3516 : i32 to vector<16xi32>
        %shift_left3A_3518 = arith.shli %gather3A_3515, %shift_left3A_3517 : vector<16xi32>
        %bitcast3A_3519 = vector.bitcast %shift_left3A_3518 : vector<16xi32> to vector<16xf32>
        %and3A_3520 = arith.constant -65536 : i32
        %and3A_3521 = vector.broadcast %and3A_3520 : i32 to vector<16xi32>
        %and3A_3522 = arith.andi %gather3A_3515, %and3A_3521 : vector<16xi32>
        %bitcast3A_3523 = vector.bitcast %and3A_3522 : vector<16xi32> to vector<16xf32>
        %mul3A_3524 = arith.mulf %bitcast3A_3519, %bitcast3A_3443 : vector<16xf32>
        %add3A_3525 = arith.addf %add3A_3435, %mul3A_3524 : vector<16xf32>
        %mul3A_3526 = arith.mulf %bitcast3A_3523, %bitcast3A_3447 : vector<16xf32>
        %add3A_3527 = arith.addf %add3A_3525, %mul3A_3526 : vector<16xf32>
        %add3A_3528 = arith.constant 20 : i32
        %add3A_3529 = vector.broadcast %add3A_3528 : i32 to vector<16xi32>
        %add3A_3530 = arith.addi %mul3A_1536, %add3A_3529 : vector<16xi32>
        %gather3A_3531 = tpu.vector_load_idx %arg11[%add3A_1511, %add3A_3530] : memref<128x128xi32, #tpu.memory_space<vmem>>[vector<16xi32>, vector<16xi32>], vector<16xi32>,
        %shift_left3A_3532 = arith.constant 16 : i32
        %shift_left3A_3533 = vector.broadcast %shift_left3A_3532 : i32 to vector<16xi32>
        %shift_left3A_3534 = arith.shli %gather3A_3531, %shift_left3A_3533 : vector<16xi32>
        %bitcast3A_3535 = vector.bitcast %shift_left3A_3534 : vector<16xi32> to vector<16xf32>
        %and3A_3536 = arith.constant -65536 : i32
        %and3A_3537 = vector.broadcast %and3A_3536 : i32 to vector<16xi32>
        %and3A_3538 = arith.andi %gather3A_3531, %and3A_3537 : vector<16xi32>
        %bitcast3A_3539 = vector.bitcast %and3A_3538 : vector<16xi32> to vector<16xf32>
        %add3A_3540 = arith.constant 20 : i32
        %add3A_3541 = vector.broadcast %add3A_3540 : i32 to vector<16xi32>
        %add3A_3542 = arith.addi %mul3A_1565, %add3A_3541 : vector<16xi32>
        %gather3A_3543 = tpu.vector_load_idx %arg12[%add3A_1539, %add3A_3542] : memref<640x128xi32, #tpu.memory_space<vmem>>[vector<16xi32>, vector<16xi32>], vector<16xi32>,
        %shift_left3A_3544 = arith.constant 16 : i32
        %shift_left3A_3545 = vector.broadcast %shift_left3A_3544 : i32 to vector<16xi32>
        %shift_left3A_3546 = arith.shli %gather3A_3543, %shift_left3A_3545 : vector<16xi32>
        %bitcast3A_3547 = vector.bitcast %shift_left3A_3546 : vector<16xi32> to vector<16xf32>
        %and3A_3548 = arith.constant -65536 : i32
        %and3A_3549 = vector.broadcast %and3A_3548 : i32 to vector<16xi32>
        %and3A_3550 = arith.andi %gather3A_3543, %and3A_3549 : vector<16xi32>
        %bitcast3A_3551 = vector.bitcast %and3A_3550 : vector<16xi32> to vector<16xf32>
        %mul3A_3552 = arith.mulf %bitcast3A_3547, %bitcast3A_3535 : vector<16xf32>
        %add3A_3553 = arith.addf %add3A_3463, %mul3A_3552 : vector<16xf32>
        %mul3A_3554 = arith.mulf %bitcast3A_3551, %bitcast3A_3539 : vector<16xf32>
        %add3A_3555 = arith.addf %add3A_3553, %mul3A_3554 : vector<16xf32>
        %add3A_3556 = arith.constant 20 : i32
        %add3A_3557 = vector.broadcast %add3A_3556 : i32 to vector<16xi32>
        %add3A_3558 = arith.addi %mul3A_1595, %add3A_3557 : vector<16xi32>
        %gather3A_3559 = tpu.vector_load_idx %arg12[%add3A_1569, %add3A_3558] : memref<640x128xi32, #tpu.memory_space<vmem>>[vector<16xi32>, vector<16xi32>], vector<16xi32>,
        %shift_left3A_3560 = arith.constant 16 : i32
        %shift_left3A_3561 = vector.broadcast %shift_left3A_3560 : i32 to vector<16xi32>
        %shift_left3A_3562 = arith.shli %gather3A_3559, %shift_left3A_3561 : vector<16xi32>
        %bitcast3A_3563 = vector.bitcast %shift_left3A_3562 : vector<16xi32> to vector<16xf32>
        %and3A_3564 = arith.constant -65536 : i32
        %and3A_3565 = vector.broadcast %and3A_3564 : i32 to vector<16xi32>
        %and3A_3566 = arith.andi %gather3A_3559, %and3A_3565 : vector<16xi32>
        %bitcast3A_3567 = vector.bitcast %and3A_3566 : vector<16xi32> to vector<16xf32>
        %mul3A_3568 = arith.mulf %bitcast3A_3563, %bitcast3A_3535 : vector<16xf32>
        %add3A_3569 = arith.addf %add3A_3479, %mul3A_3568 : vector<16xf32>
        %mul3A_3570 = arith.mulf %bitcast3A_3567, %bitcast3A_3539 : vector<16xf32>
        %add3A_3571 = arith.addf %add3A_3569, %mul3A_3570 : vector<16xf32>
        %add3A_3572 = arith.constant 20 : i32
        %add3A_3573 = vector.broadcast %add3A_3572 : i32 to vector<16xi32>
        %add3A_3574 = arith.addi %mul3A_1626, %add3A_3573 : vector<16xi32>
        %gather3A_3575 = tpu.vector_load_idx %arg12[%add3A_1600, %add3A_3574] : memref<640x128xi32, #tpu.memory_space<vmem>>[vector<16xi32>, vector<16xi32>], vector<16xi32>,
        %shift_left3A_3576 = arith.constant 16 : i32
        %shift_left3A_3577 = vector.broadcast %shift_left3A_3576 : i32 to vector<16xi32>
        %shift_left3A_3578 = arith.shli %gather3A_3575, %shift_left3A_3577 : vector<16xi32>
        %bitcast3A_3579 = vector.bitcast %shift_left3A_3578 : vector<16xi32> to vector<16xf32>
        %and3A_3580 = arith.constant -65536 : i32
        %and3A_3581 = vector.broadcast %and3A_3580 : i32 to vector<16xi32>
        %and3A_3582 = arith.andi %gather3A_3575, %and3A_3581 : vector<16xi32>
        %bitcast3A_3583 = vector.bitcast %and3A_3582 : vector<16xi32> to vector<16xf32>
        %mul3A_3584 = arith.mulf %bitcast3A_3579, %bitcast3A_3535 : vector<16xf32>
        %add3A_3585 = arith.addf %add3A_3495, %mul3A_3584 : vector<16xf32>
        %mul3A_3586 = arith.mulf %bitcast3A_3583, %bitcast3A_3539 : vector<16xf32>
        %add3A_3587 = arith.addf %add3A_3585, %mul3A_3586 : vector<16xf32>
        %add3A_3588 = arith.constant 20 : i32
        %add3A_3589 = vector.broadcast %add3A_3588 : i32 to vector<16xi32>
        %add3A_3590 = arith.addi %mul3A_1657, %add3A_3589 : vector<16xi32>
        %gather3A_3591 = tpu.vector_load_idx %arg12[%add3A_1631, %add3A_3590] : memref<640x128xi32, #tpu.memory_space<vmem>>[vector<16xi32>, vector<16xi32>], vector<16xi32>,
        %shift_left3A_3592 = arith.constant 16 : i32
        %shift_left3A_3593 = vector.broadcast %shift_left3A_3592 : i32 to vector<16xi32>
        %shift_left3A_3594 = arith.shli %gather3A_3591, %shift_left3A_3593 : vector<16xi32>
        %bitcast3A_3595 = vector.bitcast %shift_left3A_3594 : vector<16xi32> to vector<16xf32>
        %and3A_3596 = arith.constant -65536 : i32
        %and3A_3597 = vector.broadcast %and3A_3596 : i32 to vector<16xi32>
        %and3A_3598 = arith.andi %gather3A_3591, %and3A_3597 : vector<16xi32>
        %bitcast3A_3599 = vector.bitcast %and3A_3598 : vector<16xi32> to vector<16xf32>
        %mul3A_3600 = arith.mulf %bitcast3A_3595, %bitcast3A_3535 : vector<16xf32>
        %add3A_3601 = arith.addf %add3A_3511, %mul3A_3600 : vector<16xf32>
        %mul3A_3602 = arith.mulf %bitcast3A_3599, %bitcast3A_3539 : vector<16xf32>
        %add3A_3603 = arith.addf %add3A_3601, %mul3A_3602 : vector<16xf32>
        %add3A_3604 = arith.constant 20 : i32
        %add3A_3605 = vector.broadcast %add3A_3604 : i32 to vector<16xi32>
        %add3A_3606 = arith.addi %mul3A_1688, %add3A_3605 : vector<16xi32>
        %gather3A_3607 = tpu.vector_load_idx %arg12[%add3A_1662, %add3A_3606] : memref<640x128xi32, #tpu.memory_space<vmem>>[vector<16xi32>, vector<16xi32>], vector<16xi32>,
        %shift_left3A_3608 = arith.constant 16 : i32
        %shift_left3A_3609 = vector.broadcast %shift_left3A_3608 : i32 to vector<16xi32>
        %shift_left3A_3610 = arith.shli %gather3A_3607, %shift_left3A_3609 : vector<16xi32>
        %bitcast3A_3611 = vector.bitcast %shift_left3A_3610 : vector<16xi32> to vector<16xf32>
        %and3A_3612 = arith.constant -65536 : i32
        %and3A_3613 = vector.broadcast %and3A_3612 : i32 to vector<16xi32>
        %and3A_3614 = arith.andi %gather3A_3607, %and3A_3613 : vector<16xi32>
        %bitcast3A_3615 = vector.bitcast %and3A_3614 : vector<16xi32> to vector<16xf32>
        %mul3A_3616 = arith.mulf %bitcast3A_3611, %bitcast3A_3535 : vector<16xf32>
        %add3A_3617 = arith.addf %add3A_3527, %mul3A_3616 : vector<16xf32>
        %mul3A_3618 = arith.mulf %bitcast3A_3615, %bitcast3A_3539 : vector<16xf32>
        %add3A_3619 = arith.addf %add3A_3617, %mul3A_3618 : vector<16xf32>
        %add3A_3620 = arith.constant 21 : i32
        %add3A_3621 = vector.broadcast %add3A_3620 : i32 to vector<16xi32>
        %add3A_3622 = arith.addi %mul3A_1536, %add3A_3621 : vector<16xi32>
        %gather3A_3623 = tpu.vector_load_idx %arg11[%add3A_1511, %add3A_3622] : memref<128x128xi32, #tpu.memory_space<vmem>>[vector<16xi32>, vector<16xi32>], vector<16xi32>,
        %shift_left3A_3624 = arith.constant 16 : i32
        %shift_left3A_3625 = vector.broadcast %shift_left3A_3624 : i32 to vector<16xi32>
        %shift_left3A_3626 = arith.shli %gather3A_3623, %shift_left3A_3625 : vector<16xi32>
        %bitcast3A_3627 = vector.bitcast %shift_left3A_3626 : vector<16xi32> to vector<16xf32>
        %and3A_3628 = arith.constant -65536 : i32
        %and3A_3629 = vector.broadcast %and3A_3628 : i32 to vector<16xi32>
        %and3A_3630 = arith.andi %gather3A_3623, %and3A_3629 : vector<16xi32>
        %bitcast3A_3631 = vector.bitcast %and3A_3630 : vector<16xi32> to vector<16xf32>
        %add3A_3632 = arith.constant 21 : i32
        %add3A_3633 = vector.broadcast %add3A_3632 : i32 to vector<16xi32>
        %add3A_3634 = arith.addi %mul3A_1565, %add3A_3633 : vector<16xi32>
        %gather3A_3635 = tpu.vector_load_idx %arg12[%add3A_1539, %add3A_3634] : memref<640x128xi32, #tpu.memory_space<vmem>>[vector<16xi32>, vector<16xi32>], vector<16xi32>,
        %shift_left3A_3636 = arith.constant 16 : i32
        %shift_left3A_3637 = vector.broadcast %shift_left3A_3636 : i32 to vector<16xi32>
        %shift_left3A_3638 = arith.shli %gather3A_3635, %shift_left3A_3637 : vector<16xi32>
        %bitcast3A_3639 = vector.bitcast %shift_left3A_3638 : vector<16xi32> to vector<16xf32>
        %and3A_3640 = arith.constant -65536 : i32
        %and3A_3641 = vector.broadcast %and3A_3640 : i32 to vector<16xi32>
        %and3A_3642 = arith.andi %gather3A_3635, %and3A_3641 : vector<16xi32>
        %bitcast3A_3643 = vector.bitcast %and3A_3642 : vector<16xi32> to vector<16xf32>
        %mul3A_3644 = arith.mulf %bitcast3A_3639, %bitcast3A_3627 : vector<16xf32>
        %add3A_3645 = arith.addf %add3A_3555, %mul3A_3644 : vector<16xf32>
        %mul3A_3646 = arith.mulf %bitcast3A_3643, %bitcast3A_3631 : vector<16xf32>
        %add3A_3647 = arith.addf %add3A_3645, %mul3A_3646 : vector<16xf32>
        %add3A_3648 = arith.constant 21 : i32
        %add3A_3649 = vector.broadcast %add3A_3648 : i32 to vector<16xi32>
        %add3A_3650 = arith.addi %mul3A_1595, %add3A_3649 : vector<16xi32>
        %gather3A_3651 = tpu.vector_load_idx %arg12[%add3A_1569, %add3A_3650] : memref<640x128xi32, #tpu.memory_space<vmem>>[vector<16xi32>, vector<16xi32>], vector<16xi32>,
        %shift_left3A_3652 = arith.constant 16 : i32
        %shift_left3A_3653 = vector.broadcast %shift_left3A_3652 : i32 to vector<16xi32>
        %shift_left3A_3654 = arith.shli %gather3A_3651, %shift_left3A_3653 : vector<16xi32>
        %bitcast3A_3655 = vector.bitcast %shift_left3A_3654 : vector<16xi32> to vector<16xf32>
        %and3A_3656 = arith.constant -65536 : i32
        %and3A_3657 = vector.broadcast %and3A_3656 : i32 to vector<16xi32>
        %and3A_3658 = arith.andi %gather3A_3651, %and3A_3657 : vector<16xi32>
        %bitcast3A_3659 = vector.bitcast %and3A_3658 : vector<16xi32> to vector<16xf32>
        %mul3A_3660 = arith.mulf %bitcast3A_3655, %bitcast3A_3627 : vector<16xf32>
        %add3A_3661 = arith.addf %add3A_3571, %mul3A_3660 : vector<16xf32>
        %mul3A_3662 = arith.mulf %bitcast3A_3659, %bitcast3A_3631 : vector<16xf32>
        %add3A_3663 = arith.addf %add3A_3661, %mul3A_3662 : vector<16xf32>
        %add3A_3664 = arith.constant 21 : i32
        %add3A_3665 = vector.broadcast %add3A_3664 : i32 to vector<16xi32>
        %add3A_3666 = arith.addi %mul3A_1626, %add3A_3665 : vector<16xi32>
        %gather3A_3667 = tpu.vector_load_idx %arg12[%add3A_1600, %add3A_3666] : memref<640x128xi32, #tpu.memory_space<vmem>>[vector<16xi32>, vector<16xi32>], vector<16xi32>,
        %shift_left3A_3668 = arith.constant 16 : i32
        %shift_left3A_3669 = vector.broadcast %shift_left3A_3668 : i32 to vector<16xi32>
        %shift_left3A_3670 = arith.shli %gather3A_3667, %shift_left3A_3669 : vector<16xi32>
        %bitcast3A_3671 = vector.bitcast %shift_left3A_3670 : vector<16xi32> to vector<16xf32>
        %and3A_3672 = arith.constant -65536 : i32
        %and3A_3673 = vector.broadcast %and3A_3672 : i32 to vector<16xi32>
        %and3A_3674 = arith.andi %gather3A_3667, %and3A_3673 : vector<16xi32>
        %bitcast3A_3675 = vector.bitcast %and3A_3674 : vector<16xi32> to vector<16xf32>
        %mul3A_3676 = arith.mulf %bitcast3A_3671, %bitcast3A_3627 : vector<16xf32>
        %add3A_3677 = arith.addf %add3A_3587, %mul3A_3676 : vector<16xf32>
        %mul3A_3678 = arith.mulf %bitcast3A_3675, %bitcast3A_3631 : vector<16xf32>
        %add3A_3679 = arith.addf %add3A_3677, %mul3A_3678 : vector<16xf32>
        %add3A_3680 = arith.constant 21 : i32
        %add3A_3681 = vector.broadcast %add3A_3680 : i32 to vector<16xi32>
        %add3A_3682 = arith.addi %mul3A_1657, %add3A_3681 : vector<16xi32>
        %gather3A_3683 = tpu.vector_load_idx %arg12[%add3A_1631, %add3A_3682] : memref<640x128xi32, #tpu.memory_space<vmem>>[vector<16xi32>, vector<16xi32>], vector<16xi32>,
        %shift_left3A_3684 = arith.constant 16 : i32
        %shift_left3A_3685 = vector.broadcast %shift_left3A_3684 : i32 to vector<16xi32>
        %shift_left3A_3686 = arith.shli %gather3A_3683, %shift_left3A_3685 : vector<16xi32>
        %bitcast3A_3687 = vector.bitcast %shift_left3A_3686 : vector<16xi32> to vector<16xf32>
        %and3A_3688 = arith.constant -65536 : i32
        %and3A_3689 = vector.broadcast %and3A_3688 : i32 to vector<16xi32>
        %and3A_3690 = arith.andi %gather3A_3683, %and3A_3689 : vector<16xi32>
        %bitcast3A_3691 = vector.bitcast %and3A_3690 : vector<16xi32> to vector<16xf32>
        %mul3A_3692 = arith.mulf %bitcast3A_3687, %bitcast3A_3627 : vector<16xf32>
        %add3A_3693 = arith.addf %add3A_3603, %mul3A_3692 : vector<16xf32>
        %mul3A_3694 = arith.mulf %bitcast3A_3691, %bitcast3A_3631 : vector<16xf32>
        %add3A_3695 = arith.addf %add3A_3693, %mul3A_3694 : vector<16xf32>
        %add3A_3696 = arith.constant 21 : i32
        %add3A_3697 = vector.broadcast %add3A_3696 : i32 to vector<16xi32>
        %add3A_3698 = arith.addi %mul3A_1688, %add3A_3697 : vector<16xi32>
        %gather3A_3699 = tpu.vector_load_idx %arg12[%add3A_1662, %add3A_3698] : memref<640x128xi32, #tpu.memory_space<vmem>>[vector<16xi32>, vector<16xi32>], vector<16xi32>,
        %shift_left3A_3700 = arith.constant 16 : i32
        %shift_left3A_3701 = vector.broadcast %shift_left3A_3700 : i32 to vector<16xi32>
        %shift_left3A_3702 = arith.shli %gather3A_3699, %shift_left3A_3701 : vector<16xi32>
        %bitcast3A_3703 = vector.bitcast %shift_left3A_3702 : vector<16xi32> to vector<16xf32>
        %and3A_3704 = arith.constant -65536 : i32
        %and3A_3705 = vector.broadcast %and3A_3704 : i32 to vector<16xi32>
        %and3A_3706 = arith.andi %gather3A_3699, %and3A_3705 : vector<16xi32>
        %bitcast3A_3707 = vector.bitcast %and3A_3706 : vector<16xi32> to vector<16xf32>
        %mul3A_3708 = arith.mulf %bitcast3A_3703, %bitcast3A_3627 : vector<16xf32>
        %add3A_3709 = arith.addf %add3A_3619, %mul3A_3708 : vector<16xf32>
        %mul3A_3710 = arith.mulf %bitcast3A_3707, %bitcast3A_3631 : vector<16xf32>
        %add3A_3711 = arith.addf %add3A_3709, %mul3A_3710 : vector<16xf32>
        %add3A_3712 = arith.constant 22 : i32
        %add3A_3713 = vector.broadcast %add3A_3712 : i32 to vector<16xi32>
        %add3A_3714 = arith.addi %mul3A_1536, %add3A_3713 : vector<16xi32>
        %gather3A_3715 = tpu.vector_load_idx %arg11[%add3A_1511, %add3A_3714] : memref<128x128xi32, #tpu.memory_space<vmem>>[vector<16xi32>, vector<16xi32>], vector<16xi32>,
        %shift_left3A_3716 = arith.constant 16 : i32
        %shift_left3A_3717 = vector.broadcast %shift_left3A_3716 : i32 to vector<16xi32>
        %shift_left3A_3718 = arith.shli %gather3A_3715, %shift_left3A_3717 : vector<16xi32>
        %bitcast3A_3719 = vector.bitcast %shift_left3A_3718 : vector<16xi32> to vector<16xf32>
        %and3A_3720 = arith.constant -65536 : i32
        %and3A_3721 = vector.broadcast %and3A_3720 : i32 to vector<16xi32>
        %and3A_3722 = arith.andi %gather3A_3715, %and3A_3721 : vector<16xi32>
        %bitcast3A_3723 = vector.bitcast %and3A_3722 : vector<16xi32> to vector<16xf32>
        %add3A_3724 = arith.constant 22 : i32
        %add3A_3725 = vector.broadcast %add3A_3724 : i32 to vector<16xi32>
        %add3A_3726 = arith.addi %mul3A_1565, %add3A_3725 : vector<16xi32>
        %gather3A_3727 = tpu.vector_load_idx %arg12[%add3A_1539, %add3A_3726] : memref<640x128xi32, #tpu.memory_space<vmem>>[vector<16xi32>, vector<16xi32>], vector<16xi32>,
        %shift_left3A_3728 = arith.constant 16 : i32
        %shift_left3A_3729 = vector.broadcast %shift_left3A_3728 : i32 to vector<16xi32>
        %shift_left3A_3730 = arith.shli %gather3A_3727, %shift_left3A_3729 : vector<16xi32>
        %bitcast3A_3731 = vector.bitcast %shift_left3A_3730 : vector<16xi32> to vector<16xf32>
        %and3A_3732 = arith.constant -65536 : i32
        %and3A_3733 = vector.broadcast %and3A_3732 : i32 to vector<16xi32>
        %and3A_3734 = arith.andi %gather3A_3727, %and3A_3733 : vector<16xi32>
        %bitcast3A_3735 = vector.bitcast %and3A_3734 : vector<16xi32> to vector<16xf32>
        %mul3A_3736 = arith.mulf %bitcast3A_3731, %bitcast3A_3719 : vector<16xf32>
        %add3A_3737 = arith.addf %add3A_3647, %mul3A_3736 : vector<16xf32>
        %mul3A_3738 = arith.mulf %bitcast3A_3735, %bitcast3A_3723 : vector<16xf32>
        %add3A_3739 = arith.addf %add3A_3737, %mul3A_3738 : vector<16xf32>
        %add3A_3740 = arith.constant 22 : i32
        %add3A_3741 = vector.broadcast %add3A_3740 : i32 to vector<16xi32>
        %add3A_3742 = arith.addi %mul3A_1595, %add3A_3741 : vector<16xi32>
        %gather3A_3743 = tpu.vector_load_idx %arg12[%add3A_1569, %add3A_3742] : memref<640x128xi32, #tpu.memory_space<vmem>>[vector<16xi32>, vector<16xi32>], vector<16xi32>,
        %shift_left3A_3744 = arith.constant 16 : i32
        %shift_left3A_3745 = vector.broadcast %shift_left3A_3744 : i32 to vector<16xi32>
        %shift_left3A_3746 = arith.shli %gather3A_3743, %shift_left3A_3745 : vector<16xi32>
        %bitcast3A_3747 = vector.bitcast %shift_left3A_3746 : vector<16xi32> to vector<16xf32>
        %and3A_3748 = arith.constant -65536 : i32
        %and3A_3749 = vector.broadcast %and3A_3748 : i32 to vector<16xi32>
        %and3A_3750 = arith.andi %gather3A_3743, %and3A_3749 : vector<16xi32>
        %bitcast3A_3751 = vector.bitcast %and3A_3750 : vector<16xi32> to vector<16xf32>
        %mul3A_3752 = arith.mulf %bitcast3A_3747, %bitcast3A_3719 : vector<16xf32>
        %add3A_3753 = arith.addf %add3A_3663, %mul3A_3752 : vector<16xf32>
        %mul3A_3754 = arith.mulf %bitcast3A_3751, %bitcast3A_3723 : vector<16xf32>
        %add3A_3755 = arith.addf %add3A_3753, %mul3A_3754 : vector<16xf32>
        %add3A_3756 = arith.constant 22 : i32
        %add3A_3757 = vector.broadcast %add3A_3756 : i32 to vector<16xi32>
        %add3A_3758 = arith.addi %mul3A_1626, %add3A_3757 : vector<16xi32>
        %gather3A_3759 = tpu.vector_load_idx %arg12[%add3A_1600, %add3A_3758] : memref<640x128xi32, #tpu.memory_space<vmem>>[vector<16xi32>, vector<16xi32>], vector<16xi32>,
        %shift_left3A_3760 = arith.constant 16 : i32
        %shift_left3A_3761 = vector.broadcast %shift_left3A_3760 : i32 to vector<16xi32>
        %shift_left3A_3762 = arith.shli %gather3A_3759, %shift_left3A_3761 : vector<16xi32>
        %bitcast3A_3763 = vector.bitcast %shift_left3A_3762 : vector<16xi32> to vector<16xf32>
        %and3A_3764 = arith.constant -65536 : i32
        %and3A_3765 = vector.broadcast %and3A_3764 : i32 to vector<16xi32>
        %and3A_3766 = arith.andi %gather3A_3759, %and3A_3765 : vector<16xi32>
        %bitcast3A_3767 = vector.bitcast %and3A_3766 : vector<16xi32> to vector<16xf32>
        %mul3A_3768 = arith.mulf %bitcast3A_3763, %bitcast3A_3719 : vector<16xf32>
        %add3A_3769 = arith.addf %add3A_3679, %mul3A_3768 : vector<16xf32>
        %mul3A_3770 = arith.mulf %bitcast3A_3767, %bitcast3A_3723 : vector<16xf32>
        %add3A_3771 = arith.addf %add3A_3769, %mul3A_3770 : vector<16xf32>
        %add3A_3772 = arith.constant 22 : i32
        %add3A_3773 = vector.broadcast %add3A_3772 : i32 to vector<16xi32>
        %add3A_3774 = arith.addi %mul3A_1657, %add3A_3773 : vector<16xi32>
        %gather3A_3775 = tpu.vector_load_idx %arg12[%add3A_1631, %add3A_3774] : memref<640x128xi32, #tpu.memory_space<vmem>>[vector<16xi32>, vector<16xi32>], vector<16xi32>,
        %shift_left3A_3776 = arith.constant 16 : i32
        %shift_left3A_3777 = vector.broadcast %shift_left3A_3776 : i32 to vector<16xi32>
        %shift_left3A_3778 = arith.shli %gather3A_3775, %shift_left3A_3777 : vector<16xi32>
        %bitcast3A_3779 = vector.bitcast %shift_left3A_3778 : vector<16xi32> to vector<16xf32>
        %and3A_3780 = arith.constant -65536 : i32
        %and3A_3781 = vector.broadcast %and3A_3780 : i32 to vector<16xi32>
        %and3A_3782 = arith.andi %gather3A_3775, %and3A_3781 : vector<16xi32>
        %bitcast3A_3783 = vector.bitcast %and3A_3782 : vector<16xi32> to vector<16xf32>
        %mul3A_3784 = arith.mulf %bitcast3A_3779, %bitcast3A_3719 : vector<16xf32>
        %add3A_3785 = arith.addf %add3A_3695, %mul3A_3784 : vector<16xf32>
        %mul3A_3786 = arith.mulf %bitcast3A_3783, %bitcast3A_3723 : vector<16xf32>
        %add3A_3787 = arith.addf %add3A_3785, %mul3A_3786 : vector<16xf32>
        %add3A_3788 = arith.constant 22 : i32
        %add3A_3789 = vector.broadcast %add3A_3788 : i32 to vector<16xi32>
        %add3A_3790 = arith.addi %mul3A_1688, %add3A_3789 : vector<16xi32>
        %gather3A_3791 = tpu.vector_load_idx %arg12[%add3A_1662, %add3A_3790] : memref<640x128xi32, #tpu.memory_space<vmem>>[vector<16xi32>, vector<16xi32>], vector<16xi32>,
        %shift_left3A_3792 = arith.constant 16 : i32
        %shift_left3A_3793 = vector.broadcast %shift_left3A_3792 : i32 to vector<16xi32>
        %shift_left3A_3794 = arith.shli %gather3A_3791, %shift_left3A_3793 : vector<16xi32>
        %bitcast3A_3795 = vector.bitcast %shift_left3A_3794 : vector<16xi32> to vector<16xf32>
        %and3A_3796 = arith.constant -65536 : i32
        %and3A_3797 = vector.broadcast %and3A_3796 : i32 to vector<16xi32>
        %and3A_3798 = arith.andi %gather3A_3791, %and3A_3797 : vector<16xi32>
        %bitcast3A_3799 = vector.bitcast %and3A_3798 : vector<16xi32> to vector<16xf32>
        %mul3A_3800 = arith.mulf %bitcast3A_3795, %bitcast3A_3719 : vector<16xf32>
        %add3A_3801 = arith.addf %add3A_3711, %mul3A_3800 : vector<16xf32>
        %mul3A_3802 = arith.mulf %bitcast3A_3799, %bitcast3A_3723 : vector<16xf32>
        %add3A_3803 = arith.addf %add3A_3801, %mul3A_3802 : vector<16xf32>
        %add3A_3804 = arith.constant 23 : i32
        %add3A_3805 = vector.broadcast %add3A_3804 : i32 to vector<16xi32>
        %add3A_3806 = arith.addi %mul3A_1536, %add3A_3805 : vector<16xi32>
        %gather3A_3807 = tpu.vector_load_idx %arg11[%add3A_1511, %add3A_3806] : memref<128x128xi32, #tpu.memory_space<vmem>>[vector<16xi32>, vector<16xi32>], vector<16xi32>,
        %shift_left3A_3808 = arith.constant 16 : i32
        %shift_left3A_3809 = vector.broadcast %shift_left3A_3808 : i32 to vector<16xi32>
        %shift_left3A_3810 = arith.shli %gather3A_3807, %shift_left3A_3809 : vector<16xi32>
        %bitcast3A_3811 = vector.bitcast %shift_left3A_3810 : vector<16xi32> to vector<16xf32>
        %and3A_3812 = arith.constant -65536 : i32
        %and3A_3813 = vector.broadcast %and3A_3812 : i32 to vector<16xi32>
        %and3A_3814 = arith.andi %gather3A_3807, %and3A_3813 : vector<16xi32>
        %bitcast3A_3815 = vector.bitcast %and3A_3814 : vector<16xi32> to vector<16xf32>
        %add3A_3816 = arith.constant 23 : i32
        %add3A_3817 = vector.broadcast %add3A_3816 : i32 to vector<16xi32>
        %add3A_3818 = arith.addi %mul3A_1565, %add3A_3817 : vector<16xi32>
        %gather3A_3819 = tpu.vector_load_idx %arg12[%add3A_1539, %add3A_3818] : memref<640x128xi32, #tpu.memory_space<vmem>>[vector<16xi32>, vector<16xi32>], vector<16xi32>,
        %shift_left3A_3820 = arith.constant 16 : i32
        %shift_left3A_3821 = vector.broadcast %shift_left3A_3820 : i32 to vector<16xi32>
        %shift_left3A_3822 = arith.shli %gather3A_3819, %shift_left3A_3821 : vector<16xi32>
        %bitcast3A_3823 = vector.bitcast %shift_left3A_3822 : vector<16xi32> to vector<16xf32>
        %and3A_3824 = arith.constant -65536 : i32
        %and3A_3825 = vector.broadcast %and3A_3824 : i32 to vector<16xi32>
        %and3A_3826 = arith.andi %gather3A_3819, %and3A_3825 : vector<16xi32>
        %bitcast3A_3827 = vector.bitcast %and3A_3826 : vector<16xi32> to vector<16xf32>
        %mul3A_3828 = arith.mulf %bitcast3A_3823, %bitcast3A_3811 : vector<16xf32>
        %add3A_3829 = arith.addf %add3A_3739, %mul3A_3828 : vector<16xf32>
        %mul3A_3830 = arith.mulf %bitcast3A_3827, %bitcast3A_3815 : vector<16xf32>
        %add3A_3831 = arith.addf %add3A_3829, %mul3A_3830 : vector<16xf32>
        %add3A_3832 = arith.constant 23 : i32
        %add3A_3833 = vector.broadcast %add3A_3832 : i32 to vector<16xi32>
        %add3A_3834 = arith.addi %mul3A_1595, %add3A_3833 : vector<16xi32>
        %gather3A_3835 = tpu.vector_load_idx %arg12[%add3A_1569, %add3A_3834] : memref<640x128xi32, #tpu.memory_space<vmem>>[vector<16xi32>, vector<16xi32>], vector<16xi32>,
        %shift_left3A_3836 = arith.constant 16 : i32
        %shift_left3A_3837 = vector.broadcast %shift_left3A_3836 : i32 to vector<16xi32>
        %shift_left3A_3838 = arith.shli %gather3A_3835, %shift_left3A_3837 : vector<16xi32>
        %bitcast3A_3839 = vector.bitcast %shift_left3A_3838 : vector<16xi32> to vector<16xf32>
        %and3A_3840 = arith.constant -65536 : i32
        %and3A_3841 = vector.broadcast %and3A_3840 : i32 to vector<16xi32>
        %and3A_3842 = arith.andi %gather3A_3835, %and3A_3841 : vector<16xi32>
        %bitcast3A_3843 = vector.bitcast %and3A_3842 : vector<16xi32> to vector<16xf32>
        %mul3A_3844 = arith.mulf %bitcast3A_3839, %bitcast3A_3811 : vector<16xf32>
        %add3A_3845 = arith.addf %add3A_3755, %mul3A_3844 : vector<16xf32>
        %mul3A_3846 = arith.mulf %bitcast3A_3843, %bitcast3A_3815 : vector<16xf32>
        %add3A_3847 = arith.addf %add3A_3845, %mul3A_3846 : vector<16xf32>
        %add3A_3848 = arith.constant 23 : i32
        %add3A_3849 = vector.broadcast %add3A_3848 : i32 to vector<16xi32>
        %add3A_3850 = arith.addi %mul3A_1626, %add3A_3849 : vector<16xi32>
        %gather3A_3851 = tpu.vector_load_idx %arg12[%add3A_1600, %add3A_3850] : memref<640x128xi32, #tpu.memory_space<vmem>>[vector<16xi32>, vector<16xi32>], vector<16xi32>,
        %shift_left3A_3852 = arith.constant 16 : i32
        %shift_left3A_3853 = vector.broadcast %shift_left3A_3852 : i32 to vector<16xi32>
        %shift_left3A_3854 = arith.shli %gather3A_3851, %shift_left3A_3853 : vector<16xi32>
        %bitcast3A_3855 = vector.bitcast %shift_left3A_3854 : vector<16xi32> to vector<16xf32>
        %and3A_3856 = arith.constant -65536 : i32
        %and3A_3857 = vector.broadcast %and3A_3856 : i32 to vector<16xi32>
        %and3A_3858 = arith.andi %gather3A_3851, %and3A_3857 : vector<16xi32>
        %bitcast3A_3859 = vector.bitcast %and3A_3858 : vector<16xi32> to vector<16xf32>
        %mul3A_3860 = arith.mulf %bitcast3A_3855, %bitcast3A_3811 : vector<16xf32>
        %add3A_3861 = arith.addf %add3A_3771, %mul3A_3860 : vector<16xf32>
        %mul3A_3862 = arith.mulf %bitcast3A_3859, %bitcast3A_3815 : vector<16xf32>
        %add3A_3863 = arith.addf %add3A_3861, %mul3A_3862 : vector<16xf32>
        %add3A_3864 = arith.constant 23 : i32
        %add3A_3865 = vector.broadcast %add3A_3864 : i32 to vector<16xi32>
        %add3A_3866 = arith.addi %mul3A_1657, %add3A_3865 : vector<16xi32>
        %gather3A_3867 = tpu.vector_load_idx %arg12[%add3A_1631, %add3A_3866] : memref<640x128xi32, #tpu.memory_space<vmem>>[vector<16xi32>, vector<16xi32>], vector<16xi32>,
        %shift_left3A_3868 = arith.constant 16 : i32
        %shift_left3A_3869 = vector.broadcast %shift_left3A_3868 : i32 to vector<16xi32>
        %shift_left3A_3870 = arith.shli %gather3A_3867, %shift_left3A_3869 : vector<16xi32>
        %bitcast3A_3871 = vector.bitcast %shift_left3A_3870 : vector<16xi32> to vector<16xf32>
        %and3A_3872 = arith.constant -65536 : i32
        %and3A_3873 = vector.broadcast %and3A_3872 : i32 to vector<16xi32>
        %and3A_3874 = arith.andi %gather3A_3867, %and3A_3873 : vector<16xi32>
        %bitcast3A_3875 = vector.bitcast %and3A_3874 : vector<16xi32> to vector<16xf32>
        %mul3A_3876 = arith.mulf %bitcast3A_3871, %bitcast3A_3811 : vector<16xf32>
        %add3A_3877 = arith.addf %add3A_3787, %mul3A_3876 : vector<16xf32>
        %mul3A_3878 = arith.mulf %bitcast3A_3875, %bitcast3A_3815 : vector<16xf32>
        %add3A_3879 = arith.addf %add3A_3877, %mul3A_3878 : vector<16xf32>
        %add3A_3880 = arith.constant 23 : i32
        %add3A_3881 = vector.broadcast %add3A_3880 : i32 to vector<16xi32>
        %add3A_3882 = arith.addi %mul3A_1688, %add3A_3881 : vector<16xi32>
        %gather3A_3883 = tpu.vector_load_idx %arg12[%add3A_1662, %add3A_3882] : memref<640x128xi32, #tpu.memory_space<vmem>>[vector<16xi32>, vector<16xi32>], vector<16xi32>,
        %shift_left3A_3884 = arith.constant 16 : i32
        %shift_left3A_3885 = vector.broadcast %shift_left3A_3884 : i32 to vector<16xi32>
        %shift_left3A_3886 = arith.shli %gather3A_3883, %shift_left3A_3885 : vector<16xi32>
        %bitcast3A_3887 = vector.bitcast %shift_left3A_3886 : vector<16xi32> to vector<16xf32>
        %and3A_3888 = arith.constant -65536 : i32
        %and3A_3889 = vector.broadcast %and3A_3888 : i32 to vector<16xi32>
        %and3A_3890 = arith.andi %gather3A_3883, %and3A_3889 : vector<16xi32>
        %bitcast3A_3891 = vector.bitcast %and3A_3890 : vector<16xi32> to vector<16xf32>
        %mul3A_3892 = arith.mulf %bitcast3A_3887, %bitcast3A_3811 : vector<16xf32>
        %add3A_3893 = arith.addf %add3A_3803, %mul3A_3892 : vector<16xf32>
        %mul3A_3894 = arith.mulf %bitcast3A_3891, %bitcast3A_3815 : vector<16xf32>
        %add3A_3895 = arith.addf %add3A_3893, %mul3A_3894 : vector<16xf32>
        %add3A_3896 = arith.constant 24 : i32
        %add3A_3897 = vector.broadcast %add3A_3896 : i32 to vector<16xi32>
        %add3A_3898 = arith.addi %mul3A_1536, %add3A_3897 : vector<16xi32>
        %gather3A_3899 = tpu.vector_load_idx %arg11[%add3A_1511, %add3A_3898] : memref<128x128xi32, #tpu.memory_space<vmem>>[vector<16xi32>, vector<16xi32>], vector<16xi32>,
        %shift_left3A_3900 = arith.constant 16 : i32
        %shift_left3A_3901 = vector.broadcast %shift_left3A_3900 : i32 to vector<16xi32>
        %shift_left3A_3902 = arith.shli %gather3A_3899, %shift_left3A_3901 : vector<16xi32>
        %bitcast3A_3903 = vector.bitcast %shift_left3A_3902 : vector<16xi32> to vector<16xf32>
        %and3A_3904 = arith.constant -65536 : i32
        %and3A_3905 = vector.broadcast %and3A_3904 : i32 to vector<16xi32>
        %and3A_3906 = arith.andi %gather3A_3899, %and3A_3905 : vector<16xi32>
        %bitcast3A_3907 = vector.bitcast %and3A_3906 : vector<16xi32> to vector<16xf32>
        %add3A_3908 = arith.constant 24 : i32
        %add3A_3909 = vector.broadcast %add3A_3908 : i32 to vector<16xi32>
        %add3A_3910 = arith.addi %mul3A_1565, %add3A_3909 : vector<16xi32>
        %gather3A_3911 = tpu.vector_load_idx %arg12[%add3A_1539, %add3A_3910] : memref<640x128xi32, #tpu.memory_space<vmem>>[vector<16xi32>, vector<16xi32>], vector<16xi32>,
        %shift_left3A_3912 = arith.constant 16 : i32
        %shift_left3A_3913 = vector.broadcast %shift_left3A_3912 : i32 to vector<16xi32>
        %shift_left3A_3914 = arith.shli %gather3A_3911, %shift_left3A_3913 : vector<16xi32>
        %bitcast3A_3915 = vector.bitcast %shift_left3A_3914 : vector<16xi32> to vector<16xf32>
        %and3A_3916 = arith.constant -65536 : i32
        %and3A_3917 = vector.broadcast %and3A_3916 : i32 to vector<16xi32>
        %and3A_3918 = arith.andi %gather3A_3911, %and3A_3917 : vector<16xi32>
        %bitcast3A_3919 = vector.bitcast %and3A_3918 : vector<16xi32> to vector<16xf32>
        %mul3A_3920 = arith.mulf %bitcast3A_3915, %bitcast3A_3903 : vector<16xf32>
        %add3A_3921 = arith.addf %add3A_3831, %mul3A_3920 : vector<16xf32>
        %mul3A_3922 = arith.mulf %bitcast3A_3919, %bitcast3A_3907 : vector<16xf32>
        %add3A_3923 = arith.addf %add3A_3921, %mul3A_3922 : vector<16xf32>
        %add3A_3924 = arith.constant 24 : i32
        %add3A_3925 = vector.broadcast %add3A_3924 : i32 to vector<16xi32>
        %add3A_3926 = arith.addi %mul3A_1595, %add3A_3925 : vector<16xi32>
        %gather3A_3927 = tpu.vector_load_idx %arg12[%add3A_1569, %add3A_3926] : memref<640x128xi32, #tpu.memory_space<vmem>>[vector<16xi32>, vector<16xi32>], vector<16xi32>,
        %shift_left3A_3928 = arith.constant 16 : i32
        %shift_left3A_3929 = vector.broadcast %shift_left3A_3928 : i32 to vector<16xi32>
        %shift_left3A_3930 = arith.shli %gather3A_3927, %shift_left3A_3929 : vector<16xi32>
        %bitcast3A_3931 = vector.bitcast %shift_left3A_3930 : vector<16xi32> to vector<16xf32>
        %and3A_3932 = arith.constant -65536 : i32
        %and3A_3933 = vector.broadcast %and3A_3932 : i32 to vector<16xi32>
        %and3A_3934 = arith.andi %gather3A_3927, %and3A_3933 : vector<16xi32>
        %bitcast3A_3935 = vector.bitcast %and3A_3934 : vector<16xi32> to vector<16xf32>
        %mul3A_3936 = arith.mulf %bitcast3A_3931, %bitcast3A_3903 : vector<16xf32>
        %add3A_3937 = arith.addf %add3A_3847, %mul3A_3936 : vector<16xf32>
        %mul3A_3938 = arith.mulf %bitcast3A_3935, %bitcast3A_3907 : vector<16xf32>
        %add3A_3939 = arith.addf %add3A_3937, %mul3A_3938 : vector<16xf32>
        %add3A_3940 = arith.constant 24 : i32
        %add3A_3941 = vector.broadcast %add3A_3940 : i32 to vector<16xi32>
        %add3A_3942 = arith.addi %mul3A_1626, %add3A_3941 : vector<16xi32>
        %gather3A_3943 = tpu.vector_load_idx %arg12[%add3A_1600, %add3A_3942] : memref<640x128xi32, #tpu.memory_space<vmem>>[vector<16xi32>, vector<16xi32>], vector<16xi32>,
        %shift_left3A_3944 = arith.constant 16 : i32
        %shift_left3A_3945 = vector.broadcast %shift_left3A_3944 : i32 to vector<16xi32>
        %shift_left3A_3946 = arith.shli %gather3A_3943, %shift_left3A_3945 : vector<16xi32>
        %bitcast3A_3947 = vector.bitcast %shift_left3A_3946 : vector<16xi32> to vector<16xf32>
        %and3A_3948 = arith.constant -65536 : i32
        %and3A_3949 = vector.broadcast %and3A_3948 : i32 to vector<16xi32>
        %and3A_3950 = arith.andi %gather3A_3943, %and3A_3949 : vector<16xi32>
        %bitcast3A_3951 = vector.bitcast %and3A_3950 : vector<16xi32> to vector<16xf32>
        %mul3A_3952 = arith.mulf %bitcast3A_3947, %bitcast3A_3903 : vector<16xf32>
        %add3A_3953 = arith.addf %add3A_3863, %mul3A_3952 : vector<16xf32>
        %mul3A_3954 = arith.mulf %bitcast3A_3951, %bitcast3A_3907 : vector<16xf32>
        %add3A_3955 = arith.addf %add3A_3953, %mul3A_3954 : vector<16xf32>
        %add3A_3956 = arith.constant 24 : i32
        %add3A_3957 = vector.broadcast %add3A_3956 : i32 to vector<16xi32>
        %add3A_3958 = arith.addi %mul3A_1657, %add3A_3957 : vector<16xi32>
        %gather3A_3959 = tpu.vector_load_idx %arg12[%add3A_1631, %add3A_3958] : memref<640x128xi32, #tpu.memory_space<vmem>>[vector<16xi32>, vector<16xi32>], vector<16xi32>,
        %shift_left3A_3960 = arith.constant 16 : i32
        %shift_left3A_3961 = vector.broadcast %shift_left3A_3960 : i32 to vector<16xi32>
        %shift_left3A_3962 = arith.shli %gather3A_3959, %shift_left3A_3961 : vector<16xi32>
        %bitcast3A_3963 = vector.bitcast %shift_left3A_3962 : vector<16xi32> to vector<16xf32>
        %and3A_3964 = arith.constant -65536 : i32
        %and3A_3965 = vector.broadcast %and3A_3964 : i32 to vector<16xi32>
        %and3A_3966 = arith.andi %gather3A_3959, %and3A_3965 : vector<16xi32>
        %bitcast3A_3967 = vector.bitcast %and3A_3966 : vector<16xi32> to vector<16xf32>
        %mul3A_3968 = arith.mulf %bitcast3A_3963, %bitcast3A_3903 : vector<16xf32>
        %add3A_3969 = arith.addf %add3A_3879, %mul3A_3968 : vector<16xf32>
        %mul3A_3970 = arith.mulf %bitcast3A_3967, %bitcast3A_3907 : vector<16xf32>
        %add3A_3971 = arith.addf %add3A_3969, %mul3A_3970 : vector<16xf32>
        %add3A_3972 = arith.constant 24 : i32
        %add3A_3973 = vector.broadcast %add3A_3972 : i32 to vector<16xi32>
        %add3A_3974 = arith.addi %mul3A_1688, %add3A_3973 : vector<16xi32>
        %gather3A_3975 = tpu.vector_load_idx %arg12[%add3A_1662, %add3A_3974] : memref<640x128xi32, #tpu.memory_space<vmem>>[vector<16xi32>, vector<16xi32>], vector<16xi32>,
        %shift_left3A_3976 = arith.constant 16 : i32
        %shift_left3A_3977 = vector.broadcast %shift_left3A_3976 : i32 to vector<16xi32>
        %shift_left3A_3978 = arith.shli %gather3A_3975, %shift_left3A_3977 : vector<16xi32>
        %bitcast3A_3979 = vector.bitcast %shift_left3A_3978 : vector<16xi32> to vector<16xf32>
        %and3A_3980 = arith.constant -65536 : i32
        %and3A_3981 = vector.broadcast %and3A_3980 : i32 to vector<16xi32>
        %and3A_3982 = arith.andi %gather3A_3975, %and3A_3981 : vector<16xi32>
        %bitcast3A_3983 = vector.bitcast %and3A_3982 : vector<16xi32> to vector<16xf32>
        %mul3A_3984 = arith.mulf %bitcast3A_3979, %bitcast3A_3903 : vector<16xf32>
        %add3A_3985 = arith.addf %add3A_3895, %mul3A_3984 : vector<16xf32>
        %mul3A_3986 = arith.mulf %bitcast3A_3983, %bitcast3A_3907 : vector<16xf32>
        %add3A_3987 = arith.addf %add3A_3985, %mul3A_3986 : vector<16xf32>
        %add3A_3988 = arith.constant 25 : i32
        %add3A_3989 = vector.broadcast %add3A_3988 : i32 to vector<16xi32>
        %add3A_3990 = arith.addi %mul3A_1536, %add3A_3989 : vector<16xi32>
        %gather3A_3991 = tpu.vector_load_idx %arg11[%add3A_1511, %add3A_3990] : memref<128x128xi32, #tpu.memory_space<vmem>>[vector<16xi32>, vector<16xi32>], vector<16xi32>,
        %shift_left3A_3992 = arith.constant 16 : i32
        %shift_left3A_3993 = vector.broadcast %shift_left3A_3992 : i32 to vector<16xi32>
        %shift_left3A_3994 = arith.shli %gather3A_3991, %shift_left3A_3993 : vector<16xi32>
        %bitcast3A_3995 = vector.bitcast %shift_left3A_3994 : vector<16xi32> to vector<16xf32>
        %and3A_3996 = arith.constant -65536 : i32
        %and3A_3997 = vector.broadcast %and3A_3996 : i32 to vector<16xi32>
        %and3A_3998 = arith.andi %gather3A_3991, %and3A_3997 : vector<16xi32>
        %bitcast3A_3999 = vector.bitcast %and3A_3998 : vector<16xi32> to vector<16xf32>
        %add3A_4000 = arith.constant 25 : i32
        %add3A_4001 = vector.broadcast %add3A_4000 : i32 to vector<16xi32>
        %add3A_4002 = arith.addi %mul3A_1565, %add3A_4001 : vector<16xi32>
        %gather3A_4003 = tpu.vector_load_idx %arg12[%add3A_1539, %add3A_4002] : memref<640x128xi32, #tpu.memory_space<vmem>>[vector<16xi32>, vector<16xi32>], vector<16xi32>,
        %shift_left3A_4004 = arith.constant 16 : i32
        %shift_left3A_4005 = vector.broadcast %shift_left3A_4004 : i32 to vector<16xi32>
        %shift_left3A_4006 = arith.shli %gather3A_4003, %shift_left3A_4005 : vector<16xi32>
        %bitcast3A_4007 = vector.bitcast %shift_left3A_4006 : vector<16xi32> to vector<16xf32>
        %and3A_4008 = arith.constant -65536 : i32
        %and3A_4009 = vector.broadcast %and3A_4008 : i32 to vector<16xi32>
        %and3A_4010 = arith.andi %gather3A_4003, %and3A_4009 : vector<16xi32>
        %bitcast3A_4011 = vector.bitcast %and3A_4010 : vector<16xi32> to vector<16xf32>
        %mul3A_4012 = arith.mulf %bitcast3A_4007, %bitcast3A_3995 : vector<16xf32>
        %add3A_4013 = arith.addf %add3A_3923, %mul3A_4012 : vector<16xf32>
        %mul3A_4014 = arith.mulf %bitcast3A_4011, %bitcast3A_3999 : vector<16xf32>
        %add3A_4015 = arith.addf %add3A_4013, %mul3A_4014 : vector<16xf32>
        %add3A_4016 = arith.constant 25 : i32
        %add3A_4017 = vector.broadcast %add3A_4016 : i32 to vector<16xi32>
        %add3A_4018 = arith.addi %mul3A_1595, %add3A_4017 : vector<16xi32>
        %gather3A_4019 = tpu.vector_load_idx %arg12[%add3A_1569, %add3A_4018] : memref<640x128xi32, #tpu.memory_space<vmem>>[vector<16xi32>, vector<16xi32>], vector<16xi32>,
        %shift_left3A_4020 = arith.constant 16 : i32
        %shift_left3A_4021 = vector.broadcast %shift_left3A_4020 : i32 to vector<16xi32>
        %shift_left3A_4022 = arith.shli %gather3A_4019, %shift_left3A_4021 : vector<16xi32>
        %bitcast3A_4023 = vector.bitcast %shift_left3A_4022 : vector<16xi32> to vector<16xf32>
        %and3A_4024 = arith.constant -65536 : i32
        %and3A_4025 = vector.broadcast %and3A_4024 : i32 to vector<16xi32>
        %and3A_4026 = arith.andi %gather3A_4019, %and3A_4025 : vector<16xi32>
        %bitcast3A_4027 = vector.bitcast %and3A_4026 : vector<16xi32> to vector<16xf32>
        %mul3A_4028 = arith.mulf %bitcast3A_4023, %bitcast3A_3995 : vector<16xf32>
        %add3A_4029 = arith.addf %add3A_3939, %mul3A_4028 : vector<16xf32>
        %mul3A_4030 = arith.mulf %bitcast3A_4027, %bitcast3A_3999 : vector<16xf32>
        %add3A_4031 = arith.addf %add3A_4029, %mul3A_4030 : vector<16xf32>
        %add3A_4032 = arith.constant 25 : i32
        %add3A_4033 = vector.broadcast %add3A_4032 : i32 to vector<16xi32>
        %add3A_4034 = arith.addi %mul3A_1626, %add3A_4033 : vector<16xi32>
        %gather3A_4035 = tpu.vector_load_idx %arg12[%add3A_1600, %add3A_4034] : memref<640x128xi32, #tpu.memory_space<vmem>>[vector<16xi32>, vector<16xi32>], vector<16xi32>,
        %shift_left3A_4036 = arith.constant 16 : i32
        %shift_left3A_4037 = vector.broadcast %shift_left3A_4036 : i32 to vector<16xi32>
        %shift_left3A_4038 = arith.shli %gather3A_4035, %shift_left3A_4037 : vector<16xi32>
        %bitcast3A_4039 = vector.bitcast %shift_left3A_4038 : vector<16xi32> to vector<16xf32>
        %and3A_4040 = arith.constant -65536 : i32
        %and3A_4041 = vector.broadcast %and3A_4040 : i32 to vector<16xi32>
        %and3A_4042 = arith.andi %gather3A_4035, %and3A_4041 : vector<16xi32>
        %bitcast3A_4043 = vector.bitcast %and3A_4042 : vector<16xi32> to vector<16xf32>
        %mul3A_4044 = arith.mulf %bitcast3A_4039, %bitcast3A_3995 : vector<16xf32>
        %add3A_4045 = arith.addf %add3A_3955, %mul3A_4044 : vector<16xf32>
        %mul3A_4046 = arith.mulf %bitcast3A_4043, %bitcast3A_3999 : vector<16xf32>
        %add3A_4047 = arith.addf %add3A_4045, %mul3A_4046 : vector<16xf32>
        %add3A_4048 = arith.constant 25 : i32
        %add3A_4049 = vector.broadcast %add3A_4048 : i32 to vector<16xi32>
        %add3A_4050 = arith.addi %mul3A_1657, %add3A_4049 : vector<16xi32>
        %gather3A_4051 = tpu.vector_load_idx %arg12[%add3A_1631, %add3A_4050] : memref<640x128xi32, #tpu.memory_space<vmem>>[vector<16xi32>, vector<16xi32>], vector<16xi32>,
        %shift_left3A_4052 = arith.constant 16 : i32
        %shift_left3A_4053 = vector.broadcast %shift_left3A_4052 : i32 to vector<16xi32>
        %shift_left3A_4054 = arith.shli %gather3A_4051, %shift_left3A_4053 : vector<16xi32>
        %bitcast3A_4055 = vector.bitcast %shift_left3A_4054 : vector<16xi32> to vector<16xf32>
        %and3A_4056 = arith.constant -65536 : i32
        %and3A_4057 = vector.broadcast %and3A_4056 : i32 to vector<16xi32>
        %and3A_4058 = arith.andi %gather3A_4051, %and3A_4057 : vector<16xi32>
        %bitcast3A_4059 = vector.bitcast %and3A_4058 : vector<16xi32> to vector<16xf32>
        %mul3A_4060 = arith.mulf %bitcast3A_4055, %bitcast3A_3995 : vector<16xf32>
        %add3A_4061 = arith.addf %add3A_3971, %mul3A_4060 : vector<16xf32>
        %mul3A_4062 = arith.mulf %bitcast3A_4059, %bitcast3A_3999 : vector<16xf32>
        %add3A_4063 = arith.addf %add3A_4061, %mul3A_4062 : vector<16xf32>
        %add3A_4064 = arith.constant 25 : i32
        %add3A_4065 = vector.broadcast %add3A_4064 : i32 to vector<16xi32>
        %add3A_4066 = arith.addi %mul3A_1688, %add3A_4065 : vector<16xi32>
        %gather3A_4067 = tpu.vector_load_idx %arg12[%add3A_1662, %add3A_4066] : memref<640x128xi32, #tpu.memory_space<vmem>>[vector<16xi32>, vector<16xi32>], vector<16xi32>,
        %shift_left3A_4068 = arith.constant 16 : i32
        %shift_left3A_4069 = vector.broadcast %shift_left3A_4068 : i32 to vector<16xi32>
        %shift_left3A_4070 = arith.shli %gather3A_4067, %shift_left3A_4069 : vector<16xi32>
        %bitcast3A_4071 = vector.bitcast %shift_left3A_4070 : vector<16xi32> to vector<16xf32>
        %and3A_4072 = arith.constant -65536 : i32
        %and3A_4073 = vector.broadcast %and3A_4072 : i32 to vector<16xi32>
        %and3A_4074 = arith.andi %gather3A_4067, %and3A_4073 : vector<16xi32>
        %bitcast3A_4075 = vector.bitcast %and3A_4074 : vector<16xi32> to vector<16xf32>
        %mul3A_4076 = arith.mulf %bitcast3A_4071, %bitcast3A_3995 : vector<16xf32>
        %add3A_4077 = arith.addf %add3A_3987, %mul3A_4076 : vector<16xf32>
        %mul3A_4078 = arith.mulf %bitcast3A_4075, %bitcast3A_3999 : vector<16xf32>
        %add3A_4079 = arith.addf %add3A_4077, %mul3A_4078 : vector<16xf32>
        %add3A_4080 = arith.constant 26 : i32
        %add3A_4081 = vector.broadcast %add3A_4080 : i32 to vector<16xi32>
        %add3A_4082 = arith.addi %mul3A_1536, %add3A_4081 : vector<16xi32>
        %gather3A_4083 = tpu.vector_load_idx %arg11[%add3A_1511, %add3A_4082] : memref<128x128xi32, #tpu.memory_space<vmem>>[vector<16xi32>, vector<16xi32>], vector<16xi32>,
        %shift_left3A_4084 = arith.constant 16 : i32
        %shift_left3A_4085 = vector.broadcast %shift_left3A_4084 : i32 to vector<16xi32>
        %shift_left3A_4086 = arith.shli %gather3A_4083, %shift_left3A_4085 : vector<16xi32>
        %bitcast3A_4087 = vector.bitcast %shift_left3A_4086 : vector<16xi32> to vector<16xf32>
        %and3A_4088 = arith.constant -65536 : i32
        %and3A_4089 = vector.broadcast %and3A_4088 : i32 to vector<16xi32>
        %and3A_4090 = arith.andi %gather3A_4083, %and3A_4089 : vector<16xi32>
        %bitcast3A_4091 = vector.bitcast %and3A_4090 : vector<16xi32> to vector<16xf32>
        %add3A_4092 = arith.constant 26 : i32
        %add3A_4093 = vector.broadcast %add3A_4092 : i32 to vector<16xi32>
        %add3A_4094 = arith.addi %mul3A_1565, %add3A_4093 : vector<16xi32>
        %gather3A_4095 = tpu.vector_load_idx %arg12[%add3A_1539, %add3A_4094] : memref<640x128xi32, #tpu.memory_space<vmem>>[vector<16xi32>, vector<16xi32>], vector<16xi32>,
        %shift_left3A_4096 = arith.constant 16 : i32
        %shift_left3A_4097 = vector.broadcast %shift_left3A_4096 : i32 to vector<16xi32>
        %shift_left3A_4098 = arith.shli %gather3A_4095, %shift_left3A_4097 : vector<16xi32>
        %bitcast3A_4099 = vector.bitcast %shift_left3A_4098 : vector<16xi32> to vector<16xf32>
        %and3A_4100 = arith.constant -65536 : i32
        %and3A_4101 = vector.broadcast %and3A_4100 : i32 to vector<16xi32>
        %and3A_4102 = arith.andi %gather3A_4095, %and3A_4101 : vector<16xi32>
        %bitcast3A_4103 = vector.bitcast %and3A_4102 : vector<16xi32> to vector<16xf32>
        %mul3A_4104 = arith.mulf %bitcast3A_4099, %bitcast3A_4087 : vector<16xf32>
        %add3A_4105 = arith.addf %add3A_4015, %mul3A_4104 : vector<16xf32>
        %mul3A_4106 = arith.mulf %bitcast3A_4103, %bitcast3A_4091 : vector<16xf32>
        %add3A_4107 = arith.addf %add3A_4105, %mul3A_4106 : vector<16xf32>
        %add3A_4108 = arith.constant 26 : i32
        %add3A_4109 = vector.broadcast %add3A_4108 : i32 to vector<16xi32>
        %add3A_4110 = arith.addi %mul3A_1595, %add3A_4109 : vector<16xi32>
        %gather3A_4111 = tpu.vector_load_idx %arg12[%add3A_1569, %add3A_4110] : memref<640x128xi32, #tpu.memory_space<vmem>>[vector<16xi32>, vector<16xi32>], vector<16xi32>,
        %shift_left3A_4112 = arith.constant 16 : i32
        %shift_left3A_4113 = vector.broadcast %shift_left3A_4112 : i32 to vector<16xi32>
        %shift_left3A_4114 = arith.shli %gather3A_4111, %shift_left3A_4113 : vector<16xi32>
        %bitcast3A_4115 = vector.bitcast %shift_left3A_4114 : vector<16xi32> to vector<16xf32>
        %and3A_4116 = arith.constant -65536 : i32
        %and3A_4117 = vector.broadcast %and3A_4116 : i32 to vector<16xi32>
        %and3A_4118 = arith.andi %gather3A_4111, %and3A_4117 : vector<16xi32>
        %bitcast3A_4119 = vector.bitcast %and3A_4118 : vector<16xi32> to vector<16xf32>
        %mul3A_4120 = arith.mulf %bitcast3A_4115, %bitcast3A_4087 : vector<16xf32>
        %add3A_4121 = arith.addf %add3A_4031, %mul3A_4120 : vector<16xf32>
        %mul3A_4122 = arith.mulf %bitcast3A_4119, %bitcast3A_4091 : vector<16xf32>
        %add3A_4123 = arith.addf %add3A_4121, %mul3A_4122 : vector<16xf32>
        %add3A_4124 = arith.constant 26 : i32
        %add3A_4125 = vector.broadcast %add3A_4124 : i32 to vector<16xi32>
        %add3A_4126 = arith.addi %mul3A_1626, %add3A_4125 : vector<16xi32>
        %gather3A_4127 = tpu.vector_load_idx %arg12[%add3A_1600, %add3A_4126] : memref<640x128xi32, #tpu.memory_space<vmem>>[vector<16xi32>, vector<16xi32>], vector<16xi32>,
        %shift_left3A_4128 = arith.constant 16 : i32
        %shift_left3A_4129 = vector.broadcast %shift_left3A_4128 : i32 to vector<16xi32>
        %shift_left3A_4130 = arith.shli %gather3A_4127, %shift_left3A_4129 : vector<16xi32>
        %bitcast3A_4131 = vector.bitcast %shift_left3A_4130 : vector<16xi32> to vector<16xf32>
        %and3A_4132 = arith.constant -65536 : i32
        %and3A_4133 = vector.broadcast %and3A_4132 : i32 to vector<16xi32>
        %and3A_4134 = arith.andi %gather3A_4127, %and3A_4133 : vector<16xi32>
        %bitcast3A_4135 = vector.bitcast %and3A_4134 : vector<16xi32> to vector<16xf32>
        %mul3A_4136 = arith.mulf %bitcast3A_4131, %bitcast3A_4087 : vector<16xf32>
        %add3A_4137 = arith.addf %add3A_4047, %mul3A_4136 : vector<16xf32>
        %mul3A_4138 = arith.mulf %bitcast3A_4135, %bitcast3A_4091 : vector<16xf32>
        %add3A_4139 = arith.addf %add3A_4137, %mul3A_4138 : vector<16xf32>
        %add3A_4140 = arith.constant 26 : i32
        %add3A_4141 = vector.broadcast %add3A_4140 : i32 to vector<16xi32>
        %add3A_4142 = arith.addi %mul3A_1657, %add3A_4141 : vector<16xi32>
        %gather3A_4143 = tpu.vector_load_idx %arg12[%add3A_1631, %add3A_4142] : memref<640x128xi32, #tpu.memory_space<vmem>>[vector<16xi32>, vector<16xi32>], vector<16xi32>,
        %shift_left3A_4144 = arith.constant 16 : i32
        %shift_left3A_4145 = vector.broadcast %shift_left3A_4144 : i32 to vector<16xi32>
        %shift_left3A_4146 = arith.shli %gather3A_4143, %shift_left3A_4145 : vector<16xi32>
        %bitcast3A_4147 = vector.bitcast %shift_left3A_4146 : vector<16xi32> to vector<16xf32>
        %and3A_4148 = arith.constant -65536 : i32
        %and3A_4149 = vector.broadcast %and3A_4148 : i32 to vector<16xi32>
        %and3A_4150 = arith.andi %gather3A_4143, %and3A_4149 : vector<16xi32>
        %bitcast3A_4151 = vector.bitcast %and3A_4150 : vector<16xi32> to vector<16xf32>
        %mul3A_4152 = arith.mulf %bitcast3A_4147, %bitcast3A_4087 : vector<16xf32>
        %add3A_4153 = arith.addf %add3A_4063, %mul3A_4152 : vector<16xf32>
        %mul3A_4154 = arith.mulf %bitcast3A_4151, %bitcast3A_4091 : vector<16xf32>
        %add3A_4155 = arith.addf %add3A_4153, %mul3A_4154 : vector<16xf32>
        %add3A_4156 = arith.constant 26 : i32
        %add3A_4157 = vector.broadcast %add3A_4156 : i32 to vector<16xi32>
        %add3A_4158 = arith.addi %mul3A_1688, %add3A_4157 : vector<16xi32>
        %gather3A_4159 = tpu.vector_load_idx %arg12[%add3A_1662, %add3A_4158] : memref<640x128xi32, #tpu.memory_space<vmem>>[vector<16xi32>, vector<16xi32>], vector<16xi32>,
        %shift_left3A_4160 = arith.constant 16 : i32
        %shift_left3A_4161 = vector.broadcast %shift_left3A_4160 : i32 to vector<16xi32>
        %shift_left3A_4162 = arith.shli %gather3A_4159, %shift_left3A_4161 : vector<16xi32>
        %bitcast3A_4163 = vector.bitcast %shift_left3A_4162 : vector<16xi32> to vector<16xf32>
        %and3A_4164 = arith.constant -65536 : i32
        %and3A_4165 = vector.broadcast %and3A_4164 : i32 to vector<16xi32>
        %and3A_4166 = arith.andi %gather3A_4159, %and3A_4165 : vector<16xi32>
        %bitcast3A_4167 = vector.bitcast %and3A_4166 : vector<16xi32> to vector<16xf32>
        %mul3A_4168 = arith.mulf %bitcast3A_4163, %bitcast3A_4087 : vector<16xf32>
        %add3A_4169 = arith.addf %add3A_4079, %mul3A_4168 : vector<16xf32>
        %mul3A_4170 = arith.mulf %bitcast3A_4167, %bitcast3A_4091 : vector<16xf32>
        %add3A_4171 = arith.addf %add3A_4169, %mul3A_4170 : vector<16xf32>
        %add3A_4172 = arith.constant 27 : i32
        %add3A_4173 = vector.broadcast %add3A_4172 : i32 to vector<16xi32>
        %add3A_4174 = arith.addi %mul3A_1536, %add3A_4173 : vector<16xi32>
        %gather3A_4175 = tpu.vector_load_idx %arg11[%add3A_1511, %add3A_4174] : memref<128x128xi32, #tpu.memory_space<vmem>>[vector<16xi32>, vector<16xi32>], vector<16xi32>,
        %shift_left3A_4176 = arith.constant 16 : i32
        %shift_left3A_4177 = vector.broadcast %shift_left3A_4176 : i32 to vector<16xi32>
        %shift_left3A_4178 = arith.shli %gather3A_4175, %shift_left3A_4177 : vector<16xi32>
        %bitcast3A_4179 = vector.bitcast %shift_left3A_4178 : vector<16xi32> to vector<16xf32>
        %and3A_4180 = arith.constant -65536 : i32
        %and3A_4181 = vector.broadcast %and3A_4180 : i32 to vector<16xi32>
        %and3A_4182 = arith.andi %gather3A_4175, %and3A_4181 : vector<16xi32>
        %bitcast3A_4183 = vector.bitcast %and3A_4182 : vector<16xi32> to vector<16xf32>
        %add3A_4184 = arith.constant 27 : i32
        %add3A_4185 = vector.broadcast %add3A_4184 : i32 to vector<16xi32>
        %add3A_4186 = arith.addi %mul3A_1565, %add3A_4185 : vector<16xi32>
        %gather3A_4187 = tpu.vector_load_idx %arg12[%add3A_1539, %add3A_4186] : memref<640x128xi32, #tpu.memory_space<vmem>>[vector<16xi32>, vector<16xi32>], vector<16xi32>,
        %shift_left3A_4188 = arith.constant 16 : i32
        %shift_left3A_4189 = vector.broadcast %shift_left3A_4188 : i32 to vector<16xi32>
        %shift_left3A_4190 = arith.shli %gather3A_4187, %shift_left3A_4189 : vector<16xi32>
        %bitcast3A_4191 = vector.bitcast %shift_left3A_4190 : vector<16xi32> to vector<16xf32>
        %and3A_4192 = arith.constant -65536 : i32
        %and3A_4193 = vector.broadcast %and3A_4192 : i32 to vector<16xi32>
        %and3A_4194 = arith.andi %gather3A_4187, %and3A_4193 : vector<16xi32>
        %bitcast3A_4195 = vector.bitcast %and3A_4194 : vector<16xi32> to vector<16xf32>
        %mul3A_4196 = arith.mulf %bitcast3A_4191, %bitcast3A_4179 : vector<16xf32>
        %add3A_4197 = arith.addf %add3A_4107, %mul3A_4196 : vector<16xf32>
        %mul3A_4198 = arith.mulf %bitcast3A_4195, %bitcast3A_4183 : vector<16xf32>
        %add3A_4199 = arith.addf %add3A_4197, %mul3A_4198 : vector<16xf32>
        %add3A_4200 = arith.constant 27 : i32
        %add3A_4201 = vector.broadcast %add3A_4200 : i32 to vector<16xi32>
        %add3A_4202 = arith.addi %mul3A_1595, %add3A_4201 : vector<16xi32>
        %gather3A_4203 = tpu.vector_load_idx %arg12[%add3A_1569, %add3A_4202] : memref<640x128xi32, #tpu.memory_space<vmem>>[vector<16xi32>, vector<16xi32>], vector<16xi32>,
        %shift_left3A_4204 = arith.constant 16 : i32
        %shift_left3A_4205 = vector.broadcast %shift_left3A_4204 : i32 to vector<16xi32>
        %shift_left3A_4206 = arith.shli %gather3A_4203, %shift_left3A_4205 : vector<16xi32>
        %bitcast3A_4207 = vector.bitcast %shift_left3A_4206 : vector<16xi32> to vector<16xf32>
        %and3A_4208 = arith.constant -65536 : i32
        %and3A_4209 = vector.broadcast %and3A_4208 : i32 to vector<16xi32>
        %and3A_4210 = arith.andi %gather3A_4203, %and3A_4209 : vector<16xi32>
        %bitcast3A_4211 = vector.bitcast %and3A_4210 : vector<16xi32> to vector<16xf32>
        %mul3A_4212 = arith.mulf %bitcast3A_4207, %bitcast3A_4179 : vector<16xf32>
        %add3A_4213 = arith.addf %add3A_4123, %mul3A_4212 : vector<16xf32>
        %mul3A_4214 = arith.mulf %bitcast3A_4211, %bitcast3A_4183 : vector<16xf32>
        %add3A_4215 = arith.addf %add3A_4213, %mul3A_4214 : vector<16xf32>
        %add3A_4216 = arith.constant 27 : i32
        %add3A_4217 = vector.broadcast %add3A_4216 : i32 to vector<16xi32>
        %add3A_4218 = arith.addi %mul3A_1626, %add3A_4217 : vector<16xi32>
        %gather3A_4219 = tpu.vector_load_idx %arg12[%add3A_1600, %add3A_4218] : memref<640x128xi32, #tpu.memory_space<vmem>>[vector<16xi32>, vector<16xi32>], vector<16xi32>,
        %shift_left3A_4220 = arith.constant 16 : i32
        %shift_left3A_4221 = vector.broadcast %shift_left3A_4220 : i32 to vector<16xi32>
        %shift_left3A_4222 = arith.shli %gather3A_4219, %shift_left3A_4221 : vector<16xi32>
        %bitcast3A_4223 = vector.bitcast %shift_left3A_4222 : vector<16xi32> to vector<16xf32>
        %and3A_4224 = arith.constant -65536 : i32
        %and3A_4225 = vector.broadcast %and3A_4224 : i32 to vector<16xi32>
        %and3A_4226 = arith.andi %gather3A_4219, %and3A_4225 : vector<16xi32>
        %bitcast3A_4227 = vector.bitcast %and3A_4226 : vector<16xi32> to vector<16xf32>
        %mul3A_4228 = arith.mulf %bitcast3A_4223, %bitcast3A_4179 : vector<16xf32>
        %add3A_4229 = arith.addf %add3A_4139, %mul3A_4228 : vector<16xf32>
        %mul3A_4230 = arith.mulf %bitcast3A_4227, %bitcast3A_4183 : vector<16xf32>
        %add3A_4231 = arith.addf %add3A_4229, %mul3A_4230 : vector<16xf32>
        %add3A_4232 = arith.constant 27 : i32
        %add3A_4233 = vector.broadcast %add3A_4232 : i32 to vector<16xi32>
        %add3A_4234 = arith.addi %mul3A_1657, %add3A_4233 : vector<16xi32>
        %gather3A_4235 = tpu.vector_load_idx %arg12[%add3A_1631, %add3A_4234] : memref<640x128xi32, #tpu.memory_space<vmem>>[vector<16xi32>, vector<16xi32>], vector<16xi32>,
        %shift_left3A_4236 = arith.constant 16 : i32
        %shift_left3A_4237 = vector.broadcast %shift_left3A_4236 : i32 to vector<16xi32>
        %shift_left3A_4238 = arith.shli %gather3A_4235, %shift_left3A_4237 : vector<16xi32>
        %bitcast3A_4239 = vector.bitcast %shift_left3A_4238 : vector<16xi32> to vector<16xf32>
        %and3A_4240 = arith.constant -65536 : i32
        %and3A_4241 = vector.broadcast %and3A_4240 : i32 to vector<16xi32>
        %and3A_4242 = arith.andi %gather3A_4235, %and3A_4241 : vector<16xi32>
        %bitcast3A_4243 = vector.bitcast %and3A_4242 : vector<16xi32> to vector<16xf32>
        %mul3A_4244 = arith.mulf %bitcast3A_4239, %bitcast3A_4179 : vector<16xf32>
        %add3A_4245 = arith.addf %add3A_4155, %mul3A_4244 : vector<16xf32>
        %mul3A_4246 = arith.mulf %bitcast3A_4243, %bitcast3A_4183 : vector<16xf32>
        %add3A_4247 = arith.addf %add3A_4245, %mul3A_4246 : vector<16xf32>
        %add3A_4248 = arith.constant 27 : i32
        %add3A_4249 = vector.broadcast %add3A_4248 : i32 to vector<16xi32>
        %add3A_4250 = arith.addi %mul3A_1688, %add3A_4249 : vector<16xi32>
        %gather3A_4251 = tpu.vector_load_idx %arg12[%add3A_1662, %add3A_4250] : memref<640x128xi32, #tpu.memory_space<vmem>>[vector<16xi32>, vector<16xi32>], vector<16xi32>,
        %shift_left3A_4252 = arith.constant 16 : i32
        %shift_left3A_4253 = vector.broadcast %shift_left3A_4252 : i32 to vector<16xi32>
        %shift_left3A_4254 = arith.shli %gather3A_4251, %shift_left3A_4253 : vector<16xi32>
        %bitcast3A_4255 = vector.bitcast %shift_left3A_4254 : vector<16xi32> to vector<16xf32>
        %and3A_4256 = arith.constant -65536 : i32
        %and3A_4257 = vector.broadcast %and3A_4256 : i32 to vector<16xi32>
        %and3A_4258 = arith.andi %gather3A_4251, %and3A_4257 : vector<16xi32>
        %bitcast3A_4259 = vector.bitcast %and3A_4258 : vector<16xi32> to vector<16xf32>
        %mul3A_4260 = arith.mulf %bitcast3A_4255, %bitcast3A_4179 : vector<16xf32>
        %add3A_4261 = arith.addf %add3A_4171, %mul3A_4260 : vector<16xf32>
        %mul3A_4262 = arith.mulf %bitcast3A_4259, %bitcast3A_4183 : vector<16xf32>
        %add3A_4263 = arith.addf %add3A_4261, %mul3A_4262 : vector<16xf32>
        %add3A_4264 = arith.constant 28 : i32
        %add3A_4265 = vector.broadcast %add3A_4264 : i32 to vector<16xi32>
        %add3A_4266 = arith.addi %mul3A_1536, %add3A_4265 : vector<16xi32>
        %gather3A_4267 = tpu.vector_load_idx %arg11[%add3A_1511, %add3A_4266] : memref<128x128xi32, #tpu.memory_space<vmem>>[vector<16xi32>, vector<16xi32>], vector<16xi32>,
        %shift_left3A_4268 = arith.constant 16 : i32
        %shift_left3A_4269 = vector.broadcast %shift_left3A_4268 : i32 to vector<16xi32>
        %shift_left3A_4270 = arith.shli %gather3A_4267, %shift_left3A_4269 : vector<16xi32>
        %bitcast3A_4271 = vector.bitcast %shift_left3A_4270 : vector<16xi32> to vector<16xf32>
        %and3A_4272 = arith.constant -65536 : i32
        %and3A_4273 = vector.broadcast %and3A_4272 : i32 to vector<16xi32>
        %and3A_4274 = arith.andi %gather3A_4267, %and3A_4273 : vector<16xi32>
        %bitcast3A_4275 = vector.bitcast %and3A_4274 : vector<16xi32> to vector<16xf32>
        %add3A_4276 = arith.constant 28 : i32
        %add3A_4277 = vector.broadcast %add3A_4276 : i32 to vector<16xi32>
        %add3A_4278 = arith.addi %mul3A_1565, %add3A_4277 : vector<16xi32>
        %gather3A_4279 = tpu.vector_load_idx %arg12[%add3A_1539, %add3A_4278] : memref<640x128xi32, #tpu.memory_space<vmem>>[vector<16xi32>, vector<16xi32>], vector<16xi32>,
        %shift_left3A_4280 = arith.constant 16 : i32
        %shift_left3A_4281 = vector.broadcast %shift_left3A_4280 : i32 to vector<16xi32>
        %shift_left3A_4282 = arith.shli %gather3A_4279, %shift_left3A_4281 : vector<16xi32>
        %bitcast3A_4283 = vector.bitcast %shift_left3A_4282 : vector<16xi32> to vector<16xf32>
        %and3A_4284 = arith.constant -65536 : i32
        %and3A_4285 = vector.broadcast %and3A_4284 : i32 to vector<16xi32>
        %and3A_4286 = arith.andi %gather3A_4279, %and3A_4285 : vector<16xi32>
        %bitcast3A_4287 = vector.bitcast %and3A_4286 : vector<16xi32> to vector<16xf32>
        %mul3A_4288 = arith.mulf %bitcast3A_4283, %bitcast3A_4271 : vector<16xf32>
        %add3A_4289 = arith.addf %add3A_4199, %mul3A_4288 : vector<16xf32>
        %mul3A_4290 = arith.mulf %bitcast3A_4287, %bitcast3A_4275 : vector<16xf32>
        %add3A_4291 = arith.addf %add3A_4289, %mul3A_4290 : vector<16xf32>
        %add3A_4292 = arith.constant 28 : i32
        %add3A_4293 = vector.broadcast %add3A_4292 : i32 to vector<16xi32>
        %add3A_4294 = arith.addi %mul3A_1595, %add3A_4293 : vector<16xi32>
        %gather3A_4295 = tpu.vector_load_idx %arg12[%add3A_1569, %add3A_4294] : memref<640x128xi32, #tpu.memory_space<vmem>>[vector<16xi32>, vector<16xi32>], vector<16xi32>,
        %shift_left3A_4296 = arith.constant 16 : i32
        %shift_left3A_4297 = vector.broadcast %shift_left3A_4296 : i32 to vector<16xi32>
        %shift_left3A_4298 = arith.shli %gather3A_4295, %shift_left3A_4297 : vector<16xi32>
        %bitcast3A_4299 = vector.bitcast %shift_left3A_4298 : vector<16xi32> to vector<16xf32>
        %and3A_4300 = arith.constant -65536 : i32
        %and3A_4301 = vector.broadcast %and3A_4300 : i32 to vector<16xi32>
        %and3A_4302 = arith.andi %gather3A_4295, %and3A_4301 : vector<16xi32>
        %bitcast3A_4303 = vector.bitcast %and3A_4302 : vector<16xi32> to vector<16xf32>
        %mul3A_4304 = arith.mulf %bitcast3A_4299, %bitcast3A_4271 : vector<16xf32>
        %add3A_4305 = arith.addf %add3A_4215, %mul3A_4304 : vector<16xf32>
        %mul3A_4306 = arith.mulf %bitcast3A_4303, %bitcast3A_4275 : vector<16xf32>
        %add3A_4307 = arith.addf %add3A_4305, %mul3A_4306 : vector<16xf32>
        %add3A_4308 = arith.constant 28 : i32
        %add3A_4309 = vector.broadcast %add3A_4308 : i32 to vector<16xi32>
        %add3A_4310 = arith.addi %mul3A_1626, %add3A_4309 : vector<16xi32>
        %gather3A_4311 = tpu.vector_load_idx %arg12[%add3A_1600, %add3A_4310] : memref<640x128xi32, #tpu.memory_space<vmem>>[vector<16xi32>, vector<16xi32>], vector<16xi32>,
        %shift_left3A_4312 = arith.constant 16 : i32
        %shift_left3A_4313 = vector.broadcast %shift_left3A_4312 : i32 to vector<16xi32>
        %shift_left3A_4314 = arith.shli %gather3A_4311, %shift_left3A_4313 : vector<16xi32>
        %bitcast3A_4315 = vector.bitcast %shift_left3A_4314 : vector<16xi32> to vector<16xf32>
        %and3A_4316 = arith.constant -65536 : i32
        %and3A_4317 = vector.broadcast %and3A_4316 : i32 to vector<16xi32>
        %and3A_4318 = arith.andi %gather3A_4311, %and3A_4317 : vector<16xi32>
        %bitcast3A_4319 = vector.bitcast %and3A_4318 : vector<16xi32> to vector<16xf32>
        %mul3A_4320 = arith.mulf %bitcast3A_4315, %bitcast3A_4271 : vector<16xf32>
        %add3A_4321 = arith.addf %add3A_4231, %mul3A_4320 : vector<16xf32>
        %mul3A_4322 = arith.mulf %bitcast3A_4319, %bitcast3A_4275 : vector<16xf32>
        %add3A_4323 = arith.addf %add3A_4321, %mul3A_4322 : vector<16xf32>
        %add3A_4324 = arith.constant 28 : i32
        %add3A_4325 = vector.broadcast %add3A_4324 : i32 to vector<16xi32>
        %add3A_4326 = arith.addi %mul3A_1657, %add3A_4325 : vector<16xi32>
        %gather3A_4327 = tpu.vector_load_idx %arg12[%add3A_1631, %add3A_4326] : memref<640x128xi32, #tpu.memory_space<vmem>>[vector<16xi32>, vector<16xi32>], vector<16xi32>,
        %shift_left3A_4328 = arith.constant 16 : i32
        %shift_left3A_4329 = vector.broadcast %shift_left3A_4328 : i32 to vector<16xi32>
        %shift_left3A_4330 = arith.shli %gather3A_4327, %shift_left3A_4329 : vector<16xi32>
        %bitcast3A_4331 = vector.bitcast %shift_left3A_4330 : vector<16xi32> to vector<16xf32>
        %and3A_4332 = arith.constant -65536 : i32
        %and3A_4333 = vector.broadcast %and3A_4332 : i32 to vector<16xi32>
        %and3A_4334 = arith.andi %gather3A_4327, %and3A_4333 : vector<16xi32>
        %bitcast3A_4335 = vector.bitcast %and3A_4334 : vector<16xi32> to vector<16xf32>
        %mul3A_4336 = arith.mulf %bitcast3A_4331, %bitcast3A_4271 : vector<16xf32>
        %add3A_4337 = arith.addf %add3A_4247, %mul3A_4336 : vector<16xf32>
        %mul3A_4338 = arith.mulf %bitcast3A_4335, %bitcast3A_4275 : vector<16xf32>
        %add3A_4339 = arith.addf %add3A_4337, %mul3A_4338 : vector<16xf32>
        %add3A_4340 = arith.constant 28 : i32
        %add3A_4341 = vector.broadcast %add3A_4340 : i32 to vector<16xi32>
        %add3A_4342 = arith.addi %mul3A_1688, %add3A_4341 : vector<16xi32>
        %gather3A_4343 = tpu.vector_load_idx %arg12[%add3A_1662, %add3A_4342] : memref<640x128xi32, #tpu.memory_space<vmem>>[vector<16xi32>, vector<16xi32>], vector<16xi32>,
        %shift_left3A_4344 = arith.constant 16 : i32
        %shift_left3A_4345 = vector.broadcast %shift_left3A_4344 : i32 to vector<16xi32>
        %shift_left3A_4346 = arith.shli %gather3A_4343, %shift_left3A_4345 : vector<16xi32>
        %bitcast3A_4347 = vector.bitcast %shift_left3A_4346 : vector<16xi32> to vector<16xf32>
        %and3A_4348 = arith.constant -65536 : i32
        %and3A_4349 = vector.broadcast %and3A_4348 : i32 to vector<16xi32>
        %and3A_4350 = arith.andi %gather3A_4343, %and3A_4349 : vector<16xi32>
        %bitcast3A_4351 = vector.bitcast %and3A_4350 : vector<16xi32> to vector<16xf32>
        %mul3A_4352 = arith.mulf %bitcast3A_4347, %bitcast3A_4271 : vector<16xf32>
        %add3A_4353 = arith.addf %add3A_4263, %mul3A_4352 : vector<16xf32>
        %mul3A_4354 = arith.mulf %bitcast3A_4351, %bitcast3A_4275 : vector<16xf32>
        %add3A_4355 = arith.addf %add3A_4353, %mul3A_4354 : vector<16xf32>
        %add3A_4356 = arith.constant 29 : i32
        %add3A_4357 = vector.broadcast %add3A_4356 : i32 to vector<16xi32>
        %add3A_4358 = arith.addi %mul3A_1536, %add3A_4357 : vector<16xi32>
        %gather3A_4359 = tpu.vector_load_idx %arg11[%add3A_1511, %add3A_4358] : memref<128x128xi32, #tpu.memory_space<vmem>>[vector<16xi32>, vector<16xi32>], vector<16xi32>,
        %shift_left3A_4360 = arith.constant 16 : i32
        %shift_left3A_4361 = vector.broadcast %shift_left3A_4360 : i32 to vector<16xi32>
        %shift_left3A_4362 = arith.shli %gather3A_4359, %shift_left3A_4361 : vector<16xi32>
        %bitcast3A_4363 = vector.bitcast %shift_left3A_4362 : vector<16xi32> to vector<16xf32>
        %and3A_4364 = arith.constant -65536 : i32
        %and3A_4365 = vector.broadcast %and3A_4364 : i32 to vector<16xi32>
        %and3A_4366 = arith.andi %gather3A_4359, %and3A_4365 : vector<16xi32>
        %bitcast3A_4367 = vector.bitcast %and3A_4366 : vector<16xi32> to vector<16xf32>
        %add3A_4368 = arith.constant 29 : i32
        %add3A_4369 = vector.broadcast %add3A_4368 : i32 to vector<16xi32>
        %add3A_4370 = arith.addi %mul3A_1565, %add3A_4369 : vector<16xi32>
        %gather3A_4371 = tpu.vector_load_idx %arg12[%add3A_1539, %add3A_4370] : memref<640x128xi32, #tpu.memory_space<vmem>>[vector<16xi32>, vector<16xi32>], vector<16xi32>,
        %shift_left3A_4372 = arith.constant 16 : i32
        %shift_left3A_4373 = vector.broadcast %shift_left3A_4372 : i32 to vector<16xi32>
        %shift_left3A_4374 = arith.shli %gather3A_4371, %shift_left3A_4373 : vector<16xi32>
        %bitcast3A_4375 = vector.bitcast %shift_left3A_4374 : vector<16xi32> to vector<16xf32>
        %and3A_4376 = arith.constant -65536 : i32
        %and3A_4377 = vector.broadcast %and3A_4376 : i32 to vector<16xi32>
        %and3A_4378 = arith.andi %gather3A_4371, %and3A_4377 : vector<16xi32>
        %bitcast3A_4379 = vector.bitcast %and3A_4378 : vector<16xi32> to vector<16xf32>
        %mul3A_4380 = arith.mulf %bitcast3A_4375, %bitcast3A_4363 : vector<16xf32>
        %add3A_4381 = arith.addf %add3A_4291, %mul3A_4380 : vector<16xf32>
        %mul3A_4382 = arith.mulf %bitcast3A_4379, %bitcast3A_4367 : vector<16xf32>
        %add3A_4383 = arith.addf %add3A_4381, %mul3A_4382 : vector<16xf32>
        %add3A_4384 = arith.constant 29 : i32
        %add3A_4385 = vector.broadcast %add3A_4384 : i32 to vector<16xi32>
        %add3A_4386 = arith.addi %mul3A_1595, %add3A_4385 : vector<16xi32>
        %gather3A_4387 = tpu.vector_load_idx %arg12[%add3A_1569, %add3A_4386] : memref<640x128xi32, #tpu.memory_space<vmem>>[vector<16xi32>, vector<16xi32>], vector<16xi32>,
        %shift_left3A_4388 = arith.constant 16 : i32
        %shift_left3A_4389 = vector.broadcast %shift_left3A_4388 : i32 to vector<16xi32>
        %shift_left3A_4390 = arith.shli %gather3A_4387, %shift_left3A_4389 : vector<16xi32>
        %bitcast3A_4391 = vector.bitcast %shift_left3A_4390 : vector<16xi32> to vector<16xf32>
        %and3A_4392 = arith.constant -65536 : i32
        %and3A_4393 = vector.broadcast %and3A_4392 : i32 to vector<16xi32>
        %and3A_4394 = arith.andi %gather3A_4387, %and3A_4393 : vector<16xi32>
        %bitcast3A_4395 = vector.bitcast %and3A_4394 : vector<16xi32> to vector<16xf32>
        %mul3A_4396 = arith.mulf %bitcast3A_4391, %bitcast3A_4363 : vector<16xf32>
        %add3A_4397 = arith.addf %add3A_4307, %mul3A_4396 : vector<16xf32>
        %mul3A_4398 = arith.mulf %bitcast3A_4395, %bitcast3A_4367 : vector<16xf32>
        %add3A_4399 = arith.addf %add3A_4397, %mul3A_4398 : vector<16xf32>
        %add3A_4400 = arith.constant 29 : i32
        %add3A_4401 = vector.broadcast %add3A_4400 : i32 to vector<16xi32>
        %add3A_4402 = arith.addi %mul3A_1626, %add3A_4401 : vector<16xi32>
        %gather3A_4403 = tpu.vector_load_idx %arg12[%add3A_1600, %add3A_4402] : memref<640x128xi32, #tpu.memory_space<vmem>>[vector<16xi32>, vector<16xi32>], vector<16xi32>,
        %shift_left3A_4404 = arith.constant 16 : i32
        %shift_left3A_4405 = vector.broadcast %shift_left3A_4404 : i32 to vector<16xi32>
        %shift_left3A_4406 = arith.shli %gather3A_4403, %shift_left3A_4405 : vector<16xi32>
        %bitcast3A_4407 = vector.bitcast %shift_left3A_4406 : vector<16xi32> to vector<16xf32>
        %and3A_4408 = arith.constant -65536 : i32
        %and3A_4409 = vector.broadcast %and3A_4408 : i32 to vector<16xi32>
        %and3A_4410 = arith.andi %gather3A_4403, %and3A_4409 : vector<16xi32>
        %bitcast3A_4411 = vector.bitcast %and3A_4410 : vector<16xi32> to vector<16xf32>
        %mul3A_4412 = arith.mulf %bitcast3A_4407, %bitcast3A_4363 : vector<16xf32>
        %add3A_4413 = arith.addf %add3A_4323, %mul3A_4412 : vector<16xf32>
        %mul3A_4414 = arith.mulf %bitcast3A_4411, %bitcast3A_4367 : vector<16xf32>
        %add3A_4415 = arith.addf %add3A_4413, %mul3A_4414 : vector<16xf32>
        %add3A_4416 = arith.constant 29 : i32
        %add3A_4417 = vector.broadcast %add3A_4416 : i32 to vector<16xi32>
        %add3A_4418 = arith.addi %mul3A_1657, %add3A_4417 : vector<16xi32>
        %gather3A_4419 = tpu.vector_load_idx %arg12[%add3A_1631, %add3A_4418] : memref<640x128xi32, #tpu.memory_space<vmem>>[vector<16xi32>, vector<16xi32>], vector<16xi32>,
        %shift_left3A_4420 = arith.constant 16 : i32
        %shift_left3A_4421 = vector.broadcast %shift_left3A_4420 : i32 to vector<16xi32>
        %shift_left3A_4422 = arith.shli %gather3A_4419, %shift_left3A_4421 : vector<16xi32>
        %bitcast3A_4423 = vector.bitcast %shift_left3A_4422 : vector<16xi32> to vector<16xf32>
        %and3A_4424 = arith.constant -65536 : i32
        %and3A_4425 = vector.broadcast %and3A_4424 : i32 to vector<16xi32>
        %and3A_4426 = arith.andi %gather3A_4419, %and3A_4425 : vector<16xi32>
        %bitcast3A_4427 = vector.bitcast %and3A_4426 : vector<16xi32> to vector<16xf32>
        %mul3A_4428 = arith.mulf %bitcast3A_4423, %bitcast3A_4363 : vector<16xf32>
        %add3A_4429 = arith.addf %add3A_4339, %mul3A_4428 : vector<16xf32>
        %mul3A_4430 = arith.mulf %bitcast3A_4427, %bitcast3A_4367 : vector<16xf32>
        %add3A_4431 = arith.addf %add3A_4429, %mul3A_4430 : vector<16xf32>
        %add3A_4432 = arith.constant 29 : i32
        %add3A_4433 = vector.broadcast %add3A_4432 : i32 to vector<16xi32>
        %add3A_4434 = arith.addi %mul3A_1688, %add3A_4433 : vector<16xi32>
        %gather3A_4435 = tpu.vector_load_idx %arg12[%add3A_1662, %add3A_4434] : memref<640x128xi32, #tpu.memory_space<vmem>>[vector<16xi32>, vector<16xi32>], vector<16xi32>,
        %shift_left3A_4436 = arith.constant 16 : i32
        %shift_left3A_4437 = vector.broadcast %shift_left3A_4436 : i32 to vector<16xi32>
        %shift_left3A_4438 = arith.shli %gather3A_4435, %shift_left3A_4437 : vector<16xi32>
        %bitcast3A_4439 = vector.bitcast %shift_left3A_4438 : vector<16xi32> to vector<16xf32>
        %and3A_4440 = arith.constant -65536 : i32
        %and3A_4441 = vector.broadcast %and3A_4440 : i32 to vector<16xi32>
        %and3A_4442 = arith.andi %gather3A_4435, %and3A_4441 : vector<16xi32>
        %bitcast3A_4443 = vector.bitcast %and3A_4442 : vector<16xi32> to vector<16xf32>
        %mul3A_4444 = arith.mulf %bitcast3A_4439, %bitcast3A_4363 : vector<16xf32>
        %add3A_4445 = arith.addf %add3A_4355, %mul3A_4444 : vector<16xf32>
        %mul3A_4446 = arith.mulf %bitcast3A_4443, %bitcast3A_4367 : vector<16xf32>
        %add3A_4447 = arith.addf %add3A_4445, %mul3A_4446 : vector<16xf32>
        %add3A_4448 = arith.constant 30 : i32
        %add3A_4449 = vector.broadcast %add3A_4448 : i32 to vector<16xi32>
        %add3A_4450 = arith.addi %mul3A_1536, %add3A_4449 : vector<16xi32>
        %gather3A_4451 = tpu.vector_load_idx %arg11[%add3A_1511, %add3A_4450] : memref<128x128xi32, #tpu.memory_space<vmem>>[vector<16xi32>, vector<16xi32>], vector<16xi32>,
        %shift_left3A_4452 = arith.constant 16 : i32
        %shift_left3A_4453 = vector.broadcast %shift_left3A_4452 : i32 to vector<16xi32>
        %shift_left3A_4454 = arith.shli %gather3A_4451, %shift_left3A_4453 : vector<16xi32>
        %bitcast3A_4455 = vector.bitcast %shift_left3A_4454 : vector<16xi32> to vector<16xf32>
        %and3A_4456 = arith.constant -65536 : i32
        %and3A_4457 = vector.broadcast %and3A_4456 : i32 to vector<16xi32>
        %and3A_4458 = arith.andi %gather3A_4451, %and3A_4457 : vector<16xi32>
        %bitcast3A_4459 = vector.bitcast %and3A_4458 : vector<16xi32> to vector<16xf32>
        %add3A_4460 = arith.constant 30 : i32
        %add3A_4461 = vector.broadcast %add3A_4460 : i32 to vector<16xi32>
        %add3A_4462 = arith.addi %mul3A_1565, %add3A_4461 : vector<16xi32>
        %gather3A_4463 = tpu.vector_load_idx %arg12[%add3A_1539, %add3A_4462] : memref<640x128xi32, #tpu.memory_space<vmem>>[vector<16xi32>, vector<16xi32>], vector<16xi32>,
        %shift_left3A_4464 = arith.constant 16 : i32
        %shift_left3A_4465 = vector.broadcast %shift_left3A_4464 : i32 to vector<16xi32>
        %shift_left3A_4466 = arith.shli %gather3A_4463, %shift_left3A_4465 : vector<16xi32>
        %bitcast3A_4467 = vector.bitcast %shift_left3A_4466 : vector<16xi32> to vector<16xf32>
        %and3A_4468 = arith.constant -65536 : i32
        %and3A_4469 = vector.broadcast %and3A_4468 : i32 to vector<16xi32>
        %and3A_4470 = arith.andi %gather3A_4463, %and3A_4469 : vector<16xi32>
        %bitcast3A_4471 = vector.bitcast %and3A_4470 : vector<16xi32> to vector<16xf32>
        %mul3A_4472 = arith.mulf %bitcast3A_4467, %bitcast3A_4455 : vector<16xf32>
        %add3A_4473 = arith.addf %add3A_4383, %mul3A_4472 : vector<16xf32>
        %mul3A_4474 = arith.mulf %bitcast3A_4471, %bitcast3A_4459 : vector<16xf32>
        %add3A_4475 = arith.addf %add3A_4473, %mul3A_4474 : vector<16xf32>
        %add3A_4476 = arith.constant 30 : i32
        %add3A_4477 = vector.broadcast %add3A_4476 : i32 to vector<16xi32>
        %add3A_4478 = arith.addi %mul3A_1595, %add3A_4477 : vector<16xi32>
        %gather3A_4479 = tpu.vector_load_idx %arg12[%add3A_1569, %add3A_4478] : memref<640x128xi32, #tpu.memory_space<vmem>>[vector<16xi32>, vector<16xi32>], vector<16xi32>,
        %shift_left3A_4480 = arith.constant 16 : i32
        %shift_left3A_4481 = vector.broadcast %shift_left3A_4480 : i32 to vector<16xi32>
        %shift_left3A_4482 = arith.shli %gather3A_4479, %shift_left3A_4481 : vector<16xi32>
        %bitcast3A_4483 = vector.bitcast %shift_left3A_4482 : vector<16xi32> to vector<16xf32>
        %and3A_4484 = arith.constant -65536 : i32
        %and3A_4485 = vector.broadcast %and3A_4484 : i32 to vector<16xi32>
        %and3A_4486 = arith.andi %gather3A_4479, %and3A_4485 : vector<16xi32>
        %bitcast3A_4487 = vector.bitcast %and3A_4486 : vector<16xi32> to vector<16xf32>
        %mul3A_4488 = arith.mulf %bitcast3A_4483, %bitcast3A_4455 : vector<16xf32>
        %add3A_4489 = arith.addf %add3A_4399, %mul3A_4488 : vector<16xf32>
        %mul3A_4490 = arith.mulf %bitcast3A_4487, %bitcast3A_4459 : vector<16xf32>
        %add3A_4491 = arith.addf %add3A_4489, %mul3A_4490 : vector<16xf32>
        %add3A_4492 = arith.constant 30 : i32
        %add3A_4493 = vector.broadcast %add3A_4492 : i32 to vector<16xi32>
        %add3A_4494 = arith.addi %mul3A_1626, %add3A_4493 : vector<16xi32>
        %gather3A_4495 = tpu.vector_load_idx %arg12[%add3A_1600, %add3A_4494] : memref<640x128xi32, #tpu.memory_space<vmem>>[vector<16xi32>, vector<16xi32>], vector<16xi32>,
        %shift_left3A_4496 = arith.constant 16 : i32
        %shift_left3A_4497 = vector.broadcast %shift_left3A_4496 : i32 to vector<16xi32>
        %shift_left3A_4498 = arith.shli %gather3A_4495, %shift_left3A_4497 : vector<16xi32>
        %bitcast3A_4499 = vector.bitcast %shift_left3A_4498 : vector<16xi32> to vector<16xf32>
        %and3A_4500 = arith.constant -65536 : i32
        %and3A_4501 = vector.broadcast %and3A_4500 : i32 to vector<16xi32>
        %and3A_4502 = arith.andi %gather3A_4495, %and3A_4501 : vector<16xi32>
        %bitcast3A_4503 = vector.bitcast %and3A_4502 : vector<16xi32> to vector<16xf32>
        %mul3A_4504 = arith.mulf %bitcast3A_4499, %bitcast3A_4455 : vector<16xf32>
        %add3A_4505 = arith.addf %add3A_4415, %mul3A_4504 : vector<16xf32>
        %mul3A_4506 = arith.mulf %bitcast3A_4503, %bitcast3A_4459 : vector<16xf32>
        %add3A_4507 = arith.addf %add3A_4505, %mul3A_4506 : vector<16xf32>
        %add3A_4508 = arith.constant 30 : i32
        %add3A_4509 = vector.broadcast %add3A_4508 : i32 to vector<16xi32>
        %add3A_4510 = arith.addi %mul3A_1657, %add3A_4509 : vector<16xi32>
        %gather3A_4511 = tpu.vector_load_idx %arg12[%add3A_1631, %add3A_4510] : memref<640x128xi32, #tpu.memory_space<vmem>>[vector<16xi32>, vector<16xi32>], vector<16xi32>,
        %shift_left3A_4512 = arith.constant 16 : i32
        %shift_left3A_4513 = vector.broadcast %shift_left3A_4512 : i32 to vector<16xi32>
        %shift_left3A_4514 = arith.shli %gather3A_4511, %shift_left3A_4513 : vector<16xi32>
        %bitcast3A_4515 = vector.bitcast %shift_left3A_4514 : vector<16xi32> to vector<16xf32>
        %and3A_4516 = arith.constant -65536 : i32
        %and3A_4517 = vector.broadcast %and3A_4516 : i32 to vector<16xi32>
        %and3A_4518 = arith.andi %gather3A_4511, %and3A_4517 : vector<16xi32>
        %bitcast3A_4519 = vector.bitcast %and3A_4518 : vector<16xi32> to vector<16xf32>
        %mul3A_4520 = arith.mulf %bitcast3A_4515, %bitcast3A_4455 : vector<16xf32>
        %add3A_4521 = arith.addf %add3A_4431, %mul3A_4520 : vector<16xf32>
        %mul3A_4522 = arith.mulf %bitcast3A_4519, %bitcast3A_4459 : vector<16xf32>
        %add3A_4523 = arith.addf %add3A_4521, %mul3A_4522 : vector<16xf32>
        %add3A_4524 = arith.constant 30 : i32
        %add3A_4525 = vector.broadcast %add3A_4524 : i32 to vector<16xi32>
        %add3A_4526 = arith.addi %mul3A_1688, %add3A_4525 : vector<16xi32>
        %gather3A_4527 = tpu.vector_load_idx %arg12[%add3A_1662, %add3A_4526] : memref<640x128xi32, #tpu.memory_space<vmem>>[vector<16xi32>, vector<16xi32>], vector<16xi32>,
        %shift_left3A_4528 = arith.constant 16 : i32
        %shift_left3A_4529 = vector.broadcast %shift_left3A_4528 : i32 to vector<16xi32>
        %shift_left3A_4530 = arith.shli %gather3A_4527, %shift_left3A_4529 : vector<16xi32>
        %bitcast3A_4531 = vector.bitcast %shift_left3A_4530 : vector<16xi32> to vector<16xf32>
        %and3A_4532 = arith.constant -65536 : i32
        %and3A_4533 = vector.broadcast %and3A_4532 : i32 to vector<16xi32>
        %and3A_4534 = arith.andi %gather3A_4527, %and3A_4533 : vector<16xi32>
        %bitcast3A_4535 = vector.bitcast %and3A_4534 : vector<16xi32> to vector<16xf32>
        %mul3A_4536 = arith.mulf %bitcast3A_4531, %bitcast3A_4455 : vector<16xf32>
        %add3A_4537 = arith.addf %add3A_4447, %mul3A_4536 : vector<16xf32>
        %mul3A_4538 = arith.mulf %bitcast3A_4535, %bitcast3A_4459 : vector<16xf32>
        %add3A_4539 = arith.addf %add3A_4537, %mul3A_4538 : vector<16xf32>
        %add3A_4540 = arith.constant 31 : i32
        %add3A_4541 = vector.broadcast %add3A_4540 : i32 to vector<16xi32>
        %add3A_4542 = arith.addi %mul3A_1536, %add3A_4541 : vector<16xi32>
        %gather3A_4543 = tpu.vector_load_idx %arg11[%add3A_1511, %add3A_4542] : memref<128x128xi32, #tpu.memory_space<vmem>>[vector<16xi32>, vector<16xi32>], vector<16xi32>,
        %shift_left3A_4544 = arith.constant 16 : i32
        %shift_left3A_4545 = vector.broadcast %shift_left3A_4544 : i32 to vector<16xi32>
        %shift_left3A_4546 = arith.shli %gather3A_4543, %shift_left3A_4545 : vector<16xi32>
        %bitcast3A_4547 = vector.bitcast %shift_left3A_4546 : vector<16xi32> to vector<16xf32>
        %and3A_4548 = arith.constant -65536 : i32
        %and3A_4549 = vector.broadcast %and3A_4548 : i32 to vector<16xi32>
        %and3A_4550 = arith.andi %gather3A_4543, %and3A_4549 : vector<16xi32>
        %bitcast3A_4551 = vector.bitcast %and3A_4550 : vector<16xi32> to vector<16xf32>
        %add3A_4552 = arith.constant 31 : i32
        %add3A_4553 = vector.broadcast %add3A_4552 : i32 to vector<16xi32>
        %add3A_4554 = arith.addi %mul3A_1565, %add3A_4553 : vector<16xi32>
        %gather3A_4555 = tpu.vector_load_idx %arg12[%add3A_1539, %add3A_4554] : memref<640x128xi32, #tpu.memory_space<vmem>>[vector<16xi32>, vector<16xi32>], vector<16xi32>,
        %shift_left3A_4556 = arith.constant 16 : i32
        %shift_left3A_4557 = vector.broadcast %shift_left3A_4556 : i32 to vector<16xi32>
        %shift_left3A_4558 = arith.shli %gather3A_4555, %shift_left3A_4557 : vector<16xi32>
        %bitcast3A_4559 = vector.bitcast %shift_left3A_4558 : vector<16xi32> to vector<16xf32>
        %and3A_4560 = arith.constant -65536 : i32
        %and3A_4561 = vector.broadcast %and3A_4560 : i32 to vector<16xi32>
        %and3A_4562 = arith.andi %gather3A_4555, %and3A_4561 : vector<16xi32>
        %bitcast3A_4563 = vector.bitcast %and3A_4562 : vector<16xi32> to vector<16xf32>
        %mul3A_4564 = arith.mulf %bitcast3A_4559, %bitcast3A_4547 : vector<16xf32>
        %add3A_4565 = arith.addf %add3A_4475, %mul3A_4564 : vector<16xf32>
        %mul3A_4566 = arith.mulf %bitcast3A_4563, %bitcast3A_4551 : vector<16xf32>
        %add3A_4567 = arith.addf %add3A_4565, %mul3A_4566 : vector<16xf32>
        %add3A_4568 = arith.constant 31 : i32
        %add3A_4569 = vector.broadcast %add3A_4568 : i32 to vector<16xi32>
        %add3A_4570 = arith.addi %mul3A_1595, %add3A_4569 : vector<16xi32>
        %gather3A_4571 = tpu.vector_load_idx %arg12[%add3A_1569, %add3A_4570] : memref<640x128xi32, #tpu.memory_space<vmem>>[vector<16xi32>, vector<16xi32>], vector<16xi32>,
        %shift_left3A_4572 = arith.constant 16 : i32
        %shift_left3A_4573 = vector.broadcast %shift_left3A_4572 : i32 to vector<16xi32>
        %shift_left3A_4574 = arith.shli %gather3A_4571, %shift_left3A_4573 : vector<16xi32>
        %bitcast3A_4575 = vector.bitcast %shift_left3A_4574 : vector<16xi32> to vector<16xf32>
        %and3A_4576 = arith.constant -65536 : i32
        %and3A_4577 = vector.broadcast %and3A_4576 : i32 to vector<16xi32>
        %and3A_4578 = arith.andi %gather3A_4571, %and3A_4577 : vector<16xi32>
        %bitcast3A_4579 = vector.bitcast %and3A_4578 : vector<16xi32> to vector<16xf32>
        %mul3A_4580 = arith.mulf %bitcast3A_4575, %bitcast3A_4547 : vector<16xf32>
        %add3A_4581 = arith.addf %add3A_4491, %mul3A_4580 : vector<16xf32>
        %mul3A_4582 = arith.mulf %bitcast3A_4579, %bitcast3A_4551 : vector<16xf32>
        %add3A_4583 = arith.addf %add3A_4581, %mul3A_4582 : vector<16xf32>
        %add3A_4584 = arith.constant 31 : i32
        %add3A_4585 = vector.broadcast %add3A_4584 : i32 to vector<16xi32>
        %add3A_4586 = arith.addi %mul3A_1626, %add3A_4585 : vector<16xi32>
        %gather3A_4587 = tpu.vector_load_idx %arg12[%add3A_1600, %add3A_4586] : memref<640x128xi32, #tpu.memory_space<vmem>>[vector<16xi32>, vector<16xi32>], vector<16xi32>,
        %shift_left3A_4588 = arith.constant 16 : i32
        %shift_left3A_4589 = vector.broadcast %shift_left3A_4588 : i32 to vector<16xi32>
        %shift_left3A_4590 = arith.shli %gather3A_4587, %shift_left3A_4589 : vector<16xi32>
        %bitcast3A_4591 = vector.bitcast %shift_left3A_4590 : vector<16xi32> to vector<16xf32>
        %and3A_4592 = arith.constant -65536 : i32
        %and3A_4593 = vector.broadcast %and3A_4592 : i32 to vector<16xi32>
        %and3A_4594 = arith.andi %gather3A_4587, %and3A_4593 : vector<16xi32>
        %bitcast3A_4595 = vector.bitcast %and3A_4594 : vector<16xi32> to vector<16xf32>
        %mul3A_4596 = arith.mulf %bitcast3A_4591, %bitcast3A_4547 : vector<16xf32>
        %add3A_4597 = arith.addf %add3A_4507, %mul3A_4596 : vector<16xf32>
        %mul3A_4598 = arith.mulf %bitcast3A_4595, %bitcast3A_4551 : vector<16xf32>
        %add3A_4599 = arith.addf %add3A_4597, %mul3A_4598 : vector<16xf32>
        %add3A_4600 = arith.constant 31 : i32
        %add3A_4601 = vector.broadcast %add3A_4600 : i32 to vector<16xi32>
        %add3A_4602 = arith.addi %mul3A_1657, %add3A_4601 : vector<16xi32>
        %gather3A_4603 = tpu.vector_load_idx %arg12[%add3A_1631, %add3A_4602] : memref<640x128xi32, #tpu.memory_space<vmem>>[vector<16xi32>, vector<16xi32>], vector<16xi32>,
        %shift_left3A_4604 = arith.constant 16 : i32
        %shift_left3A_4605 = vector.broadcast %shift_left3A_4604 : i32 to vector<16xi32>
        %shift_left3A_4606 = arith.shli %gather3A_4603, %shift_left3A_4605 : vector<16xi32>
        %bitcast3A_4607 = vector.bitcast %shift_left3A_4606 : vector<16xi32> to vector<16xf32>
        %and3A_4608 = arith.constant -65536 : i32
        %and3A_4609 = vector.broadcast %and3A_4608 : i32 to vector<16xi32>
        %and3A_4610 = arith.andi %gather3A_4603, %and3A_4609 : vector<16xi32>
        %bitcast3A_4611 = vector.bitcast %and3A_4610 : vector<16xi32> to vector<16xf32>
        %mul3A_4612 = arith.mulf %bitcast3A_4607, %bitcast3A_4547 : vector<16xf32>
        %add3A_4613 = arith.addf %add3A_4523, %mul3A_4612 : vector<16xf32>
        %mul3A_4614 = arith.mulf %bitcast3A_4611, %bitcast3A_4551 : vector<16xf32>
        %add3A_4615 = arith.addf %add3A_4613, %mul3A_4614 : vector<16xf32>
        %add3A_4616 = arith.constant 31 : i32
        %add3A_4617 = vector.broadcast %add3A_4616 : i32 to vector<16xi32>
        %add3A_4618 = arith.addi %mul3A_1688, %add3A_4617 : vector<16xi32>
        %gather3A_4619 = tpu.vector_load_idx %arg12[%add3A_1662, %add3A_4618] : memref<640x128xi32, #tpu.memory_space<vmem>>[vector<16xi32>, vector<16xi32>], vector<16xi32>,
        %shift_left3A_4620 = arith.constant 16 : i32
        %shift_left3A_4621 = vector.broadcast %shift_left3A_4620 : i32 to vector<16xi32>
        %shift_left3A_4622 = arith.shli %gather3A_4619, %shift_left3A_4621 : vector<16xi32>
        %bitcast3A_4623 = vector.bitcast %shift_left3A_4622 : vector<16xi32> to vector<16xf32>
        %and3A_4624 = arith.constant -65536 : i32
        %and3A_4625 = vector.broadcast %and3A_4624 : i32 to vector<16xi32>
        %and3A_4626 = arith.andi %gather3A_4619, %and3A_4625 : vector<16xi32>
        %bitcast3A_4627 = vector.bitcast %and3A_4626 : vector<16xi32> to vector<16xf32>
        %mul3A_4628 = arith.mulf %bitcast3A_4623, %bitcast3A_4547 : vector<16xf32>
        %add3A_4629 = arith.addf %add3A_4539, %mul3A_4628 : vector<16xf32>
        %mul3A_4630 = arith.mulf %bitcast3A_4627, %bitcast3A_4551 : vector<16xf32>
        %add3A_4631 = arith.addf %add3A_4629, %mul3A_4630 : vector<16xf32>
        tpu.vector_store_idx %arg13[%add3A_1539], %add3A_4567 : memref<640xf32, #tpu.memory_space<vmem>>[vector<16xi32>], vector<16xf32>,
        tpu.vector_store_idx %arg13[%add3A_1569], %add3A_4583 : memref<640xf32, #tpu.memory_space<vmem>>[vector<16xi32>], vector<16xf32>,
        tpu.vector_store_idx %arg13[%add3A_1600], %add3A_4599 : memref<640xf32, #tpu.memory_space<vmem>>[vector<16xi32>], vector<16xf32>,
        tpu.vector_store_idx %arg13[%add3A_1631], %add3A_4615 : memref<640xf32, #tpu.memory_space<vmem>>[vector<16xi32>], vector<16xf32>,
        tpu.vector_store_idx %arg13[%add3A_1662], %add3A_4631 : memref<640xf32, #tpu.memory_space<vmem>>[vector<16xi32>], vector<16xf32>,
      }
      %scan3A_1492 = arith.constant 8 : i32
      %add3A_1493 = arith.constant 0 : i32
      %add3A_1494 = arith.addi %add3A_1493, %mul3A_14 : i32
      "tpu.region"() ({
        %run_scoped3A = tpu.sem_alloc : memref<!tpu.dma_semaphore, #tpu.memory_space<semaphore_mem>>
        %dma_start3A_1503 = arith.constant 0 : i32
        %dma_start3A_1504 = tpu.memref_slice %arg13[%dma_start3A_1503] : memref<640xf32, #tpu.memory_space<vmem>> -> memref<128xf32, #tpu.memory_space<vmem>>
        %dma_start3A_1505 = tpu.memref_slice %arg6[%add3A_1494] : memref<81920xf32, #tpu.memory_space<hbm>> -> memref<128xf32, #tpu.memory_space<hbm>>
        %dma_start3A_1506 = tpu.memref_slice %arg6[%add3A_1494] : memref<81920xf32, #tpu.memory_space<hbm>> -> memref<128xf32, #tpu.memory_space<hbm>>
        %dma_start3A_1507 = arith.constant 0 : i32
        %dma_start3A_1508 = tpu.memref_slice %arg13[%dma_start3A_1507] : memref<640xf32, #tpu.memory_space<vmem>> -> memref<128xf32, #tpu.memory_space<vmem>>
        tpu.enqueue_dma source(%dma_start3A_1508 : memref<128xf32, #tpu.memory_space<vmem>>) target(%dma_start3A_1506 : memref<128xf32, #tpu.memory_space<hbm>>) target_semaphore(%run_scoped3A : memref<!tpu.dma_semaphore, #tpu.memory_space<semaphore_mem>>)
        %dma_wait3A_1509 = arith.constant 0 : i32
        %dma_wait3A_1510 = tpu.memref_slice %arg13[%dma_wait3A_1509] : memref<640xf32, #tpu.memory_space<vmem>> -> memref<128xf32, #tpu.memory_space<vmem>>
        %dma_wait3A_1511 = tpu.memref_slice %arg6[%add3A_1494] : memref<81920xf32, #tpu.memory_space<hbm>> -> memref<128xf32, #tpu.memory_space<hbm>>
        %dma_wait3A_1512 = tpu.memref_slice %arg6[%add3A_1494] : memref<81920xf32, #tpu.memory_space<hbm>> -> memref<128xf32, #tpu.memory_space<hbm>>
        %dma_wait3A_1513 = arith.constant 0 : i32
        %dma_wait3A_1514 = tpu.memref_slice %arg13[%dma_wait3A_1513] : memref<640xf32, #tpu.memory_space<vmem>> -> memref<128xf32, #tpu.memory_space<vmem>>
        tpu.wait_dma2 semaphore(%run_scoped3A : memref<!tpu.dma_semaphore, #tpu.memory_space<semaphore_mem>>) src(%dma_wait3A_1514 : memref<128xf32, #tpu.memory_space<vmem>>) dst(%dma_wait3A_1512 : memref<128xf32, #tpu.memory_space<hbm>>)
        tpu.yield
      }) : () -> ()
      %add3A_1495 = arith.constant 16384 : i32
      %add3A_1496 = arith.addi %add3A_1495, %mul3A_14 : i32
      "tpu.region"() ({
        %run_scoped3A = tpu.sem_alloc : memref<!tpu.dma_semaphore, #tpu.memory_space<semaphore_mem>>
        %dma_start3A_1503 = arith.constant 128 : i32
        %dma_start3A_1504 = tpu.memref_slice %arg13[%dma_start3A_1503] : memref<640xf32, #tpu.memory_space<vmem>> -> memref<128xf32, #tpu.memory_space<vmem>>
        %dma_start3A_1505 = tpu.memref_slice %arg6[%add3A_1496] : memref<81920xf32, #tpu.memory_space<hbm>> -> memref<128xf32, #tpu.memory_space<hbm>>
        %dma_start3A_1506 = tpu.memref_slice %arg6[%add3A_1496] : memref<81920xf32, #tpu.memory_space<hbm>> -> memref<128xf32, #tpu.memory_space<hbm>>
        %dma_start3A_1507 = arith.constant 128 : i32
        %dma_start3A_1508 = tpu.memref_slice %arg13[%dma_start3A_1507] : memref<640xf32, #tpu.memory_space<vmem>> -> memref<128xf32, #tpu.memory_space<vmem>>
        tpu.enqueue_dma source(%dma_start3A_1508 : memref<128xf32, #tpu.memory_space<vmem>>) target(%dma_start3A_1506 : memref<128xf32, #tpu.memory_space<hbm>>) target_semaphore(%run_scoped3A : memref<!tpu.dma_semaphore, #tpu.memory_space<semaphore_mem>>)
        %dma_wait3A_1509 = arith.constant 128 : i32
        %dma_wait3A_1510 = tpu.memref_slice %arg13[%dma_wait3A_1509] : memref<640xf32, #tpu.memory_space<vmem>> -> memref<128xf32, #tpu.memory_space<vmem>>
        %dma_wait3A_1511 = tpu.memref_slice %arg6[%add3A_1496] : memref<81920xf32, #tpu.memory_space<hbm>> -> memref<128xf32, #tpu.memory_space<hbm>>
        %dma_wait3A_1512 = tpu.memref_slice %arg6[%add3A_1496] : memref<81920xf32, #tpu.memory_space<hbm>> -> memref<128xf32, #tpu.memory_space<hbm>>
        %dma_wait3A_1513 = arith.constant 128 : i32
        %dma_wait3A_1514 = tpu.memref_slice %arg13[%dma_wait3A_1513] : memref<640xf32, #tpu.memory_space<vmem>> -> memref<128xf32, #tpu.memory_space<vmem>>
        tpu.wait_dma2 semaphore(%run_scoped3A : memref<!tpu.dma_semaphore, #tpu.memory_space<semaphore_mem>>) src(%dma_wait3A_1514 : memref<128xf32, #tpu.memory_space<vmem>>) dst(%dma_wait3A_1512 : memref<128xf32, #tpu.memory_space<hbm>>)
        tpu.yield
      }) : () -> ()
      %add3A_1497 = arith.constant 32768 : i32
      %add3A_1498 = arith.addi %add3A_1497, %mul3A_14 : i32
      "tpu.region"() ({
        %run_scoped3A = tpu.sem_alloc : memref<!tpu.dma_semaphore, #tpu.memory_space<semaphore_mem>>
        %dma_start3A_1503 = arith.constant 256 : i32
        %dma_start3A_1504 = tpu.memref_slice %arg13[%dma_start3A_1503] : memref<640xf32, #tpu.memory_space<vmem>> -> memref<128xf32, #tpu.memory_space<vmem>>
        %dma_start3A_1505 = tpu.memref_slice %arg6[%add3A_1498] : memref<81920xf32, #tpu.memory_space<hbm>> -> memref<128xf32, #tpu.memory_space<hbm>>
        %dma_start3A_1506 = tpu.memref_slice %arg6[%add3A_1498] : memref<81920xf32, #tpu.memory_space<hbm>> -> memref<128xf32, #tpu.memory_space<hbm>>
        %dma_start3A_1507 = arith.constant 256 : i32
        %dma_start3A_1508 = tpu.memref_slice %arg13[%dma_start3A_1507] : memref<640xf32, #tpu.memory_space<vmem>> -> memref<128xf32, #tpu.memory_space<vmem>>
        tpu.enqueue_dma source(%dma_start3A_1508 : memref<128xf32, #tpu.memory_space<vmem>>) target(%dma_start3A_1506 : memref<128xf32, #tpu.memory_space<hbm>>) target_semaphore(%run_scoped3A : memref<!tpu.dma_semaphore, #tpu.memory_space<semaphore_mem>>)
        %dma_wait3A_1509 = arith.constant 256 : i32
        %dma_wait3A_1510 = tpu.memref_slice %arg13[%dma_wait3A_1509] : memref<640xf32, #tpu.memory_space<vmem>> -> memref<128xf32, #tpu.memory_space<vmem>>
        %dma_wait3A_1511 = tpu.memref_slice %arg6[%add3A_1498] : memref<81920xf32, #tpu.memory_space<hbm>> -> memref<128xf32, #tpu.memory_space<hbm>>
        %dma_wait3A_1512 = tpu.memref_slice %arg6[%add3A_1498] : memref<81920xf32, #tpu.memory_space<hbm>> -> memref<128xf32, #tpu.memory_space<hbm>>
        %dma_wait3A_1513 = arith.constant 256 : i32
        %dma_wait3A_1514 = tpu.memref_slice %arg13[%dma_wait3A_1513] : memref<640xf32, #tpu.memory_space<vmem>> -> memref<128xf32, #tpu.memory_space<vmem>>
        tpu.wait_dma2 semaphore(%run_scoped3A : memref<!tpu.dma_semaphore, #tpu.memory_space<semaphore_mem>>) src(%dma_wait3A_1514 : memref<128xf32, #tpu.memory_space<vmem>>) dst(%dma_wait3A_1512 : memref<128xf32, #tpu.memory_space<hbm>>)
        tpu.yield
      }) : () -> ()
      %add3A_1499 = arith.constant 49152 : i32
      %add3A_1500 = arith.addi %add3A_1499, %mul3A_14 : i32
      "tpu.region"() ({
        %run_scoped3A = tpu.sem_alloc : memref<!tpu.dma_semaphore, #tpu.memory_space<semaphore_mem>>
        %dma_start3A_1503 = arith.constant 384 : i32
        %dma_start3A_1504 = tpu.memref_slice %arg13[%dma_start3A_1503] : memref<640xf32, #tpu.memory_space<vmem>> -> memref<128xf32, #tpu.memory_space<vmem>>
        %dma_start3A_1505 = tpu.memref_slice %arg6[%add3A_1500] : memref<81920xf32, #tpu.memory_space<hbm>> -> memref<128xf32, #tpu.memory_space<hbm>>
        %dma_start3A_1506 = tpu.memref_slice %arg6[%add3A_1500] : memref<81920xf32, #tpu.memory_space<hbm>> -> memref<128xf32, #tpu.memory_space<hbm>>
        %dma_start3A_1507 = arith.constant 384 : i32
        %dma_start3A_1508 = tpu.memref_slice %arg13[%dma_start3A_1507] : memref<640xf32, #tpu.memory_space<vmem>> -> memref<128xf32, #tpu.memory_space<vmem>>
        tpu.enqueue_dma source(%dma_start3A_1508 : memref<128xf32, #tpu.memory_space<vmem>>) target(%dma_start3A_1506 : memref<128xf32, #tpu.memory_space<hbm>>) target_semaphore(%run_scoped3A : memref<!tpu.dma_semaphore, #tpu.memory_space<semaphore_mem>>)
        %dma_wait3A_1509 = arith.constant 384 : i32
        %dma_wait3A_1510 = tpu.memref_slice %arg13[%dma_wait3A_1509] : memref<640xf32, #tpu.memory_space<vmem>> -> memref<128xf32, #tpu.memory_space<vmem>>
        %dma_wait3A_1511 = tpu.memref_slice %arg6[%add3A_1500] : memref<81920xf32, #tpu.memory_space<hbm>> -> memref<128xf32, #tpu.memory_space<hbm>>
        %dma_wait3A_1512 = tpu.memref_slice %arg6[%add3A_1500] : memref<81920xf32, #tpu.memory_space<hbm>> -> memref<128xf32, #tpu.memory_space<hbm>>
        %dma_wait3A_1513 = arith.constant 384 : i32
        %dma_wait3A_1514 = tpu.memref_slice %arg13[%dma_wait3A_1513] : memref<640xf32, #tpu.memory_space<vmem>> -> memref<128xf32, #tpu.memory_space<vmem>>
        tpu.wait_dma2 semaphore(%run_scoped3A : memref<!tpu.dma_semaphore, #tpu.memory_space<semaphore_mem>>) src(%dma_wait3A_1514 : memref<128xf32, #tpu.memory_space<vmem>>) dst(%dma_wait3A_1512 : memref<128xf32, #tpu.memory_space<hbm>>)
        tpu.yield
      }) : () -> ()
      %add3A_1501 = arith.constant 65536 : i32
      %add3A_1502 = arith.addi %add3A_1501, %mul3A_14 : i32
      "tpu.region"() ({
        %run_scoped3A = tpu.sem_alloc : memref<!tpu.dma_semaphore, #tpu.memory_space<semaphore_mem>>
        %dma_start3A_1503 = arith.constant 512 : i32
        %dma_start3A_1504 = tpu.memref_slice %arg13[%dma_start3A_1503] : memref<640xf32, #tpu.memory_space<vmem>> -> memref<128xf32, #tpu.memory_space<vmem>>
        %dma_start3A_1505 = tpu.memref_slice %arg6[%add3A_1502] : memref<81920xf32, #tpu.memory_space<hbm>> -> memref<128xf32, #tpu.memory_space<hbm>>
        %dma_start3A_1506 = tpu.memref_slice %arg6[%add3A_1502] : memref<81920xf32, #tpu.memory_space<hbm>> -> memref<128xf32, #tpu.memory_space<hbm>>
        %dma_start3A_1507 = arith.constant 512 : i32
        %dma_start3A_1508 = tpu.memref_slice %arg13[%dma_start3A_1507] : memref<640xf32, #tpu.memory_space<vmem>> -> memref<128xf32, #tpu.memory_space<vmem>>
        tpu.enqueue_dma source(%dma_start3A_1508 : memref<128xf32, #tpu.memory_space<vmem>>) target(%dma_start3A_1506 : memref<128xf32, #tpu.memory_space<hbm>>) target_semaphore(%run_scoped3A : memref<!tpu.dma_semaphore, #tpu.memory_space<semaphore_mem>>)
        %dma_wait3A_1509 = arith.constant 512 : i32
        %dma_wait3A_1510 = tpu.memref_slice %arg13[%dma_wait3A_1509] : memref<640xf32, #tpu.memory_space<vmem>> -> memref<128xf32, #tpu.memory_space<vmem>>
        %dma_wait3A_1511 = tpu.memref_slice %arg6[%add3A_1502] : memref<81920xf32, #tpu.memory_space<hbm>> -> memref<128xf32, #tpu.memory_space<hbm>>
        %dma_wait3A_1512 = tpu.memref_slice %arg6[%add3A_1502] : memref<81920xf32, #tpu.memory_space<hbm>> -> memref<128xf32, #tpu.memory_space<hbm>>
        %dma_wait3A_1513 = arith.constant 512 : i32
        %dma_wait3A_1514 = tpu.memref_slice %arg13[%dma_wait3A_1513] : memref<640xf32, #tpu.memory_space<vmem>> -> memref<128xf32, #tpu.memory_space<vmem>>
        tpu.wait_dma2 semaphore(%run_scoped3A : memref<!tpu.dma_semaphore, #tpu.memory_space<semaphore_mem>>) src(%dma_wait3A_1514 : memref<128xf32, #tpu.memory_space<vmem>>) dst(%dma_wait3A_1512 : memref<128xf32, #tpu.memory_space<hbm>>)
        tpu.yield
      }) : () -> ()
    }
    %scan3A_4 = arith.constant 4 : i32
    return
  }
}

module attributes {stable_mosaic.version = 14 : i64} {
  func.func @body(%arg0: i32, %arg1: memref<64x8192xf32, #tpu.memory_space<vmem>>, %arg2: memref<64x8192xf32, #tpu.memory_space<vmem>>, %arg3: memref<64x8192xf32, #tpu.memory_space<vmem>>, %arg4: memref<64x8192xf32, #tpu.memory_space<vmem>>, %arg5: memref<64x32xbf16, #tpu.memory_space<vmem>>, %arg6: memref<64x32xbf16, #tpu.memory_space<vmem>>, %arg7: memref<8192x128xi32, #tpu.memory_space<vmem>>) attributes {dimension_semantics = [#tpu.dimension_semantics<arbitrary>], iteration_bounds = array<i64: 31>, scalar_prefetch = 0 : i64, scratch_operands = 0 : i64, tpu.core_type = #tpu.core_type<tc>, window_params = [{transform_indices = @transform_0, window_bounds = array<i64: 64, 8192>}, {transform_indices = @transform_1, window_bounds = array<i64: 64, 8192>}, {transform_indices = @transform_2, window_bounds = array<i64: 64, 8192>}, {transform_indices = @transform_3, window_bounds = array<i64: 64, 8192>}, {pipeline_mode = #tpu.pipeline_mode<synchronous>, transform_indices = @transform_4, window_bounds = array<i64: 64, 32>}, {pipeline_mode = #tpu.pipeline_mode<synchronous>, transform_indices = @transform_5, window_bounds = array<i64: 64, 32>}, {transform_indices = @transform_6, window_bounds = array<i64: 8192, 128>}]} {
    %get3A = arith.constant 0 : index
    %get3A_0 = arith.constant 0 : index
    %get3A_1 = vector.load %arg5[%get3A, %get3A_0] : memref<64x32xbf16, #tpu.memory_space<vmem>>, vector<64x32xbf16>
    %get3A_2 = arith.constant 0 : index
    %get3A_3 = arith.constant 0 : index
    %get3A_4 = vector.load %arg6[%get3A_2, %get3A_3] : memref<64x32xbf16, #tpu.memory_space<vmem>>, vector<64x32xbf16>
    %get3A_5 = arith.constant 0 : index
    %get3A_6 = arith.constant 0 : index
    %get3A_7 = vector.load %arg1[%get3A_5, %get3A_6] : memref<64x8192xf32, #tpu.memory_space<vmem>>, vector<64x8192xf32>
    %convert_element_type3A = arith.truncf %get3A_7 : vector<64x8192xf32> to vector<64x8192xbf16>
    %dot_general3A = arith.constant dense<0.000000e+00> : vector<8192x32xf32>
    %dot_general3A_8 = tpu.matmul %convert_element_type3A, %get3A_1, %dot_general3A {dimension_numbers = #tpu.dot_dimension_numbers<[0], [0], [1], [1], [0, 1, 1, 1], [], []>, transpose_lhs_hint = false} : vector<64x8192xbf16>, vector<64x32xbf16>, vector<8192x32xf32> -> vector<8192x32xf32>
    %bitcast_convert_type3A = tpu.bitcast %dot_general3A_8 : vector<8192x32xf32> -> vector<8192x32xi32>
    %dot_general3A_9 = arith.constant dense<0.000000e+00> : vector<8192x32xf32>
    %dot_general3A_10 = tpu.matmul %convert_element_type3A, %get3A_4, %dot_general3A_9 {dimension_numbers = #tpu.dot_dimension_numbers<[0], [0], [1], [1], [0, 1, 1, 1], [], []>, transpose_lhs_hint = false} : vector<64x8192xbf16>, vector<64x32xbf16>, vector<8192x32xf32> -> vector<8192x32xf32>
    %bitcast_convert_type3A_11 = tpu.bitcast %dot_general3A_10 : vector<8192x32xf32> -> vector<8192x32xi32>
    %shift_right_logical3A = arith.constant 16 : i32
    %shift_right_logical3A_12 = vector.broadcast %shift_right_logical3A : i32 to vector<8192x32xi32>
    %shift_right_logical3A_13 = arith.shrui %bitcast_convert_type3A, %shift_right_logical3A_12 : vector<8192x32xi32>
    %and3A = arith.constant -65536 : i32
    %and3A_14 = vector.broadcast %and3A : i32 to vector<8192x32xi32>
    %and3A_15 = arith.andi %bitcast_convert_type3A_11, %and3A_14 : vector<8192x32xi32>
    %or3A = arith.ori %shift_right_logical3A_13, %and3A_15 : vector<8192x32xi32>
    %swap3A = arith.constant 0 : index
    %swap3A_16 = arith.constant 0 : index
    %swap3A_17 = vector.load %arg7[%swap3A, %swap3A_16] : memref<8192x128xi32, #tpu.memory_space<vmem>>, vector<8192x32xi32>
    tpu.vector_store %arg7[%swap3A, %swap3A_16], %or3A {strides = array<i32>} : memref<8192x128xi32, #tpu.memory_space<vmem>>, vector<8192x32xi32>,
    %get3A_18 = arith.constant 0 : index
    %get3A_19 = arith.constant 0 : index
    %get3A_20 = vector.load %arg2[%get3A_18, %get3A_19] : memref<64x8192xf32, #tpu.memory_space<vmem>>, vector<64x8192xf32>
    %convert_element_type3A_21 = arith.truncf %get3A_20 : vector<64x8192xf32> to vector<64x8192xbf16>
    %dot_general3A_22 = arith.constant dense<0.000000e+00> : vector<8192x32xf32>
    %dot_general3A_23 = tpu.matmul %convert_element_type3A_21, %get3A_1, %dot_general3A_22 {dimension_numbers = #tpu.dot_dimension_numbers<[0], [0], [1], [1], [0, 1, 1, 1], [], []>, transpose_lhs_hint = false} : vector<64x8192xbf16>, vector<64x32xbf16>, vector<8192x32xf32> -> vector<8192x32xf32>
    %bitcast_convert_type3A_24 = tpu.bitcast %dot_general3A_23 : vector<8192x32xf32> -> vector<8192x32xi32>
    %dot_general3A_25 = arith.constant dense<0.000000e+00> : vector<8192x32xf32>
    %dot_general3A_26 = tpu.matmul %convert_element_type3A_21, %get3A_4, %dot_general3A_25 {dimension_numbers = #tpu.dot_dimension_numbers<[0], [0], [1], [1], [0, 1, 1, 1], [], []>, transpose_lhs_hint = false} : vector<64x8192xbf16>, vector<64x32xbf16>, vector<8192x32xf32> -> vector<8192x32xf32>
    %bitcast_convert_type3A_27 = tpu.bitcast %dot_general3A_26 : vector<8192x32xf32> -> vector<8192x32xi32>
    %shift_right_logical3A_28 = arith.constant 16 : i32
    %shift_right_logical3A_29 = vector.broadcast %shift_right_logical3A_28 : i32 to vector<8192x32xi32>
    %shift_right_logical3A_30 = arith.shrui %bitcast_convert_type3A_24, %shift_right_logical3A_29 : vector<8192x32xi32>
    %and3A_31 = arith.constant -65536 : i32
    %and3A_32 = vector.broadcast %and3A_31 : i32 to vector<8192x32xi32>
    %and3A_33 = arith.andi %bitcast_convert_type3A_27, %and3A_32 : vector<8192x32xi32>
    %or3A_34 = arith.ori %shift_right_logical3A_30, %and3A_33 : vector<8192x32xi32>
    %swap3A_35 = arith.constant 0 : index
    %swap3A_36 = arith.constant 32 : index
    %swap3A_37 = vector.load %arg7[%swap3A_35, %swap3A_36] : memref<8192x128xi32, #tpu.memory_space<vmem>>, vector<8192x32xi32>
    tpu.vector_store %arg7[%swap3A_35, %swap3A_36], %or3A_34 {strides = array<i32>} : memref<8192x128xi32, #tpu.memory_space<vmem>>, vector<8192x32xi32>,
    %get3A_38 = arith.constant 0 : index
    %get3A_39 = arith.constant 0 : index
    %get3A_40 = vector.load %arg3[%get3A_38, %get3A_39] : memref<64x8192xf32, #tpu.memory_space<vmem>>, vector<64x8192xf32>
    %convert_element_type3A_41 = arith.truncf %get3A_40 : vector<64x8192xf32> to vector<64x8192xbf16>
    %dot_general3A_42 = arith.constant dense<0.000000e+00> : vector<8192x32xf32>
    %dot_general3A_43 = tpu.matmul %convert_element_type3A_41, %get3A_1, %dot_general3A_42 {dimension_numbers = #tpu.dot_dimension_numbers<[0], [0], [1], [1], [0, 1, 1, 1], [], []>, transpose_lhs_hint = false} : vector<64x8192xbf16>, vector<64x32xbf16>, vector<8192x32xf32> -> vector<8192x32xf32>
    %bitcast_convert_type3A_44 = tpu.bitcast %dot_general3A_43 : vector<8192x32xf32> -> vector<8192x32xi32>
    %dot_general3A_45 = arith.constant dense<0.000000e+00> : vector<8192x32xf32>
    %dot_general3A_46 = tpu.matmul %convert_element_type3A_41, %get3A_4, %dot_general3A_45 {dimension_numbers = #tpu.dot_dimension_numbers<[0], [0], [1], [1], [0, 1, 1, 1], [], []>, transpose_lhs_hint = false} : vector<64x8192xbf16>, vector<64x32xbf16>, vector<8192x32xf32> -> vector<8192x32xf32>
    %bitcast_convert_type3A_47 = tpu.bitcast %dot_general3A_46 : vector<8192x32xf32> -> vector<8192x32xi32>
    %shift_right_logical3A_48 = arith.constant 16 : i32
    %shift_right_logical3A_49 = vector.broadcast %shift_right_logical3A_48 : i32 to vector<8192x32xi32>
    %shift_right_logical3A_50 = arith.shrui %bitcast_convert_type3A_44, %shift_right_logical3A_49 : vector<8192x32xi32>
    %and3A_51 = arith.constant -65536 : i32
    %and3A_52 = vector.broadcast %and3A_51 : i32 to vector<8192x32xi32>
    %and3A_53 = arith.andi %bitcast_convert_type3A_47, %and3A_52 : vector<8192x32xi32>
    %or3A_54 = arith.ori %shift_right_logical3A_50, %and3A_53 : vector<8192x32xi32>
    %swap3A_55 = arith.constant 0 : index
    %swap3A_56 = arith.constant 64 : index
    %swap3A_57 = vector.load %arg7[%swap3A_55, %swap3A_56] : memref<8192x128xi32, #tpu.memory_space<vmem>>, vector<8192x32xi32>
    tpu.vector_store %arg7[%swap3A_55, %swap3A_56], %or3A_54 {strides = array<i32>} : memref<8192x128xi32, #tpu.memory_space<vmem>>, vector<8192x32xi32>,
    %get3A_58 = arith.constant 0 : index
    %get3A_59 = arith.constant 0 : index
    %get3A_60 = vector.load %arg4[%get3A_58, %get3A_59] : memref<64x8192xf32, #tpu.memory_space<vmem>>, vector<64x8192xf32>
    %convert_element_type3A_61 = arith.truncf %get3A_60 : vector<64x8192xf32> to vector<64x8192xbf16>
    %dot_general3A_62 = arith.constant dense<0.000000e+00> : vector<8192x32xf32>
    %dot_general3A_63 = tpu.matmul %convert_element_type3A_61, %get3A_1, %dot_general3A_62 {dimension_numbers = #tpu.dot_dimension_numbers<[0], [0], [1], [1], [0, 1, 1, 1], [], []>, transpose_lhs_hint = false} : vector<64x8192xbf16>, vector<64x32xbf16>, vector<8192x32xf32> -> vector<8192x32xf32>
    %bitcast_convert_type3A_64 = tpu.bitcast %dot_general3A_63 : vector<8192x32xf32> -> vector<8192x32xi32>
    %dot_general3A_65 = arith.constant dense<0.000000e+00> : vector<8192x32xf32>
    %dot_general3A_66 = tpu.matmul %convert_element_type3A_61, %get3A_4, %dot_general3A_65 {dimension_numbers = #tpu.dot_dimension_numbers<[0], [0], [1], [1], [0, 1, 1, 1], [], []>, transpose_lhs_hint = false} : vector<64x8192xbf16>, vector<64x32xbf16>, vector<8192x32xf32> -> vector<8192x32xf32>
    %bitcast_convert_type3A_67 = tpu.bitcast %dot_general3A_66 : vector<8192x32xf32> -> vector<8192x32xi32>
    %shift_right_logical3A_68 = arith.constant 16 : i32
    %shift_right_logical3A_69 = vector.broadcast %shift_right_logical3A_68 : i32 to vector<8192x32xi32>
    %shift_right_logical3A_70 = arith.shrui %bitcast_convert_type3A_64, %shift_right_logical3A_69 : vector<8192x32xi32>
    %and3A_71 = arith.constant -65536 : i32
    %and3A_72 = vector.broadcast %and3A_71 : i32 to vector<8192x32xi32>
    %and3A_73 = arith.andi %bitcast_convert_type3A_67, %and3A_72 : vector<8192x32xi32>
    %or3A_74 = arith.ori %shift_right_logical3A_70, %and3A_73 : vector<8192x32xi32>
    %swap3A_75 = arith.constant 0 : index
    %swap3A_76 = arith.constant 96 : index
    %swap3A_77 = vector.load %arg7[%swap3A_75, %swap3A_76] : memref<8192x128xi32, #tpu.memory_space<vmem>>, vector<8192x32xi32>
    tpu.vector_store %arg7[%swap3A_75, %swap3A_76], %or3A_74 {strides = array<i32>} : memref<8192x128xi32, #tpu.memory_space<vmem>>, vector<8192x32xi32>,
    return
  }
  func.func @transform_0(%arg0: i32) -> (i32, i32) {
    %add3A = arith.constant 0 : i32
    %add3A_0 = arith.addi %add3A, %arg0 : i32
    %min3A = arith.constant 122 : i32
    %min3A_1 = arith.minsi %add3A_0, %min3A : i32
    %c0_i32 = arith.constant 0 : i32
    %c0_i32_2 = arith.constant 0 : i32
    return %c0_i32, %min3A_1 : i32, i32
  }
  func.func @transform_1(%arg0: i32) -> (i32, i32) {
    %add3A = arith.constant 31 : i32
    %add3A_0 = arith.addi %add3A, %arg0 : i32
    %min3A = arith.constant 122 : i32
    %min3A_1 = arith.minsi %add3A_0, %min3A : i32
    %c0_i32 = arith.constant 0 : i32
    %c0_i32_2 = arith.constant 0 : i32
    return %c0_i32, %min3A_1 : i32, i32
  }
  func.func @transform_2(%arg0: i32) -> (i32, i32) {
    %add3A = arith.constant 62 : i32
    %add3A_0 = arith.addi %add3A, %arg0 : i32
    %min3A = arith.constant 122 : i32
    %min3A_1 = arith.minsi %add3A_0, %min3A : i32
    %c0_i32 = arith.constant 0 : i32
    %c0_i32_2 = arith.constant 0 : i32
    return %c0_i32, %min3A_1 : i32, i32
  }
  func.func @transform_3(%arg0: i32) -> (i32, i32) {
    %add3A = arith.constant 93 : i32
    %add3A_0 = arith.addi %add3A, %arg0 : i32
    %min3A = arith.constant 122 : i32
    %min3A_1 = arith.minsi %add3A_0, %min3A : i32
    %c0_i32 = arith.constant 0 : i32
    %c0_i32_2 = arith.constant 0 : i32
    return %c0_i32, %min3A_1 : i32, i32
  }
  func.func @transform_4(%arg0: i32) -> (i32, i32) {
    %c0_i32 = arith.constant 0 : i32
    %c0_i32_0 = arith.constant 0 : i32
    %c0_i32_1 = arith.constant 0 : i32
    return %c0_i32, %c0_i32_0 : i32, i32
  }
  func.func @transform_5(%arg0: i32) -> (i32, i32) {
    %c0_i32 = arith.constant 0 : i32
    %c0_i32_0 = arith.constant 0 : i32
    %c0_i32_1 = arith.constant 0 : i32
    return %c0_i32, %c0_i32_0 : i32, i32
  }
  func.func @transform_6(%arg0: i32) -> (i32, i32) {
    %c0_i32 = arith.constant 0 : i32
    %c0_i32_0 = arith.constant 0 : i32
    return %arg0, %c0_i32 : i32, i32
  }
}

</mosaic_0001>

<sc_bundles>
// kernel: kernel.5.cloned.1.call-start
scs
__scs_entry_jumppad:
0x0: {  	(pc) =	sbr.rel $0x88, $3  }
0x1: {  	(tag) =	ssettag $0x0;
	lr =	simm.s32 $0x1  }
0x2: {  	[smem:$0x3F9D] =	sst lr;
	_ =	strace $0xD0000000  }
0x3: {  	_ = 	snop  }
0x4: {  	_ = 	snop  }
0x5: {  	_ = 	snop  }
0x6: {  	_ = 	snop  }
0x7: {  	_ = 	snop  }
__scs_overlays_trampoline_lowered:
0x8: {  	[smem:$0x3FAC] =	sst s0  }
0x9: {  	[smem:$0x3FAD] =	sst s1  }
0xa: {  	[smem:$0x3FAE] =	sst s2  }
0xb: {  	[smem:$0x3FAF] =	sst s3  }
0xc: {  	[smem:$0x3FB0] =	sst s4  }
0xd: {  	[smem:$0x3FB1] =	sst s5  }
0xe: {  	[smem:$0x3FB2] =	sst s6  }
0xf: {  	[smem:$0x3FB3] =	sst s7  }
0x10: {  	[smem:$0x3FB4] =	sst s8  }
0x11: {  	[smem:$0x3FB5] =	sst s9;
	s0 =	simm.s32 @!p0 $0x0  }
0x12: {  	s1 =	sld [smem:$0x3F9B];
	s0 =	simm.s32 @p0 $0x1  }
0x13: {  	[smem:$0x3FB6] =	sst s0;
	s0 =	simm.s32 @!p1 $0x0  }
0x14: {  	s2 =	sld [smem:$0x3F9A];
	s0 =	simm.s32 @p1 $0x1  }
0x15: {  	[smem:$0x3FB7] =	sst s0;
	s0 =	simm.s32 @!p2 $0x0  }
0x16: {  	s3 =	sld [smem:$0x3FDB];
	s0 =	simm.s32 @p2 $0x1  }
0x17: {  	s4 =	simm.s32 $0x1BF5;
	[smem:$0x3FB9] =	sst s0  }
0x18: {  	s0 =	sld [smem:$0x3F9C];
	_ =	swait.ge [sflag:s4], $0x0  }
0x19: {  	s7 =	sld [smem:$0x3F9D]  }
0x1a: {  	s8 =	sadd.s32 $0xFFFFE003, lr  }
0x1b: {  	s9 =	sadd.s32 $0xFFFFFEF7, lr;
	s5 =	simm.s32 $0xFFFFFFFF;
	p2 =	slt.u32 s8, $0xFFFFF086  }
0x1c: {  	p1 =	slt.u32 s9, $0xF7A;
	s5 =	simm.s32 @!p2 $0x0  }
0x1d: {  	s5 =	simm.s32 @p1 $0x1;
	p0 =	seq.s32 s7, s2  }
0x1e: {  	s7 =	smul.u32 @!p0 $0xF7A, s2;
	p2 =	seq.s32 @!p0 s5, $0x0  }
0x1f: {  	s9 =	smul.u32 $0xF7A, s1;
	s8 =	simm.s32 @!p0 $0x1BF5;
	p2 =	por !p2, p0  }
0x20: {  	[sflag:s8] =	ssyncset.s32 @!p0 $0xFFFFF086;
	s6 =	sadd.s32 @!p0 s3, s7;
	s7 =	simm.s32 @!p0 $0x108  }
0x21: {  	s3 =	sadd.s32 s3, s9;
	s6 =	sadd.s32 @!p0 $0x88, s6;
	s7 =	simm.s32 @p2 $0x1082  }
0x22: {  	[simem:s7], [sflag:s8] =	dma.local @!p0 [hbm:s6], $0xF7A  }
0x23: {  	s9 =	sor.u32 $0xD0000000, s2;
	s6 =	simm.s32 $0x108;
	_ =	swait.ge @!p0 [sflag:s8], $0x0  }
0x24: {  	s3 =	sadd.s32 $0x88, s3;
	s6 =	simm.s32 @!p1 $0x1082;
	[sflag:s4] =	ssyncset.s32 $0xFFFFF086  }
0x25: {  	[simem:s6], [sflag:s4] =	dma.local [hbm:s3], $0xF7A  }
0x26: {  	[smem:$0x3F9D] =	sst s1;
	(tag) =	ssettag s2;
	_ =	strace s9  }
0x27: {  	s1 =	sld [smem:$0x3FAD]  }
0x28: {  	s2 =	sld [smem:$0x3FAE]  }
0x29: {  	s4 =	sld [smem:$0x3FB0]  }
0x2a: {  	p0 =	seq.s32 s5, $0x0;
	s5 =	sld [smem:$0x3FB1]  }
0x2b: {  	s6 =	sld [smem:$0x3FB2]  }
0x2c: {  	s7 =	sld [smem:$0x3FB3]  }
0x2d: {  	s3 =	simm.s32 $0x108;
	s8 =	sld [smem:$0x3FB4]  }
0x2e: {  	s3 =	simm.s32 @!p0 $0x1082;
	s9 =	sld [smem:$0x3FB5]  }
0x2f: {  	lr =	sadd.s32 s0, s3;
	s0 =	sld [smem:$0x3FAC]  }
0x30: {  	s3 =	sld [smem:$0x3FAF]  }
0x31: {  	[smem:$0x3FB8] =	sst s10  }
0x32: {  	s10 =	sld [smem:$0x3FB6];
	_ =	sdelay $0x3  }
0x33: {  	p0 =	seq.s32 s10, $0x1;
	s10 =	sld [smem:$0x3FB8];
	_ =	sdelay $0x3  }
0x34: {  	[smem:$0x3FB8] =	sst s10  }
0x35: {  	s10 =	sld [smem:$0x3FB7];
	_ =	sdelay $0x3  }
0x36: {  	p1 =	seq.s32 s10, $0x1;
	s10 =	sld [smem:$0x3FB8];
	_ =	sdelay $0x3  }
0x37: {  	[smem:$0x3FB8] =	sst s10  }
0x38: {  	s10 =	sld [smem:$0x3FB9]  }
0x39: {  	_ = 	snop;
	(pc) =	sbr.ind lr, $3  }
0x3a: {  	_ = 	snop  }
0x3b: {  	_ = 	snop  }
0x3c: {  	p2 =	seq.s32 s10, $0x1;
	s10 =	sld [smem:$0x3FB8]  }
0x3d: {  	_ =	shalt  }
0x3e: {  	_ =	shalt  }
0x3f: {  	_ =	shalt  }
0x40: {  	_ =	shalt  }
0x41: {  	_ =	shalt  }
0x42: {  	_ =	shalt  }
0x43: {  	_ =	shalt  }
0x44: {  	_ =	shalt  }
0x45: {  	_ =	shalt  }
0x46: {  	_ =	shalt  }
0x47: {  	_ =	shalt  }
0x48: {  	_ =	shalt  }
0x49: {  	_ =	shalt  }
0x4a: {  	_ =	shalt  }
0x4b: {  	_ =	shalt  }
0x4c: {  	_ =	shalt  }
0x4d: {  	_ =	shalt  }
0x4e: {  	_ =	shalt  }
0x4f: {  	_ =	shalt  }
0x50: {  	_ =	shalt  }
0x51: {  	_ =	shalt  }
0x52: {  	_ =	shalt  }
0x53: {  	_ =	shalt  }
0x54: {  	_ =	shalt  }
0x55: {  	_ =	shalt  }
0x56: {  	_ =	shalt  }
0x57: {  	_ =	shalt  }
0x58: {  	_ =	shalt  }
0x59: {  	_ =	shalt  }
0x5a: {  	_ =	shalt  }
0x5b: {  	_ =	shalt  }
0x5c: {  	_ =	shalt  }
0x5d: {  	_ =	shalt  }
0x5e: {  	_ =	shalt  }
0x5f: {  	_ =	shalt  }
0x60: {  	_ =	shalt  }
0x61: {  	_ =	shalt  }
0x62: {  	_ =	shalt  }
0x63: {  	_ =	shalt  }
0x64: {  	_ =	shalt  }
0x65: {  	_ =	shalt  }
0x66: {  	_ =	shalt  }
0x67: {  	_ =	shalt  }
0x68: {  	_ =	shalt  }
0x69: {  	_ =	shalt  }
0x6a: {  	_ =	shalt  }
0x6b: {  	_ =	shalt  }
0x6c: {  	_ =	shalt  }
0x6d: {  	_ =	shalt  }
0x6e: {  	_ =	shalt  }
0x6f: {  	_ =	shalt  }
0x70: {  	_ =	shalt  }
0x71: {  	_ =	shalt  }
0x72: {  	_ =	shalt  }
0x73: {  	_ =	shalt  }
0x74: {  	_ =	shalt  }
0x75: {  	_ =	shalt  }
0x76: {  	_ =	shalt  }
0x77: {  	_ =	shalt  }
0x78: {  	_ =	shalt  }
0x79: {  	_ =	shalt  }
0x7a: {  	_ =	shalt  }
0x7b: {  	_ =	shalt  }
0x7c: {  	_ =	shalt  }
0x7d: {  	_ =	shalt  }
0x7e: {  	_ =	shalt  }
0x7f: {  	_ =	shalt  }
0x80: {  	_ =	shalt  }
0x81: {  	_ =	shalt  }
0x82: {  	_ =	shalt  }
0x83: {  	_ =	shalt  }
0x84: {  	_ =	shalt  }
0x85: {  	_ =	shalt  }
0x86: {  	_ =	shalt  }
0x87: {  	_ =	shalt  }
.Lfunc_end0:
.L_simem_size_0:
called_computation_lowered:
.L_overlay_start_0:
0x88: {  	s2 =	sld [smem:$0x3FD9]  }
0x89: {  	s3 =	sld [smem:$0x3FFE];
	_ =	sdelay $0x1  }
0x8a: {  	s1 =	srdreg.scid  }
0x8b: {  	s0 =	sand.u32 $0x1, s1  }
0x8c: {  	s17 =	sshll.u32 s0, $0xA;
	s2 =	sadd.s32 s3, s2  }
0x8d: {  	s2 =	sadd.s32 s2, s17  }
0x8e: {  	[smem:$0x3FC4] =	sst s2  }
0x8f: {  	_ = 	snop  }
0x90: {  	s2 =	sld [smem:$0x3FC9]  }
0x91: {  	s18 =	sld [smem:$0x3FD0];
	(tm) =	ssettm $0x1  }
0x92: {  	s4 =	sld [smem:$0x3FFB];
	_ =	sdelay $0x3  }
0x93: {  	_ =	strace s4  }
0x94: {  	s4 =	sld [smem:$0x3FFC];
	_ =	sdelay $0x3  }
0x95: {  	_ =	strace s4  }
0x96: {  	s4 =	sld [smem:$0x3FFD];
	_ =	sdelay $0x3  }
0x97: {  	_ =	strace s4  }
0x98: {  	_ =	strace $0x8FFFFFFF  }
0x99: {  	s19 =	sld [smem:$0x3FDB];
	_ =	sdelay $0x1  }
0x9a: {  	s5 =	simm.s32 $_scs_section_size  }
0x9b: {  	s6 =	simm.s32 $_size__tile_overlayer_lowered;
	s7 =	simm.s32 $_tile_overlayer_lowered  }
0x9c: {  	s22 =	simm.s32 $0x1BFF;
	s21 =	sshll.u32 s7, $0x1;
	s4 =	sadd.s32 s5, s19  }
0x9d: {  	s8 =	simm.s32 $0x0;
	s20 =	sshll.u32 s6, $0x1;
	s6 =	sadd.s32 s21, s4  }
0x9e: {  	[timem:s8], [sflag:s22] =	dma.local [hbm:s6], s20  }
0x9f: {  	_ =	swait.ge [sflag:s22], s20  }
0xa0: {  	s5 =	ssub.s32 $0x0, s20;
	[sflag:s22] =	ssyncset.done $0x0  }
0xa1: {  	[sflag:s22] =	ssyncadd.s32 s5;
	_ =	sdelay $0x1  }
0xa2: {  	s23 =	simm.s32 $0x1B8B  }
0xa3: {  	_ =	swait.ge [sflag:s23], $0x1  }
0xa4: {  	[sflag:s23] =	ssyncset.done $0x0  }
0xa5: {  	s25 =	simm.s32 $0x1B8E;
	s24 =	sld [smem:$0x3FFE];
	[sflag:s23] =	ssyncadd.s32 $0xFFFFFFFF  }
0xa6: {  	s26 =	simm.s32 $execute0_lowered;
	[smem:$0x3FD2] =	sst s25  }
0xa7: {  	s6 =	sshll.u32 s26, $0x1;
	_ =	strace $0x80000046;
	[dreg:$0x1] =	wrdreg $0xFFFFFFFF  }
0xa8: {  	s28 =	simm.s32 $_size_execute0_lowered;
	s4 =	sadd.s32 s4, s6;
	[dreg:$0x0] =	wrdreg $0x0  }
0xa9: {  	s6 =	sshll.u32 s28, $0x1;
	[dreg:$0x2] =	wrdreg s4  }
0xaa: {  	[dreg:$0x3] =	wrdreg s6  }
0xab: {  	[dreg:$0x4] =	wrdreg $0xC0  }
0xac: {  	_ =	task [dreg:s8], $0x5FFFF  }
0xad: {  	[dreg:$0x1] =	wrdreg $0xFFFFFFFF  }
0xae: {  	[dreg:$0x0] =	wrdreg $0x60  }
0xaf: {  	[dreg:$0x2] =	wrdreg s2  }
0xb0: {  	[dreg:$0x3] =	wrdreg s18  }
0xb1: {  	[dreg:$0x4] =	wrdreg s24  }
0xb2: {  	[dreg:$0x5] =	wrdreg $0x9  }
0xb3: {  	_ =	task.clear_ibuf [dreg:s8], $0x6FFFF;
	_ =	strace $0x90000046  }
0xb4: {  	s29 =	simm.s32 $0x9;
	_ =	strace $0x80000048  }
0xb5: {  	_ =	swait.ge [sflag:s29], $0x1  }
0xb6: {  	[sflag:s29] =	ssyncadd.s32 $0xFFFFFFFF  }
0xb7: {  	_ =	strace $0x90000048  }
0xb8: {  	_ =	sfence  }
0xb9: {  	s30 =	sld [smem:$0x0];
	_ =	sdelay $0x2  }
0xba: {  	s31 =	sshll.u32 s1, $0xD;
	s1 =	sshrl.u32 s1, $0x2  }
0xbb: {  	s3 =	sand.u32 $0x4000, s31;
	s1 =	sadd.s32 s1, s30  }
0xbc: {  	s0 =	sor.u32 s3, s0;
	s1 =	sshll.u32 s1, $0x11  }
0xbd: {  	s0 =	sor.u32 s1, s0  }
0xbe: {  	s0 =	sadd.s32 $0x8F2B, s0  }
0xbf: {  	[sflag:s0] =	ssyncadd.remote.s32 $0x1  }
0xc0: {  	_ =	sfence.sel $0xFFFF  }
0xc1: {  	[dreg:$0x0] =	wrdreg $0xFFFFFFFF;
	(pc) =	sbr.abs _section_cstart, $3  }
0xc2: {  	[dreg:$0x1] =	wrdreg $0xFFFFFFFF  }
0xc3: {  	_ =	task.clear_ibuf [dreg:s8], $0x2FFFF;
	_ =	strace $0x9FFFFFFF  }
0xc4: {  	(tm) =	ssettm $0x7FFFFFFF  }
0xc5: {  	_ =	shalt  }
tec
execute0_lowered:
.L_overlay_start_1:
0x0: {  	(tag) =	ssettag $0x1  }
0x1: {  	s2 =	rddreg [dreg:$0x1]  }
0x2: {  	s3 =	rddreg [dreg:$0x2]  }
0x3: {  	s4 =	simm.s32 $0x0;
	s0 =	srdreg.scid;
	s7 =	stileid.u32  }
0x4: {  	s10 =	simm.s32 $0x80;
	s11 =	simm.s32 $0x100;
	s12 =	simm.s32 $0x180  }
0x5: {  	s13 =	simm.s32 $0x200;
	s14 =	simm.s32 $0x280;
	s15 =	simm.s32 $0x2  }
0x6: {  	s17 =	simm.s32 $0x900;
	s19 =	simm.s32 $0x4900;
	s28 =	simm.s32 $0x14900  }
0x7: {  	s29 =	simm.s32 $0x1;
	s30 =	simm.s32 $0x18900;
	s31 =	simm.s32 $0x3  }
0x8: {  	s9 =	simm.s32 $0x18A80;
	s18 =	simm.s32 $0x0;
	s0 =	sand.u32 $0x1, s0  }
0x9: {  	[smem:$0x7FF] =	sst s4;
	s6 =	sadd.s32 $0x3E0000, s3;
	s1 =	ssub.s32 $0x2, s0  }
0xa: {  	s8 =	sshll.u32 s7, $0x3;
	s7 =	sadd.s32 $0x7C0000, s3;
	s5 =	sshrl.u32 s1, $0x1  }
0xb: {  	v0 =	vlaneseq.u32;
	_ =	strace $0x80000047;
	s0 =	sshll.u32 s0, $0x2;
	s1 =	ssub.s32 s1, s5  }
0xc: {  	v1 =	vimm.s32 $0x0;
	v2 =	vor.u32 $0x80, v0;
	s8 =	sor.u32 s0, s8;
	s0 =	simm.s32 $0x18980;
	s26 =	smax.u32 s1, $0x1  }
0xd: {  	v3 =	vor.u32 $0x100, v0;
	v4 =	vor.u32 $0x180, v0;
	v5 =	vor.u32 $0x200, v0;
	s5 =	simm.s32 $0x18A00;
	s1 =	simm.s32 $0x18B00;
	[dreg:$0x4] =	wrdreg s26  }
.LBB2_1:
0xe: {  	[dreg:$0x5] =	wrdreg s18;
	s16 =	simm.s32 $0x0  }
.LBB2_2:
0xf: {  	s18 =	sadd.s32 s8, s16  }
0x10: {  	s24 =	rddreg [dreg:$0x0];
	s22 =	sshll.u32 s18, $0x4  }
0x11: {  	s18 =	sadd.s32 s24, s22;
	s24 =	simm.s32 $0x0  }
0x12: {  	[tilespmem:s24], [sflag:$0x2] =	stream.linear.gather [hbm4b:s18+s24], $0x80, $0x38;
	[tilespmem:$0x18B80] =	vst v63  }
0x13: {  	s25 =	sadd.s32 s2, s22;
	s23 =	sor.u32 $0x800, s22  }
0x14: {  	[tilespmem:s10], [sflag:$0x2] =	stream.linear.gather [hbm4b:s25+s24], $0x80, $0x38;
	[tilespmem:$0x18B80] =	vst v63  }
0x15: {  	s21 =	sor.u32 $0x1000, s22;
	s26 =	sadd.s32 s2, s23  }
0x16: {  	[tilespmem:s11], [sflag:$0x2] =	stream.linear.gather [hbm4b:s26+s24], $0x80, $0x38;
	[tilespmem:$0x18B80] =	vst v63  }
0x17: {  	s20 =	sadd.s32 s2, s21  }
0x18: {  	[tilespmem:s12], [sflag:$0x2] =	stream.linear.gather [hbm4b:s20+s24], $0x80, $0x38;
	[tilespmem:$0x18B80] =	vst v63  }
0x19: {  	s20 =	sor.u32 $0x1800, s22  }
0x1a: {  	s18 =	sor.u32 $0x2000, s22;
	s25 =	sadd.s32 s2, s20  }
0x1b: {  	[tilespmem:s13], [sflag:$0x2] =	stream.linear.gather [hbm4b:s25+s24], $0x80, $0x38;
	[tilespmem:$0x18B80] =	vst v63  }
0x1c: {  	s25 =	sadd.s32 s2, s18  }
0x1d: {  	[tilespmem:s14], [sflag:$0x2] =	stream.linear.gather [hbm4b:s25+s24], $0x80, $0x38;
	[tilespmem:$0x18B80] =	vst v63  }
0x1e: {  	_ =	swait.ge [sflag:s15], $0x80  }
0x1f: {  	[sflag:s15] =	ssyncset.done $0x0  }
0x20: {  	[sflag:s15] =	ssyncadd.s32 $0xFFFFFF80  }
0x21: {  	_ =	swait.ge [sflag:s15], $0x80  }
0x22: {  	[sflag:s15] =	ssyncset.done $0x0  }
0x23: {  	[sflag:s15] =	ssyncadd.s32 $0xFFFFFF80  }
0x24: {  	_ =	swait.ge [sflag:s15], $0x80  }
0x25: {  	[sflag:s15] =	ssyncset.done $0x0  }
0x26: {  	[sflag:s15] =	ssyncadd.s32 $0xFFFFFF80  }
0x27: {  	_ =	swait.ge [sflag:s15], $0x80  }
0x28: {  	[sflag:s15] =	ssyncset.done $0x0  }
0x29: {  	[sflag:s15] =	ssyncadd.s32 $0xFFFFFF80  }
0x2a: {  	_ =	swait.ge [sflag:s15], $0x80  }
0x2b: {  	[sflag:s15] =	ssyncset.done $0x0  }
0x2c: {  	[sflag:s15] =	ssyncadd.s32 $0xFFFFFF80  }
0x2d: {  	_ =	swait.ge [sflag:s15], $0x80  }
0x2e: {  	[sflag:s15] =	ssyncset.done $0x0  }
0x2f: {  	[sflag:s15] =	ssyncadd.s32 $0xFFFFFF80  }
0x30: {  	v6 =	vld [tilespmem:$0x0]  }
0x31: {  	v8 =	vld [tilespmem:$0x10]  }
0x32: {  	v9 =	vld [tilespmem:$0x20]  }
0x33: {  	v12 =	vld [tilespmem:$0x30]  }
0x34: {  	v13 =	vld [tilespmem:$0x40]  }
0x35: {  	vm0 =	vgt.s32 v6, $0x3DFFF;
	vm1 =	vgt.s32 v6, $0x7BFFF;
	vm6 =	vgt.s32 v6, $0xB9FFF  }
0x36: {  	vm7 =	vgt.s32 v8, $0x3DFFF;
	vm8 =	vgt.s32 v8, $0x7BFFF;
	vm9 =	vgt.s32 v8, $0xB9FFF  }
0x37: {  	vm10 =	vgt.s32 v9, $0x3DFFF;
	vm11 =	vgt.s32 v9, $0x7BFFF;
	vm12 =	vgt.s32 v9, $0xB9FFF  }
0x38: {  	vm13 =	vgt.s32 v12, $0x3DFFF;
	vm14 =	vgt.s32 v12, $0x7BFFF;
	vm15 =	vgt.s32 v12, $0xB9FFF  }
0x39: {  	v16 =	vld [tilespmem:$0x50];
	vm4 =	vgt.s32 v13, $0x3DFFF;
	vm5 =	vgt.s32 v13, $0x7BFFF;
	v7 =	vsel vm0, $0x1, v1  }
0x3a: {  	v17 =	vld [tilespmem:$0x60];
	v10 =	vsel vm1, $0x1, v1;
	v35 =	vsel vm6, $0x1, v1;
	v36 =	vsel vm7, $0x1, v1  }
0x3b: {  	v19 =	vld [tilespmem:$0x70];
	v11 =	vsel vm8, $0x1, v1;
	v37 =	vsel vm9, $0x1, v1;
	v38 =	vsel vm10, $0x1, v1  }
0x3c: {  	v52 =	vld [tilespmem:$0x80];
	v14 =	vsel vm11, $0x1, v1;
	v15 =	vsel vm12, $0x1, v1;
	v39 =	vsel vm13, $0x1, v1  }
0x3d: {  	v41 =	vsel vm14, $0x1, v1;
	v42 =	vsel vm15, $0x1, v1;
	v43 =	vsel vm4, $0x1, v1  }
0x3e: {  	v44 =	vsel vm5, $0x1, v1;
	vm6 =	vgt.s32 v13, $0xB9FFF;
	vm7 =	vgt.s32 v16, $0x3DFFF  }
0x3f: {  	vm8 =	vgt.s32 v16, $0x7BFFF;
	vm9 =	vgt.s32 v16, $0xB9FFF;
	vm10 =	vgt.s32 v17, $0x3DFFF  }
0x40: {  	vm11 =	vgt.s32 v17, $0x7BFFF;
	vm12 =	vgt.s32 v17, $0xB9FFF;
	vm13 =	vgt.s32 v19, $0x3DFFF  }
0x41: {  	vm14 =	vgt.s32 v19, $0x7BFFF;
	vm15 =	vgt.s32 v19, $0xB9FFF;
	vm4 =	vgt.s32 v52, $0x3DFFF  }
0x42: {  	vm5 =	vgt.s32 v52, $0x7BFFF;
	v7 =	vadd.s32 v10, v7;
	v10 =	vadd.s32 v11, v36  }
0x43: {  	v56 =	vld [tilespmem:$0x90];
	v40 =	vadd.s32 v14, v38;
	v45 =	vsel vm6, $0x1, v1;
	v18 =	vsel vm7, $0x1, v1  }
0x44: {  	v60 =	vld [tilespmem:$0xA0];
	v11 =	vadd.s32 v44, v43;
	v46 =	vsel vm8, $0x1, v1;
	v47 =	vsel vm9, $0x1, v1  }
0x45: {  	v63 =	vld [tilespmem:$0xB0];
	v51 =	vsel vm10, $0x1, v1;
	v53 =	vsel vm11, $0x1, v1;
	v54 =	vsel vm12, $0x1, v1  }
0x46: {  	v23 =	vld [tilespmem:$0xC0];
	v55 =	vsel vm13, $0x1, v1;
	v57 =	vsel vm14, $0x1, v1;
	v58 =	vsel vm15, $0x1, v1  }
0x47: {  	v59 =	vsel vm4, $0x1, v1;
	v21 =	vsel vm5, $0x1, v1;
	vm6 =	vgt.s32 v52, $0xB9FFF  }
0x48: {  	vm7 =	vgt.s32 v56, $0x3DFFF;
	vm8 =	vgt.s32 v56, $0x7BFFF;
	vm9 =	vgt.s32 v56, $0xB9FFF  }
0x49: {  	vm10 =	vgt.s32 v60, $0x3DFFF;
	vm11 =	vgt.s32 v60, $0x7BFFF;
	vm12 =	vgt.s32 v60, $0xB9FFF  }
0x4a: {  	vm13 =	vgt.s32 v63, $0x3DFFF;
	vm14 =	vgt.s32 v63, $0x7BFFF;
	vm15 =	vgt.s32 v63, $0xB9FFF  }
0x4b: {  	v25 =	vld [tilespmem:$0xD0];
	vm4 =	vgt.s32 v23, $0x3DFFF;
	vm5 =	vgt.s32 v23, $0x7BFFF;
	v7 =	vadd.s32 v35, v7  }
0x4c: {  	v10 =	vadd.s32 v37, v10;
	v14 =	vadd.s32 v45, v11;
	v61 =	vsel vm6, $0x1, v1  }
0x4d: {  	v62 =	vsel vm7, $0x1, v1;
	v28 =	vsel vm8, $0x1, v1;
	v29 =	vsel vm9, $0x1, v1  }
0x4e: {  	v22 =	vsel vm10, $0x1, v1;
	v30 =	vsel vm11, $0x1, v1;
	v31 =	vsel vm12, $0x1, v1  }
0x4f: {  	v32 =	vsel vm13, $0x1, v1;
	v33 =	vsel vm14, $0x1, v1;
	v35 =	vsel vm15, $0x1, v1  }
0x50: {  	vm6 =	vgt.s32 v23, $0xB9FFF;
	vm7 =	vgt.s32 v25, $0x3DFFF;
	vm8 =	vgt.s32 v25, $0x7BFFF  }
0x51: {  	vm9 =	vgt.s32 v25, $0xB9FFF;
	v7 =	vmul.u32 $0xFFFC2000, v7;
	v10 =	vmul.u32 $0xFFFC2000, v10  }
0x52: {  	v48 =	vmul.u32 $0xFFFC2000, v14;
	v34 =	vadd.s32 v33, v32;
	v43 =	vsel vm7, $0x1, v1  }
0x53: {  	v44 =	vld [tilespmem:$0xF0];
	v45 =	vsel vm8, $0x1, v1;
	v37 =	vadd.s32 v35, v34;
	v7 =	vadd.s32 v6, v7  }
0x54: {  	v6 =	vadd.s32 v8, v10;
	v10 =	vadd.s32 v15, v40;
	v8 =	vadd.s32 v41, v39  }
0x55: {  	v15 =	vadd.s32 v46, v18;
	v38 =	vmul.u32 $0xFFFC2000, v37;
	v39 =	vsel vm4, $0x1, v1  }
0x56: {  	v41 =	vsel vm5, $0x1, v1;
	v46 =	vsel vm9, $0x1, v1;
	v10 =	vmul.u32 $0xFFFC2000, v10  }
0x57: {  	v8 =	vadd.s32 v42, v8;
	v49 =	vadd.s32 v47, v15;
	v18 =	vadd.s32 v41, v39  }
0x58: {  	v42 =	vsel vm6, $0x1, v1;
	vm13 =	vgt.s32 v44, $0x3DFFF;
	vm14 =	vgt.s32 v44, $0x7BFFF  }
0x59: {  	vm15 =	vgt.s32 v44, $0xB9FFF;
	v8 =	vmul.u32 $0xFFFC2000, v8;
	v50 =	vmul.u32 $0xFFFC2000, v49  }
0x5a: {  	v40 =	vld [tilespmem:$0xE0];
	v15 =	vadd.s32 v63, v38;
	v18 =	vadd.s32 v42, v18;
	v11 =	vadd.s32 v9, v10  }
0x5b: {  	v18 =	vmul.u32 $0xFFFC2000, v18;
	v10 =	vadd.s32 v12, v8;
	v8 =	vadd.s32 v13, v48  }
0x5c: {  	v9 =	vadd.s32 v16, v50;
	v12 =	vadd.s32 v53, v51;
	v13 =	vadd.s32 v57, v55  }
0x5d: {  	v16 =	vadd.s32 v21, v59;
	v21 =	vadd.s32 v30, v22;
	v50 =	vsel vm13, $0x1, v1  }
0x5e: {  	v53 =	vsel vm15, $0x1, v1;
	v12 =	vadd.s32 v54, v12;
	v13 =	vadd.s32 v58, v13  }
0x5f: {  	v48 =	vld [tilespmem:$0x100];
	v16 =	vadd.s32 v61, v16;
	vm10 =	vgt.s32 v40, $0x3DFFF;
	vm11 =	vgt.s32 v40, $0x7BFFF  }
0x60: {  	vm12 =	vgt.s32 v40, $0xB9FFF;
	v12 =	vmul.u32 $0xFFFC2000, v12;
	v20 =	vmul.u32 $0xFFFC2000, v13  }
0x61: {  	v51 =	vld [tilespmem:$0x110];
	v16 =	vmul.u32 $0xFFFC2000, v16;
	v47 =	vsel vm10, $0x1, v1;
	v27 =	vsel vm11, $0x1, v1  }
0x62: {  	v49 =	vsel vm12, $0x1, v1;
	v22 =	vadd.s32 v27, v47;
	v13 =	vadd.s32 v17, v12  }
0x63: {  	v12 =	vadd.s32 v19, v20;
	v19 =	vadd.s32 v28, v62;
	v22 =	vadd.s32 v49, v22  }
0x64: {  	v17 =	vadd.s32 v29, v19;
	v19 =	vadd.s32 v31, v21;
	vm4 =	vgt.s32 v48, $0x3DFFF  }
0x65: {  	v63 =	vld [tilespmem:$0x140];
	v22 =	vmul.u32 $0xFFFC2000, v22;
	vm5 =	vgt.s32 v48, $0x7BFFF;
	vm6 =	vgt.s32 v48, $0xB9FFF  }
0x66: {  	vm7 =	vgt.s32 v51, $0x3DFFF;
	vm8 =	vgt.s32 v51, $0x7BFFF;
	vm9 =	vgt.s32 v51, $0xB9FFF  }
0x67: {  	v35 =	vld [tilespmem:$0x180];
	v24 =	vmul.u32 $0xFFFC2000, v17;
	v17 =	vadd.s32 v52, v16;
	v36 =	vmul.u32 $0xFFFC2000, v19  }
0x68: {  	v19 =	vadd.s32 v45, v43;
	v52 =	vsel vm14, $0x1, v1;
	v28 =	vsel vm4, $0x1, v1  }
0x69: {  	v54 =	vsel vm5, $0x1, v1;
	v55 =	vsel vm6, $0x1, v1;
	v57 =	vsel vm8, $0x1, v1  }
0x6a: {  	v59 =	vsel vm9, $0x1, v1;
	vm4 =	vgt.s32 v63, $0x3DFFF;
	vm5 =	vgt.s32 v63, $0x7BFFF  }
0x6b: {  	v29 =	vld [tilespmem:$0x120];
	vm6 =	vgt.s32 v63, $0xB9FFF;
	v19 =	vadd.s32 v46, v19;
	v27 =	vadd.s32 v54, v28  }
0x6c: {  	v31 =	vld [tilespmem:$0x130];
	v46 =	vsel vm4, $0x1, v1;
	v33 =	vsel vm5, $0x1, v1;
	vm4 =	vgt.s32 v35, $0x3DFFF  }
0x6d: {  	vm5 =	vgt.s32 v35, $0x7BFFF;
	v16 =	vadd.s32 v56, v24;
	v26 =	vmul.u32 $0xFFFC2000, v19  }
0x6e: {  	v14 =	vadd.s32 v60, v36;
	v19 =	vadd.s32 v23, v18;
	v56 =	vsel vm7, $0x1, v1  }
0x6f: {  	v43 =	vld [tilespmem:$0x150];
	v28 =	vadd.s32 v33, v46;
	v58 =	vadd.s32 v57, v56;
	v18 =	vadd.s32 v25, v26  }
0x70: {  	v47 =	vld [tilespmem:$0x160];
	v25 =	vadd.s32 v52, v50;
	v61 =	vadd.s32 v59, v58;
	vm10 =	vgt.s32 v29, $0x3DFFF  }
0x71: {  	vm11 =	vgt.s32 v29, $0x7BFFF;
	vm12 =	vgt.s32 v29, $0xB9FFF;
	vm13 =	vgt.s32 v31, $0x3DFFF  }
0x72: {  	vm14 =	vgt.s32 v31, $0x7BFFF;
	vm15 =	vgt.s32 v31, $0xB9FFF;
	v23 =	vadd.s32 v53, v25  }
0x73: {  	v25 =	vadd.s32 v55, v27;
	v62 =	vsel vm10, $0x1, v1;
	v41 =	vsel vm12, $0x1, v1  }
0x74: {  	v37 =	vld [tilespmem:$0x190];
	v42 =	vsel vm13, $0x1, v1;
	v45 =	vsel vm15, $0x1, v1;
	vm7 =	vgt.s32 v43, $0x3DFFF  }
0x75: {  	vm8 =	vgt.s32 v43, $0x7BFFF;
	vm9 =	vgt.s32 v43, $0xB9FFF;
	vm10 =	vgt.s32 v47, $0x3DFFF  }
0x76: {  	vm12 =	vgt.s32 v47, $0xB9FFF;
	v30 =	vmul.u32 $0xFFFC2000, v23;
	v23 =	vadd.s32 v40, v22  }
0x77: {  	v60 =	vmul.u32 $0xFFFC2000, v25;
	v25 =	vmul.u32 $0xFFFC2000, v61;
	v40 =	vsel vm11, $0x1, v1  }
0x78: {  	v49 =	vsel vm7, $0x1, v1;
	v52 =	vsel vm9, $0x1, v1;
	v34 =	vsel vm10, $0x1, v1  }
0x79: {  	vm11 =	vgt.s32 v47, $0x7BFFF;
	v54 =	vsel vm12, $0x1, v1;
	vm7 =	vgt.s32 v37, $0x3DFFF  }
0x7a: {  	vm9 =	vgt.s32 v37, $0xB9FFF;
	v24 =	vadd.s32 v40, v62;
	v53 =	vsel vm11, $0x1, v1  }
0x7b: {  	v50 =	vld [tilespmem:$0x170];
	v62 =	vsel vm4, $0x1, v1;
	v46 =	vsel vm7, $0x1, v1;
	v22 =	vadd.s32 v44, v30  }
0x7c: {  	v20 =	vadd.s32 v48, v60;
	v21 =	vadd.s32 v51, v25;
	v24 =	vadd.s32 v41, v24  }
0x7d: {  	v44 =	vsel vm14, $0x1, v1;
	v48 =	vsel vm6, $0x1, v1;
	v51 =	vsel vm8, $0x1, v1  }
0x7e: {  	v33 =	vadd.s32 v53, v34;
	vm6 =	vgt.s32 v35, $0xB9FFF;
	vm8 =	vgt.s32 v37, $0x7BFFF  }
0x7f: {  	v24 =	vmul.u32 $0xFFFC2000, v24;
	v25 =	vadd.s32 v44, v42;
	v28 =	vadd.s32 v48, v28  }
0x80: {  	vm13 =	vgt.s32 v50, $0x3DFFF;
	vm14 =	vgt.s32 v50, $0x7BFFF;
	vm15 =	vgt.s32 v50, $0xB9FFF  }
0x81: {  	v44 =	vsel vm5, $0x1, v1;
	v48 =	vsel vm8, $0x1, v1;
	v25 =	vadd.s32 v45, v25  }
0x82: {  	v28 =	vmul.u32 $0xFFFC2000, v28;
	v55 =	vsel vm13, $0x1, v1;
	v56 =	vsel vm14, $0x1, v1  }
0x83: {  	v58 =	vsel vm15, $0x1, v1;
	v30 =	vadd.s32 v44, v62;
	v45 =	vsel vm6, $0x1, v1  }
0x84: {  	v32 =	vmul.u32 $0xFFFC2000, v25;
	v57 =	vadd.s32 v56, v55;
	v30 =	vadd.s32 v45, v30  }
0x85: {  	v25 =	vadd.s32 v29, v24;
	v60 =	vadd.s32 v58, v57;
	v30 =	vmul.u32 $0xFFFC2000, v30  }
0x86: {  	v24 =	vadd.s32 v31, v32;
	v31 =	vadd.s32 v51, v49;
	v61 =	vmul.u32 $0xFFFC2000, v60;
	v51 =	vld [tilespmem:$0x1C0]  }
0x87: {  	v49 =	vsel vm9, $0x1, v1;
	v29 =	vadd.s32 v52, v31;
	v31 =	vadd.s32 v54, v33  }
0x88: {  	v54 =	vld [tilespmem:$0x1D0];
	v36 =	vmul.u32 $0xFFFC2000, v29;
	v59 =	vmul.u32 $0xFFFC2000, v31;
	v31 =	vadd.s32 v48, v46  }
0x89: {  	v29 =	vadd.s32 v63, v28;
	v63 =	vld [tilespmem:$0x1A0];
	v26 =	vadd.s32 v50, v61;
	v31 =	vadd.s32 v49, v31  }
0x8a: {  	v28 =	vadd.s32 v43, v36;
	v27 =	vadd.s32 v47, v59;
	v38 =	vmul.u32 $0xFFFC2000, v31  }
0x8b: {  	v48 =	vld [tilespmem:$0x210];
	v31 =	vadd.s32 v35, v30;
	vm4 =	vgt.s32 v51, $0x3DFFF;
	vm5 =	vgt.s32 v51, $0x7BFFF  }
0x8c: {  	vm6 =	vgt.s32 v51, $0xB9FFF;
	v30 =	vadd.s32 v37, v38;
	v40 =	vsel vm4, $0x1, v1  }
0x8d: {  	v57 =	vsel vm5, $0x1, v1;
	v58 =	vsel vm6, $0x1, v1;
	vm7 =	vgt.s32 v54, $0x3DFFF  }
0x8e: {  	v41 =	vld [tilespmem:$0x1E0];
	vm8 =	vgt.s32 v54, $0x7BFFF;
	vm9 =	vgt.s32 v54, $0xB9FFF;
	vm10 =	vgt.s32 v63, $0x3DFFF  }
0x8f: {  	v47 =	vld [tilespmem:$0x1B0];
	vm11 =	vgt.s32 v63, $0x7BFFF;
	vm12 =	vgt.s32 v63, $0xB9FFF;
	v59 =	vsel vm7, $0x1, v1  }
0x90: {  	v60 =	vsel vm8, $0x1, v1;
	v62 =	vsel vm9, $0x1, v1;
	vm7 =	vgt.s32 v48, $0x3DFFF  }
0x91: {  	vm8 =	vgt.s32 v48, $0x7BFFF;
	vm9 =	vgt.s32 v48, $0xB9FFF;
	v50 =	vsel vm10, $0x1, v1  }
0x92: {  	v39 =	vsel vm11, $0x1, v1;
	v52 =	vsel vm12, $0x1, v1;
	v61 =	vadd.s32 v60, v59  }
0x93: {  	vm10 =	vgt.s32 v41, $0x3DFFF;
	vm11 =	vgt.s32 v41, $0x7BFFF;
	vm12 =	vgt.s32 v41, $0xB9FFF  }
0x94: {  	v43 =	vld [tilespmem:$0x1F0];
	vm13 =	vgt.s32 v47, $0x3DFFF;
	vm14 =	vgt.s32 v47, $0x7BFFF;
	v34 =	vadd.s32 v39, v50  }
0x95: {  	vm15 =	vgt.s32 v47, $0xB9FFF;
	v39 =	vadd.s32 v57, v40;
	v40 =	vadd.s32 v62, v61  }
0x96: {  	v44 =	vsel vm10, $0x1, v1;
	v45 =	vsel vm11, $0x1, v1;
	v46 =	vsel vm12, $0x1, v1  }
0x97: {  	v57 =	vsel vm9, $0x1, v1;
	v53 =	vsel vm13, $0x1, v1;
	v55 =	vsel vm14, $0x1, v1  }
0x98: {  	v34 =	vadd.s32 v52, v34;
	v56 =	vsel vm15, $0x1, v1;
	v36 =	vadd.s32 v45, v44  }
0x99: {  	vm13 =	vgt.s32 v43, $0x3DFFF;
	vm14 =	vgt.s32 v43, $0x7BFFF;
	vm15 =	vgt.s32 v43, $0xB9FFF  }
0x9a: {  	v52 =	vld [tilespmem:$0x220];
	v34 =	vmul.u32 $0xFFFC2000, v34;
	v37 =	vadd.s32 v55, v53;
	v36 =	vadd.s32 v46, v36  }
0x9b: {  	v49 =	vsel vm14, $0x1, v1;
	v35 =	vadd.s32 v56, v37;
	v37 =	vadd.s32 v58, v39  }
0x9c: {  	v55 =	vld [tilespmem:$0x230];
	v42 =	vmul.u32 $0xFFFC2000, v35;
	v35 =	vadd.s32 v63, v34;
	v63 =	vmul.u32 $0xFFFC2000, v37  }
0x9d: {  	v50 =	vsel vm15, $0x1, v1;
	v36 =	vmul.u32 $0xFFFC2000, v36;
	v56 =	vsel vm8, $0x1, v1  }
0x9e: {  	v39 =	vld [tilespmem:$0x200];
	v34 =	vadd.s32 v47, v42;
	v42 =	vmul.u32 $0xFFFC2000, v40;
	v33 =	vadd.s32 v51, v63  }
0x9f: {  	v47 =	vsel vm13, $0x1, v1;
	vm10 =	vgt.s32 v52, $0x3DFFF;
	vm11 =	vgt.s32 v52, $0x7BFFF  }
0xa0: {  	vm12 =	vgt.s32 v52, $0xB9FFF;
	v37 =	vadd.s32 v49, v47;
	v46 =	vsel vm10, $0x1, v1  }
0xa1: {  	v58 =	vsel vm11, $0x1, v1;
	v59 =	vsel vm12, $0x1, v1;
	vm13 =	vgt.s32 v55, $0x3DFFF  }
0xa2: {  	vm14 =	vgt.s32 v55, $0x7BFFF;
	vm15 =	vgt.s32 v55, $0xB9FFF;
	v32 =	vadd.s32 v54, v42  }
0xa3: {  	vm4 =	vgt.s32 v39, $0x3DFFF;
	v37 =	vadd.s32 v50, v37;
	vm5 =	vgt.s32 v39, $0x7BFFF  }
0xa4: {  	[tilespmem:$0x480] =	vst v7;
	vm6 =	vgt.s32 v39, $0xB9FFF;
	v54 =	vsel vm7, $0x1, v1;
	v7 =	vadd.s32 v58, v46  }
0xa5: {  	v63 =	vld [tilespmem:$0x250];
	v60 =	vsel vm13, $0x1, v1;
	v62 =	vsel vm15, $0x1, v1;
	v51 =	vsel vm4, $0x1, v1  }
0xa6: {  	v44 =	vmul.u32 $0xFFFC2000, v37;
	v45 =	vsel vm5, $0x1, v1;
	v37 =	vadd.s32 v41, v36  }
0xa7: {  	[tilespmem:$0x490] =	vst v6;
	v47 =	vld [tilespmem:$0x240];
	v53 =	vsel vm6, $0x1, v1;
	v6 =	vadd.s32 v59, v7;
	v7 =	vsel vm14, $0x1, v1  }
0xa8: {  	v40 =	vadd.s32 v45, v51;
	v7 =	vadd.s32 v7, v60;
	v6 =	vmul.u32 $0xFFFC2000, v6  }
0xa9: {  	v49 =	vld [tilespmem:$0x270];
	v36 =	vadd.s32 v43, v44;
	v40 =	vadd.s32 v53, v40;
	v43 =	vadd.s32 v56, v54  }
0xaa: {  	[tilespmem:$0x530] =	vst v15;
	v7 =	vadd.s32 v62, v7;
	vm7 =	vgt.s32 v63, $0x3DFFF;
	vm8 =	vgt.s32 v63, $0x7BFFF  }
0xab: {  	[tilespmem:$0x4A0] =	vst v11;
	v42 =	vld [tilespmem:$0x260];
	vm9 =	vgt.s32 v63, $0xB9FFF;
	v40 =	vmul.u32 $0xFFFC2000, v40;
	v41 =	vadd.s32 v57, v43  }
0xac: {  	[tilespmem:$0x4B0] =	vst v10;
	v7 =	vmul.u32 $0xFFFC2000, v7;
	vm4 =	vgt.s32 v47, $0x3DFFF;
	v6 =	vadd.s32 v52, v6  }
0xad: {  	[tilespmem:$0x5D0] =	vst v28;
	v28 =	vld [tilespmem:$0x2B0];
	vm5 =	vgt.s32 v47, $0x7BFFF;
	vm6 =	vgt.s32 v47, $0xB9FFF;
	v50 =	vsel vm8, $0x1, v1  }
0xae: {  	[tilespmem:$0x4C0] =	vst v8;
	v51 =	vsel vm9, $0x1, v1;
	vm13 =	vgt.s32 v49, $0x3DFFF;
	vm14 =	vgt.s32 v49, $0x7BFFF  }
0xaf: {  	[tilespmem:$0x4D0] =	vst v9;
	vm15 =	vgt.s32 v49, $0xB9FFF;
	v61 =	vmul.u32 $0xFFFC2000, v41;
	v41 =	vsel vm4, $0x1, v1  }
0xb0: {  	[tilespmem:$0x4E0] =	vst v13;
	v45 =	vsel vm5, $0x1, v1;
	v46 =	vsel vm6, $0x1, v1;
	vm10 =	vgt.s32 v42, $0x3DFFF  }
0xb1: {  	[tilespmem:$0x4F0] =	vst v12;
	vm11 =	vgt.s32 v42, $0x7BFFF;
	vm12 =	vgt.s32 v42, $0xB9FFF;
	v56 =	vsel vm13, $0x1, v1  }
0xb2: {  	[tilespmem:$0x500] =	vst v17;
	v58 =	vsel vm14, $0x1, v1;
	v59 =	vsel vm15, $0x1, v1;
	vm13 =	vgt.s32 v28, $0x3DFFF  }
0xb3: {  	[tilespmem:$0x510] =	vst v16;
	vm14 =	vgt.s32 v28, $0x7BFFF;
	vm15 =	vgt.s32 v28, $0xB9FFF;
	v10 =	vadd.s32 v39, v40  }
0xb4: {  	[tilespmem:$0x520] =	vst v14;
	v53 =	vld [tilespmem:$0x280];
	v7 =	vadd.s32 v55, v7;
	v9 =	vadd.s32 v45, v41;
	v52 =	vsel vm10, $0x1, v1  }
0xb5: {  	[tilespmem:$0x540] =	vst v19;
	v54 =	vsel vm11, $0x1, v1;
	v55 =	vsel vm12, $0x1, v1;
	v16 =	vadd.s32 v58, v56  }
0xb6: {  	[tilespmem:$0x550] =	vst v18;
	v44 =	vsel vm14, $0x1, v1;
	v45 =	vsel vm15, $0x1, v1;
	v8 =	vadd.s32 v48, v61  }
0xb7: {  	[tilespmem:$0x560] =	vst v23;
	v57 =	vld [tilespmem:$0x290];
	v9 =	vadd.s32 v46, v9;
	v48 =	vsel vm7, $0x1, v1;
	v14 =	vadd.s32 v54, v52  }
0xb8: {  	[tilespmem:$0x570] =	vst v22;
	v16 =	vadd.s32 v59, v16;
	v9 =	vmul.u32 $0xFFFC2000, v9;
	v12 =	vadd.s32 v50, v48  }
0xb9: {  	[tilespmem:$0x580] =	vst v20;
	v14 =	vadd.s32 v55, v14;
	vm4 =	vgt.s32 v53, $0x3DFFF;
	vm5 =	vgt.s32 v53, $0x7BFFF  }
0xba: {  	[tilespmem:$0x590] =	vst v21;
	v43 =	vld [tilespmem:$0x2D0];
	vm6 =	vgt.s32 v53, $0xB9FFF;
	v16 =	vmul.u32 $0xFFFC2000, v16;
	v12 =	vadd.s32 v51, v12  }
0xbb: {  	[tilespmem:$0x5A0] =	vst v25;
	v14 =	vmul.u32 $0xFFFC2000, v14;
	v60 =	vsel vm4, $0x1, v1;
	v61 =	vsel vm5, $0x1, v1  }
0xbc: {  	[tilespmem:$0x5B0] =	vst v24;
	v62 =	vsel vm6, $0x1, v1;
	vm7 =	vgt.s32 v57, $0x3DFFF;
	vm8 =	vgt.s32 v57, $0x7BFFF  }
0xbd: {  	[tilespmem:$0x5C0] =	vst v29;
	v39 =	vld [tilespmem:$0x2C0];
	vm9 =	vgt.s32 v57, $0xB9FFF;
	v12 =	vmul.u32 $0xFFFC2000, v12;
	v9 =	vadd.s32 v47, v9  }
0xbe: {  	[tilespmem:$0x5F0] =	vst v26;
	v18 =	vadd.s32 v61, v60;
	v24 =	vsel vm7, $0x1, v1;
	v25 =	vsel vm8, $0x1, v1  }
0xbf: {  	[tilespmem:$0x5E0] =	vst v27;
	v27 =	vsel vm9, $0x1, v1;
	v13 =	vadd.s32 v49, v16;
	vm7 =	vgt.s32 v43, $0x3DFFF  }
0xc0: {  	[tilespmem:$0x600] =	vst v31;
	vm8 =	vgt.s32 v43, $0x7BFFF;
	vm9 =	vgt.s32 v43, $0xB9FFF;
	v17 =	vadd.s32 v62, v18  }
0xc1: {  	[tilespmem:$0x610] =	vst v30;
	v18 =	vadd.s32 v25, v24;
	v11 =	vadd.s32 v42, v14;
	v42 =	vsel vm13, $0x1, v1  }
0xc2: {  	[tilespmem:$0x620] =	vst v35;
	vm4 =	vgt.s32 v39, $0x3DFFF;
	vm5 =	vgt.s32 v39, $0x7BFFF;
	vm6 =	vgt.s32 v39, $0xB9FFF  }
0xc3: {  	[tilespmem:$0x630] =	vst v34;
	v52 =	vsel vm7, $0x1, v1;
	v54 =	vsel vm8, $0x1, v1;
	v55 =	vsel vm9, $0x1, v1  }
0xc4: {  	[tilespmem:$0x640] =	vst v33;
	v12 =	vadd.s32 v63, v12;
	v29 =	vadd.s32 v27, v18;
	v17 =	vmul.u32 $0xFFFC2000, v17  }
0xc5: {  	[tilespmem:$0x680] =	vst v10;
	v63 =	vld [tilespmem:$0x2A0];
	v18 =	vadd.s32 v44, v42;
	v46 =	vsel vm4, $0x1, v1;
	v49 =	vsel vm5, $0x1, v1  }
0xc6: {  	[tilespmem:$0x6B0] =	vst v7;
	v51 =	vsel vm6, $0x1, v1;
	v10 =	vadd.s32 v54, v52;
	v14 =	vmul.u32 $0xFFFC2000, v29  }
0xc7: {  	v47 =	vld [tilespmem:$0x2E0];
	[tilespmem:$0x6C0] =	vst v9;
	v18 =	vadd.s32 v45, v18;
	v7 =	vadd.s32 v49, v46;
	v9 =	vadd.s32 v55, v10  }
0xc8: {  	[tilespmem:$0x650] =	vst v32;
	v15 =	vadd.s32 v53, v17;
	v48 =	vmul.u32 $0xFFFC2000, v18;
	v7 =	vadd.s32 v51, v7  }
0xc9: {  	[tilespmem:$0x660] =	vst v37;
	v9 =	vmul.u32 $0xFFFC2000, v9;
	v14 =	vadd.s32 v57, v14;
	v7 =	vmul.u32 $0xFFFC2000, v7  }
0xca: {  	[tilespmem:$0x6A0] =	vst v6;
	v53 =	vld [tilespmem:$0x2F0];
	v6 =	vadd.s32 v28, v48;
	vm10 =	vgt.s32 v63, $0x3DFFF;
	vm11 =	vgt.s32 v63, $0x7BFFF  }
0xcb: {  	vm12 =	vgt.s32 v63, $0xB9FFF;
	[tilespmem:$0x730] =	vst v6;
	v6 =	vadd.s32 v39, v7;
	v38 =	vsel vm10, $0x1, v1  }
0xcc: {  	[tilespmem:$0x670] =	vst v36;
	v40 =	vsel vm11, $0x1, v1;
	v41 =	vsel vm12, $0x1, v1;
	vm10 =	vgt.s32 v47, $0x3DFFF  }
0xcd: {  	vm11 =	vgt.s32 v47, $0x7BFFF;
	vm12 =	vgt.s32 v47, $0xB9FFF;
	[tilespmem:$0x740] =	vst v6;
	v6 =	vadd.s32 v43, v9  }
0xce: {  	[tilespmem:$0x690] =	vst v8;
	v16 =	vadd.s32 v40, v38;
	v56 =	vsel vm10, $0x1, v1;
	v57 =	vsel vm11, $0x1, v1  }
0xcf: {  	[tilespmem:$0x6F0] =	vst v13;
	v58 =	vsel vm12, $0x1, v1;
	vm13 =	vgt.s32 v53, $0x3DFFF;
	vm14 =	vgt.s32 v53, $0x7BFFF  }
0xd0: {  	[tilespmem:$0x6E0] =	vst v11;
	vm15 =	vgt.s32 v53, $0xB9FFF;
	v16 =	vadd.s32 v41, v16;
	v11 =	vadd.s32 v57, v56  }
0xd1: {  	[tilespmem:$0x6D0] =	vst v12;
	v59 =	vsel vm13, $0x1, v1;
	v60 =	vsel vm14, $0x1, v1;
	v16 =	vmul.u32 $0xFFFC2000, v16  }
0xd2: {  	[tilespmem:$0x700] =	vst v15;
	v62 =	vsel vm15, $0x1, v1;
	v10 =	vadd.s32 v58, v11;
	v61 =	vadd.s32 v60, v59  }
0xd3: {  	[tilespmem:$0x710] =	vst v14;
	v7 =	vadd.s32 v62, v61;
	v50 =	vadd.s32 v63, v16;
	v63 =	vmul.u32 $0xFFFC2000, v10  }
0xd4: {  	[tilespmem:$0x750] =	vst v6;
	v7 =	vmul.u32 $0xFFFC2000, v7  }
0xd5: {  	[tilespmem:$0x720] =	vst v50;
	v6 =	vadd.s32 v47, v63  }
0xd6: {  	[tilespmem:$0x760] =	vst v6;
	v6 =	vadd.s32 v53, v7  }
0xd7: {  	s26 =	simm.s32 $0x480;
	[tilespmem:$0x770] =	vst v6  }
0xd8: {  	[tilespmem:s17], [sflag:$0x1] =	stream.indirect.gather [hbm4b:s6+s10], $0x80, s26, s10, $0xb8;
	[tilespmem:$0x18B80] =	vst v63  }
0xd9: {  	s26 =	simm.s32 $0x500  }
0xda: {  	[tilespmem:s19], [sflag:$0x1] =	stream.indirect.gather [hbm4b:s3+s10], $0x80, s26, s10, $0xb8;
	[tilespmem:$0x18B80] =	vst v63  }
0xdb: {  	s25 =	simm.s32 $0x580;
	s26 =	simm.s32 $0x8900  }
0xdc: {  	[tilespmem:s26], [sflag:$0x1] =	stream.indirect.gather [hbm4b:s3+s10], $0x80, s25, s10, $0xb8;
	[tilespmem:$0x18B80] =	vst v63  }
0xdd: {  	s25 =	simm.s32 $0x600;
	s26 =	simm.s32 $0xC900  }
0xde: {  	[tilespmem:s26], [sflag:$0x1] =	stream.indirect.gather [hbm4b:s3+s10], $0x80, s25, s10, $0xb8;
	[tilespmem:$0x18B80] =	vst v63  }
0xdf: {  	s25 =	simm.s32 $0x680;
	s26 =	simm.s32 $0x10900  }
0xe0: {  	[tilespmem:s26], [sflag:$0x1] =	stream.indirect.gather [hbm4b:s3+s10], $0x80, s25, s10, $0xb8;
	[tilespmem:$0x18B80] =	vst v63  }
0xe1: {  	s26 =	simm.s32 $0x700  }
0xe2: {  	[tilespmem:s28], [sflag:$0x1] =	stream.indirect.gather [hbm4b:s3+s10], $0x80, s26, s10, $0xb8;
	[tilespmem:$0x18B80] =	vst v63  }
0xe3: {  	_ =	swait.ge [sflag:s29], $0x4000  }
0xe4: {  	[sflag:s29] =	ssyncset.done $0x0  }
0xe5: {  	[sflag:s29] =	ssyncadd.s32 $0xFFFFC000  }
0xe6: {  	_ =	swait.ge [sflag:s29], $0x4000  }
0xe7: {  	[sflag:s29] =	ssyncset.done $0x0  }
0xe8: {  	[sflag:s29] =	ssyncadd.s32 $0xFFFFC000  }
0xe9: {  	_ =	swait.ge [sflag:s29], $0x4000  }
0xea: {  	[sflag:s29] =	ssyncset.done $0x0  }
0xeb: {  	[sflag:s29] =	ssyncadd.s32 $0xFFFFC000  }
0xec: {  	_ =	swait.ge [sflag:s29], $0x4000  }
0xed: {  	[sflag:s29] =	ssyncset.done $0x0  }
0xee: {  	[sflag:s29] =	ssyncadd.s32 $0xFFFFC000  }
0xef: {  	_ =	swait.ge [sflag:s29], $0x4000  }
0xf0: {  	[sflag:s29] =	ssyncset.done $0x0  }
0xf1: {  	[sflag:s29] =	ssyncadd.s32 $0xFFFFC000  }
0xf2: {  	_ =	swait.ge [sflag:s29], $0x4000  }
0xf3: {  	[sflag:s29] =	ssyncset.done $0x0  }
0xf4: {  	[sflag:s29] =	ssyncadd.s32 $0xFFFFC000  }
.LBB2_3:
0xf5: {  	v6 =	vor.u32 s24, v0;
	_ =	sdelay $0x4  }
0xf6: {  	v7 =	vld.idx.msk [tilespmem:v6+s4+$0x0], $0xffff  }
0xf7: {  	v8 =	vld.idx.msk [tilespmem:v6+s10+$0x0], $0xffff  }
0xf8: {  	v9 =	vld.idx.msk [tilespmem:v6+s11+$0x0], $0xffff  }
0xf9: {  	v31 =	vld.idx.msk [tilespmem:v6+s12+$0x0], $0xffff  }
0xfa: {  	v33 =	vld.idx.msk [tilespmem:v6+s13+$0x0], $0xffff  }
0xfb: {  	v40 =	vshll.u32 v6, $0x7;
	vm0 =	vgt.s32 v7, $0x3DFFF;
	vm1 =	vgt.s32 v7, $0x7BFFF  }
0xfc: {  	vm12 =	vgt.s32 v7, $0xB9FFF;
	vm13 =	vgt.s32 v8, $0x3DFFF;
	vm14 =	vgt.s32 v8, $0x7BFFF  }
0xfd: {  	vm15 =	vgt.s32 v8, $0xB9FFF;
	vm4 =	vgt.s32 v9, $0x3DFFF;
	vm5 =	vgt.s32 v9, $0x7BFFF  }
0xfe: {  	vm6 =	vgt.s32 v9, $0xB9FFF;
	vm7 =	vgt.s32 v31, $0x3DFFF;
	vm8 =	vgt.s32 v31, $0x7BFFF  }
0xff: {  	v16 =	vld.idx.msk [tilespmem:v6+s14+$0x0], $0xffff;
	vm9 =	vgt.s32 v31, $0xB9FFF;
	vm10 =	vgt.s32 v33, $0x3DFFF;
	vm11 =	vgt.s32 v33, $0x7BFFF  }
0x100: {  	v10 =	vsel vm0, $0x1, v1;
	v11 =	vsel vm1, $0x1, v1;
	v29 =	vsel vm12, $0x1, v1  }
0x101: {  	v30 =	vsel vm13, $0x1, v1;
	v8 =	vsel vm15, $0x1, v1;
	v32 =	vsel vm4, $0x1, v1  }
0x102: {  	v14 =	vsel vm5, $0x1, v1;
	v9 =	vsel vm6, $0x1, v1;
	v34 =	vsel vm7, $0x1, v1  }
0x103: {  	v35 =	vsel vm8, $0x1, v1;
	v15 =	vsel vm9, $0x1, v1;
	v37 =	vsel vm10, $0x1, v1  }
0x104: {  	v38 =	vsel vm11, $0x1, v1;
	vm12 =	vgt.s32 v33, $0xB9FFF;
	vm13 =	vgt.s32 v16, $0x3DFFF  }
0x105: {  	vm15 =	vgt.s32 v16, $0xB9FFF;
	v7 =	vadd.s32 v11, v10;
	v10 =	vsel vm12, $0x1, v1  }
0x106: {  	v44 =	vsel vm13, $0x1, v1;
	v48 =	vsel vm15, $0x1, v1;
	v7 =	vadd.s32 v29, v7  }
0x107: {  	v12 =	vshll.u32 v7, $0x5;
	v7 =	vsel vm14, $0x1, v1;
	vm14 =	vgt.s32 v16, $0x7BFFF  }
0x108: {  	v7 =	vadd.s32 v7, v30;
	v39 =	vand.u32 $0x60, v12;
	v45 =	vsel vm14, $0x1, v1  }
0x109: {  	v7 =	vadd.s32 v8, v7;
	v8 =	vadd.s32 v14, v32;
	v14 =	vor.u32 v40, v39  }
0x10a: {  	v13 =	vshll.u32 v7, $0x5;
	v7 =	vor.u32 s24, v2;
	v8 =	vadd.s32 v9, v8  }
0x10b: {  	v9 =	vadd.s32 v35, v34;
	v24 =	vor.u32 $0x1, v14;
	v33 =	vor.u32 $0x2, v14  }
0x10c: {  	v36 =	vshll.u32 v8, $0x5;
	v8 =	vor.u32 s24, v3;
	v9 =	vadd.s32 v15, v9  }
0x10d: {  	v15 =	vadd.s32 v38, v37;
	v41 =	vand.u32 $0x60, v13;
	v43 =	vshll.u32 v7, $0x7  }
0x10e: {  	v13 =	vadd.s32 v45, v44;
	v17 =	vshll.u32 v9, $0x5;
	v12 =	vor.u32 v40, v41  }
0x10f: {  	v42 =	vand.u32 $0x60, v36;
	v9 =	vor.u32 s24, v4;
	v10 =	vadd.s32 v10, v15  }
0x110: {  	v47 =	vshll.u32 v8, $0x7;
	v13 =	vadd.s32 v48, v13;
	v11 =	vor.u32 v43, v42  }
0x111: {  	v46 =	vand.u32 $0x60, v17;
	v49 =	vshll.u32 v10, $0x5;
	v10 =	vor.u32 s24, v5  }
0x112: {  	v13 =	vshll.u32 v13, $0x5;
	v51 =	vshll.u32 v9, $0x7;
	v26 =	vor.u32 $0x1, v12;
	v18 =	vld.idx.msk [tilespmem:v14+s17+$0x0], $0xffff  }
0x113: {  	v61 =	vor.u32 $0x2, v12;
	v16 =	vor.u32 v47, v46;
	v50 =	vand.u32 $0x60, v49;
	v54 =	vld.idx.msk [tilespmem:v24+s17+$0x0], $0xffff  }
0x114: {  	v13 =	vand.u32 $0x60, v13;
	v52 =	vshll.u32 v10, $0x7;
	v38 =	vor.u32 $0x2, v11;
	v37 =	vld.idx.msk [tilespmem:v33+s17+$0x0], $0xffff  }
0x115: {  	v29 =	vor.u32 $0x1, v11;
	v15 =	vor.u32 v51, v50;
	v13 =	vor.u32 v52, v13;
	v19 =	vld.idx.msk [tilespmem:v12+s19+$0x0], $0xffff  }
0x116: {  	v55 =	vor.u32 $0x1, v16;
	v43 =	vor.u32 $0x2, v16;
	v58 =	vor.u32 $0x1, v15;
	v20 =	vld.idx.msk [tilespmem:v11+s19+$0x0], $0xffff  }
0x117: {  	v59 =	vor.u32 $0x1, v13;
	v44 =	vor.u32 $0x2, v15;
	v49 =	vor.u32 $0x2, v13;
	v26 =	vld.idx.msk [tilespmem:v26+s19+$0x0], $0xffff  }
0x118: {  	v34 =	vor.u32 $0x17, v15;
	v40 =	vld.idx.msk [tilespmem:v61+s19+$0x0], $0xffff;
	v61 =	vor.u32 $0x3, v16;
	v21 =	vshll.u32 v18, $0x10  }
0x119: {  	v18 =	vand.u32 $0xFFFF0000, v18;
	v47 =	vld.idx.msk [tilespmem:v38+s19+$0x0], $0xffff;
	v38 =	vor.u32 $0x3, v13;
	v31 =	vshll.u32 v54, $0x10  }
0x11a: {  	v53 =	vld.idx.msk [tilespmem:v16+s19+$0x0], $0xffff;
	v62 =	vand.u32 $0xFFFF0000, v54;
	v48 =	vshll.u32 v37, $0x10;
	v51 =	vand.u32 $0xFFFF0000, v37  }
0x11b: {  	v29 =	vld.idx.msk [tilespmem:v29+s19+$0x0], $0xffff;
	v54 =	vor.u32 $0x3, v14;
	v37 =	vor.u32 $0x3, v15;
	v22 =	vshll.u32 v19, $0x10  }
0x11c: {  	v63 =	vld.idx.msk [tilespmem:v58+s19+$0x0], $0xffff;
	v58 =	vor.u32 $0x3, v11;
	v19 =	vand.u32 $0xFFFF0000, v19;
	v22 =	vmul.f32 v22, v21  }
0x11d: {  	v25 =	vld.idx.msk [tilespmem:v15+s19+$0x0], $0xffff;
	v23 =	vshll.u32 v20, $0x10;
	v19 =	vmul.f32 v19, v18;
	v20 =	vand.u32 $0xFFFF0000, v20  }
0x11e: {  	v27 =	vld.idx.msk [tilespmem:v13+s19+$0x0], $0xffff;
	v32 =	vshll.u32 v26, $0x10;
	v26 =	vand.u32 $0xFFFF0000, v26;
	v52 =	vand.u32 $0xFFFF0000, v40  }
0x11f: {  	v23 =	vmul.f32 v23, v21;
	v20 =	vmul.f32 v20, v18;
	v28 =	vshll.u32 v53, $0x10  }
0x120: {  	v17 =	vand.u32 $0xFFFF0000, v53;
	v60 =	vmul.f32 v32, v31;
	v35 =	vshll.u32 v29, $0x10  }
0x121: {  	v26 =	vmul.f32 v26, v62;
	v29 =	vand.u32 $0xFFFF0000, v29;
	v32 =	vshll.u32 v40, $0x10  }
0x122: {  	v50 =	vld.idx.msk [tilespmem:v43+s19+$0x0], $0xffff;
	v53 =	vshll.u32 v47, $0x10;
	v22 =	vadd.f32 $0.0e+00, v22;
	v28 =	vmul.f32 v28, v21  }
0x123: {  	v57 =	vshll.u32 v25, $0x10;
	v17 =	vmul.f32 v17, v18;
	v30 =	vshll.u32 v27, $0x10  }
0x124: {  	v25 =	vand.u32 $0xFFFF0000, v25;
	v27 =	vand.u32 $0xFFFF0000, v27;
	v24 =	vmul.f32 v35, v31  }
0x125: {  	v39 =	vmul.f32 v29, v62;
	v32 =	vmul.f32 v32, v48;
	v23 =	vadd.f32 $0.0e+00, v23  }
0x126: {  	v25 =	vmul.f32 v25, v18;
	v18 =	vmul.f32 v27, v18;
	v41 =	vshll.u32 v63, $0x10  }
0x127: {  	v27 =	vld.idx.msk [tilespmem:v59+s19+$0x0], $0xffff;
	v59 =	vshll.u32 v50, $0x10;
	v56 =	vadd.f32 $0.0e+00, v28;
	v28 =	vmul.f32 v57, v21  }
0x128: {  	v19 =	vadd.f32 v22, v19;
	v21 =	vmul.f32 v30, v21;
	v42 =	vmul.f32 v41, v31  }
0x129: {  	v22 =	vand.u32 $0xFFFF0000, v63;
	v30 =	vld.idx.msk [tilespmem:v54+s17+$0x0], $0xffff;
	v54 =	vor.u32 $0x4, v15;
	v20 =	vadd.f32 v23, v20  }
0x12a: {  	v22 =	vmul.f32 v22, v62;
	v28 =	vadd.f32 $0.0e+00, v28;
	v21 =	vadd.f32 $0.0e+00, v21  }
0x12b: {  	v23 =	vld.idx.msk [tilespmem:v55+s19+$0x0], $0xffff;
	v55 =	vmul.f32 v53, v48;
	v17 =	vadd.f32 v56, v17;
	v19 =	vadd.f32 v60, v19  }
0x12c: {  	v56 =	vor.u32 $0x3, v12;
	v20 =	vadd.f32 v24, v20;
	v25 =	vadd.f32 v28, v25  }
0x12d: {  	v24 =	vmul.f32 v59, v48;
	v18 =	vadd.f32 v21, v18;
	v19 =	vadd.f32 v19, v26  }
0x12e: {  	v57 =	vld.idx.msk [tilespmem:v49+s19+$0x0], $0xffff;
	v46 =	vshll.u32 v27, $0x10;
	v27 =	vand.u32 $0xFFFF0000, v27;
	v26 =	vand.u32 $0xFFFF0000, v47  }
0x12f: {  	v20 =	vadd.f32 v20, v39;
	v21 =	vmul.f32 v27, v62;
	v26 =	vmul.f32 v26, v51  }
0x130: {  	v39 =	vld.idx.msk [tilespmem:v61+s19+$0x0], $0xffff;
	v40 =	vshll.u32 v30, $0x10;
	v41 =	vand.u32 $0xFFFF0000, v30;
	v61 =	vor.u32 $0x5, v14  }
0x131: {  	v36 =	vshll.u32 v23, $0x10;
	v23 =	vand.u32 $0xFFFF0000, v23;
	v45 =	vadd.f32 v42, v25  }
0x132: {  	v25 =	vmul.f32 v46, v31;
	v19 =	vadd.f32 v32, v19;
	v28 =	vmul.f32 v36, v31  }
0x133: {  	v23 =	vmul.f32 v23, v62;
	v20 =	vadd.f32 v55, v20;
	v36 =	vshll.u32 v57, $0x10  }
0x134: {  	v18 =	vadd.f32 v25, v18;
	v22 =	vadd.f32 v45, v22;
	v25 =	vand.u32 $0xFFFF0000, v50  }
0x135: {  	v63 =	vld.idx.msk [tilespmem:v56+s19+$0x0], $0xffff;
	v45 =	vor.u32 $0x4, v12;
	v50 =	vor.u32 $0x4, v16;
	v17 =	vadd.f32 v28, v17  }
0x136: {  	v29 =	vld.idx.msk [tilespmem:v37+s19+$0x0], $0xffff;
	v28 =	vmul.f32 v52, v51;
	v20 =	vadd.f32 v20, v26;
	v62 =	vmul.f32 v25, v51  }
0x137: {  	v37 =	vld.idx.msk [tilespmem:v54+s19+$0x0], $0xffff;
	v26 =	vmul.f32 v36, v48;
	v18 =	vadd.f32 v18, v21;
	v21 =	vand.u32 $0xFFFF0000, v57  }
0x138: {  	v46 =	vshll.u32 v39, $0x10;
	v17 =	vadd.f32 v17, v23;
	v23 =	vld.idx.msk [tilespmem:v44+s19+$0x0], $0xffff;
	v19 =	vadd.f32 v19, v28  }
0x139: {  	v28 =	vld.idx.msk [tilespmem:v58+s19+$0x0], $0xffff;
	v21 =	vmul.f32 v21, v51;
	v44 =	vor.u32 $0x4, v14;
	v47 =	vmul.f32 v46, v40  }
0x13a: {  	v58 =	vor.u32 $0x4, v13;
	v18 =	vadd.f32 v26, v18;
	v42 =	vshll.u32 v63, $0x10  }
0x13b: {  	v25 =	vand.u32 $0xFFFF0000, v63;
	v17 =	vadd.f32 v24, v17;
	v30 =	vmul.f32 v42, v40  }
0x13c: {  	v63 =	vor.u32 $0x5, v12;
	v25 =	vmul.f32 v25, v41;
	v42 =	vor.u32 $0x5, v11  }
0x13d: {  	v52 =	vld.idx.msk [tilespmem:v45+s19+$0x0], $0xffff;
	v45 =	vshll.u32 v37, $0x10;
	v17 =	vadd.f32 v17, v62;
	v19 =	vadd.f32 v30, v19  }
0x13e: {  	v24 =	vld.idx.msk [tilespmem:v38+s19+$0x0], $0xffff;
	v60 =	vshll.u32 v23, $0x10;
	v23 =	vand.u32 $0xFFFF0000, v23;
	v43 =	vshll.u32 v28, $0x10  }
0x13f: {  	v28 =	vand.u32 $0xFFFF0000, v28;
	v32 =	vmul.f32 v60, v48;
	v23 =	vmul.f32 v23, v51  }
0x140: {  	v18 =	vadd.f32 v18, v21;
	v31 =	vmul.f32 v43, v40;
	v28 =	vmul.f32 v28, v41  }
0x141: {  	v57 =	vld.idx.msk [tilespmem:v50+s19+$0x0], $0xffff;
	v48 =	vor.u32 $0x4, v11;
	v19 =	vadd.f32 v19, v25;
	v17 =	vadd.f32 v47, v17  }
0x142: {  	v51 =	vshll.u32 v29, $0x10;
	v29 =	vand.u32 $0xFFFF0000, v29;
	v47 =	vor.u32 $0x5, v16  }
0x143: {  	v49 =	vld.idx.msk [tilespmem:v44+s17+$0x0], $0xffff;
	v21 =	vmul.f32 v51, v40;
	v53 =	vshll.u32 v24, $0x10;
	v55 =	vmul.f32 v29, v41  }
0x144: {  	v27 =	vld.idx.msk [tilespmem:v58+s19+$0x0], $0xffff;
	v24 =	vand.u32 $0xFFFF0000, v24;
	v60 =	vshll.u32 v52, $0x10;
	v38 =	vand.u32 $0xFFFF0000, v52  }
0x145: {  	v22 =	vadd.f32 v32, v22;
	v20 =	vadd.f32 v31, v20;
	v26 =	vmul.f32 v53, v40  }
0x146: {  	v24 =	vmul.f32 v24, v41;
	v40 =	vshll.u32 v57, $0x10;
	v53 =	vor.u32 $0x5, v13  }
0x147: {  	v44 =	vld.idx.msk [tilespmem:v63+s19+$0x0], $0xffff;
	v22 =	vadd.f32 v22, v23;
	v20 =	vadd.f32 v20, v28;
	v23 =	vand.u32 $0xFFFF0000, v39  }
0x148: {  	v18 =	vadd.f32 v26, v18;
	v59 =	vshll.u32 v49, $0x10;
	v36 =	vand.u32 $0xFFFF0000, v49  }
0x149: {  	v26 =	vand.u32 $0xFFFF0000, v57;
	v49 =	vshll.u32 v27, $0x10;
	v23 =	vmul.f32 v23, v41  }
0x14a: {  	v27 =	vand.u32 $0xFFFF0000, v27;
	v62 =	vmul.f32 v60, v59;
	v25 =	vmul.f32 v38, v36  }
0x14b: {  	v50 =	vld.idx.msk [tilespmem:v42+s19+$0x0], $0xffff;
	v57 =	vor.u32 $0x6, v14;
	v31 =	vmul.f32 v40, v59;
	v26 =	vmul.f32 v26, v36  }
0x14c: {  	v56 =	vld.idx.msk [tilespmem:v48+s19+$0x0], $0xffff;
	v46 =	vmul.f32 v45, v59;
	v48 =	vor.u32 $0x5, v15;
	v52 =	vshll.u32 v44, $0x10  }
0x14d: {  	v41 =	vld.idx.msk [tilespmem:v61+s17+$0x0], $0xffff;
	v61 =	vor.u32 $0x6, v11;
	v40 =	vor.u32 $0x6, v15;
	v21 =	vadd.f32 v21, v22  }
0x14e: {  	v54 =	vld.idx.msk [tilespmem:v47+s19+$0x0], $0xffff;
	v47 =	vor.u32 $0x7, v12;
	v18 =	vadd.f32 v18, v24;
	v17 =	vadd.f32 v17, v23  }
0x14f: {  	v24 =	vand.u32 $0xFFFF0000, v37;
	v22 =	vmul.f32 v27, v36;
	v19 =	vadd.f32 v62, v19  }
0x150: {  	v24 =	vmul.f32 v24, v36;
	v21 =	vadd.f32 v21, v55;
	v17 =	vadd.f32 v31, v17  }
0x151: {  	v19 =	vadd.f32 v19, v25;
	v25 =	vmul.f32 v49, v59;
	v39 =	vshll.u32 v56, $0x10  }
0x152: {  	v29 =	vand.u32 $0xFFFF0000, v56;
	v21 =	vadd.f32 v46, v21;
	v51 =	vshll.u32 v41, $0x10  }
0x153: {  	v55 =	vand.u32 $0xFFFF0000, v41;
	v56 =	vshll.u32 v50, $0x10;
	v62 =	vshll.u32 v54, $0x10  }
0x154: {  	v41 =	vor.u32 $0x6, v13;
	v46 =	vor.u32 $0x7, v14;
	v23 =	vmul.f32 v39, v59  }
0x155: {  	v43 =	vmul.f32 v29, v36;
	v17 =	vadd.f32 v17, v26;
	v31 =	vmul.f32 v52, v51  }
0x156: {  	v60 =	vld.idx.msk [tilespmem:v53+s19+$0x0], $0xffff;
	v18 =	vadd.f32 v25, v18;
	v29 =	vand.u32 $0xFFFF0000, v44;
	v58 =	vmul.f32 v56, v51  }
0x157: {  	v59 =	vor.u32 $0x6, v12;
	v26 =	vand.u32 $0xFFFF0000, v50;
	v25 =	vand.u32 $0xFFFF0000, v54  }
0x158: {  	v36 =	vor.u32 $0x6, v16;
	v50 =	vor.u32 $0x7, v11;
	v52 =	vor.u32 $0x7, v16  }
0x159: {  	v28 =	vld.idx.msk [tilespmem:v40+s19+$0x0], $0xffff;
	v56 =	vor.u32 $0x7, v15;
	v29 =	vmul.f32 v29, v55;
	v26 =	vmul.f32 v26, v55  }
0x15a: {  	v54 =	vld.idx.msk [tilespmem:v47+s19+$0x0], $0xffff;
	v21 =	vadd.f32 v21, v24;
	v24 =	vmul.f32 v62, v51;
	v37 =	vmul.f32 v25, v55  }
0x15b: {  	v39 =	vshll.u32 v60, $0x10;
	v20 =	vadd.f32 v23, v20;
	v19 =	vadd.f32 v31, v19;
	v23 =	vld.idx.msk [tilespmem:v48+s19+$0x0], $0xffff  }
0x15c: {  	v18 =	vadd.f32 v18, v22;
	v31 =	vld.idx.msk [tilespmem:v57+s17+$0x0], $0xffff;
	v22 =	vand.u32 $0xFFFF0000, v60;
	v60 =	vor.u32 $0x7, v13  }
0x15d: {  	v17 =	vadd.f32 v24, v17;
	v22 =	vmul.f32 v22, v55;
	v20 =	vadd.f32 v20, v43  }
0x15e: {  	v19 =	vadd.f32 v19, v29;
	v29 =	vld.idx.msk [tilespmem:v61+s19+$0x0], $0xffff;
	v53 =	vshll.u32 v28, $0x10;
	v28 =	vand.u32 $0xFFFF0000, v28  }
0x15f: {  	v24 =	vld.idx.msk [tilespmem:v41+s19+$0x0], $0xffff;
	v17 =	vadd.f32 v17, v37;
	v62 =	vshll.u32 v54, $0x10;
	v37 =	vor.u32 $0x8, v12  }
0x160: {  	v40 =	vand.u32 $0xFFFF0000, v54;
	v20 =	vadd.f32 v58, v20;
	v58 =	vld.idx.msk [tilespmem:v50+s19+$0x0], $0xffff;
	v50 =	vor.u32 $0x8, v15  }
0x161: {  	v38 =	vld.idx.msk [tilespmem:v59+s19+$0x0], $0xffff;
	v63 =	vshll.u32 v23, $0x10;
	v23 =	vand.u32 $0xFFFF0000, v23;
	v43 =	vshll.u32 v31, $0x10  }
0x162: {  	v44 =	vand.u32 $0xFFFF0000, v31;
	v32 =	vmul.f32 v63, v51;
	v23 =	vmul.f32 v23, v55  }
0x163: {  	v42 =	vld.idx.msk [tilespmem:v36+s19+$0x0], $0xffff;
	v20 =	vadd.f32 v20, v26;
	v26 =	vmul.f32 v39, v51;
	v57 =	vmul.f32 v28, v44  }
0x164: {  	v63 =	vor.u32 $0x8, v14;
	v45 =	vshll.u32 v29, $0x10;
	v29 =	vand.u32 $0xFFFF0000, v29  }
0x165: {  	v55 =	vshll.u32 v24, $0x10;
	v24 =	vand.u32 $0xFFFF0000, v24;
	v21 =	vadd.f32 v32, v21  }
0x166: {  	v18 =	vadd.f32 v26, v18;
	v30 =	vshll.u32 v38, $0x10;
	v31 =	vmul.f32 v45, v43  }
0x167: {  	v59 =	vld.idx.msk [tilespmem:v52+s19+$0x0], $0xffff;
	v25 =	vand.u32 $0xFFFF0000, v38;
	v29 =	vmul.f32 v29, v44;
	v26 =	vmul.f32 v55, v43  }
0x168: {  	v51 =	vld.idx.msk [tilespmem:v46+s17+$0x0], $0xffff;
	v48 =	vshll.u32 v42, $0x10;
	v24 =	vmul.f32 v24, v44;
	v30 =	vmul.f32 v30, v43  }
0x169: {  	v39 =	vld.idx.msk [tilespmem:v56+s19+$0x0], $0xffff;
	v55 =	vor.u32 $0x8, v13;
	v25 =	vmul.f32 v25, v44;
	v49 =	vmul.f32 v48, v43  }
0x16a: {  	v27 =	vld.idx.msk [tilespmem:v60+s19+$0x0], $0xffff;
	v41 =	vshll.u32 v58, $0x10;
	v28 =	vand.u32 $0xFFFF0000, v58;
	v21 =	vadd.f32 v21, v23  }
0x16b: {  	v20 =	vadd.f32 v31, v20;
	v18 =	vadd.f32 v18, v22;
	v23 =	vand.u32 $0xFFFF0000, v42  }
0x16c: {  	v22 =	vmul.f32 v53, v43;
	v42 =	vshll.u32 v59, $0x10;
	v19 =	vadd.f32 v30, v19  }
0x16d: {  	v17 =	vadd.f32 v49, v17;
	v23 =	vmul.f32 v23, v44;
	v61 =	vshll.u32 v51, $0x10  }
0x16e: {  	v38 =	vand.u32 $0xFFFF0000, v51;
	v44 =	vor.u32 $0x8, v11;
	v47 =	vshll.u32 v39, $0x10  }
0x16f: {  	v46 =	vld.idx.msk [tilespmem:v37+s19+$0x0], $0xffff;
	v49 =	vor.u32 $0x8, v16;
	v51 =	vshll.u32 v27, $0x10;
	v27 =	vand.u32 $0xFFFF0000, v27  }
0x170: {  	v43 =	vld.idx.msk [tilespmem:v63+s17+$0x0], $0xffff;
	v63 =	vor.u32 $0x9, v11;
	v20 =	vadd.f32 v20, v29;
	v21 =	vadd.f32 v22, v21  }
0x171: {  	v18 =	vadd.f32 v26, v18;
	v36 =	vmul.f32 v62, v61;
	v31 =	vmul.f32 v42, v61  }
0x172: {  	v45 =	vmul.f32 v28, v38;
	v26 =	vand.u32 $0xFFFF0000, v59;
	v48 =	vmul.f32 v47, v61  }
0x173: {  	v22 =	vmul.f32 v27, v38;
	v59 =	vor.u32 $0x9, v14;
	v42 =	vor.u32 $0x9, v15  }
0x174: {  	v19 =	vadd.f32 v19, v25;
	v17 =	vadd.f32 v17, v23;
	v25 =	vmul.f32 v40, v38  }
0x175: {  	v23 =	vmul.f32 v41, v61;
	v26 =	vmul.f32 v26, v38;
	v54 =	vshll.u32 v46, $0x10  }
0x176: {  	v28 =	vand.u32 $0xFFFF0000, v46;
	v21 =	vadd.f32 v21, v57;
	v18 =	vadd.f32 v18, v24  }
0x177: {  	v62 =	vld.idx.msk [tilespmem:v55+s19+$0x0], $0xffff;
	v24 =	vand.u32 $0xFFFF0000, v39;
	v19 =	vadd.f32 v36, v19;
	v20 =	vadd.f32 v23, v20  }
0x178: {  	v17 =	vadd.f32 v31, v17;
	v24 =	vmul.f32 v24, v38;
	v23 =	vld.idx.msk [tilespmem:v50+s19+$0x0], $0xffff;
	v38 =	vor.u32 $0x9, v16  }
0x179: {  	v21 =	vadd.f32 v48, v21;
	v52 =	vld.idx.msk [tilespmem:v44+s19+$0x0], $0xffff;
	v53 =	vshll.u32 v43, $0x10;
	v57 =	vand.u32 $0xFFFF0000, v43  }
0x17a: {  	v56 =	vld.idx.msk [tilespmem:v49+s19+$0x0], $0xffff;
	v43 =	vor.u32 $0x9, v13;
	v48 =	vor.u32 $0xA, v14;
	v49 =	vor.u32 $0xA, v12  }
0x17b: {  	v19 =	vadd.f32 v19, v25;
	v20 =	vadd.f32 v20, v45;
	v25 =	vmul.f32 v51, v61  }
0x17c: {  	v17 =	vadd.f32 v17, v26;
	v31 =	vmul.f32 v54, v53;
	v28 =	vmul.f32 v28, v57  }
0x17d: {  	v61 =	vor.u32 $0x9, v12;
	v54 =	vor.u32 $0xA, v16;
	v21 =	vadd.f32 v21, v24  }
0x17e: {  	v41 =	vshll.u32 v62, $0x10;
	v18 =	vadd.f32 v25, v18;
	v19 =	vadd.f32 v31, v19  }
0x17f: {  	v37 =	vshll.u32 v23, $0x10;
	v23 =	vand.u32 $0xFFFF0000, v23;
	v58 =	vshll.u32 v52, $0x10  }
0x180: {  	v29 =	vld.idx.msk [tilespmem:v42+s19+$0x0], $0xffff;
	v18 =	vadd.f32 v18, v22;
	v19 =	vadd.f32 v19, v28;
	v26 =	vand.u32 $0xFFFF0000, v52  }
0x181: {  	v36 =	vshll.u32 v56, $0x10;
	v25 =	vand.u32 $0xFFFF0000, v56;
	v32 =	vmul.f32 v37, v53  }
0x182: {  	v31 =	vld.idx.msk [tilespmem:v59+s17+$0x0], $0xffff;
	v23 =	vmul.f32 v23, v57;
	v22 =	vand.u32 $0xFFFF0000, v62;
	v52 =	vor.u32 $0xA, v11  }
0x183: {  	v44 =	vld.idx.msk [tilespmem:v38+s19+$0x0], $0xffff;
	v62 =	vor.u32 $0xA, v13;
	v60 =	vmul.f32 v58, v53;
	v26 =	vmul.f32 v26, v57  }
0x184: {  	v37 =	vor.u32 $0xB, v14;
	v24 =	vmul.f32 v36, v53;
	v39 =	vmul.f32 v25, v57  }
0x185: {  	v28 =	vld.idx.msk [tilespmem:v63+s19+$0x0], $0xffff;
	v22 =	vmul.f32 v22, v57;
	v55 =	vshll.u32 v29, $0x10;
	v29 =	vand.u32 $0xFFFF0000, v29  }
0x186: {  	v56 =	vld.idx.msk [tilespmem:v49+s19+$0x0], $0xffff;
	v58 =	vor.u32 $0xA, v15;
	v21 =	vadd.f32 v32, v21;
	v20 =	vadd.f32 v60, v20  }
0x187: {  	v17 =	vadd.f32 v24, v17;
	v45 =	vshll.u32 v31, $0x10;
	v46 =	vand.u32 $0xFFFF0000, v31  }
0x188: {  	v40 =	vld.idx.msk [tilespmem:v61+s19+$0x0], $0xffff;
	v21 =	vadd.f32 v21, v23;
	v50 =	vshll.u32 v44, $0x10;
	v23 =	vand.u32 $0xFFFF0000, v44  }
0x189: {  	v61 =	vld.idx.msk [tilespmem:v54+s19+$0x0], $0xffff;
	v59 =	vmul.f32 v29, v46;
	v20 =	vadd.f32 v20, v26;
	v26 =	vmul.f32 v41, v53  }
0x18a: {  	v17 =	vadd.f32 v17, v39;
	v47 =	vshll.u32 v28, $0x10;
	v28 =	vand.u32 $0xFFFF0000, v28  }
0x18b: {  	v24 =	vld.idx.msk [tilespmem:v43+s19+$0x0], $0xffff;
	v51 =	vmul.f32 v50, v45;
	v23 =	vmul.f32 v23, v46;
	v36 =	vshll.u32 v56, $0x10  }
0x18c: {  	v60 =	vld.idx.msk [tilespmem:v52+s19+$0x0], $0xffff;
	v39 =	vor.u32 $0xB, v12;
	v42 =	vand.u32 $0xFFFF0000, v56;
	v52 =	vor.u32 $0xB, v15  }
0x18d: {  	v30 =	vshll.u32 v40, $0x10;
	v25 =	vand.u32 $0xFFFF0000, v40;
	v31 =	vmul.f32 v47, v45  }
0x18e: {  	v28 =	vmul.f32 v28, v46;
	v44 =	vshll.u32 v61, $0x10;
	v18 =	vadd.f32 v26, v18  }
0x18f: {  	v53 =	vld.idx.msk [tilespmem:v48+s17+$0x0], $0xffff;
	v30 =	vmul.f32 v30, v45;
	v25 =	vmul.f32 v25, v46;
	v17 =	vadd.f32 v51, v17  }
0x190: {  	v51 =	vor.u32 $0xB, v16;
	v20 =	vadd.f32 v31, v20;
	v57 =	vshll.u32 v24, $0x10  }
0x191: {  	v27 =	vld.idx.msk [tilespmem:v62+s19+$0x0], $0xffff;
	v24 =	vand.u32 $0xFFFF0000, v24;
	v18 =	vadd.f32 v18, v22;
	v22 =	vmul.f32 v55, v45  }
0x192: {  	v19 =	vadd.f32 v30, v19;
	v26 =	vmul.f32 v57, v45;
	v24 =	vmul.f32 v24, v46  }
0x193: {  	v41 =	vld.idx.msk [tilespmem:v58+s19+$0x0], $0xffff;
	v17 =	vadd.f32 v17, v23;
	v46 =	vor.u32 $0xB, v11;
	v57 =	vor.u32 $0xB, v13  }
0x194: {  	v45 =	vld.idx.msk [tilespmem:v37+s17+$0x0], $0xffff;
	v37 =	vor.u32 $0xC, v11;
	v20 =	vadd.f32 v20, v28;
	v63 =	vshll.u32 v53, $0x10  }
0x195: {  	v40 =	vand.u32 $0xFFFF0000, v53;
	v43 =	vshll.u32 v60, $0x10;
	v29 =	vand.u32 $0xFFFF0000, v60  }
0x196: {  	v53 =	vshll.u32 v27, $0x10;
	v27 =	vand.u32 $0xFFFF0000, v27;
	v19 =	vadd.f32 v19, v25  }
0x197: {  	v21 =	vadd.f32 v22, v21;
	v38 =	vmul.f32 v36, v63;
	v25 =	vmul.f32 v42, v40  }
0x198: {  	v18 =	vadd.f32 v26, v18;
	v23 =	vmul.f32 v43, v63;
	v31 =	vmul.f32 v44, v63  }
0x199: {  	v47 =	vmul.f32 v29, v40;
	v26 =	vand.u32 $0xFFFF0000, v61;
	v49 =	vshll.u32 v41, $0x10  }
0x19a: {  	v22 =	vmul.f32 v27, v40;
	v61 =	vor.u32 $0xC, v14;
	v44 =	vor.u32 $0xC, v15  }
0x19b: {  	v48 =	vld.idx.msk [tilespmem:v39+s19+$0x0], $0xffff;
	v26 =	vmul.f32 v26, v40;
	v50 =	vmul.f32 v49, v63;
	v21 =	vadd.f32 v21, v59  }
0x19c: {  	v58 =	vld.idx.msk [tilespmem:v51+s19+$0x0], $0xffff;
	v51 =	vor.u32 $0xD, v12;
	v18 =	vadd.f32 v18, v24;
	v19 =	vadd.f32 v38, v19  }
0x19d: {  	v20 =	vadd.f32 v23, v20;
	v17 =	vadd.f32 v31, v17;
	v24 =	vand.u32 $0xFFFF0000, v41  }
0x19e: {  	v55 =	vshll.u32 v45, $0x10;
	v24 =	vmul.f32 v24, v40;
	v59 =	vand.u32 $0xFFFF0000, v45  }
0x19f: {  	v40 =	vor.u32 $0xC, v16;
	v19 =	vadd.f32 v19, v25;
	v20 =	vadd.f32 v20, v47  }
0x1a0: {  	v23 =	vld.idx.msk [tilespmem:v52+s19+$0x0], $0xffff;
	v45 =	vor.u32 $0xC, v13;
	v17 =	vadd.f32 v17, v26;
	v21 =	vadd.f32 v50, v21  }
0x1a1: {  	v54 =	vld.idx.msk [tilespmem:v46+s19+$0x0], $0xffff;
	v25 =	vmul.f32 v53, v63;
	v56 =	vshll.u32 v48, $0x10;
	v29 =	vand.u32 $0xFFFF0000, v48  }
0x1a2: {  	v63 =	vor.u32 $0xC, v12;
	v50 =	vor.u32 $0xD, v14;
	v31 =	vmul.f32 v56, v55  }
0x1a3: {  	v36 =	vld.idx.msk [tilespmem:v57+s19+$0x0], $0xffff;
	v29 =	vmul.f32 v29, v59;
	v56 =	vor.u32 $0xD, v16;
	v18 =	vadd.f32 v25, v18  }
0x1a4: {  	v21 =	vadd.f32 v21, v24;
	v38 =	vshll.u32 v58, $0x10;
	v25 =	vand.u32 $0xFFFF0000, v58  }
0x1a5: {  	v19 =	vadd.f32 v31, v19;
	v24 =	vmul.f32 v38, v55;
	v39 =	vshll.u32 v23, $0x10  }
0x1a6: {  	v41 =	vmul.f32 v25, v59;
	v23 =	vand.u32 $0xFFFF0000, v23;
	v60 =	vshll.u32 v54, $0x10  }
0x1a7: {  	v28 =	vld.idx.msk [tilespmem:v44+s19+$0x0], $0xffff;
	v18 =	vadd.f32 v18, v22;
	v26 =	vand.u32 $0xFFFF0000, v54;
	v32 =	vmul.f32 v39, v55  }
0x1a8: {  	v58 =	vld.idx.msk [tilespmem:v51+s19+$0x0], $0xffff;
	v43 =	vshll.u32 v36, $0x10;
	v23 =	vmul.f32 v23, v59;
	v22 =	vand.u32 $0xFFFF0000, v36  }
0x1a9: {  	v54 =	vor.u32 $0xD, v11;
	v36 =	vor.u32 $0xD, v13;
	v39 =	vor.u32 $0xE, v14  }
0x1aa: {  	v31 =	vld.idx.msk [tilespmem:v61+s17+$0x0], $0xffff;
	v62 =	vmul.f32 v60, v55;
	v19 =	vadd.f32 v19, v29;
	v26 =	vmul.f32 v26, v59  }
0x1ab: {  	v46 =	vld.idx.msk [tilespmem:v40+s19+$0x0], $0xffff;
	v17 =	vadd.f32 v24, v17;
	v22 =	vmul.f32 v22, v59;
	v60 =	vor.u32 $0xD, v15  }
0x1ac: {  	v42 =	vld.idx.msk [tilespmem:v63+s19+$0x0], $0xffff;
	v21 =	vadd.f32 v32, v21;
	v57 =	vshll.u32 v28, $0x10;
	v28 =	vand.u32 $0xFFFF0000, v28  }
0x1ad: {  	v29 =	vld.idx.msk [tilespmem:v37+s19+$0x0], $0xffff;
	v20 =	vadd.f32 v62, v20;
	v17 =	vadd.f32 v17, v41;
	v38 =	vshll.u32 v58, $0x10  }
0x1ae: {  	v24 =	vld.idx.msk [tilespmem:v45+s19+$0x0], $0xffff;
	v41 =	vor.u32 $0xE, v12;
	v44 =	vand.u32 $0xFFFF0000, v58;
	v21 =	vadd.f32 v21, v23  }
0x1af: {  	v47 =	vshll.u32 v31, $0x10;
	v48 =	vand.u32 $0xFFFF0000, v31;
	v20 =	vadd.f32 v20, v26  }
0x1b0: {  	v63 =	vld.idx.msk [tilespmem:v56+s19+$0x0], $0xffff;
	v26 =	vmul.f32 v43, v55;
	v52 =	vshll.u32 v46, $0x10;
	v23 =	vand.u32 $0xFFFF0000, v46  }
0x1b1: {  	v61 =	vmul.f32 v28, v48;
	v62 =	vld.idx.msk [tilespmem:v54+s19+$0x0], $0xffff;
	v54 =	vor.u32 $0xE, v15;
	v30 =	vshll.u32 v42, $0x10  }
0x1b2: {  	v49 =	vshll.u32 v29, $0x10;
	v25 =	vand.u32 $0xFFFF0000, v42;
	v29 =	vand.u32 $0xFFFF0000, v29  }
0x1b3: {  	v53 =	vmul.f32 v52, v47;
	v23 =	vmul.f32 v23, v48;
	v59 =	vshll.u32 v24, $0x10  }
0x1b4: {  	v24 =	vand.u32 $0xFFFF0000, v24;
	v30 =	vmul.f32 v30, v47;
	v31 =	vmul.f32 v49, v47  }
0x1b5: {  	v55 =	vld.idx.msk [tilespmem:v50+s17+$0x0], $0xffff;
	v18 =	vadd.f32 v26, v18;
	v25 =	vmul.f32 v25, v48;
	v29 =	vmul.f32 v29, v48  }
0x1b6: {  	v27 =	vld.idx.msk [tilespmem:v36+s19+$0x0], $0xffff;
	v26 =	vmul.f32 v59, v47;
	v24 =	vmul.f32 v24, v48;
	v46 =	vshll.u32 v63, $0x10  }
0x1b7: {  	v48 =	vor.u32 $0xE, v11;
	v59 =	vor.u32 $0xE, v13;
	v17 =	vadd.f32 v53, v17  }
0x1b8: {  	v53 =	vor.u32 $0xE, v16;
	v19 =	vadd.f32 v30, v19;
	v20 =	vadd.f32 v31, v20  }
0x1b9: {  	v18 =	vadd.f32 v18, v22;
	v22 =	vmul.f32 v57, v47;
	v47 =	vld.idx.msk [tilespmem:v39+s17+$0x0], $0xffff;
	v39 =	vor.u32 $0xF, v11  }
0x1ba: {  	v43 =	vld.idx.msk [tilespmem:v60+s19+$0x0], $0xffff;
	v37 =	vshll.u32 v55, $0x10;
	v17 =	vadd.f32 v17, v23;
	v42 =	vand.u32 $0xFFFF0000, v55  }
0x1bb: {  	v45 =	vshll.u32 v62, $0x10;
	v28 =	vand.u32 $0xFFFF0000, v62;
	v55 =	vshll.u32 v27, $0x10  }
0x1bc: {  	v27 =	vand.u32 $0xFFFF0000, v27;
	v19 =	vadd.f32 v19, v25;
	v20 =	vadd.f32 v20, v29  }
0x1bd: {  	v21 =	vadd.f32 v22, v21;
	v40 =	vmul.f32 v38, v37;
	v25 =	vmul.f32 v44, v42  }
0x1be: {  	v50 =	vld.idx.msk [tilespmem:v41+s19+$0x0], $0xffff;
	v18 =	vadd.f32 v26, v18;
	v23 =	vmul.f32 v45, v37;
	v31 =	vmul.f32 v46, v37  }
0x1bf: {  	v49 =	vmul.f32 v28, v42;
	v26 =	vand.u32 $0xFFFF0000, v63;
	v51 =	vshll.u32 v43, $0x10  }
0x1c0: {  	v22 =	vmul.f32 v27, v42;
	v63 =	vor.u32 $0xF, v14;
	v46 =	vor.u32 $0xF, v15  }
0x1c1: {  	v26 =	vmul.f32 v26, v42;
	v21 =	vadd.f32 v21, v61;
	v18 =	vadd.f32 v18, v24  }
0x1c2: {  	v52 =	vmul.f32 v51, v37;
	v19 =	vadd.f32 v40, v19;
	v20 =	vadd.f32 v23, v20  }
0x1c3: {  	v17 =	vadd.f32 v31, v17;
	v24 =	vand.u32 $0xFFFF0000, v43;
	v58 =	vshll.u32 v50, $0x10  }
0x1c4: {  	v60 =	vld.idx.msk [tilespmem:v53+s19+$0x0], $0xffff;
	v28 =	vand.u32 $0xFFFF0000, v50;
	v53 =	vor.u32 $0x10, v12;
	v57 =	vshll.u32 v47, $0x10  }
0x1c5: {  	v56 =	vld.idx.msk [tilespmem:v48+s19+$0x0], $0xffff;
	v24 =	vmul.f32 v24, v42;
	v61 =	vand.u32 $0xFFFF0000, v47;
	v42 =	vor.u32 $0xF, v16  }
0x1c6: {  	v38 =	vld.idx.msk [tilespmem:v59+s19+$0x0], $0xffff;
	v47 =	vor.u32 $0xF, v13;
	v19 =	vadd.f32 v19, v25;
	v20 =	vadd.f32 v20, v49  }
0x1c7: {  	v17 =	vadd.f32 v17, v26;
	v21 =	vadd.f32 v52, v21;
	v25 =	vmul.f32 v55, v37  }
0x1c8: {  	v23 =	vld.idx.msk [tilespmem:v54+s19+$0x0], $0xffff;
	v31 =	vmul.f32 v58, v57;
	v28 =	vmul.f32 v28, v61;
	v37 =	vor.u32 $0xF, v12  }
0x1c9: {  	v52 =	vor.u32 $0x10, v14;
	v58 =	vor.u32 $0x10, v16;
	v18 =	vadd.f32 v25, v18  }
0x1ca: {  	v19 =	vadd.f32 v31, v19;
	v62 =	vshll.u32 v56, $0x10;
	v21 =	vadd.f32 v21, v24  }
0x1cb: {  	v26 =	vand.u32 $0xFFFF0000, v56;
	v45 =	vshll.u32 v38, $0x10;
	v56 =	vor.u32 $0x10, v11  }
0x1cc: {  	v36 =	vmul.f32 v62, v57;
	v40 =	vshll.u32 v60, $0x10;
	v26 =	vmul.f32 v26, v61  }
0x1cd: {  	v29 =	vld.idx.msk [tilespmem:v46+s19+$0x0], $0xffff;
	v41 =	vshll.u32 v23, $0x10;
	v25 =	vand.u32 $0xFFFF0000, v60;
	v23 =	vand.u32 $0xFFFF0000, v23  }
0x1ce: {  	v62 =	vor.u32 $0x10, v15;
	v18 =	vadd.f32 v18, v22;
	v24 =	vmul.f32 v40, v57  }
0x1cf: {  	v31 =	vld.idx.msk [tilespmem:v63+s17+$0x0], $0xffff;
	v19 =	vadd.f32 v19, v28;
	v32 =	vmul.f32 v41, v57;
	v43 =	vmul.f32 v25, v61  }
0x1d0: {  	v60 =	vld.idx.msk [tilespmem:v53+s19+$0x0], $0xffff;
	v23 =	vmul.f32 v23, v61;
	v22 =	vand.u32 $0xFFFF0000, v38;
	v38 =	vor.u32 $0x10, v13  }
0x1d1: {  	v28 =	vld.idx.msk [tilespmem:v39+s19+$0x0], $0xffff;
	v41 =	vor.u32 $0x11, v14;
	v20 =	vadd.f32 v36, v20;
	v22 =	vmul.f32 v22, v61  }
0x1d2: {  	v48 =	vld.idx.msk [tilespmem:v42+s19+$0x0], $0xffff;
	v17 =	vadd.f32 v24, v17;
	v21 =	vadd.f32 v32, v21;
	v59 =	vshll.u32 v29, $0x10  }
0x1d3: {  	v44 =	vld.idx.msk [tilespmem:v37+s19+$0x0], $0xffff;
	v29 =	vand.u32 $0xFFFF0000, v29;
	v20 =	vadd.f32 v20, v26;
	v26 =	vmul.f32 v45, v57  }
0x1d4: {  	v49 =	vshll.u32 v31, $0x10;
	v50 =	vand.u32 $0xFFFF0000, v31;
	v36 =	vld.idx.msk [tilespmem:v56+s19+$0x0], $0xffff;
	v56 =	vor.u32 $0x11, v15  }
0x1d5: {  	v37 =	vld.idx.msk [tilespmem:v58+s19+$0x0], $0xffff;
	v17 =	vadd.f32 v17, v43;
	v21 =	vadd.f32 v21, v23;
	v63 =	vmul.f32 v29, v50  }
0x1d6: {  	v40 =	vshll.u32 v60, $0x10;
	v43 =	vor.u32 $0x11, v12;
	v46 =	vand.u32 $0xFFFF0000, v60  }
0x1d7: {  	v24 =	vld.idx.msk [tilespmem:v47+s19+$0x0], $0xffff;
	v18 =	vadd.f32 v26, v18;
	v51 =	vshll.u32 v28, $0x10;
	v28 =	vand.u32 $0xFFFF0000, v28  }
0x1d8: {  	v54 =	vshll.u32 v48, $0x10;
	v23 =	vand.u32 $0xFFFF0000, v48;
	v30 =	vshll.u32 v44, $0x10  }
0x1d9: {  	v57 =	vld.idx.msk [tilespmem:v52+s17+$0x0], $0xffff;
	v25 =	vand.u32 $0xFFFF0000, v44;
	v31 =	vmul.f32 v51, v49;
	v28 =	vmul.f32 v28, v50  }
0x1da: {  	v55 =	vmul.f32 v54, v49;
	v23 =	vmul.f32 v23, v50;
	v48 =	vshll.u32 v37, $0x10  }
0x1db: {  	v30 =	vmul.f32 v30, v49;
	v25 =	vmul.f32 v25, v50;
	v18 =	vadd.f32 v18, v22  }
0x1dc: {  	v22 =	vmul.f32 v59, v49;
	v61 =	vshll.u32 v24, $0x10;
	v24 =	vand.u32 $0xFFFF0000, v24  }
0x1dd: {  	v45 =	vld.idx.msk [tilespmem:v62+s19+$0x0], $0xffff;
	v20 =	vadd.f32 v31, v20;
	v17 =	vadd.f32 v55, v17;
	v26 =	vmul.f32 v61, v49  }
0x1de: {  	v24 =	vmul.f32 v24, v50;
	v39 =	vshll.u32 v57, $0x10;
	v44 =	vand.u32 $0xFFFF0000, v57  }
0x1df: {  	v27 =	vld.idx.msk [tilespmem:v38+s19+$0x0], $0xffff;
	v47 =	vshll.u32 v36, $0x10;
	v29 =	vand.u32 $0xFFFF0000, v36;
	v50 =	vor.u32 $0x11, v11  }
0x1e0: {  	v49 =	vld.idx.msk [tilespmem:v41+s17+$0x0], $0xffff;
	v55 =	vor.u32 $0x11, v16;
	v61 =	vor.u32 $0x11, v13;
	v41 =	vor.u32 $0x12, v11  }
0x1e1: {  	v19 =	vadd.f32 v30, v19;
	v21 =	vadd.f32 v22, v21;
	v42 =	vmul.f32 v40, v39  }
0x1e2: {  	v31 =	vmul.f32 v48, v39;
	v51 =	vmul.f32 v29, v44;
	v53 =	vshll.u32 v45, $0x10  }
0x1e3: {  	v48 =	vor.u32 $0x12, v15;
	v20 =	vadd.f32 v20, v28;
	v18 =	vadd.f32 v26, v18  }
0x1e4: {  	v17 =	vadd.f32 v17, v23;
	v23 =	vmul.f32 v47, v39;
	v26 =	vand.u32 $0xFFFF0000, v37  }
0x1e5: {  	v54 =	vmul.f32 v53, v39;
	v57 =	vshll.u32 v27, $0x10;
	v27 =	vand.u32 $0xFFFF0000, v27  }
0x1e6: {  	v37 =	vor.u32 $0x12, v14;
	v19 =	vadd.f32 v19, v25;
	v21 =	vadd.f32 v21, v63  }
0x1e7: {  	v52 =	vld.idx.msk [tilespmem:v43+s19+$0x0], $0xffff;
	v25 =	vmul.f32 v46, v44;
	v26 =	vmul.f32 v26, v44;
	v18 =	vadd.f32 v18, v24  }
0x1e8: {  	v22 =	vmul.f32 v27, v44;
	v20 =	vadd.f32 v23, v20;
	v17 =	vadd.f32 v31, v17  }
0x1e9: {  	v24 =	vand.u32 $0xFFFF0000, v45;
	v19 =	vadd.f32 v42, v19;
	v21 =	vadd.f32 v54, v21  }
0x1ea: {  	v23 =	vld.idx.msk [tilespmem:v56+s19+$0x0], $0xffff;
	v59 =	vshll.u32 v49, $0x10;
	v24 =	vmul.f32 v24, v44;
	v63 =	vand.u32 $0xFFFF0000, v49  }
0x1eb: {  	v58 =	vld.idx.msk [tilespmem:v50+s19+$0x0], $0xffff;
	v44 =	vor.u32 $0x12, v16;
	v49 =	vor.u32 $0x12, v13;
	v54 =	vor.u32 $0x13, v14  }
0x1ec: {  	v62 =	vld.idx.msk [tilespmem:v55+s19+$0x0], $0xffff;
	v55 =	vor.u32 $0x13, v12;
	v20 =	vadd.f32 v20, v51;
	v60 =	vshll.u32 v52, $0x10  }
0x1ed: {  	v29 =	vand.u32 $0xFFFF0000, v52;
	v19 =	vadd.f32 v19, v25;
	v25 =	vmul.f32 v57, v39  }
0x1ee: {  	v40 =	vld.idx.msk [tilespmem:v61+s19+$0x0], $0xffff;
	v17 =	vadd.f32 v17, v26;
	v31 =	vmul.f32 v60, v59;
	v29 =	vmul.f32 v29, v63  }
0x1ef: {  	v21 =	vadd.f32 v21, v24;
	v39 =	vor.u32 $0x12, v12;
	v60 =	vor.u32 $0x13, v16  }
0x1f0: {  	v18 =	vadd.f32 v25, v18;
	v19 =	vadd.f32 v31, v19;
	v43 =	vshll.u32 v23, $0x10  }
0x1f1: {  	v28 =	vld.idx.msk [tilespmem:v48+s19+$0x0], $0xffff;
	v23 =	vand.u32 $0xFFFF0000, v23;
	v36 =	vshll.u32 v58, $0x10;
	v26 =	vand.u32 $0xFFFF0000, v58  }
0x1f2: {  	v42 =	vshll.u32 v62, $0x10;
	v25 =	vand.u32 $0xFFFF0000, v62;
	v32 =	vmul.f32 v43, v59  }
0x1f3: {  	v47 =	vshll.u32 v40, $0x10;
	v23 =	vmul.f32 v23, v63;
	v58 =	vor.u32 $0x13, v11  }
0x1f4: {  	v31 =	vld.idx.msk [tilespmem:v37+s17+$0x0], $0xffff;
	v43 =	vor.u32 $0x14, v14;
	v38 =	vmul.f32 v36, v59;
	v18 =	vadd.f32 v18, v22  }
0x1f5: {  	v19 =	vadd.f32 v19, v29;
	v26 =	vmul.f32 v26, v63;
	v24 =	vmul.f32 v42, v59  }
0x1f6: {  	v50 =	vld.idx.msk [tilespmem:v44+s19+$0x0], $0xffff;
	v45 =	vmul.f32 v25, v63;
	v22 =	vand.u32 $0xFFFF0000, v40;
	v61 =	vshll.u32 v28, $0x10  }
0x1f7: {  	v62 =	vld.idx.msk [tilespmem:v55+s19+$0x0], $0xffff;
	v28 =	vand.u32 $0xFFFF0000, v28;
	v36 =	vor.u32 $0x13, v15;
	v21 =	vadd.f32 v32, v21  }
0x1f8: {  	v29 =	vld.idx.msk [tilespmem:v41+s19+$0x0], $0xffff;
	v40 =	vor.u32 $0x13, v13;
	v22 =	vmul.f32 v22, v63;
	v20 =	vadd.f32 v38, v20  }
0x1f9: {  	v17 =	vadd.f32 v24, v17;
	v21 =	vadd.f32 v21, v23;
	v51 =	vshll.u32 v31, $0x10  }
0x1fa: {  	v46 =	vld.idx.msk [tilespmem:v39+s19+$0x0], $0xffff;
	v52 =	vand.u32 $0xFFFF0000, v31;
	v20 =	vadd.f32 v20, v26;
	v26 =	vmul.f32 v47, v59  }
0x1fb: {  	v39 =	vld.idx.msk [tilespmem:v60+s19+$0x0], $0xffff;
	v17 =	vadd.f32 v17, v45;
	v56 =	vshll.u32 v50, $0x10;
	v23 =	vand.u32 $0xFFFF0000, v50  }
0x1fc: {  	v24 =	vld.idx.msk [tilespmem:v49+s19+$0x0], $0xffff;
	v37 =	vmul.f32 v28, v52;
	v42 =	vshll.u32 v62, $0x10;
	v45 =	vor.u32 $0x14, v12  }
0x1fd: {  	v38 =	vld.idx.msk [tilespmem:v58+s19+$0x0], $0xffff;
	v48 =	vand.u32 $0xFFFF0000, v62;
	v58 =	vor.u32 $0x14, v15;
	v53 =	vshll.u32 v29, $0x10  }
0x1fe: {  	v29 =	vand.u32 $0xFFFF0000, v29;
	v57 =	vmul.f32 v56, v51;
	v23 =	vmul.f32 v23, v52  }
0x1ff: {  	v18 =	vadd.f32 v26, v18;
	v30 =	vshll.u32 v46, $0x10;
	v25 =	vand.u32 $0xFFFF0000, v46  }
0x200: {  	v59 =	vld.idx.msk [tilespmem:v54+s17+$0x0], $0xffff;
	v31 =	vmul.f32 v53, v51;
	v29 =	vmul.f32 v29, v52;
	v50 =	vshll.u32 v39, $0x10  }
0x201: {  	v30 =	vmul.f32 v30, v51;
	v25 =	vmul.f32 v25, v52;
	v17 =	vadd.f32 v57, v17  }
0x202: {  	v63 =	vshll.u32 v24, $0x10;
	v24 =	vand.u32 $0xFFFF0000, v24;
	v57 =	vor.u32 $0x14, v16  }
0x203: {  	v20 =	vadd.f32 v31, v20;
	v18 =	vadd.f32 v18, v22;
	v22 =	vmul.f32 v61, v51  }
0x204: {  	v47 =	vld.idx.msk [tilespmem:v36+s19+$0x0], $0xffff;
	v26 =	vmul.f32 v63, v51;
	v24 =	vmul.f32 v24, v52;
	v52 =	vor.u32 $0x14, v11  }
0x205: {  	v27 =	vld.idx.msk [tilespmem:v40+s19+$0x0], $0xffff;
	v63 =	vor.u32 $0x14, v13;
	v19 =	vadd.f32 v30, v19;
	v41 =	vshll.u32 v59, $0x10  }
0x206: {  	v17 =	vadd.f32 v17, v23;
	v46 =	vand.u32 $0xFFFF0000, v59;
	v49 =	vshll.u32 v38, $0x10  }
0x207: {  	v28 =	vand.u32 $0xFFFF0000, v38;
	v54 =	vld.idx.msk [tilespmem:v45+s19+$0x0], $0xffff;
	v45 =	vor.u32 $0x15, v11;
	v20 =	vadd.f32 v20, v29  }
0x208: {  	v21 =	vadd.f32 v22, v21;
	v44 =	vmul.f32 v42, v41;
	v23 =	vmul.f32 v49, v41  }
0x209: {  	v18 =	vadd.f32 v26, v18;
	v31 =	vmul.f32 v50, v41;
	v53 =	vmul.f32 v28, v46  }
0x20a: {  	v51 =	vld.idx.msk [tilespmem:v43+s17+$0x0], $0xffff;
	v26 =	vand.u32 $0xFFFF0000, v39;
	v55 =	vshll.u32 v47, $0x10;
	v59 =	vshll.u32 v27, $0x10  }
0x20b: {  	v27 =	vand.u32 $0xFFFF0000, v27;
	v19 =	vadd.f32 v19, v25;
	v25 =	vmul.f32 v48, v46  }
0x20c: {  	v39 =	vor.u32 $0x15, v14;
	v26 =	vmul.f32 v26, v46;
	v56 =	vmul.f32 v55, v41  }
0x20d: {  	v22 =	vmul.f32 v27, v46;
	v21 =	vadd.f32 v21, v37;
	v18 =	vadd.f32 v18, v24  }
0x20e: {  	v20 =	vadd.f32 v23, v20;
	v17 =	vadd.f32 v31, v17;
	v24 =	vand.u32 $0xFFFF0000, v47  }
0x20f: {  	v36 =	vld.idx.msk [tilespmem:v57+s19+$0x0], $0xffff;
	v47 =	vor.u32 $0x15, v16;
	v19 =	vadd.f32 v44, v19;
	v61 =	vshll.u32 v51, $0x10  }
0x210: {  	v23 =	vld.idx.msk [tilespmem:v58+s19+$0x0], $0xffff;
	v24 =	vmul.f32 v24, v46;
	v37 =	vand.u32 $0xFFFF0000, v51;
	v20 =	vadd.f32 v20, v53  }
0x211: {  	v60 =	vld.idx.msk [tilespmem:v52+s19+$0x0], $0xffff;
	v52 =	vor.u32 $0x15, v15;
	v17 =	vadd.f32 v17, v26;
	v21 =	vadd.f32 v56, v21  }
0x212: {  	v62 =	vshll.u32 v54, $0x10;
	v28 =	vand.u32 $0xFFFF0000, v54;
	v56 =	vor.u32 $0x15, v13  }
0x213: {  	v19 =	vadd.f32 v19, v25;
	v25 =	vmul.f32 v59, v41;
	v31 =	vmul.f32 v62, v61  }
0x214: {  	v43 =	vld.idx.msk [tilespmem:v63+s19+$0x0], $0xffff;
	v28 =	vmul.f32 v28, v37;
	v41 =	vor.u32 $0x15, v12;
	v21 =	vadd.f32 v21, v24  }
0x215: {  	v59 =	vor.u32 $0x16, v14;
	v18 =	vadd.f32 v25, v18;
	v19 =	vadd.f32 v31, v19  }
0x216: {  	v44 =	vshll.u32 v36, $0x10;
	v46 =	vshll.u32 v23, $0x10;
	v25 =	vand.u32 $0xFFFF0000, v36  }
0x217: {  	v31 =	vld.idx.msk [tilespmem:v39+s17+$0x0], $0xffff;
	v23 =	vand.u32 $0xFFFF0000, v23;
	v39 =	vor.u32 $0x16, v11;
	v38 =	vshll.u32 v60, $0x10  }
0x218: {  	v42 =	vand.u32 $0xFFFF0000, v60;
	v24 =	vmul.f32 v44, v61;
	v32 =	vmul.f32 v46, v61  }
0x219: {  	v48 =	vmul.f32 v25, v37;
	v23 =	vmul.f32 v23, v37;
	v50 =	vshll.u32 v43, $0x10  }
0x21a: {  	v53 =	vand.u32 $0xFFFF0000, v43;
	v40 =	vmul.f32 v38, v61;
	v18 =	vadd.f32 v18, v22  }
0x21b: {  	v54 =	vld.idx.msk [tilespmem:v47+s19+$0x0], $0xffff;
	v19 =	vadd.f32 v19, v28;
	v22 =	vmul.f32 v42, v37;
	v51 =	vmul.f32 v50, v61  }
0x21c: {  	v28 =	vld.idx.msk [tilespmem:v45+s19+$0x0], $0xffff;
	v55 =	vmul.f32 v53, v37;
	v61 =	vor.u32 $0x16, v12;
	v45 =	vor.u32 $0x16, v15  }
0x21d: {  	v17 =	vadd.f32 v24, v17;
	v49 =	vld.idx.msk [tilespmem:v41+s19+$0x0], $0xffff;
	v21 =	vadd.f32 v32, v21;
	v41 =	vor.u32 $0x16, v16  }
0x21e: {  	v29 =	vld.idx.msk [tilespmem:v52+s19+$0x0], $0xffff;
	v20 =	vadd.f32 v40, v20;
	v18 =	vadd.f32 v51, v18;
	v51 =	vor.u32 $0x16, v13  }
0x21f: {  	v38 =	vld.idx.msk [tilespmem:v59+s17+$0x0], $0xffff;
	v17 =	vadd.f32 v17, v48;
	v21 =	vadd.f32 v21, v23;
	v57 =	vshll.u32 v31, $0x10  }
0x220: {  	v31 =	vand.u32 $0xFFFF0000, v31;
	v36 =	vshll.u32 v54, $0x10;
	v23 =	vld.idx.msk [tilespmem:v56+s19+$0x0], $0xffff;
	v37 =	vand.u32 $0xFFFF0000, v54  }
0x221: {  	v48 =	vld.idx.msk [tilespmem:v39+s19+$0x0], $0xffff;
	v56 =	vor.u32 $0x17, v14;
	v39 =	vor.u32 $0x17, v16;
	v20 =	vadd.f32 v20, v22  }
0x222: {  	v18 =	vadd.f32 v18, v55;
	v32 =	vmul.f32 v36, v57;
	v22 =	vmul.f32 v37, v31  }
0x223: {  	v40 =	vshll.u32 v29, $0x10;
	v43 =	vand.u32 $0xFFFF0000, v29;
	v62 =	vshll.u32 v28, $0x10  }
0x224: {  	v28 =	vand.u32 $0xFFFF0000, v28;
	v42 =	vmul.f32 v40, v57;
	v46 =	vmul.f32 v43, v31  }
0x225: {  	v58 =	vshll.u32 v49, $0x10;
	v25 =	vand.u32 $0xFFFF0000, v49;
	v63 =	vmul.f32 v62, v57  }
0x226: {  	v28 =	vmul.f32 v28, v31;
	v17 =	vadd.f32 v32, v17;
	v49 =	vshll.u32 v38, $0x10  }
0x227: {  	v27 =	vld.idx.msk [tilespmem:v61+s19+$0x0], $0xffff;
	v24 =	vand.u32 $0xFFFF0000, v38;
	v62 =	vor.u32 $0x17, v11;
	v60 =	vmul.f32 v58, v57  }
0x228: {  	v55 =	vld.idx.msk [tilespmem:v45+s19+$0x0], $0xffff;
	v25 =	vmul.f32 v25, v31;
	v21 =	vadd.f32 v42, v21;
	v58 =	vor.u32 $0x17, v12  }
0x229: {  	v59 =	vld.idx.msk [tilespmem:v51+s19+$0x0], $0xffff;
	v51 =	vor.u32 $0x17, v13;
	v20 =	vadd.f32 v63, v20;
	v17 =	vadd.f32 v17, v22  }
0x22a: {  	v44 =	vshll.u32 v23, $0x10;
	v23 =	vand.u32 $0xFFFF0000, v23;
	v29 =	vld.idx.msk [tilespmem:v56+s17+$0x0], $0xffff;
	v56 =	vor.u32 $0x18, v12  }
0x22b: {  	v53 =	vld.idx.msk [tilespmem:v41+s19+$0x0], $0xffff;
	v19 =	vadd.f32 v60, v19;
	v47 =	vmul.f32 v44, v57;
	v23 =	vmul.f32 v23, v31  }
0x22c: {  	v21 =	vadd.f32 v21, v46;
	v57 =	vshll.u32 v48, $0x10;
	v60 =	vand.u32 $0xFFFF0000, v48  }
0x22d: {  	v20 =	vadd.f32 v20, v28;
	v50 =	vshll.u32 v27, $0x10;
	v27 =	vand.u32 $0xFFFF0000, v27  }
0x22e: {  	v22 =	vmul.f32 v57, v49;
	v63 =	vmul.f32 v60, v24;
	v38 =	vshll.u32 v55, $0x10  }
0x22f: {  	v19 =	vadd.f32 v19, v25;
	v18 =	vadd.f32 v47, v18;
	v52 =	vmul.f32 v50, v49  }
0x230: {  	v54 =	vmul.f32 v27, v24;
	v61 =	vshll.u32 v53, $0x10;
	v37 =	vand.u32 $0xFFFF0000, v53  }
0x231: {  	v41 =	vmul.f32 v38, v49;
	v27 =	vand.u32 $0xFFFF0000, v55;
	v46 =	vld.idx.msk [tilespmem:v62+s19+$0x0], $0xffff;
	v62 =	vor.u32 $0x18, v11  }
0x232: {  	v48 =	vld.idx.msk [tilespmem:v39+s19+$0x0], $0xffff;
	v38 =	vor.u32 $0x18, v15;
	v20 =	vadd.f32 v22, v20;
	v36 =	vmul.f32 v61, v49  }
0x233: {  	v40 =	vmul.f32 v37, v24;
	v43 =	vshll.u32 v59, $0x10;
	v44 =	vmul.f32 v27, v24  }
0x234: {  	v47 =	vand.u32 $0xFFFF0000, v59;
	v37 =	vor.u32 $0x18, v16;
	v19 =	vadd.f32 v52, v19  }
0x235: {  	v18 =	vadd.f32 v18, v23;
	v21 =	vadd.f32 v41, v21;
	v45 =	vmul.f32 v43, v49  }
0x236: {  	v53 =	vld.idx.msk [tilespmem:v34+s19+$0x0], $0xffff;
	v22 =	vmul.f32 v47, v24;
	v49 =	vshll.u32 v29, $0x10;
	v29 =	vand.u32 $0xFFFF0000, v29  }
0x237: {  	v42 =	vld.idx.msk [tilespmem:v58+s19+$0x0], $0xffff;
	v17 =	vadd.f32 v36, v17;
	v20 =	vadd.f32 v20, v63;
	v58 =	vshll.u32 v48, $0x10  }
0x238: {  	v23 =	vand.u32 $0xFFFF0000, v48;
	v19 =	vadd.f32 v19, v54;
	v21 =	vadd.f32 v21, v44  }
0x239: {  	v18 =	vadd.f32 v45, v18;
	v54 =	vor.u32 $0x18, v14;
	v60 =	vmul.f32 v58, v49  }
0x23a: {  	v26 =	vld.idx.msk [tilespmem:v51+s19+$0x0], $0xffff;
	v23 =	vmul.f32 v23, v29;
	v45 =	vor.u32 $0x18, v13;
	v17 =	vadd.f32 v17, v40  }
0x23b: {  	v55 =	vshll.u32 v46, $0x10;
	v28 =	vand.u32 $0xFFFF0000, v46;
	v61 =	vshll.u32 v53, $0x10  }
0x23c: {  	v25 =	vand.u32 $0xFFFF0000, v53;
	v48 =	vld.idx.msk [tilespmem:v38+s19+$0x0], $0xffff;
	v38 =	vor.u32 $0x19, v13;
	v50 =	vshll.u32 v42, $0x10  }
0x23d: {  	v36 =	vld.idx.msk [tilespmem:v56+s19+$0x0], $0xffff;
	v18 =	vadd.f32 v18, v22;
	v57 =	vmul.f32 v55, v49;
	v59 =	vmul.f32 v28, v29  }
0x23e: {  	v30 =	vand.u32 $0xFFFF0000, v42;
	v63 =	vmul.f32 v61, v49;
	v25 =	vmul.f32 v25, v29  }
0x23f: {  	v39 =	vshll.u32 v26, $0x10;
	v40 =	vand.u32 $0xFFFF0000, v26;
	v52 =	vmul.f32 v50, v49  }
0x240: {  	v30 =	vmul.f32 v30, v29;
	v17 =	vadd.f32 v60, v17;
	v22 =	vmul.f32 v39, v49  }
0x241: {  	v41 =	vld.idx.msk [tilespmem:v62+s19+$0x0], $0xffff;
	v46 =	vmul.f32 v40, v29;
	v50 =	vor.u32 $0x19, v14;
	v60 =	vor.u32 $0x19, v16  }
0x242: {  	v20 =	vadd.f32 v57, v20;
	v21 =	vadd.f32 v63, v21;
	v43 =	vshll.u32 v36, $0x10  }
0x243: {  	v44 =	vld.idx.msk [tilespmem:v37+s19+$0x0], $0xffff;
	v49 =	vand.u32 $0xFFFF0000, v36;
	v63 =	vor.u32 $0x19, v15;
	v19 =	vadd.f32 v52, v19  }
0x244: {  	v27 =	vld.idx.msk [tilespmem:v54+s17+$0x0], $0xffff;
	v17 =	vadd.f32 v17, v23;
	v18 =	vadd.f32 v22, v18;
	v52 =	vor.u32 $0x19, v12  }
0x245: {  	v54 =	vor.u32 $0x19, v11;
	v20 =	vadd.f32 v20, v59;
	v21 =	vadd.f32 v21, v25  }
0x246: {  	v53 =	vshll.u32 v41, $0x10;
	v24 =	vand.u32 $0xFFFF0000, v41;
	v56 =	vshll.u32 v48, $0x10  }
0x247: {  	v26 =	vand.u32 $0xFFFF0000, v48;
	v48 =	vor.u32 $0x1A, v11;
	v19 =	vadd.f32 v19, v30  }
0x248: {  	v18 =	vadd.f32 v18, v46;
	v55 =	vshll.u32 v44, $0x10;
	v30 =	vld.idx.msk [tilespmem:v45+s19+$0x0], $0xffff;
	v28 =	vand.u32 $0xFFFF0000, v44  }
0x249: {  	v45 =	vor.u32 $0x1A, v14;
	v42 =	vshll.u32 v27, $0x10;
	v27 =	vand.u32 $0xFFFF0000, v27  }
0x24a: {  	v46 =	vor.u32 $0x1A, v12;
	v31 =	vld.idx.msk [tilespmem:v50+s17+$0x0], $0xffff;
	v47 =	vmul.f32 v43, v42;
	v51 =	vmul.f32 v49, v27  }
0x24b: {  	v29 =	vld.idx.msk [tilespmem:v60+s19+$0x0], $0xffff;
	v60 =	vor.u32 $0x1A, v13;
	v22 =	vmul.f32 v53, v42;
	v23 =	vmul.f32 v55, v42  }
0x24c: {  	v59 =	vld.idx.msk [tilespmem:v52+s19+$0x0], $0xffff;
	v52 =	vor.u32 $0x1A, v16;
	v57 =	vmul.f32 v24, v27;
	v58 =	vmul.f32 v56, v42  }
0x24d: {  	v44 =	vld.idx.msk [tilespmem:v63+s19+$0x0], $0xffff;
	v28 =	vmul.f32 v28, v27;
	v26 =	vmul.f32 v26, v27;
	v62 =	vshll.u32 v30, $0x10  }
0x24e: {  	v61 =	vld.idx.msk [tilespmem:v54+s19+$0x0], $0xffff;
	v37 =	vand.u32 $0xFFFF0000, v30;
	v19 =	vadd.f32 v47, v19;
	v20 =	vadd.f32 v22, v20  }
0x24f: {  	v54 =	vld.idx.msk [tilespmem:v46+s19+$0x0], $0xffff;
	v46 =	vor.u32 $0x1B, v11;
	v17 =	vadd.f32 v23, v17;
	v21 =	vadd.f32 v58, v21  }
0x250: {  	v36 =	vmul.f32 v62, v42;
	v39 =	vshll.u32 v31, $0x10;
	v25 =	vmul.f32 v37, v27  }
0x251: {  	v43 =	vand.u32 $0xFFFF0000, v31;
	v47 =	vshll.u32 v29, $0x10;
	v29 =	vand.u32 $0xFFFF0000, v29  }
0x252: {  	v49 =	vmul.f32 v47, v39;
	v50 =	vshll.u32 v44, $0x10;
	v55 =	vmul.f32 v29, v43  }
0x253: {  	v56 =	vand.u32 $0xFFFF0000, v44;
	v19 =	vadd.f32 v19, v51;
	v20 =	vadd.f32 v20, v57  }
0x254: {  	v47 =	vor.u32 $0x1B, v16;
	v17 =	vadd.f32 v17, v28;
	v21 =	vadd.f32 v21, v26  }
0x255: {  	v18 =	vadd.f32 v36, v18;
	v40 =	vshll.u32 v59, $0x10;
	v42 =	vshll.u32 v61, $0x10  }
0x256: {  	v23 =	vand.u32 $0xFFFF0000, v59;
	v24 =	vand.u32 $0xFFFF0000, v61;
	v53 =	vmul.f32 v50, v39  }
0x257: {  	v59 =	vor.u32 $0x1A, v15;
	v29 =	vmul.f32 v56, v43;
	v41 =	vmul.f32 v40, v39  }
0x258: {  	v26 =	vld.idx.msk [tilespmem:v38+s19+$0x0], $0xffff;
	v38 =	vor.u32 $0x1B, v14;
	v28 =	vmul.f32 v42, v39;
	v23 =	vmul.f32 v23, v43  }
0x259: {  	v51 =	vld.idx.msk [tilespmem:v45+s17+$0x0], $0xffff;
	v24 =	vmul.f32 v24, v43;
	v18 =	vadd.f32 v18, v25;
	v17 =	vadd.f32 v49, v17  }
0x25a: {  	v58 =	vld.idx.msk [tilespmem:v48+s19+$0x0], $0xffff;
	v21 =	vadd.f32 v53, v21;
	v36 =	vshll.u32 v54, $0x10;
	v19 =	vadd.f32 v41, v19  }
0x25b: {  	v62 =	vld.idx.msk [tilespmem:v52+s19+$0x0], $0xffff;
	v20 =	vadd.f32 v28, v20;
	v41 =	vor.u32 $0x1B, v12;
	v17 =	vadd.f32 v17, v55  }
0x25c: {  	v21 =	vadd.f32 v21, v29;
	v55 =	vor.u32 $0x1B, v15;
	v19 =	vadd.f32 v19, v23  }
0x25d: {  	v20 =	vadd.f32 v20, v24;
	v57 =	vshll.u32 v26, $0x10;
	v26 =	vand.u32 $0xFFFF0000, v26  }
0x25e: {  	v63 =	vshll.u32 v51, $0x10;
	v25 =	vand.u32 $0xFFFF0000, v51;
	v24 =	vand.u32 $0xFFFF0000, v54  }
0x25f: {  	v40 =	vld.idx.msk [tilespmem:v59+s19+$0x0], $0xffff;
	v23 =	vand.u32 $0xFFFF0000, v58;
	v22 =	vmul.f32 v57, v39;
	v61 =	vmul.f32 v26, v43  }
0x260: {  	v44 =	vshll.u32 v62, $0x10;
	v28 =	vld.idx.msk [tilespmem:v38+s17+$0x0], $0xffff;
	v37 =	vmul.f32 v36, v63;
	v24 =	vmul.f32 v24, v25  }
0x261: {  	v54 =	vld.idx.msk [tilespmem:v46+s19+$0x0], $0xffff;
	v39 =	vshll.u32 v58, $0x10;
	v45 =	vmul.f32 v44, v63;
	v23 =	vmul.f32 v23, v25  }
0x262: {  	v43 =	vld.idx.msk [tilespmem:v60+s19+$0x0], $0xffff;
	v26 =	vand.u32 $0xFFFF0000, v62;
	v60 =	vor.u32 $0x1B, v13;
	v62 =	vor.u32 $0x1C, v14  }
0x263: {  	v57 =	vld.idx.msk [tilespmem:v47+s19+$0x0], $0xffff;
	v47 =	vor.u32 $0x1C, v15;
	v42 =	vmul.f32 v39, v63;
	v18 =	vadd.f32 v22, v18  }
0x264: {  	v48 =	vmul.f32 v26, v25;
	v19 =	vadd.f32 v37, v19;
	v17 =	vadd.f32 v45, v17  }
0x265: {  	v45 =	vor.u32 $0x1C, v16;
	v20 =	vadd.f32 v42, v20;
	v42 =	vor.u32 $0x1C, v11  }
0x266: {  	v18 =	vadd.f32 v18, v61;
	v49 =	vshll.u32 v40, $0x10;
	v19 =	vadd.f32 v19, v24  }
0x267: {  	v17 =	vadd.f32 v17, v48;
	v53 =	vand.u32 $0xFFFF0000, v40;
	v58 =	vshll.u32 v28, $0x10  }
0x268: {  	v28 =	vand.u32 $0xFFFF0000, v28;
	v36 =	vshll.u32 v54, $0x10;
	v24 =	vand.u32 $0xFFFF0000, v54  }
0x269: {  	v31 =	vld.idx.msk [tilespmem:v41+s19+$0x0], $0xffff;
	v54 =	vor.u32 $0x1C, v13;
	v50 =	vmul.f32 v49, v63;
	v51 =	vshll.u32 v43, $0x10  }
0x26a: {  	v20 =	vadd.f32 v20, v23;
	v23 =	vmul.f32 v53, v25;
	v56 =	vand.u32 $0xFFFF0000, v43  }
0x26b: {  	v37 =	vmul.f32 v36, v58;
	v38 =	vshll.u32 v57, $0x10;
	v24 =	vmul.f32 v24, v28  }
0x26c: {  	v26 =	vld.idx.msk [tilespmem:v55+s19+$0x0], $0xffff;
	v22 =	vand.u32 $0xFFFF0000, v57;
	v36 =	vor.u32 $0x1D, v11;
	v52 =	vmul.f32 v51, v63  }
0x26d: {  	v25 =	vmul.f32 v56, v25;
	v63 =	vor.u32 $0x1C, v12;
	v39 =	vmul.f32 v38, v58  }
0x26e: {  	v40 =	vld.idx.msk [tilespmem:v60+s19+$0x0], $0xffff;
	v22 =	vmul.f32 v22, v28;
	v21 =	vadd.f32 v50, v21;
	v59 =	vshll.u32 v31, $0x10  }
0x26f: {  	v41 =	vld.idx.msk [tilespmem:v62+s17+$0x0], $0xffff;
	v31 =	vand.u32 $0xFFFF0000, v31;
	v20 =	vadd.f32 v37, v20;
	v18 =	vadd.f32 v52, v18  }
0x270: {  	v61 =	vmul.f32 v59, v58;
	v35 =	vmul.f32 v31, v28;
	v17 =	vadd.f32 v39, v17  }
0x271: {  	v44 =	vshll.u32 v26, $0x10;
	v48 =	vand.u32 $0xFFFF0000, v26;
	v21 =	vadd.f32 v21, v23  }
0x272: {  	v59 =	vor.u32 $0x1D, v14;
	v20 =	vadd.f32 v20, v24;
	v19 =	vadd.f32 v61, v19  }
0x273: {  	v57 =	vld.idx.msk [tilespmem:v45+s19+$0x0], $0xffff;
	v46 =	vmul.f32 v44, v58;
	v18 =	vadd.f32 v18, v25;
	v17 =	vadd.f32 v17, v22  }
0x274: {  	v51 =	vld.idx.msk [tilespmem:v42+s19+$0x0], $0xffff;
	v49 =	vshll.u32 v40, $0x10;
	v22 =	vmul.f32 v48, v28;
	v52 =	vshll.u32 v41, $0x10  }
0x275: {  	v55 =	vand.u32 $0xFFFF0000, v40;
	v23 =	vand.u32 $0xFFFF0000, v41;
	v61 =	vor.u32 $0x1D, v12;
	v45 =	vld.idx.msk [tilespmem:v36+s19+$0x0], $0xffff  }
0x276: {  	v41 =	vor.u32 $0x1D, v16;
	v36 =	vor.u32 $0x1E, v15;
	v43 =	vld.idx.msk [tilespmem:v63+s19+$0x0], $0xffff;
	v21 =	vadd.f32 v46, v21  }
0x277: {  	v50 =	vmul.f32 v49, v58;
	v58 =	vld.idx.msk [tilespmem:v47+s19+$0x0], $0xffff;
	v46 =	vor.u32 $0x1D, v15;
	v47 =	vor.u32 $0x1D, v13  }
0x278: {  	v63 =	vld.idx.msk [tilespmem:v54+s19+$0x0], $0xffff;
	v54 =	vor.u32 $0x1E, v12;
	v12 =	vor.u32 $0x1F, v12;
	v15 =	vor.u32 $0x1F, v15  }
0x279: {  	v19 =	vadd.f32 v19, v35;
	v38 =	vshll.u32 v57, $0x10;
	v30 =	vand.u32 $0xFFFF0000, v57  }
0x27a: {  	v21 =	vadd.f32 v21, v22;
	v18 =	vadd.f32 v50, v18;
	v22 =	vmul.f32 v55, v28  }
0x27b: {  	v60 =	vshll.u32 v51, $0x10;
	v37 =	vand.u32 $0xFFFF0000, v51;
	v39 =	vmul.f32 v38, v52  }
0x27c: {  	v27 =	vld.idx.msk [tilespmem:v59+s17+$0x0], $0xffff;
	v42 =	vmul.f32 v30, v23;
	v59 =	vor.u32 $0x1E, v11;
	v11 =	vor.u32 $0x1F, v11  }
0x27d: {  	v62 =	vmul.f32 v60, v52;
	v18 =	vadd.f32 v18, v22;
	v17 =	vadd.f32 v39, v17  }
0x27e: {  	v49 =	vld.idx.msk [tilespmem:v41+s19+$0x0], $0xffff;
	v41 =	vor.u32 $0x1E, v13;
	v13 =	vor.u32 $0x1F, v13;
	v53 =	vshll.u32 v43, $0x10  }
0x27f: {  	v25 =	vand.u32 $0xFFFF0000, v43;
	v20 =	vadd.f32 v62, v20;
	v40 =	vshll.u32 v58, $0x10  }
0x280: {  	v24 =	vand.u32 $0xFFFF0000, v58;
	v44 =	vshll.u32 v63, $0x10;
	v48 =	vand.u32 $0xFFFF0000, v63  }
0x281: {  	v63 =	vor.u32 $0x1E, v16;
	v56 =	vmul.f32 v53, v52;
	v25 =	vmul.f32 v25, v23  }
0x282: {  	v43 =	vld.idx.msk [tilespmem:v61+s19+$0x0], $0xffff;
	v16 =	vor.u32 $0x1F, v16;
	v26 =	vmul.f32 v40, v52;
	v24 =	vmul.f32 v24, v23  }
0x283: {  	v29 =	vld.idx.msk [tilespmem:v46+s19+$0x0], $0xffff;
	v17 =	vadd.f32 v17, v42;
	v53 =	vshll.u32 v45, $0x10;
	v50 =	vshll.u32 v27, $0x10  }
0x284: {  	v22 =	vld.idx.msk [tilespmem:v47+s19+$0x0], $0xffff;
	v27 =	vand.u32 $0xFFFF0000, v27;
	v19 =	vadd.f32 v56, v19;
	v21 =	vadd.f32 v26, v21  }
0x285: {  	v60 =	vld.idx.msk [tilespmem:v54+s19+$0x0], $0xffff;
	v26 =	vmul.f32 v44, v52;
	v52 =	vor.u32 $0x1E, v14;
	v33 =	vmul.f32 v53, v50  }
0x286: {  	v56 =	vand.u32 $0xFFFF0000, v45;
	v14 =	vor.u32 $0x1F, v14;
	v57 =	vshll.u32 v49, $0x10  }
0x287: {  	v12 =	vld.idx.msk [tilespmem:v12+s19+$0x0], $0xffff;
	v19 =	vadd.f32 v19, v25;
	v25 =	vmul.f32 v37, v23;
	v21 =	vadd.f32 v21, v24  }
0x288: {  	v18 =	vadd.f32 v26, v18;
	v51 =	vshll.u32 v43, $0x10;
	v30 =	vand.u32 $0xFFFF0000, v43  }
0x289: {  	v15 =	vld.idx.msk [tilespmem:v15+s19+$0x0], $0xffff;
	v23 =	vmul.f32 v48, v23;
	v61 =	vshll.u32 v29, $0x10;
	v62 =	vshll.u32 v22, $0x10  }
0x28a: {  	v29 =	vand.u32 $0xFFFF0000, v29;
	v39 =	vshll.u32 v60, $0x10;
	v28 =	vmul.f32 v51, v50  }
0x28b: {  	v11 =	vld.idx.msk [tilespmem:v11+s19+$0x0], $0xffff;
	v22 =	vand.u32 $0xFFFF0000, v22;
	v55 =	vmul.f32 v30, v27;
	v30 =	vmul.f32 v57, v50  }
0x28c: {  	v54 =	vshll.u32 v12, $0x10;
	v24 =	vmul.f32 v61, v50;
	v26 =	vmul.f32 v62, v50  }
0x28d: {  	v45 =	vld.idx.msk [tilespmem:v41+s19+$0x0], $0xffff;
	v12 =	vand.u32 $0xFFFF0000, v12;
	v29 =	vmul.f32 v29, v27;
	v22 =	vmul.f32 v22, v27  }
0x28e: {  	v13 =	vld.idx.msk [tilespmem:v13+s19+$0x0], $0xffff;
	v61 =	vshll.u32 v15, $0x10;
	v15 =	vand.u32 $0xFFFF0000, v15;
	v20 =	vadd.f32 v20, v25  }
0x28f: {  	v37 =	vld.idx.msk [tilespmem:v59+s19+$0x0], $0xffff;
	v18 =	vadd.f32 v18, v23;
	v25 =	vand.u32 $0xFFFF0000, v49;
	v23 =	vand.u32 $0xFFFF0000, v60  }
0x290: {  	v57 =	vshll.u32 v11, $0x10;
	v11 =	vand.u32 $0xFFFF0000, v11;
	v19 =	vadd.f32 v28, v19  }
0x291: {  	v28 =	vmul.f32 v56, v27;
	v58 =	vld.idx.msk [tilespmem:v52+s17+$0x0], $0xffff;
	v17 =	vadd.f32 v30, v17;
	v21 =	vadd.f32 v24, v21  }
0x292: {  	v25 =	vmul.f32 v25, v27;
	v30 =	vld.idx.msk [tilespmem:v63+s19+$0x0], $0xffff;
	v20 =	vadd.f32 v33, v20;
	v18 =	vadd.f32 v26, v18  }
0x293: {  	v51 =	vshll.u32 v45, $0x10;
	v62 =	vshll.u32 v13, $0x10;
	v13 =	vand.u32 $0xFFFF0000, v13  }
0x294: {  	v14 =	vld.idx.msk [tilespmem:v14+s17+$0x0], $0xffff;
	v19 =	vadd.f32 v19, v55;
	v42 =	vshll.u32 v37, $0x10;
	v17 =	vadd.f32 v17, v25  }
0x295: {  	v21 =	vadd.f32 v21, v29;
	v24 =	vand.u32 $0xFFFF0000, v37;
	v55 =	vand.u32 $0xFFFF0000, v45  }
0x296: {  	v16 =	vld.idx.msk [tilespmem:v16+s19+$0x0], $0xffff;
	v20 =	vadd.f32 v20, v28;
	v18 =	vadd.f32 v18, v22;
	v38 =	vshll.u32 v58, $0x10  }
0x297: {  	v40 =	vand.u32 $0xFFFF0000, v58;
	v44 =	vshll.u32 v30, $0x10;
	v32 =	vmul.f32 v39, v38  }
0x298: {  	v47 =	vand.u32 $0xFFFF0000, v30;
	v23 =	vmul.f32 v23, v40;
	v43 =	vmul.f32 v42, v38  }
0x299: {  	v28 =	vld.idx.msk [tilespmem:v36+s19+$0x0], $0xffff;
	v53 =	vshll.u32 v14, $0x10;
	v22 =	vmul.f32 v44, v38;
	v48 =	vmul.f32 v24, v40  }
0x29a: {  	v14 =	vand.u32 $0xFFFF0000, v14;
	v49 =	vmul.f32 v47, v40;
	v52 =	vmul.f32 v51, v38  }
0x29b: {  	v59 =	vshll.u32 v16, $0x10;
	v56 =	vmul.f32 v54, v53;
	v12 =	vmul.f32 v12, v14  }
0x29c: {  	v16 =	vand.u32 $0xFFFF0000, v16;
	v58 =	vmul.f32 v57, v53;
	v60 =	vmul.f32 v59, v53  }
0x29d: {  	v11 =	vmul.f32 v11, v14;
	v16 =	vmul.f32 v16, v14;
	v19 =	vadd.f32 v32, v19  }
0x29e: {  	v63 =	vmul.f32 v62, v53;
	v20 =	vadd.f32 v43, v20;
	v46 =	vshll.u32 v28, $0x10  }
0x29f: {  	v17 =	vadd.f32 v22, v17;
	v25 =	vmul.f32 v46, v38;
	v19 =	vadd.f32 v19, v23  }
0x2a0: {  	v28 =	vand.u32 $0xFFFF0000, v28;
	v18 =	vadd.f32 v52, v18;
	v20 =	vadd.f32 v20, v48  }
0x2a1: {  	v50 =	vmul.f32 v28, v40;
	v21 =	vadd.f32 v25, v21;
	v19 =	vadd.f32 v56, v19  }
0x2a2: {  	v22 =	vmul.f32 v55, v40;
	v17 =	vadd.f32 v17, v49;
	v20 =	vadd.f32 v58, v20  }
0x2a3: {  	v21 =	vadd.f32 v21, v50;
	v12 =	vadd.f32 v19, v12;
	v19 =	vmul.f32 v61, v53  }
0x2a4: {  	v15 =	vmul.f32 v15, v14;
	v18 =	vadd.f32 v18, v22;
	v17 =	vadd.f32 v60, v17  }
0x2a5: {  	p0 =	sne.s32 s24, $0x70;
	v13 =	vmul.f32 v13, v14;
	v11 =	vadd.f32 v20, v11;
	v19 =	vadd.f32 v19, v21  }
.Ltmp0:
0x2a6: {  	v16 =	vadd.f32 v17, v16;
	v17 =	vadd.f32 v63, v18;
	[tilespmem:v6+s30+$0x0] =	vst.idx.msk $0xffff, v12;
	(pc) =	sbr.rel @p0 .LBB2_3-.Ltmp0, $4  }
0x2a7: {  	[tilespmem:v7+s30+$0x0] =	vst.idx.msk $0xffff, v11;
	v6 =	vadd.f32 v19, v15  }
0x2a8: {  	v7 =	vadd.f32 v17, v13;
	[tilespmem:v8+s30+$0x0] =	vst.idx.msk $0xffff, v16  }
0x2a9: {  	[tilespmem:v9+s30+$0x0] =	vst.idx.msk $0xffff, v6  }
0x2aa: {  	s24 =	sadd.s32 $0x10, s24;
	[tilespmem:v10+s30+$0x0] =	vst.idx.msk $0xffff, v7  }
0x2ab: {  	s22 =	sadd.s32 s7, s22  }
0x2ac: {  	[hbm4b:s22+s4] =	stream.linear.scatter [tilespmem:s30], [sflag:$0x3], $0x80, $0x38;
	[tilespmem:$0x18B80] =	vst v63  }
0x2ad: {  	_ =	swait.ge [sflag:s31], $0x80  }
0x2ae: {  	[sflag:s31] =	ssyncset.done $0x0  }
0x2af: {  	s26 =	sadd.s32 s7, s23;
	[sflag:s31] =	ssyncadd.s32 $0xFFFFFF80  }
0x2b0: {  	[hbm4b:s26+s4] =	stream.linear.scatter [tilespmem:s0], [sflag:$0x3], $0x80, $0x38;
	[tilespmem:$0x18B80] =	vst v63  }
0x2b1: {  	_ =	swait.ge [sflag:s31], $0x80  }
0x2b2: {  	[sflag:s31] =	ssyncset.done $0x0  }
0x2b3: {  	s21 =	sadd.s32 s7, s21;
	[sflag:s31] =	ssyncadd.s32 $0xFFFFFF80  }
0x2b4: {  	[hbm4b:s21+s4] =	stream.linear.scatter [tilespmem:s5], [sflag:$0x3], $0x80, $0x38;
	[tilespmem:$0x18B80] =	vst v63  }
0x2b5: {  	_ =	swait.ge [sflag:s31], $0x80  }
0x2b6: {  	[sflag:s31] =	ssyncset.done $0x0  }
0x2b7: {  	s20 =	sadd.s32 s7, s20;
	[sflag:s31] =	ssyncadd.s32 $0xFFFFFF80  }
0x2b8: {  	[hbm4b:s20+s4] =	stream.linear.scatter [tilespmem:s9], [sflag:$0x3], $0x80, $0x38;
	[tilespmem:$0x18B80] =	vst v63  }
0x2b9: {  	s16 =	sadd.s32 $0x1, s16;
	_ =	swait.ge [sflag:s31], $0x80  }
0x2ba: {  	p0 =	sne.s32 s16, $0x4;
	[sflag:s31] =	ssyncset.done $0x0  }
.Ltmp1:
0x2bb: {  	s18 =	sadd.s32 s7, s18;
	[sflag:s31] =	ssyncadd.s32 $0xFFFFFF80;
	(pc) =	sbr.rel @p0 .LBB2_2-.Ltmp1, $4  }
0x2bc: {  	[hbm4b:s18+s4] =	stream.linear.scatter [tilespmem:s1], [sflag:$0x3], $0x80, $0x38;
	[tilespmem:$0x18B80] =	vst v63  }
0x2bd: {  	_ =	swait.ge [sflag:s31], $0x80  }
0x2be: {  	[sflag:s31] =	ssyncset.done $0x0  }
0x2bf: {  	[sflag:s31] =	ssyncadd.s32 $0xFFFFFF80  }
0x2c0: {  	s18 =	rddreg [dreg:$0x5]  }
0x2c1: {  	s16 =	rddreg [dreg:$0x4];
	s18 =	sadd.s32 $0x1, s18  }
0x2c2: {  	p0 =	sne.s32 s18, s16  }
.Ltmp2:
0x2c3: {  	_ = 	snop;
	(pc) =	sbr.rel @p0 .LBB2_1-.Ltmp2, $1  }
0x2c4: {  	_ =	sdelay $0x3  }
0x2c5: {  	_ =	sfence.sel $0x180000  }
0x2c6: {  	[bflag:$0x0] =	sbarrier.arrive $0xFFFF  }
0x2c7: {  	_ =	strace $0x90000047  }
0x2c8: {  	s0 =	stileid.u32;
	[bflag:$0x2] =	sbarrier.arrive $0xFFFF  }
0x2c9: {  	p0 =	sne.s32 s0, $0x0;
	s0 =	rddreg [dreg:$0x3]  }
0x2ca: {  	s0 =	sadd.s32 @!p0 $0x100000, s0  }
0x2cb: {  	[sflag:s0] =	ssyncadd.tile.s32 @!p0 $0x1;
	_ =	shalt  }
.Lfunc_end2:
_tile_overlayer_lowered:
.L_overlay_start_2:
0x2cc: {  	(tag) =	ssettag $0x2  }
0x2cd: {  	s0 =	rddreg [dreg:$0x0];
	s2 =	stileid.u32  }
0x2ce: {  	s1 =	rddreg [dreg:$0x1];
	p0 =	sne.s32 s2, $0x0  }
0x2cf: {  	s3 =	rddreg [dreg:$0x2];
	[bflag:$0x3] =	sbarrier.arrive $0xFFFF;
	s2 =	simm.s32 @!p0 $0x1C03  }
0x2d0: {  	[timem:s3], [sflag:s2] =	dma.local @!p0 [hbm:s0], s1  }
0x2d1: {  	s0 =	simm.s32 @!p0 $0x3  }
0x2d2: {  	_ =	swait.ge @!p0 [sflag:s0], s1  }
0x2d3: {  	s1 =	ssub.s32 @!p0 $0x0, s1;
	[sflag:s0] =	ssyncset.done @!p0 $0x0  }
0x2d4: {  	[sflag:s0] =	ssyncadd.s32 @!p0 s1  }
0x2d5: {  	[bflag:$0x3] =	sbarrier.arrive $0xFFFF  }
0x2d6: {  	_ =	shalt  }

</sc_bundles>
